<compile_context>
chip_gen: v7x
topology: tpu7x:2x2x1
jax: 0.10.2.dev20260603
libtpu: 0.0.44.dev20260713+nightly
codegen_flags: <defaults>
</compile_context>

<pallas_src>
import functools
import jax
import jax.numpy as jnp
from jax import lax
from jax.experimental import pallas as pl
from jax.experimental.pallas import tpu as pltpu
from jax.experimental.pallas import tpu_sc as plsc

N = 5000
NP = 5120
NW = 16
C = NP // NW
NB = C // 16
KB = 8
IOU_THRESH = 0.3


def _sc_nms_body(x1h, y1h, x2h, y2h, arh, outh,
                 x1v, y1v, x2v, y2v, arv, supp, keep, klist, kbuf,
                 cntv, cbuf, shlist, shcnt):
    wid = lax.axis_index("s")
    cid = lax.axis_index("c")
    base = wid * C

    def sload(ref, idx):
        return ref[pl.ds(idx, 16)][0]

    pltpu.sync_copy(x1h, x1v.at[pl.ds(0, NP)])
    pltpu.sync_copy(y1h, y1v.at[pl.ds(0, NP)])
    pltpu.sync_copy(x2h, x2v.at[pl.ds(0, NP)])
    pltpu.sync_copy(y2h, y2v.at[pl.ds(0, NP)])
    pltpu.sync_copy(arh, arv.at[pl.ds(0, NP)])
    zf = jnp.zeros((16,), jnp.float32)
    npv = jnp.full((16,), NP, jnp.int32)
    x1v[pl.ds(NP, 16)] = zf
    y1v[pl.ds(NP, 16)] = zf
    x2v[pl.ds(NP, 16)] = zf
    y2v[pl.ds(NP, 16)] = zf
    arv[pl.ds(NP, 16)] = zf
    for b in range(NB + 1):
        supp[pl.ds(b * 16, 16)] = zf
    for b in range(NB + 3):
        klist[pl.ds(b * 16, 16)] = npv
        kbuf[pl.ds(b * 16, 16)] = npv

    def batch_suppress(list_ref, j0, j1, first_blk):
        ng = (j1 - j0 + (KB - 1)) // KB

        def grp(g, _):
            jb = j0 + g * KB
            sxs = [None] * KB
            for j in range(KB):
                gi = sload(list_ref, jb + j)
                sxs[j] = (sload(x1v, gi), sload(y1v, gi),
                          sload(x2v, gi), sload(y2v, gi),
                          sload(arv, gi))

            def blk(b, _):
                off = b * 16
                tx1 = x1v[pl.ds(base + off, 16)]
                ty1 = y1v[pl.ds(base + off, 16)]
                tx2 = x2v[pl.ds(base + off, 16)]
                ty2 = y2v[pl.ds(base + off, 16)]
                tar = arv[pl.ds(base + off, 16)]
                sblk = supp[pl.ds(off, 16)]
                for j in range(KB):
                    sx1, sy1, sx2, sy2, sar = sxs[j]
                    iw = jnp.clip(
                        jnp.minimum(sx2, tx2) - jnp.maximum(sx1, tx1), 0.0)
                    ih = jnp.clip(
                        jnp.minimum(sy2, ty2) - jnp.maximum(sy1, ty1), 0.0)
                    inter = iw * ih
                    iou = inter / ((sar + tar - inter) + 1e-9)
                    sblk = jnp.where(iou > IOU_THRESH, 1.0, sblk)
                supp[pl.ds(off, 16)] = sblk
                return 0

            lax.fori_loop(first_blk, NB, blk, 0)
            return 0

        lax.fori_loop(0, ng, grp, 0)

    def round_body(w, _):
        @pl.when(wid == w)
        def _owner():
            lane = lax.broadcasted_iota(jnp.int32, (16,), 0)

            def seq_block(b, cnt):
                off = b * 16
                boff = base + off
                tx1 = x1v[pl.ds(boff, 16)]
                ty1 = y1v[pl.ds(boff, 16)]
                tx2 = x2v[pl.ds(boff, 16)]
                ty2 = y2v[pl.ds(boff, 16)]
                tar = arv[pl.ds(boff, 16)]
                sblk = supp[pl.ds(off, 16)]
                cnt0 = cnt
                dn = lax.GatherDimensionNumbers(
                    offset_dims=(), collapsed_slice_dims=(0,),
                    start_index_map=(0,))
                for i in range(16):
                    iw = jnp.clip(
                        jnp.minimum(tx2[i], tx2) - jnp.maximum(tx1[i], tx1),
                        0.0)
                    ih = jnp.clip(
                        jnp.minimum(ty2[i], ty2) - jnp.maximum(ty1[i], ty1),
                        0.0)
                    inter = iw * ih
                    iou = inter / ((tar[i] + tar - inter) + 1e-9)
                    hit = jnp.logical_and(iou > IOU_THRESH, lane > i)
                    sbc = lax.gather(
                        sblk, jnp.full((16, 1), i, jnp.int32), dn,
                        slice_sizes=(1,),
                        mode=lax.GatherScatterMode.PROMISE_IN_BOUNDS)
                    s_i = sblk[i]
                    sblk = jnp.maximum(sblk, jnp.where(hit, 1.0 - sbc, 0.0))
                    val = jnp.where(s_i == 0.0, boff + i, NP)
                    klist[pl.ds(cnt, 16)] = jnp.where(lane == 0, val, NP)
                    cnt = cnt + jnp.where(s_i == 0.0, 1, 0)
                supp[pl.ds(off, 16)] = sblk
                batch_suppress(klist, cnt0, cnt, b + 1)
                return cnt

            cnt = lax.fori_loop(0, NB, seq_block, jnp.int32(0))
            for b in range(NB):
                keep[pl.ds(b * 16, 16)] = 1.0 - supp[pl.ds(b * 16, 16)]
            cntv[pl.ds(0, 16)] = jnp.full((16,), cnt, jnp.int32)

            pltpu.sync_copy(klist.at[pl.ds(0, C)], shlist.at[pl.ds(w * C, C)])
            pltpu.sync_copy(cntv.at[pl.ds(0, 16)], shcnt.at[pl.ds(w * 16, 16)])

            @pl.when(cid == 0)
            def _():
                pltpu.sync_copy(keep.at[pl.ds(0, C)], outh.at[pl.ds(base, C)])

        plsc.subcore_barrier()

        @pl.when(wid > w)
        def _applier():
            pltpu.sync_copy(shlist.at[pl.ds(w * C, C)], kbuf.at[pl.ds(0, C)])
            pltpu.sync_copy(shcnt.at[pl.ds(w * 16, 16)], cbuf.at[pl.ds(0, 16)])
            batch_suppress(kbuf, jnp.int32(0), sload(cbuf, 0), 0)

        return 0

    lax.fori_loop(0, NW, round_body, 0)


@jax.jit
def _sc_nms(x1, y1, x2, y2, ar):
    mesh = plsc.VectorSubcoreMesh(core_axis_name="c", subcore_axis_name="s")
    f = functools.partial(
        pl.kernel,
        out_type=jax.ShapeDtypeStruct((NP,), jnp.float32),
        mesh=mesh,
        scratch_types=[
            pltpu.VMEM((NP + 16,), jnp.float32),
            pltpu.VMEM((NP + 16,), jnp.float32),
            pltpu.VMEM((NP + 16,), jnp.float32),
            pltpu.VMEM((NP + 16,), jnp.float32),
            pltpu.VMEM((NP + 16,), jnp.float32),
            pltpu.VMEM((C + 16,), jnp.float32),
            pltpu.VMEM((C + 16,), jnp.float32),
            pltpu.VMEM((C + 48,), jnp.int32),
            pltpu.VMEM((C + 48,), jnp.int32),
            pltpu.VMEM((16,), jnp.int32),
            pltpu.VMEM((16,), jnp.int32),
            pltpu.VMEM_SHARED((NW * C,), jnp.int32),
            pltpu.VMEM_SHARED((NW * 16,), jnp.int32),
        ],
    )(_sc_nms_body)
    return f(x1, y1, x2, y2, ar)


def kernel(boxes, scores):
    order = jnp.argsort(-scores)
    b = jnp.take(boxes, order, axis=0)
    area = (b[:, 2] - b[:, 0]) * (b[:, 3] - b[:, 1])
    pad = jnp.zeros((NP - N,), jnp.float32)
    x1 = jnp.concatenate([b[:, 0], pad])
    y1 = jnp.concatenate([b[:, 1], pad])
    x2 = jnp.concatenate([b[:, 2], pad])
    y2 = jnp.concatenate([b[:, 3], pad])
    ar = jnp.concatenate([area, pad])
    keep_sorted = _sc_nms(x1, y1, x2, y2, ar)[:N]
    keep = jnp.zeros((N,), jnp.float32).at[order].set(keep_sorted)
    dets = jnp.concatenate([scores[:, None], boxes], axis=1)
    return dets * keep[:, None]

# --- scband reference (transcript-rebuilt; emitter-appended) ---
"""Pipeline reference for scband-detector-jingzhui-84421877170821 (READ-ONLY COPY).

The authoritative reference and input builder live on the scoring server;
editing this copy changes nothing except your own understanding.
"""

import jax, jax.numpy as jnp
import numpy as np

N = 5000
IOU_THRESH = 0.3


def setup_inputs(seed: int = 0) -> dict:
    key = jax.random.key(seed)
    k1, k2, k3 = jax.random.split(key, 3)
    # Realistic detector boxes in a 416x416 canvas (matches the YOLO 416 input of the original module)
    xy = jax.random.uniform(k1, (N, 2), dtype=jnp.float32) * 380.0
    wh = jax.random.uniform(k2, (N, 2), dtype=jnp.float32) * 50.0 + 4.0
    boxes = jnp.concatenate([xy, xy + wh], axis=1)  # [x1, y1, x2, y2]
    scores = jax.random.uniform(k3, (N,), dtype=jnp.float32)
    return {"boxes": boxes, "scores": scores}


def _iou_matrix(b):
    x1, y1, x2, y2 = b[:, 0], b[:, 1], b[:, 2], b[:, 3]
    area = (x2 - x1) * (y2 - y1)
    ix1 = jnp.maximum(x1[:, None], x1[None, :])
    iy1 = jnp.maximum(y1[:, None], y1[None, :])
    ix2 = jnp.minimum(x2[:, None], x2[None, :])
    iy2 = jnp.minimum(y2[:, None], y2[None, :])
    iw = jnp.clip(ix2 - ix1, 0.0)
    ih = jnp.clip(iy2 - iy1, 0.0)
    inter = iw * ih
    union = area[:, None] + area[None, :] - inter
    return inter / (union + 1e-9)


def _nms_keep(boxes, scores, thresh):
    # Greedy NMS exactly like tools.nms(boxes_all, 0.3) in the original:
    # sort by confidence descending, suppress any lower-scored box with IoU > thresh.
    n = boxes.shape[0]
    order = jnp.argsort(-scores)
    b = jnp.take(boxes, order, axis=0)
    ious = _iou_matrix(b)
    idx = jnp.arange(n)

    def body(i, supp):
        row = (ious[i] > thresh) & (idx > i)
        return jnp.where(supp[i], supp, supp | row)

    supp = jax.lax.fori_loop(0, n, body, jnp.zeros((n,), dtype=bool))
    keep_sorted = jnp.logical_not(supp)
    keep = jnp.zeros((n,), dtype=bool).at[order].set(keep_sorted)
    return keep


def reference(boxes, scores):
    keep = _nms_keep(jax.lax.stop_gradient(boxes), jax.lax.stop_gradient(scores), IOU_THRESH)
    # Original stacks [confidence, x1, y1, x2, y2] per kept box; here we return the
    # fixed-shape masked detection matrix (suppressed rows zeroed) for jit-friendliness.
    dets = jnp.concatenate([scores[:, None], boxes], axis=1)
    return dets * keep[:, None].astype(dets.dtype)

if __name__ == "__main__":
    import jax
    _d = setup_inputs()
    print(jax.jit(kernel)(*tuple(_d.values())))

</pallas_src>

<mosaic_0001>
#map = affine_map<(d0, d1) -> (0)>
module attributes {stable_mosaic.version = 14 : i64} {
  func.func @_sc_nms_body(%arg0: i32, %arg1: i32, %arg2: memref<5120xf32, #tpu.memory_space<hbm>>, %arg3: memref<5120xf32, #tpu.memory_space<hbm>>, %arg4: memref<5120xf32, #tpu.memory_space<hbm>>, %arg5: memref<5120xf32, #tpu.memory_space<hbm>>, %arg6: memref<5120xf32, #tpu.memory_space<hbm>>, %arg7: memref<5120xf32, #tpu.memory_space<hbm>>, %arg8: memref<5136xf32, #tpu.memory_space<vmem>>, %arg9: memref<5136xf32, #tpu.memory_space<vmem>>, %arg10: memref<5136xf32, #tpu.memory_space<vmem>>, %arg11: memref<5136xf32, #tpu.memory_space<vmem>>, %arg12: memref<5136xf32, #tpu.memory_space<vmem>>, %arg13: memref<336xf32, #tpu.memory_space<vmem>>, %arg14: memref<336xf32, #tpu.memory_space<vmem>>, %arg15: memref<368xi32, #tpu.memory_space<vmem>>, %arg16: memref<368xi32, #tpu.memory_space<vmem>>, %arg17: memref<16xi32, #tpu.memory_space<vmem>>, %arg18: memref<16xi32, #tpu.memory_space<vmem>>, %arg19: memref<5120xi32, #tpu.memory_space<vmem_shared>>, %arg20: memref<256xi32, #tpu.memory_space<vmem_shared>>) attributes {dimension_semantics = [#tpu.dimension_semantics<core_parallel>, #tpu.dimension_semantics<subcore_parallel>], iteration_bounds = array<i64: 2, 16>, scalar_prefetch = 0 : i64, scratch_operands = 13 : i64, tpu.core_type = #tpu.core_type<sc_vector_subcore>, window_params = [{transform_indices = #map}, {transform_indices = #map}, {transform_indices = #map}, {transform_indices = #map}, {transform_indices = #map}, {transform_indices = #map}]} {
    %mul3A = arith.constant 320 : i32
    %mul3A_0 = arith.muli %arg1, %mul3A : i32
    "tpu.region"() ({
      %run_scoped3A = tpu.sem_alloc : memref<!tpu.dma_semaphore, #tpu.memory_space<semaphore_mem>>
      %dma_start3A = arith.constant 0 : i32
      %dma_start3A_297 = tpu.memref_slice %arg8[%dma_start3A] : memref<5136xf32, #tpu.memory_space<vmem>> -> memref<5120xf32, #tpu.memory_space<vmem>>
      %dma_start3A_298 = arith.constant 0 : i32
      %dma_start3A_299 = tpu.memref_slice %arg8[%dma_start3A_298] : memref<5136xf32, #tpu.memory_space<vmem>> -> memref<5120xf32, #tpu.memory_space<vmem>>
      tpu.enqueue_dma source(%arg2 : memref<5120xf32, #tpu.memory_space<hbm>>) target(%dma_start3A_299 : memref<5120xf32, #tpu.memory_space<vmem>>) target_semaphore(%run_scoped3A : memref<!tpu.dma_semaphore, #tpu.memory_space<semaphore_mem>>)
      %dma_wait3A = arith.constant 0 : i32
      %dma_wait3A_300 = tpu.memref_slice %arg8[%dma_wait3A] : memref<5136xf32, #tpu.memory_space<vmem>> -> memref<5120xf32, #tpu.memory_space<vmem>>
      %dma_wait3A_301 = arith.constant 0 : i32
      %dma_wait3A_302 = tpu.memref_slice %arg8[%dma_wait3A_301] : memref<5136xf32, #tpu.memory_space<vmem>> -> memref<5120xf32, #tpu.memory_space<vmem>>
      tpu.wait_dma2 semaphore(%run_scoped3A : memref<!tpu.dma_semaphore, #tpu.memory_space<semaphore_mem>>) src(%arg2 : memref<5120xf32, #tpu.memory_space<hbm>>) dst(%dma_wait3A_302 : memref<5120xf32, #tpu.memory_space<vmem>>)
      tpu.yield
    }) : () -> ()
    "tpu.region"() ({
      %run_scoped3A = tpu.sem_alloc : memref<!tpu.dma_semaphore, #tpu.memory_space<semaphore_mem>>
      %dma_start3A = arith.constant 0 : i32
      %dma_start3A_297 = tpu.memref_slice %arg9[%dma_start3A] : memref<5136xf32, #tpu.memory_space<vmem>> -> memref<5120xf32, #tpu.memory_space<vmem>>
      %dma_start3A_298 = arith.constant 0 : i32
      %dma_start3A_299 = tpu.memref_slice %arg9[%dma_start3A_298] : memref<5136xf32, #tpu.memory_space<vmem>> -> memref<5120xf32, #tpu.memory_space<vmem>>
      tpu.enqueue_dma source(%arg3 : memref<5120xf32, #tpu.memory_space<hbm>>) target(%dma_start3A_299 : memref<5120xf32, #tpu.memory_space<vmem>>) target_semaphore(%run_scoped3A : memref<!tpu.dma_semaphore, #tpu.memory_space<semaphore_mem>>)
      %dma_wait3A = arith.constant 0 : i32
      %dma_wait3A_300 = tpu.memref_slice %arg9[%dma_wait3A] : memref<5136xf32, #tpu.memory_space<vmem>> -> memref<5120xf32, #tpu.memory_space<vmem>>
      %dma_wait3A_301 = arith.constant 0 : i32
      %dma_wait3A_302 = tpu.memref_slice %arg9[%dma_wait3A_301] : memref<5136xf32, #tpu.memory_space<vmem>> -> memref<5120xf32, #tpu.memory_space<vmem>>
      tpu.wait_dma2 semaphore(%run_scoped3A : memref<!tpu.dma_semaphore, #tpu.memory_space<semaphore_mem>>) src(%arg3 : memref<5120xf32, #tpu.memory_space<hbm>>) dst(%dma_wait3A_302 : memref<5120xf32, #tpu.memory_space<vmem>>)
      tpu.yield
    }) : () -> ()
    "tpu.region"() ({
      %run_scoped3A = tpu.sem_alloc : memref<!tpu.dma_semaphore, #tpu.memory_space<semaphore_mem>>
      %dma_start3A = arith.constant 0 : i32
      %dma_start3A_297 = tpu.memref_slice %arg10[%dma_start3A] : memref<5136xf32, #tpu.memory_space<vmem>> -> memref<5120xf32, #tpu.memory_space<vmem>>
      %dma_start3A_298 = arith.constant 0 : i32
      %dma_start3A_299 = tpu.memref_slice %arg10[%dma_start3A_298] : memref<5136xf32, #tpu.memory_space<vmem>> -> memref<5120xf32, #tpu.memory_space<vmem>>
      tpu.enqueue_dma source(%arg4 : memref<5120xf32, #tpu.memory_space<hbm>>) target(%dma_start3A_299 : memref<5120xf32, #tpu.memory_space<vmem>>) target_semaphore(%run_scoped3A : memref<!tpu.dma_semaphore, #tpu.memory_space<semaphore_mem>>)
      %dma_wait3A = arith.constant 0 : i32
      %dma_wait3A_300 = tpu.memref_slice %arg10[%dma_wait3A] : memref<5136xf32, #tpu.memory_space<vmem>> -> memref<5120xf32, #tpu.memory_space<vmem>>
      %dma_wait3A_301 = arith.constant 0 : i32
      %dma_wait3A_302 = tpu.memref_slice %arg10[%dma_wait3A_301] : memref<5136xf32, #tpu.memory_space<vmem>> -> memref<5120xf32, #tpu.memory_space<vmem>>
      tpu.wait_dma2 semaphore(%run_scoped3A : memref<!tpu.dma_semaphore, #tpu.memory_space<semaphore_mem>>) src(%arg4 : memref<5120xf32, #tpu.memory_space<hbm>>) dst(%dma_wait3A_302 : memref<5120xf32, #tpu.memory_space<vmem>>)
      tpu.yield
    }) : () -> ()
    "tpu.region"() ({
      %run_scoped3A = tpu.sem_alloc : memref<!tpu.dma_semaphore, #tpu.memory_space<semaphore_mem>>
      %dma_start3A = arith.constant 0 : i32
      %dma_start3A_297 = tpu.memref_slice %arg11[%dma_start3A] : memref<5136xf32, #tpu.memory_space<vmem>> -> memref<5120xf32, #tpu.memory_space<vmem>>
      %dma_start3A_298 = arith.constant 0 : i32
      %dma_start3A_299 = tpu.memref_slice %arg11[%dma_start3A_298] : memref<5136xf32, #tpu.memory_space<vmem>> -> memref<5120xf32, #tpu.memory_space<vmem>>
      tpu.enqueue_dma source(%arg5 : memref<5120xf32, #tpu.memory_space<hbm>>) target(%dma_start3A_299 : memref<5120xf32, #tpu.memory_space<vmem>>) target_semaphore(%run_scoped3A : memref<!tpu.dma_semaphore, #tpu.memory_space<semaphore_mem>>)
      %dma_wait3A = arith.constant 0 : i32
      %dma_wait3A_300 = tpu.memref_slice %arg11[%dma_wait3A] : memref<5136xf32, #tpu.memory_space<vmem>> -> memref<5120xf32, #tpu.memory_space<vmem>>
      %dma_wait3A_301 = arith.constant 0 : i32
      %dma_wait3A_302 = tpu.memref_slice %arg11[%dma_wait3A_301] : memref<5136xf32, #tpu.memory_space<vmem>> -> memref<5120xf32, #tpu.memory_space<vmem>>
      tpu.wait_dma2 semaphore(%run_scoped3A : memref<!tpu.dma_semaphore, #tpu.memory_space<semaphore_mem>>) src(%arg5 : memref<5120xf32, #tpu.memory_space<hbm>>) dst(%dma_wait3A_302 : memref<5120xf32, #tpu.memory_space<vmem>>)
      tpu.yield
    }) : () -> ()
    "tpu.region"() ({
      %run_scoped3A = tpu.sem_alloc : memref<!tpu.dma_semaphore, #tpu.memory_space<semaphore_mem>>
      %dma_start3A = arith.constant 0 : i32
      %dma_start3A_297 = tpu.memref_slice %arg12[%dma_start3A] : memref<5136xf32, #tpu.memory_space<vmem>> -> memref<5120xf32, #tpu.memory_space<vmem>>
      %dma_start3A_298 = arith.constant 0 : i32
      %dma_start3A_299 = tpu.memref_slice %arg12[%dma_start3A_298] : memref<5136xf32, #tpu.memory_space<vmem>> -> memref<5120xf32, #tpu.memory_space<vmem>>
      tpu.enqueue_dma source(%arg6 : memref<5120xf32, #tpu.memory_space<hbm>>) target(%dma_start3A_299 : memref<5120xf32, #tpu.memory_space<vmem>>) target_semaphore(%run_scoped3A : memref<!tpu.dma_semaphore, #tpu.memory_space<semaphore_mem>>)
      %dma_wait3A = arith.constant 0 : i32
      %dma_wait3A_300 = tpu.memref_slice %arg12[%dma_wait3A] : memref<5136xf32, #tpu.memory_space<vmem>> -> memref<5120xf32, #tpu.memory_space<vmem>>
      %dma_wait3A_301 = arith.constant 0 : i32
      %dma_wait3A_302 = tpu.memref_slice %arg12[%dma_wait3A_301] : memref<5136xf32, #tpu.memory_space<vmem>> -> memref<5120xf32, #tpu.memory_space<vmem>>
      tpu.wait_dma2 semaphore(%run_scoped3A : memref<!tpu.dma_semaphore, #tpu.memory_space<semaphore_mem>>) src(%arg6 : memref<5120xf32, #tpu.memory_space<hbm>>) dst(%dma_wait3A_302 : memref<5120xf32, #tpu.memory_space<vmem>>)
      tpu.yield
    }) : () -> ()
    %broadcast_in_dim3A = arith.constant 0.000000e+00 : f32
    %broadcast_in_dim3A_1 = vector.broadcast %broadcast_in_dim3A : f32 to vector<16xf32>
    %broadcast_in_dim3A_2 = arith.constant 5120 : i32
    %broadcast_in_dim3A_3 = vector.broadcast %broadcast_in_dim3A_2 : i32 to vector<16xi32>
    %swap3A = arith.constant 5120 : index
    %swap3A_4 = tpu.vector_load %arg8[%swap3A] {strides = array<i32>} : memref<5136xf32, #tpu.memory_space<vmem>>, vector<16xf32>,
    %swap3A_5 = vector.shape_cast %swap3A_4 : vector<16xf32> to vector<16xf32>
    %swap3A_6 = vector.shape_cast %broadcast_in_dim3A_1 : vector<16xf32> to vector<16xf32>
    tpu.vector_store %arg8[%swap3A], %swap3A_6 {strides = array<i32>} : memref<5136xf32, #tpu.memory_space<vmem>>, vector<16xf32>,
    %swap3A_7 = arith.constant 5120 : index
    %swap3A_8 = tpu.vector_load %arg9[%swap3A_7] {strides = array<i32>} : memref<5136xf32, #tpu.memory_space<vmem>>, vector<16xf32>,
    %swap3A_9 = vector.shape_cast %swap3A_8 : vector<16xf32> to vector<16xf32>
    %swap3A_10 = vector.shape_cast %broadcast_in_dim3A_1 : vector<16xf32> to vector<16xf32>
    tpu.vector_store %arg9[%swap3A_7], %swap3A_10 {strides = array<i32>} : memref<5136xf32, #tpu.memory_space<vmem>>, vector<16xf32>,
    %swap3A_11 = arith.constant 5120 : index
    %swap3A_12 = tpu.vector_load %arg10[%swap3A_11] {strides = array<i32>} : memref<5136xf32, #tpu.memory_space<vmem>>, vector<16xf32>,
    %swap3A_13 = vector.shape_cast %swap3A_12 : vector<16xf32> to vector<16xf32>
    %swap3A_14 = vector.shape_cast %broadcast_in_dim3A_1 : vector<16xf32> to vector<16xf32>
    tpu.vector_store %arg10[%swap3A_11], %swap3A_14 {strides = array<i32>} : memref<5136xf32, #tpu.memory_space<vmem>>, vector<16xf32>,
    %swap3A_15 = arith.constant 5120 : index
    %swap3A_16 = tpu.vector_load %arg11[%swap3A_15] {strides = array<i32>} : memref<5136xf32, #tpu.memory_space<vmem>>, vector<16xf32>,
    %swap3A_17 = vector.shape_cast %swap3A_16 : vector<16xf32> to vector<16xf32>
    %swap3A_18 = vector.shape_cast %broadcast_in_dim3A_1 : vector<16xf32> to vector<16xf32>
    tpu.vector_store %arg11[%swap3A_15], %swap3A_18 {strides = array<i32>} : memref<5136xf32, #tpu.memory_space<vmem>>, vector<16xf32>,
    %swap3A_19 = arith.constant 5120 : index
    %swap3A_20 = tpu.vector_load %arg12[%swap3A_19] {strides = array<i32>} : memref<5136xf32, #tpu.memory_space<vmem>>, vector<16xf32>,
    %swap3A_21 = vector.shape_cast %swap3A_20 : vector<16xf32> to vector<16xf32>
    %swap3A_22 = vector.shape_cast %broadcast_in_dim3A_1 : vector<16xf32> to vector<16xf32>
    tpu.vector_store %arg12[%swap3A_19], %swap3A_22 {strides = array<i32>} : memref<5136xf32, #tpu.memory_space<vmem>>, vector<16xf32>,
    %swap3A_23 = arith.constant 0 : index
    %swap3A_24 = tpu.vector_load %arg13[%swap3A_23] {strides = array<i32>} : memref<336xf32, #tpu.memory_space<vmem>>, vector<16xf32>,
    %swap3A_25 = vector.shape_cast %swap3A_24 : vector<16xf32> to vector<16xf32>
    %swap3A_26 = vector.shape_cast %broadcast_in_dim3A_1 : vector<16xf32> to vector<16xf32>
    tpu.vector_store %arg13[%swap3A_23], %swap3A_26 {strides = array<i32>} : memref<336xf32, #tpu.memory_space<vmem>>, vector<16xf32>,
    %swap3A_27 = arith.constant 16 : index
    %swap3A_28 = tpu.vector_load %arg13[%swap3A_27] {strides = array<i32>} : memref<336xf32, #tpu.memory_space<vmem>>, vector<16xf32>,
    %swap3A_29 = vector.shape_cast %swap3A_28 : vector<16xf32> to vector<16xf32>
    %swap3A_30 = vector.shape_cast %broadcast_in_dim3A_1 : vector<16xf32> to vector<16xf32>
    tpu.vector_store %arg13[%swap3A_27], %swap3A_30 {strides = array<i32>} : memref<336xf32, #tpu.memory_space<vmem>>, vector<16xf32>,
    %swap3A_31 = arith.constant 32 : index
    %swap3A_32 = tpu.vector_load %arg13[%swap3A_31] {strides = array<i32>} : memref<336xf32, #tpu.memory_space<vmem>>, vector<16xf32>,
    %swap3A_33 = vector.shape_cast %swap3A_32 : vector<16xf32> to vector<16xf32>
    %swap3A_34 = vector.shape_cast %broadcast_in_dim3A_1 : vector<16xf32> to vector<16xf32>
    tpu.vector_store %arg13[%swap3A_31], %swap3A_34 {strides = array<i32>} : memref<336xf32, #tpu.memory_space<vmem>>, vector<16xf32>,
    %swap3A_35 = arith.constant 48 : index
    %swap3A_36 = tpu.vector_load %arg13[%swap3A_35] {strides = array<i32>} : memref<336xf32, #tpu.memory_space<vmem>>, vector<16xf32>,
    %swap3A_37 = vector.shape_cast %swap3A_36 : vector<16xf32> to vector<16xf32>
    %swap3A_38 = vector.shape_cast %broadcast_in_dim3A_1 : vector<16xf32> to vector<16xf32>
    tpu.vector_store %arg13[%swap3A_35], %swap3A_38 {strides = array<i32>} : memref<336xf32, #tpu.memory_space<vmem>>, vector<16xf32>,
    %swap3A_39 = arith.constant 64 : index
    %swap3A_40 = tpu.vector_load %arg13[%swap3A_39] {strides = array<i32>} : memref<336xf32, #tpu.memory_space<vmem>>, vector<16xf32>,
    %swap3A_41 = vector.shape_cast %swap3A_40 : vector<16xf32> to vector<16xf32>
    %swap3A_42 = vector.shape_cast %broadcast_in_dim3A_1 : vector<16xf32> to vector<16xf32>
    tpu.vector_store %arg13[%swap3A_39], %swap3A_42 {strides = array<i32>} : memref<336xf32, #tpu.memory_space<vmem>>, vector<16xf32>,
    %swap3A_43 = arith.constant 80 : index
    %swap3A_44 = tpu.vector_load %arg13[%swap3A_43] {strides = array<i32>} : memref<336xf32, #tpu.memory_space<vmem>>, vector<16xf32>,
    %swap3A_45 = vector.shape_cast %swap3A_44 : vector<16xf32> to vector<16xf32>
    %swap3A_46 = vector.shape_cast %broadcast_in_dim3A_1 : vector<16xf32> to vector<16xf32>
    tpu.vector_store %arg13[%swap3A_43], %swap3A_46 {strides = array<i32>} : memref<336xf32, #tpu.memory_space<vmem>>, vector<16xf32>,
    %swap3A_47 = arith.constant 96 : index
    %swap3A_48 = tpu.vector_load %arg13[%swap3A_47] {strides = array<i32>} : memref<336xf32, #tpu.memory_space<vmem>>, vector<16xf32>,
    %swap3A_49 = vector.shape_cast %swap3A_48 : vector<16xf32> to vector<16xf32>
    %swap3A_50 = vector.shape_cast %broadcast_in_dim3A_1 : vector<16xf32> to vector<16xf32>
    tpu.vector_store %arg13[%swap3A_47], %swap3A_50 {strides = array<i32>} : memref<336xf32, #tpu.memory_space<vmem>>, vector<16xf32>,
    %swap3A_51 = arith.constant 112 : index
    %swap3A_52 = tpu.vector_load %arg13[%swap3A_51] {strides = array<i32>} : memref<336xf32, #tpu.memory_space<vmem>>, vector<16xf32>,
    %swap3A_53 = vector.shape_cast %swap3A_52 : vector<16xf32> to vector<16xf32>
    %swap3A_54 = vector.shape_cast %broadcast_in_dim3A_1 : vector<16xf32> to vector<16xf32>
    tpu.vector_store %arg13[%swap3A_51], %swap3A_54 {strides = array<i32>} : memref<336xf32, #tpu.memory_space<vmem>>, vector<16xf32>,
    %swap3A_55 = arith.constant 128 : index
    %swap3A_56 = tpu.vector_load %arg13[%swap3A_55] {strides = array<i32>} : memref<336xf32, #tpu.memory_space<vmem>>, vector<16xf32>,
    %swap3A_57 = vector.shape_cast %swap3A_56 : vector<16xf32> to vector<16xf32>
    %swap3A_58 = vector.shape_cast %broadcast_in_dim3A_1 : vector<16xf32> to vector<16xf32>
    tpu.vector_store %arg13[%swap3A_55], %swap3A_58 {strides = array<i32>} : memref<336xf32, #tpu.memory_space<vmem>>, vector<16xf32>,
    %swap3A_59 = arith.constant 144 : index
    %swap3A_60 = tpu.vector_load %arg13[%swap3A_59] {strides = array<i32>} : memref<336xf32, #tpu.memory_space<vmem>>, vector<16xf32>,
    %swap3A_61 = vector.shape_cast %swap3A_60 : vector<16xf32> to vector<16xf32>
    %swap3A_62 = vector.shape_cast %broadcast_in_dim3A_1 : vector<16xf32> to vector<16xf32>
    tpu.vector_store %arg13[%swap3A_59], %swap3A_62 {strides = array<i32>} : memref<336xf32, #tpu.memory_space<vmem>>, vector<16xf32>,
    %swap3A_63 = arith.constant 160 : index
    %swap3A_64 = tpu.vector_load %arg13[%swap3A_63] {strides = array<i32>} : memref<336xf32, #tpu.memory_space<vmem>>, vector<16xf32>,
    %swap3A_65 = vector.shape_cast %swap3A_64 : vector<16xf32> to vector<16xf32>
    %swap3A_66 = vector.shape_cast %broadcast_in_dim3A_1 : vector<16xf32> to vector<16xf32>
    tpu.vector_store %arg13[%swap3A_63], %swap3A_66 {strides = array<i32>} : memref<336xf32, #tpu.memory_space<vmem>>, vector<16xf32>,
    %swap3A_67 = arith.constant 176 : index
    %swap3A_68 = tpu.vector_load %arg13[%swap3A_67] {strides = array<i32>} : memref<336xf32, #tpu.memory_space<vmem>>, vector<16xf32>,
    %swap3A_69 = vector.shape_cast %swap3A_68 : vector<16xf32> to vector<16xf32>
    %swap3A_70 = vector.shape_cast %broadcast_in_dim3A_1 : vector<16xf32> to vector<16xf32>
    tpu.vector_store %arg13[%swap3A_67], %swap3A_70 {strides = array<i32>} : memref<336xf32, #tpu.memory_space<vmem>>, vector<16xf32>,
    %swap3A_71 = arith.constant 192 : index
    %swap3A_72 = tpu.vector_load %arg13[%swap3A_71] {strides = array<i32>} : memref<336xf32, #tpu.memory_space<vmem>>, vector<16xf32>,
    %swap3A_73 = vector.shape_cast %swap3A_72 : vector<16xf32> to vector<16xf32>
    %swap3A_74 = vector.shape_cast %broadcast_in_dim3A_1 : vector<16xf32> to vector<16xf32>
    tpu.vector_store %arg13[%swap3A_71], %swap3A_74 {strides = array<i32>} : memref<336xf32, #tpu.memory_space<vmem>>, vector<16xf32>,
    %swap3A_75 = arith.constant 208 : index
    %swap3A_76 = tpu.vector_load %arg13[%swap3A_75] {strides = array<i32>} : memref<336xf32, #tpu.memory_space<vmem>>, vector<16xf32>,
    %swap3A_77 = vector.shape_cast %swap3A_76 : vector<16xf32> to vector<16xf32>
    %swap3A_78 = vector.shape_cast %broadcast_in_dim3A_1 : vector<16xf32> to vector<16xf32>
    tpu.vector_store %arg13[%swap3A_75], %swap3A_78 {strides = array<i32>} : memref<336xf32, #tpu.memory_space<vmem>>, vector<16xf32>,
    %swap3A_79 = arith.constant 224 : index
    %swap3A_80 = tpu.vector_load %arg13[%swap3A_79] {strides = array<i32>} : memref<336xf32, #tpu.memory_space<vmem>>, vector<16xf32>,
    %swap3A_81 = vector.shape_cast %swap3A_80 : vector<16xf32> to vector<16xf32>
    %swap3A_82 = vector.shape_cast %broadcast_in_dim3A_1 : vector<16xf32> to vector<16xf32>
    tpu.vector_store %arg13[%swap3A_79], %swap3A_82 {strides = array<i32>} : memref<336xf32, #tpu.memory_space<vmem>>, vector<16xf32>,
    %swap3A_83 = arith.constant 240 : index
    %swap3A_84 = tpu.vector_load %arg13[%swap3A_83] {strides = array<i32>} : memref<336xf32, #tpu.memory_space<vmem>>, vector<16xf32>,
    %swap3A_85 = vector.shape_cast %swap3A_84 : vector<16xf32> to vector<16xf32>
    %swap3A_86 = vector.shape_cast %broadcast_in_dim3A_1 : vector<16xf32> to vector<16xf32>
    tpu.vector_store %arg13[%swap3A_83], %swap3A_86 {strides = array<i32>} : memref<336xf32, #tpu.memory_space<vmem>>, vector<16xf32>,
    %swap3A_87 = arith.constant 256 : index
    %swap3A_88 = tpu.vector_load %arg13[%swap3A_87] {strides = array<i32>} : memref<336xf32, #tpu.memory_space<vmem>>, vector<16xf32>,
    %swap3A_89 = vector.shape_cast %swap3A_88 : vector<16xf32> to vector<16xf32>
    %swap3A_90 = vector.shape_cast %broadcast_in_dim3A_1 : vector<16xf32> to vector<16xf32>
    tpu.vector_store %arg13[%swap3A_87], %swap3A_90 {strides = array<i32>} : memref<336xf32, #tpu.memory_space<vmem>>, vector<16xf32>,
    %swap3A_91 = arith.constant 272 : index
    %swap3A_92 = tpu.vector_load %arg13[%swap3A_91] {strides = array<i32>} : memref<336xf32, #tpu.memory_space<vmem>>, vector<16xf32>,
    %swap3A_93 = vector.shape_cast %swap3A_92 : vector<16xf32> to vector<16xf32>
    %swap3A_94 = vector.shape_cast %broadcast_in_dim3A_1 : vector<16xf32> to vector<16xf32>
    tpu.vector_store %arg13[%swap3A_91], %swap3A_94 {strides = array<i32>} : memref<336xf32, #tpu.memory_space<vmem>>, vector<16xf32>,
    %swap3A_95 = arith.constant 288 : index
    %swap3A_96 = tpu.vector_load %arg13[%swap3A_95] {strides = array<i32>} : memref<336xf32, #tpu.memory_space<vmem>>, vector<16xf32>,
    %swap3A_97 = vector.shape_cast %swap3A_96 : vector<16xf32> to vector<16xf32>
    %swap3A_98 = vector.shape_cast %broadcast_in_dim3A_1 : vector<16xf32> to vector<16xf32>
    tpu.vector_store %arg13[%swap3A_95], %swap3A_98 {strides = array<i32>} : memref<336xf32, #tpu.memory_space<vmem>>, vector<16xf32>,
    %swap3A_99 = arith.constant 304 : index
    %swap3A_100 = tpu.vector_load %arg13[%swap3A_99] {strides = array<i32>} : memref<336xf32, #tpu.memory_space<vmem>>, vector<16xf32>,
    %swap3A_101 = vector.shape_cast %swap3A_100 : vector<16xf32> to vector<16xf32>
    %swap3A_102 = vector.shape_cast %broadcast_in_dim3A_1 : vector<16xf32> to vector<16xf32>
    tpu.vector_store %arg13[%swap3A_99], %swap3A_102 {strides = array<i32>} : memref<336xf32, #tpu.memory_space<vmem>>, vector<16xf32>,
    %swap3A_103 = arith.constant 320 : index
    %swap3A_104 = tpu.vector_load %arg13[%swap3A_103] {strides = array<i32>} : memref<336xf32, #tpu.memory_space<vmem>>, vector<16xf32>,
    %swap3A_105 = vector.shape_cast %swap3A_104 : vector<16xf32> to vector<16xf32>
    %swap3A_106 = vector.shape_cast %broadcast_in_dim3A_1 : vector<16xf32> to vector<16xf32>
    tpu.vector_store %arg13[%swap3A_103], %swap3A_106 {strides = array<i32>} : memref<336xf32, #tpu.memory_space<vmem>>, vector<16xf32>,
    %swap3A_107 = arith.constant 0 : index
    %swap3A_108 = tpu.vector_load %arg15[%swap3A_107] {strides = array<i32>} : memref<368xi32, #tpu.memory_space<vmem>>, vector<16xi32>,
    %swap3A_109 = vector.shape_cast %swap3A_108 : vector<16xi32> to vector<16xi32>
    %swap3A_110 = vector.shape_cast %broadcast_in_dim3A_3 : vector<16xi32> to vector<16xi32>
    tpu.vector_store %arg15[%swap3A_107], %swap3A_110 {strides = array<i32>} : memref<368xi32, #tpu.memory_space<vmem>>, vector<16xi32>,
    %swap3A_111 = arith.constant 0 : index
    %swap3A_112 = tpu.vector_load %arg16[%swap3A_111] {strides = array<i32>} : memref<368xi32, #tpu.memory_space<vmem>>, vector<16xi32>,
    %swap3A_113 = vector.shape_cast %swap3A_112 : vector<16xi32> to vector<16xi32>
    %swap3A_114 = vector.shape_cast %broadcast_in_dim3A_3 : vector<16xi32> to vector<16xi32>
    tpu.vector_store %arg16[%swap3A_111], %swap3A_114 {strides = array<i32>} : memref<368xi32, #tpu.memory_space<vmem>>, vector<16xi32>,
    %swap3A_115 = arith.constant 16 : index
    %swap3A_116 = tpu.vector_load %arg15[%swap3A_115] {strides = array<i32>} : memref<368xi32, #tpu.memory_space<vmem>>, vector<16xi32>,
    %swap3A_117 = vector.shape_cast %swap3A_116 : vector<16xi32> to vector<16xi32>
    %swap3A_118 = vector.shape_cast %broadcast_in_dim3A_3 : vector<16xi32> to vector<16xi32>
    tpu.vector_store %arg15[%swap3A_115], %swap3A_118 {strides = array<i32>} : memref<368xi32, #tpu.memory_space<vmem>>, vector<16xi32>,
    %swap3A_119 = arith.constant 16 : index
    %swap3A_120 = tpu.vector_load %arg16[%swap3A_119] {strides = array<i32>} : memref<368xi32, #tpu.memory_space<vmem>>, vector<16xi32>,
    %swap3A_121 = vector.shape_cast %swap3A_120 : vector<16xi32> to vector<16xi32>
    %swap3A_122 = vector.shape_cast %broadcast_in_dim3A_3 : vector<16xi32> to vector<16xi32>
    tpu.vector_store %arg16[%swap3A_119], %swap3A_122 {strides = array<i32>} : memref<368xi32, #tpu.memory_space<vmem>>, vector<16xi32>,
    %swap3A_123 = arith.constant 32 : index
    %swap3A_124 = tpu.vector_load %arg15[%swap3A_123] {strides = array<i32>} : memref<368xi32, #tpu.memory_space<vmem>>, vector<16xi32>,
    %swap3A_125 = vector.shape_cast %swap3A_124 : vector<16xi32> to vector<16xi32>
    %swap3A_126 = vector.shape_cast %broadcast_in_dim3A_3 : vector<16xi32> to vector<16xi32>
    tpu.vector_store %arg15[%swap3A_123], %swap3A_126 {strides = array<i32>} : memref<368xi32, #tpu.memory_space<vmem>>, vector<16xi32>,
    %swap3A_127 = arith.constant 32 : index
    %swap3A_128 = tpu.vector_load %arg16[%swap3A_127] {strides = array<i32>} : memref<368xi32, #tpu.memory_space<vmem>>, vector<16xi32>,
    %swap3A_129 = vector.shape_cast %swap3A_128 : vector<16xi32> to vector<16xi32>
    %swap3A_130 = vector.shape_cast %broadcast_in_dim3A_3 : vector<16xi32> to vector<16xi32>
    tpu.vector_store %arg16[%swap3A_127], %swap3A_130 {strides = array<i32>} : memref<368xi32, #tpu.memory_space<vmem>>, vector<16xi32>,
    %swap3A_131 = arith.constant 48 : index
    %swap3A_132 = tpu.vector_load %arg15[%swap3A_131] {strides = array<i32>} : memref<368xi32, #tpu.memory_space<vmem>>, vector<16xi32>,
    %swap3A_133 = vector.shape_cast %swap3A_132 : vector<16xi32> to vector<16xi32>
    %swap3A_134 = vector.shape_cast %broadcast_in_dim3A_3 : vector<16xi32> to vector<16xi32>
    tpu.vector_store %arg15[%swap3A_131], %swap3A_134 {strides = array<i32>} : memref<368xi32, #tpu.memory_space<vmem>>, vector<16xi32>,
    %swap3A_135 = arith.constant 48 : index
    %swap3A_136 = tpu.vector_load %arg16[%swap3A_135] {strides = array<i32>} : memref<368xi32, #tpu.memory_space<vmem>>, vector<16xi32>,
    %swap3A_137 = vector.shape_cast %swap3A_136 : vector<16xi32> to vector<16xi32>
    %swap3A_138 = vector.shape_cast %broadcast_in_dim3A_3 : vector<16xi32> to vector<16xi32>
    tpu.vector_store %arg16[%swap3A_135], %swap3A_138 {strides = array<i32>} : memref<368xi32, #tpu.memory_space<vmem>>, vector<16xi32>,
    %swap3A_139 = arith.constant 64 : index
    %swap3A_140 = tpu.vector_load %arg15[%swap3A_139] {strides = array<i32>} : memref<368xi32, #tpu.memory_space<vmem>>, vector<16xi32>,
    %swap3A_141 = vector.shape_cast %swap3A_140 : vector<16xi32> to vector<16xi32>
    %swap3A_142 = vector.shape_cast %broadcast_in_dim3A_3 : vector<16xi32> to vector<16xi32>
    tpu.vector_store %arg15[%swap3A_139], %swap3A_142 {strides = array<i32>} : memref<368xi32, #tpu.memory_space<vmem>>, vector<16xi32>,
    %swap3A_143 = arith.constant 64 : index
    %swap3A_144 = tpu.vector_load %arg16[%swap3A_143] {strides = array<i32>} : memref<368xi32, #tpu.memory_space<vmem>>, vector<16xi32>,
    %swap3A_145 = vector.shape_cast %swap3A_144 : vector<16xi32> to vector<16xi32>
    %swap3A_146 = vector.shape_cast %broadcast_in_dim3A_3 : vector<16xi32> to vector<16xi32>
    tpu.vector_store %arg16[%swap3A_143], %swap3A_146 {strides = array<i32>} : memref<368xi32, #tpu.memory_space<vmem>>, vector<16xi32>,
    %swap3A_147 = arith.constant 80 : index
    %swap3A_148 = tpu.vector_load %arg15[%swap3A_147] {strides = array<i32>} : memref<368xi32, #tpu.memory_space<vmem>>, vector<16xi32>,
    %swap3A_149 = vector.shape_cast %swap3A_148 : vector<16xi32> to vector<16xi32>
    %swap3A_150 = vector.shape_cast %broadcast_in_dim3A_3 : vector<16xi32> to vector<16xi32>
    tpu.vector_store %arg15[%swap3A_147], %swap3A_150 {strides = array<i32>} : memref<368xi32, #tpu.memory_space<vmem>>, vector<16xi32>,
    %swap3A_151 = arith.constant 80 : index
    %swap3A_152 = tpu.vector_load %arg16[%swap3A_151] {strides = array<i32>} : memref<368xi32, #tpu.memory_space<vmem>>, vector<16xi32>,
    %swap3A_153 = vector.shape_cast %swap3A_152 : vector<16xi32> to vector<16xi32>
    %swap3A_154 = vector.shape_cast %broadcast_in_dim3A_3 : vector<16xi32> to vector<16xi32>
    tpu.vector_store %arg16[%swap3A_151], %swap3A_154 {strides = array<i32>} : memref<368xi32, #tpu.memory_space<vmem>>, vector<16xi32>,
    %swap3A_155 = arith.constant 96 : index
    %swap3A_156 = tpu.vector_load %arg15[%swap3A_155] {strides = array<i32>} : memref<368xi32, #tpu.memory_space<vmem>>, vector<16xi32>,
    %swap3A_157 = vector.shape_cast %swap3A_156 : vector<16xi32> to vector<16xi32>
    %swap3A_158 = vector.shape_cast %broadcast_in_dim3A_3 : vector<16xi32> to vector<16xi32>
    tpu.vector_store %arg15[%swap3A_155], %swap3A_158 {strides = array<i32>} : memref<368xi32, #tpu.memory_space<vmem>>, vector<16xi32>,
    %swap3A_159 = arith.constant 96 : index
    %swap3A_160 = tpu.vector_load %arg16[%swap3A_159] {strides = array<i32>} : memref<368xi32, #tpu.memory_space<vmem>>, vector<16xi32>,
    %swap3A_161 = vector.shape_cast %swap3A_160 : vector<16xi32> to vector<16xi32>
    %swap3A_162 = vector.shape_cast %broadcast_in_dim3A_3 : vector<16xi32> to vector<16xi32>
    tpu.vector_store %arg16[%swap3A_159], %swap3A_162 {strides = array<i32>} : memref<368xi32, #tpu.memory_space<vmem>>, vector<16xi32>,
    %swap3A_163 = arith.constant 112 : index
    %swap3A_164 = tpu.vector_load %arg15[%swap3A_163] {strides = array<i32>} : memref<368xi32, #tpu.memory_space<vmem>>, vector<16xi32>,
    %swap3A_165 = vector.shape_cast %swap3A_164 : vector<16xi32> to vector<16xi32>
    %swap3A_166 = vector.shape_cast %broadcast_in_dim3A_3 : vector<16xi32> to vector<16xi32>
    tpu.vector_store %arg15[%swap3A_163], %swap3A_166 {strides = array<i32>} : memref<368xi32, #tpu.memory_space<vmem>>, vector<16xi32>,
    %swap3A_167 = arith.constant 112 : index
    %swap3A_168 = tpu.vector_load %arg16[%swap3A_167] {strides = array<i32>} : memref<368xi32, #tpu.memory_space<vmem>>, vector<16xi32>,
    %swap3A_169 = vector.shape_cast %swap3A_168 : vector<16xi32> to vector<16xi32>
    %swap3A_170 = vector.shape_cast %broadcast_in_dim3A_3 : vector<16xi32> to vector<16xi32>
    tpu.vector_store %arg16[%swap3A_167], %swap3A_170 {strides = array<i32>} : memref<368xi32, #tpu.memory_space<vmem>>, vector<16xi32>,
    %swap3A_171 = arith.constant 128 : index
    %swap3A_172 = tpu.vector_load %arg15[%swap3A_171] {strides = array<i32>} : memref<368xi32, #tpu.memory_space<vmem>>, vector<16xi32>,
    %swap3A_173 = vector.shape_cast %swap3A_172 : vector<16xi32> to vector<16xi32>
    %swap3A_174 = vector.shape_cast %broadcast_in_dim3A_3 : vector<16xi32> to vector<16xi32>
    tpu.vector_store %arg15[%swap3A_171], %swap3A_174 {strides = array<i32>} : memref<368xi32, #tpu.memory_space<vmem>>, vector<16xi32>,
    %swap3A_175 = arith.constant 128 : index
    %swap3A_176 = tpu.vector_load %arg16[%swap3A_175] {strides = array<i32>} : memref<368xi32, #tpu.memory_space<vmem>>, vector<16xi32>,
    %swap3A_177 = vector.shape_cast %swap3A_176 : vector<16xi32> to vector<16xi32>
    %swap3A_178 = vector.shape_cast %broadcast_in_dim3A_3 : vector<16xi32> to vector<16xi32>
    tpu.vector_store %arg16[%swap3A_175], %swap3A_178 {strides = array<i32>} : memref<368xi32, #tpu.memory_space<vmem>>, vector<16xi32>,
    %swap3A_179 = arith.constant 144 : index
    %swap3A_180 = tpu.vector_load %arg15[%swap3A_179] {strides = array<i32>} : memref<368xi32, #tpu.memory_space<vmem>>, vector<16xi32>,
    %swap3A_181 = vector.shape_cast %swap3A_180 : vector<16xi32> to vector<16xi32>
    %swap3A_182 = vector.shape_cast %broadcast_in_dim3A_3 : vector<16xi32> to vector<16xi32>
    tpu.vector_store %arg15[%swap3A_179], %swap3A_182 {strides = array<i32>} : memref<368xi32, #tpu.memory_space<vmem>>, vector<16xi32>,
    %swap3A_183 = arith.constant 144 : index
    %swap3A_184 = tpu.vector_load %arg16[%swap3A_183] {strides = array<i32>} : memref<368xi32, #tpu.memory_space<vmem>>, vector<16xi32>,
    %swap3A_185 = vector.shape_cast %swap3A_184 : vector<16xi32> to vector<16xi32>
    %swap3A_186 = vector.shape_cast %broadcast_in_dim3A_3 : vector<16xi32> to vector<16xi32>
    tpu.vector_store %arg16[%swap3A_183], %swap3A_186 {strides = array<i32>} : memref<368xi32, #tpu.memory_space<vmem>>, vector<16xi32>,
    %swap3A_187 = arith.constant 160 : index
    %swap3A_188 = tpu.vector_load %arg15[%swap3A_187] {strides = array<i32>} : memref<368xi32, #tpu.memory_space<vmem>>, vector<16xi32>,
    %swap3A_189 = vector.shape_cast %swap3A_188 : vector<16xi32> to vector<16xi32>
    %swap3A_190 = vector.shape_cast %broadcast_in_dim3A_3 : vector<16xi32> to vector<16xi32>
    tpu.vector_store %arg15[%swap3A_187], %swap3A_190 {strides = array<i32>} : memref<368xi32, #tpu.memory_space<vmem>>, vector<16xi32>,
    %swap3A_191 = arith.constant 160 : index
    %swap3A_192 = tpu.vector_load %arg16[%swap3A_191] {strides = array<i32>} : memref<368xi32, #tpu.memory_space<vmem>>, vector<16xi32>,
    %swap3A_193 = vector.shape_cast %swap3A_192 : vector<16xi32> to vector<16xi32>
    %swap3A_194 = vector.shape_cast %broadcast_in_dim3A_3 : vector<16xi32> to vector<16xi32>
    tpu.vector_store %arg16[%swap3A_191], %swap3A_194 {strides = array<i32>} : memref<368xi32, #tpu.memory_space<vmem>>, vector<16xi32>,
    %swap3A_195 = arith.constant 176 : index
    %swap3A_196 = tpu.vector_load %arg15[%swap3A_195] {strides = array<i32>} : memref<368xi32, #tpu.memory_space<vmem>>, vector<16xi32>,
    %swap3A_197 = vector.shape_cast %swap3A_196 : vector<16xi32> to vector<16xi32>
    %swap3A_198 = vector.shape_cast %broadcast_in_dim3A_3 : vector<16xi32> to vector<16xi32>
    tpu.vector_store %arg15[%swap3A_195], %swap3A_198 {strides = array<i32>} : memref<368xi32, #tpu.memory_space<vmem>>, vector<16xi32>,
    %swap3A_199 = arith.constant 176 : index
    %swap3A_200 = tpu.vector_load %arg16[%swap3A_199] {strides = array<i32>} : memref<368xi32, #tpu.memory_space<vmem>>, vector<16xi32>,
    %swap3A_201 = vector.shape_cast %swap3A_200 : vector<16xi32> to vector<16xi32>
    %swap3A_202 = vector.shape_cast %broadcast_in_dim3A_3 : vector<16xi32> to vector<16xi32>
    tpu.vector_store %arg16[%swap3A_199], %swap3A_202 {strides = array<i32>} : memref<368xi32, #tpu.memory_space<vmem>>, vector<16xi32>,
    %swap3A_203 = arith.constant 192 : index
    %swap3A_204 = tpu.vector_load %arg15[%swap3A_203] {strides = array<i32>} : memref<368xi32, #tpu.memory_space<vmem>>, vector<16xi32>,
    %swap3A_205 = vector.shape_cast %swap3A_204 : vector<16xi32> to vector<16xi32>
    %swap3A_206 = vector.shape_cast %broadcast_in_dim3A_3 : vector<16xi32> to vector<16xi32>
    tpu.vector_store %arg15[%swap3A_203], %swap3A_206 {strides = array<i32>} : memref<368xi32, #tpu.memory_space<vmem>>, vector<16xi32>,
    %swap3A_207 = arith.constant 192 : index
    %swap3A_208 = tpu.vector_load %arg16[%swap3A_207] {strides = array<i32>} : memref<368xi32, #tpu.memory_space<vmem>>, vector<16xi32>,
    %swap3A_209 = vector.shape_cast %swap3A_208 : vector<16xi32> to vector<16xi32>
    %swap3A_210 = vector.shape_cast %broadcast_in_dim3A_3 : vector<16xi32> to vector<16xi32>
    tpu.vector_store %arg16[%swap3A_207], %swap3A_210 {strides = array<i32>} : memref<368xi32, #tpu.memory_space<vmem>>, vector<16xi32>,
    %swap3A_211 = arith.constant 208 : index
    %swap3A_212 = tpu.vector_load %arg15[%swap3A_211] {strides = array<i32>} : memref<368xi32, #tpu.memory_space<vmem>>, vector<16xi32>,
    %swap3A_213 = vector.shape_cast %swap3A_212 : vector<16xi32> to vector<16xi32>
    %swap3A_214 = vector.shape_cast %broadcast_in_dim3A_3 : vector<16xi32> to vector<16xi32>
    tpu.vector_store %arg15[%swap3A_211], %swap3A_214 {strides = array<i32>} : memref<368xi32, #tpu.memory_space<vmem>>, vector<16xi32>,
    %swap3A_215 = arith.constant 208 : index
    %swap3A_216 = tpu.vector_load %arg16[%swap3A_215] {strides = array<i32>} : memref<368xi32, #tpu.memory_space<vmem>>, vector<16xi32>,
    %swap3A_217 = vector.shape_cast %swap3A_216 : vector<16xi32> to vector<16xi32>
    %swap3A_218 = vector.shape_cast %broadcast_in_dim3A_3 : vector<16xi32> to vector<16xi32>
    tpu.vector_store %arg16[%swap3A_215], %swap3A_218 {strides = array<i32>} : memref<368xi32, #tpu.memory_space<vmem>>, vector<16xi32>,
    %swap3A_219 = arith.constant 224 : index
    %swap3A_220 = tpu.vector_load %arg15[%swap3A_219] {strides = array<i32>} : memref<368xi32, #tpu.memory_space<vmem>>, vector<16xi32>,
    %swap3A_221 = vector.shape_cast %swap3A_220 : vector<16xi32> to vector<16xi32>
    %swap3A_222 = vector.shape_cast %broadcast_in_dim3A_3 : vector<16xi32> to vector<16xi32>
    tpu.vector_store %arg15[%swap3A_219], %swap3A_222 {strides = array<i32>} : memref<368xi32, #tpu.memory_space<vmem>>, vector<16xi32>,
    %swap3A_223 = arith.constant 224 : index
    %swap3A_224 = tpu.vector_load %arg16[%swap3A_223] {strides = array<i32>} : memref<368xi32, #tpu.memory_space<vmem>>, vector<16xi32>,
    %swap3A_225 = vector.shape_cast %swap3A_224 : vector<16xi32> to vector<16xi32>
    %swap3A_226 = vector.shape_cast %broadcast_in_dim3A_3 : vector<16xi32> to vector<16xi32>
    tpu.vector_store %arg16[%swap3A_223], %swap3A_226 {strides = array<i32>} : memref<368xi32, #tpu.memory_space<vmem>>, vector<16xi32>,
    %swap3A_227 = arith.constant 240 : index
    %swap3A_228 = tpu.vector_load %arg15[%swap3A_227] {strides = array<i32>} : memref<368xi32, #tpu.memory_space<vmem>>, vector<16xi32>,
    %swap3A_229 = vector.shape_cast %swap3A_228 : vector<16xi32> to vector<16xi32>
    %swap3A_230 = vector.shape_cast %broadcast_in_dim3A_3 : vector<16xi32> to vector<16xi32>
    tpu.vector_store %arg15[%swap3A_227], %swap3A_230 {strides = array<i32>} : memref<368xi32, #tpu.memory_space<vmem>>, vector<16xi32>,
    %swap3A_231 = arith.constant 240 : index
    %swap3A_232 = tpu.vector_load %arg16[%swap3A_231] {strides = array<i32>} : memref<368xi32, #tpu.memory_space<vmem>>, vector<16xi32>,
    %swap3A_233 = vector.shape_cast %swap3A_232 : vector<16xi32> to vector<16xi32>
    %swap3A_234 = vector.shape_cast %broadcast_in_dim3A_3 : vector<16xi32> to vector<16xi32>
    tpu.vector_store %arg16[%swap3A_231], %swap3A_234 {strides = array<i32>} : memref<368xi32, #tpu.memory_space<vmem>>, vector<16xi32>,
    %swap3A_235 = arith.constant 256 : index
    %swap3A_236 = tpu.vector_load %arg15[%swap3A_235] {strides = array<i32>} : memref<368xi32, #tpu.memory_space<vmem>>, vector<16xi32>,
    %swap3A_237 = vector.shape_cast %swap3A_236 : vector<16xi32> to vector<16xi32>
    %swap3A_238 = vector.shape_cast %broadcast_in_dim3A_3 : vector<16xi32> to vector<16xi32>
    tpu.vector_store %arg15[%swap3A_235], %swap3A_238 {strides = array<i32>} : memref<368xi32, #tpu.memory_space<vmem>>, vector<16xi32>,
    %swap3A_239 = arith.constant 256 : index
    %swap3A_240 = tpu.vector_load %arg16[%swap3A_239] {strides = array<i32>} : memref<368xi32, #tpu.memory_space<vmem>>, vector<16xi32>,
    %swap3A_241 = vector.shape_cast %swap3A_240 : vector<16xi32> to vector<16xi32>
    %swap3A_242 = vector.shape_cast %broadcast_in_dim3A_3 : vector<16xi32> to vector<16xi32>
    tpu.vector_store %arg16[%swap3A_239], %swap3A_242 {strides = array<i32>} : memref<368xi32, #tpu.memory_space<vmem>>, vector<16xi32>,
    %swap3A_243 = arith.constant 272 : index
    %swap3A_244 = tpu.vector_load %arg15[%swap3A_243] {strides = array<i32>} : memref<368xi32, #tpu.memory_space<vmem>>, vector<16xi32>,
    %swap3A_245 = vector.shape_cast %swap3A_244 : vector<16xi32> to vector<16xi32>
    %swap3A_246 = vector.shape_cast %broadcast_in_dim3A_3 : vector<16xi32> to vector<16xi32>
    tpu.vector_store %arg15[%swap3A_243], %swap3A_246 {strides = array<i32>} : memref<368xi32, #tpu.memory_space<vmem>>, vector<16xi32>,
    %swap3A_247 = arith.constant 272 : index
    %swap3A_248 = tpu.vector_load %arg16[%swap3A_247] {strides = array<i32>} : memref<368xi32, #tpu.memory_space<vmem>>, vector<16xi32>,
    %swap3A_249 = vector.shape_cast %swap3A_248 : vector<16xi32> to vector<16xi32>
    %swap3A_250 = vector.shape_cast %broadcast_in_dim3A_3 : vector<16xi32> to vector<16xi32>
    tpu.vector_store %arg16[%swap3A_247], %swap3A_250 {strides = array<i32>} : memref<368xi32, #tpu.memory_space<vmem>>, vector<16xi32>,
    %swap3A_251 = arith.constant 288 : index
    %swap3A_252 = tpu.vector_load %arg15[%swap3A_251] {strides = array<i32>} : memref<368xi32, #tpu.memory_space<vmem>>, vector<16xi32>,
    %swap3A_253 = vector.shape_cast %swap3A_252 : vector<16xi32> to vector<16xi32>
    %swap3A_254 = vector.shape_cast %broadcast_in_dim3A_3 : vector<16xi32> to vector<16xi32>
    tpu.vector_store %arg15[%swap3A_251], %swap3A_254 {strides = array<i32>} : memref<368xi32, #tpu.memory_space<vmem>>, vector<16xi32>,
    %swap3A_255 = arith.constant 288 : index
    %swap3A_256 = tpu.vector_load %arg16[%swap3A_255] {strides = array<i32>} : memref<368xi32, #tpu.memory_space<vmem>>, vector<16xi32>,
    %swap3A_257 = vector.shape_cast %swap3A_256 : vector<16xi32> to vector<16xi32>
    %swap3A_258 = vector.shape_cast %broadcast_in_dim3A_3 : vector<16xi32> to vector<16xi32>
    tpu.vector_store %arg16[%swap3A_255], %swap3A_258 {strides = array<i32>} : memref<368xi32, #tpu.memory_space<vmem>>, vector<16xi32>,
    %swap3A_259 = arith.constant 304 : index
    %swap3A_260 = tpu.vector_load %arg15[%swap3A_259] {strides = array<i32>} : memref<368xi32, #tpu.memory_space<vmem>>, vector<16xi32>,
    %swap3A_261 = vector.shape_cast %swap3A_260 : vector<16xi32> to vector<16xi32>
    %swap3A_262 = vector.shape_cast %broadcast_in_dim3A_3 : vector<16xi32> to vector<16xi32>
    tpu.vector_store %arg15[%swap3A_259], %swap3A_262 {strides = array<i32>} : memref<368xi32, #tpu.memory_space<vmem>>, vector<16xi32>,
    %swap3A_263 = arith.constant 304 : index
    %swap3A_264 = tpu.vector_load %arg16[%swap3A_263] {strides = array<i32>} : memref<368xi32, #tpu.memory_space<vmem>>, vector<16xi32>,
    %swap3A_265 = vector.shape_cast %swap3A_264 : vector<16xi32> to vector<16xi32>
    %swap3A_266 = vector.shape_cast %broadcast_in_dim3A_3 : vector<16xi32> to vector<16xi32>
    tpu.vector_store %arg16[%swap3A_263], %swap3A_266 {strides = array<i32>} : memref<368xi32, #tpu.memory_space<vmem>>, vector<16xi32>,
    %swap3A_267 = arith.constant 320 : index
    %swap3A_268 = tpu.vector_load %arg15[%swap3A_267] {strides = array<i32>} : memref<368xi32, #tpu.memory_space<vmem>>, vector<16xi32>,
    %swap3A_269 = vector.shape_cast %swap3A_268 : vector<16xi32> to vector<16xi32>
    %swap3A_270 = vector.shape_cast %broadcast_in_dim3A_3 : vector<16xi32> to vector<16xi32>
    tpu.vector_store %arg15[%swap3A_267], %swap3A_270 {strides = array<i32>} : memref<368xi32, #tpu.memory_space<vmem>>, vector<16xi32>,
    %swap3A_271 = arith.constant 320 : index
    %swap3A_272 = tpu.vector_load %arg16[%swap3A_271] {strides = array<i32>} : memref<368xi32, #tpu.memory_space<vmem>>, vector<16xi32>,
    %swap3A_273 = vector.shape_cast %swap3A_272 : vector<16xi32> to vector<16xi32>
    %swap3A_274 = vector.shape_cast %broadcast_in_dim3A_3 : vector<16xi32> to vector<16xi32>
    tpu.vector_store %arg16[%swap3A_271], %swap3A_274 {strides = array<i32>} : memref<368xi32, #tpu.memory_space<vmem>>, vector<16xi32>,
    %swap3A_275 = arith.constant 336 : index
    %swap3A_276 = tpu.vector_load %arg15[%swap3A_275] {strides = array<i32>} : memref<368xi32, #tpu.memory_space<vmem>>, vector<16xi32>,
    %swap3A_277 = vector.shape_cast %swap3A_276 : vector<16xi32> to vector<16xi32>
    %swap3A_278 = vector.shape_cast %broadcast_in_dim3A_3 : vector<16xi32> to vector<16xi32>
    tpu.vector_store %arg15[%swap3A_275], %swap3A_278 {strides = array<i32>} : memref<368xi32, #tpu.memory_space<vmem>>, vector<16xi32>,
    %swap3A_279 = arith.constant 336 : index
    %swap3A_280 = tpu.vector_load %arg16[%swap3A_279] {strides = array<i32>} : memref<368xi32, #tpu.memory_space<vmem>>, vector<16xi32>,
    %swap3A_281 = vector.shape_cast %swap3A_280 : vector<16xi32> to vector<16xi32>
    %swap3A_282 = vector.shape_cast %broadcast_in_dim3A_3 : vector<16xi32> to vector<16xi32>
    tpu.vector_store %arg16[%swap3A_279], %swap3A_282 {strides = array<i32>} : memref<368xi32, #tpu.memory_space<vmem>>, vector<16xi32>,
    %swap3A_283 = arith.constant 352 : index
    %swap3A_284 = tpu.vector_load %arg15[%swap3A_283] {strides = array<i32>} : memref<368xi32, #tpu.memory_space<vmem>>, vector<16xi32>,
    %swap3A_285 = vector.shape_cast %swap3A_284 : vector<16xi32> to vector<16xi32>
    %swap3A_286 = vector.shape_cast %broadcast_in_dim3A_3 : vector<16xi32> to vector<16xi32>
    tpu.vector_store %arg15[%swap3A_283], %swap3A_286 {strides = array<i32>} : memref<368xi32, #tpu.memory_space<vmem>>, vector<16xi32>,
    %swap3A_287 = arith.constant 352 : index
    %swap3A_288 = tpu.vector_load %arg16[%swap3A_287] {strides = array<i32>} : memref<368xi32, #tpu.memory_space<vmem>>, vector<16xi32>,
    %swap3A_289 = vector.shape_cast %swap3A_288 : vector<16xi32> to vector<16xi32>
    %swap3A_290 = vector.shape_cast %broadcast_in_dim3A_3 : vector<16xi32> to vector<16xi32>
    tpu.vector_store %arg16[%swap3A_287], %swap3A_290 {strides = array<i32>} : memref<368xi32, #tpu.memory_space<vmem>>, vector<16xi32>,
    %scan3A = arith.constant 0 : i32
    %scan3A_291 = arith.constant 0 : i32
    %scan3A_292 = arith.constant 16 : i32
    %scan3A_293 = arith.addi %scan3A_291, %scan3A_292 : i32
    %scan3A_294 = arith.constant 1 : i32
    %scan3A_295 = scf.for %scan3A_297 = %scan3A_291 to %scan3A_293 step %scan3A_294 iter_args(%scan3A_298 = %scan3A) -> (i32)  : i32 {
      %eq3A = arith.cmpi eq, %arg1, %scan3A_297 : i32
      %convert_element_type3A = arith.extui %eq3A : i1 to i32
      %cond3A = arith.constant 0 : i32
      %cond3A_299 = arith.cmpi ne, %convert_element_type3A, %cond3A : i32
      scf.if %cond3A_299 {
        %iota3A = tpu.iota {dimensions = array<i32: 0>} : vector<16xi32>
        %scan3A_304 = arith.constant 0 : i32
        %scan3A_305 = arith.constant 0 : i32
        %scan3A_306 = arith.constant 20 : i32
        %scan3A_307 = arith.addi %scan3A_305, %scan3A_306 : i32
        %scan3A_308 = arith.constant 1 : i32
        %scan3A_309 = scf.for %scan3A_523 = %scan3A_305 to %scan3A_307 step %scan3A_308 iter_args(%scan3A_524 = %scan3A_304) -> (i32)  : i32 {
          %mul3A_525 = arith.constant 16 : i32
          %mul3A_526 = arith.muli %scan3A_523, %mul3A_525 : i32
          %add3A = arith.addi %mul3A_0, %mul3A_526 : i32
          %get3A_527 = arith.index_cast %add3A : i32 to index
          %get3A_528 = tpu.vector_load %arg8[%get3A_527] {strides = array<i32>} : memref<5136xf32, #tpu.memory_space<vmem>>, vector<16xf32>,
          %get3A_529 = vector.shape_cast %get3A_528 : vector<16xf32> to vector<16xf32>
          %get3A_530 = arith.index_cast %add3A : i32 to index
          %get3A_531 = tpu.vector_load %arg9[%get3A_530] {strides = array<i32>} : memref<5136xf32, #tpu.memory_space<vmem>>, vector<16xf32>,
          %get3A_532 = vector.shape_cast %get3A_531 : vector<16xf32> to vector<16xf32>
          %get3A_533 = arith.index_cast %add3A : i32 to index
          %get3A_534 = tpu.vector_load %arg10[%get3A_533] {strides = array<i32>} : memref<5136xf32, #tpu.memory_space<vmem>>, vector<16xf32>,
          %get3A_535 = vector.shape_cast %get3A_534 : vector<16xf32> to vector<16xf32>
          %get3A_536 = arith.index_cast %add3A : i32 to index
          %get3A_537 = tpu.vector_load %arg11[%get3A_536] {strides = array<i32>} : memref<5136xf32, #tpu.memory_space<vmem>>, vector<16xf32>,
          %get3A_538 = vector.shape_cast %get3A_537 : vector<16xf32> to vector<16xf32>
          %get3A_539 = arith.index_cast %add3A : i32 to index
          %get3A_540 = tpu.vector_load %arg12[%get3A_539] {strides = array<i32>} : memref<5136xf32, #tpu.memory_space<vmem>>, vector<16xf32>,
          %get3A_541 = vector.shape_cast %get3A_540 : vector<16xf32> to vector<16xf32>
          %get3A_542 = arith.index_cast %mul3A_526 : i32 to index
          %get3A_543 = tpu.vector_load %arg13[%get3A_542] {strides = array<i32>} : memref<336xf32, #tpu.memory_space<vmem>>, vector<16xf32>,
          %get3A_544 = vector.shape_cast %get3A_543 : vector<16xf32> to vector<16xf32>
          %slice3A = vector.extract_strided_slice %get3A_535 {offsets = [0], sizes = [1], strides = [1]} : vector<16xf32> to vector<1xf32>
          %squeeze3A = vector.extract %slice3A[0] : f32 from vector<1xf32>
          %min3A = vector.broadcast %squeeze3A : f32 to vector<16xf32>
          %min3A_545 = arith.minimumf %min3A, %get3A_535 : vector<16xf32>
          %slice3A_546 = vector.extract_strided_slice %get3A_529 {offsets = [0], sizes = [1], strides = [1]} : vector<16xf32> to vector<1xf32>
          %squeeze3A_547 = vector.extract %slice3A_546[0] : f32 from vector<1xf32>
          %max3A = vector.broadcast %squeeze3A_547 : f32 to vector<16xf32>
          %max3A_548 = arith.maximumf %max3A, %get3A_529 : vector<16xf32>
          %sub3A_549 = arith.subf %min3A_545, %max3A_548 : vector<16xf32>
          %jit3A = arith.constant 0.000000e+00 : f32
          %max3A_550 = vector.broadcast %jit3A : f32 to vector<16xf32>
          %max3A_551 = arith.maximumf %max3A_550, %sub3A_549 : vector<16xf32>
          %slice3A_552 = vector.extract_strided_slice %get3A_538 {offsets = [0], sizes = [1], strides = [1]} : vector<16xf32> to vector<1xf32>
          %squeeze3A_553 = vector.extract %slice3A_552[0] : f32 from vector<1xf32>
          %min3A_554 = vector.broadcast %squeeze3A_553 : f32 to vector<16xf32>
          %min3A_555 = arith.minimumf %min3A_554, %get3A_538 : vector<16xf32>
          %slice3A_556 = vector.extract_strided_slice %get3A_532 {offsets = [0], sizes = [1], strides = [1]} : vector<16xf32> to vector<1xf32>
          %squeeze3A_557 = vector.extract %slice3A_556[0] : f32 from vector<1xf32>
          %max3A_558 = vector.broadcast %squeeze3A_557 : f32 to vector<16xf32>
          %max3A_559 = arith.maximumf %max3A_558, %get3A_532 : vector<16xf32>
          %sub3A_560 = arith.subf %min3A_555, %max3A_559 : vector<16xf32>
          %jit3A_561 = arith.constant 0.000000e+00 : f32
          %max3A_562 = vector.broadcast %jit3A_561 : f32 to vector<16xf32>
          %max3A_563 = arith.maximumf %max3A_562, %sub3A_560 : vector<16xf32>
          %mul3A_564 = arith.mulf %max3A_551, %max3A_563 : vector<16xf32>
          %slice3A_565 = vector.extract_strided_slice %get3A_541 {offsets = [0], sizes = [1], strides = [1]} : vector<16xf32> to vector<1xf32>
          %squeeze3A_566 = vector.extract %slice3A_565[0] : f32 from vector<1xf32>
          %add3A_567 = vector.broadcast %squeeze3A_566 : f32 to vector<16xf32>
          %add3A_568 = arith.addf %add3A_567, %get3A_541 : vector<16xf32>
          %sub3A_569 = arith.subf %add3A_568, %mul3A_564 : vector<16xf32>
          %add3A_570 = arith.constant 9.99999971E-10 : f32
          %add3A_571 = vector.broadcast %add3A_570 : f32 to vector<16xf32>
          %add3A_572 = arith.addf %sub3A_569, %add3A_571 : vector<16xf32>
          %div3A = arith.divf %mul3A_564, %add3A_572 : vector<16xf32>
          %gt3A_573 = arith.constant 3.000000e-01 : f32
          %gt3A_574 = vector.broadcast %gt3A_573 : f32 to vector<16xf32>
          %gt3A_575 = arith.cmpf ogt, %div3A, %gt3A_574 : vector<16xf32>
          %gt3A_576 = arith.constant 0 : i32
          %gt3A_577 = vector.broadcast %gt3A_576 : i32 to vector<16xi32>
          %gt3A_578 = arith.cmpi sgt, %iota3A, %gt3A_577 : vector<16xi32>
          %and3A = arith.andi %gt3A_575, %gt3A_578 : vector<16xi1>
          %broadcast_in_dim3A_579 = arith.constant 0 : i32
          %broadcast_in_dim3A_580 = vector.broadcast %broadcast_in_dim3A_579 : i32 to vector<16x1xi32>
          %gather3A = vector.shape_cast %broadcast_in_dim3A_580 : vector<16x1xi32> to vector<16xi32>
          %gather3A_581 = tpu.dynamic_gather %get3A_544[%gather3A] in [0] : vector<16xf32>, vector<16xi32> -> vector<16xf32>
          %slice3A_582 = vector.extract_strided_slice %get3A_544 {offsets = [0], sizes = [1], strides = [1]} : vector<16xf32> to vector<1xf32>
          %squeeze3A_583 = vector.extract %slice3A_582[0] : f32 from vector<1xf32>
          %sub3A_584 = arith.constant 1.000000e+00 : f32
          %sub3A_585 = vector.broadcast %sub3A_584 : f32 to vector<16xf32>
          %sub3A_586 = arith.subf %sub3A_585, %gather3A_581 : vector<16xf32>
          %jit3A_587 = arith.constant 0.000000e+00 : f32
          %broadcast_in_dim3A_588 = vector.broadcast %jit3A_587 : f32 to vector<16xf32>
          %select_n3A = arith.select %and3A, %sub3A_586, %broadcast_in_dim3A_588 : vector<16xi1>, vector<16xf32>
          %max3A_589 = arith.maximumf %get3A_544, %select_n3A : vector<16xf32>
          %eq3A_590 = arith.constant 0.000000e+00 : f32
          %eq3A_591 = arith.cmpf oeq, %squeeze3A_583, %eq3A_590 : f32
          %add3A_592 = arith.constant 0 : i32
          %add3A_593 = arith.addi %add3A, %add3A_592 : i32
          %jit3A_594 = arith.constant 5120 : i32
          %select_n3A_595 = arith.select %eq3A_591, %add3A_593, %jit3A_594 : i32
          %eq3A_596 = arith.constant 0 : i32
          %eq3A_597 = vector.broadcast %eq3A_596 : i32 to vector<16xi32>
          %eq3A_598 = arith.cmpi eq, %iota3A, %eq3A_597 : vector<16xi32>
          %jit3A_599 = arith.constant 5120 : i32
          %broadcast_in_dim3A_600 = vector.broadcast %select_n3A_595 : i32 to vector<16xi32>
          %broadcast_in_dim3A_601 = vector.broadcast %jit3A_599 : i32 to vector<16xi32>
          %select_n3A_602 = arith.select %eq3A_598, %broadcast_in_dim3A_600, %broadcast_in_dim3A_601 : vector<16xi1>, vector<16xi32>
          %swap3A_603 = arith.index_cast %scan3A_524 : i32 to index
          %swap3A_604 = tpu.vector_load %arg15[%swap3A_603] {strides = array<i32>} : memref<368xi32, #tpu.memory_space<vmem>>, vector<16xi32>,
          %swap3A_605 = vector.shape_cast %swap3A_604 : vector<16xi32> to vector<16xi32>
          %swap3A_606 = vector.shape_cast %select_n3A_602 : vector<16xi32> to vector<16xi32>
          tpu.vector_store %arg15[%swap3A_603], %swap3A_606 {strides = array<i32>} : memref<368xi32, #tpu.memory_space<vmem>>, vector<16xi32>,
          %eq3A_607 = arith.constant 0.000000e+00 : f32
          %eq3A_608 = arith.cmpf oeq, %squeeze3A_583, %eq3A_607 : f32
          %jit3A_609 = arith.constant 1 : i32
          %jit3A_610 = arith.constant 0 : i32
          %select_n3A_611 = arith.select %eq3A_608, %jit3A_609, %jit3A_610 : i32
          %add3A_612 = arith.addi %scan3A_524, %select_n3A_611 : i32
          %slice3A_613 = vector.extract_strided_slice %get3A_535 {offsets = [1], sizes = [1], strides = [1]} : vector<16xf32> to vector<1xf32>
          %squeeze3A_614 = vector.extract %slice3A_613[0] : f32 from vector<1xf32>
          %min3A_615 = vector.broadcast %squeeze3A_614 : f32 to vector<16xf32>
          %min3A_616 = arith.minimumf %min3A_615, %get3A_535 : vector<16xf32>
          %slice3A_617 = vector.extract_strided_slice %get3A_529 {offsets = [1], sizes = [1], strides = [1]} : vector<16xf32> to vector<1xf32>
          %squeeze3A_618 = vector.extract %slice3A_617[0] : f32 from vector<1xf32>
          %max3A_619 = vector.broadcast %squeeze3A_618 : f32 to vector<16xf32>
          %max3A_620 = arith.maximumf %max3A_619, %get3A_529 : vector<16xf32>
          %sub3A_621 = arith.subf %min3A_616, %max3A_620 : vector<16xf32>
          %jit3A_622 = arith.constant 0.000000e+00 : f32
          %max3A_623 = vector.broadcast %jit3A_622 : f32 to vector<16xf32>
          %max3A_624 = arith.maximumf %max3A_623, %sub3A_621 : vector<16xf32>
          %slice3A_625 = vector.extract_strided_slice %get3A_538 {offsets = [1], sizes = [1], strides = [1]} : vector<16xf32> to vector<1xf32>
          %squeeze3A_626 = vector.extract %slice3A_625[0] : f32 from vector<1xf32>
          %min3A_627 = vector.broadcast %squeeze3A_626 : f32 to vector<16xf32>
          %min3A_628 = arith.minimumf %min3A_627, %get3A_538 : vector<16xf32>
          %slice3A_629 = vector.extract_strided_slice %get3A_532 {offsets = [1], sizes = [1], strides = [1]} : vector<16xf32> to vector<1xf32>
          %squeeze3A_630 = vector.extract %slice3A_629[0] : f32 from vector<1xf32>
          %max3A_631 = vector.broadcast %squeeze3A_630 : f32 to vector<16xf32>
          %max3A_632 = arith.maximumf %max3A_631, %get3A_532 : vector<16xf32>
          %sub3A_633 = arith.subf %min3A_628, %max3A_632 : vector<16xf32>
          %jit3A_634 = arith.constant 0.000000e+00 : f32
          %max3A_635 = vector.broadcast %jit3A_634 : f32 to vector<16xf32>
          %max3A_636 = arith.maximumf %max3A_635, %sub3A_633 : vector<16xf32>
          %mul3A_637 = arith.mulf %max3A_624, %max3A_636 : vector<16xf32>
          %slice3A_638 = vector.extract_strided_slice %get3A_541 {offsets = [1], sizes = [1], strides = [1]} : vector<16xf32> to vector<1xf32>
          %squeeze3A_639 = vector.extract %slice3A_638[0] : f32 from vector<1xf32>
          %add3A_640 = vector.broadcast %squeeze3A_639 : f32 to vector<16xf32>
          %add3A_641 = arith.addf %add3A_640, %get3A_541 : vector<16xf32>
          %sub3A_642 = arith.subf %add3A_641, %mul3A_637 : vector<16xf32>
          %add3A_643 = arith.constant 9.99999971E-10 : f32
          %add3A_644 = vector.broadcast %add3A_643 : f32 to vector<16xf32>
          %add3A_645 = arith.addf %sub3A_642, %add3A_644 : vector<16xf32>
          %div3A_646 = arith.divf %mul3A_637, %add3A_645 : vector<16xf32>
          %gt3A_647 = arith.constant 3.000000e-01 : f32
          %gt3A_648 = vector.broadcast %gt3A_647 : f32 to vector<16xf32>
          %gt3A_649 = arith.cmpf ogt, %div3A_646, %gt3A_648 : vector<16xf32>
          %gt3A_650 = arith.constant 1 : i32
          %gt3A_651 = vector.broadcast %gt3A_650 : i32 to vector<16xi32>
          %gt3A_652 = arith.cmpi sgt, %iota3A, %gt3A_651 : vector<16xi32>
          %and3A_653 = arith.andi %gt3A_649, %gt3A_652 : vector<16xi1>
          %broadcast_in_dim3A_654 = arith.constant 1 : i32
          %broadcast_in_dim3A_655 = vector.broadcast %broadcast_in_dim3A_654 : i32 to vector<16x1xi32>
          %gather3A_656 = vector.shape_cast %broadcast_in_dim3A_655 : vector<16x1xi32> to vector<16xi32>
          %gather3A_657 = tpu.dynamic_gather %max3A_589[%gather3A_656] in [0] : vector<16xf32>, vector<16xi32> -> vector<16xf32>
          %slice3A_658 = vector.extract_strided_slice %max3A_589 {offsets = [1], sizes = [1], strides = [1]} : vector<16xf32> to vector<1xf32>
          %squeeze3A_659 = vector.extract %slice3A_658[0] : f32 from vector<1xf32>
          %sub3A_660 = arith.constant 1.000000e+00 : f32
          %sub3A_661 = vector.broadcast %sub3A_660 : f32 to vector<16xf32>
          %sub3A_662 = arith.subf %sub3A_661, %gather3A_657 : vector<16xf32>
          %jit3A_663 = arith.constant 0.000000e+00 : f32
          %broadcast_in_dim3A_664 = vector.broadcast %jit3A_663 : f32 to vector<16xf32>
          %select_n3A_665 = arith.select %and3A_653, %sub3A_662, %broadcast_in_dim3A_664 : vector<16xi1>, vector<16xf32>
          %max3A_666 = arith.maximumf %max3A_589, %select_n3A_665 : vector<16xf32>
          %eq3A_667 = arith.constant 0.000000e+00 : f32
          %eq3A_668 = arith.cmpf oeq, %squeeze3A_659, %eq3A_667 : f32
          %add3A_669 = arith.constant 1 : i32
          %add3A_670 = arith.addi %add3A, %add3A_669 : i32
          %jit3A_671 = arith.constant 5120 : i32
          %select_n3A_672 = arith.select %eq3A_668, %add3A_670, %jit3A_671 : i32
          %eq3A_673 = arith.constant 0 : i32
          %eq3A_674 = vector.broadcast %eq3A_673 : i32 to vector<16xi32>
          %eq3A_675 = arith.cmpi eq, %iota3A, %eq3A_674 : vector<16xi32>
          %jit3A_676 = arith.constant 5120 : i32
          %broadcast_in_dim3A_677 = vector.broadcast %select_n3A_672 : i32 to vector<16xi32>
          %broadcast_in_dim3A_678 = vector.broadcast %jit3A_676 : i32 to vector<16xi32>
          %select_n3A_679 = arith.select %eq3A_675, %broadcast_in_dim3A_677, %broadcast_in_dim3A_678 : vector<16xi1>, vector<16xi32>
          %swap3A_680 = arith.index_cast %add3A_612 : i32 to index
          %swap3A_681 = tpu.vector_load %arg15[%swap3A_680] {strides = array<i32>} : memref<368xi32, #tpu.memory_space<vmem>>, vector<16xi32>,
          %swap3A_682 = vector.shape_cast %swap3A_681 : vector<16xi32> to vector<16xi32>
          %swap3A_683 = vector.shape_cast %select_n3A_679 : vector<16xi32> to vector<16xi32>
          tpu.vector_store %arg15[%swap3A_680], %swap3A_683 {strides = array<i32>} : memref<368xi32, #tpu.memory_space<vmem>>, vector<16xi32>,
          %eq3A_684 = arith.constant 0.000000e+00 : f32
          %eq3A_685 = arith.cmpf oeq, %squeeze3A_659, %eq3A_684 : f32
          %jit3A_686 = arith.constant 1 : i32
          %jit3A_687 = arith.constant 0 : i32
          %select_n3A_688 = arith.select %eq3A_685, %jit3A_686, %jit3A_687 : i32
          %add3A_689 = arith.addi %add3A_612, %select_n3A_688 : i32
          %slice3A_690 = vector.extract_strided_slice %get3A_535 {offsets = [2], sizes = [1], strides = [1]} : vector<16xf32> to vector<1xf32>
          %squeeze3A_691 = vector.extract %slice3A_690[0] : f32 from vector<1xf32>
          %min3A_692 = vector.broadcast %squeeze3A_691 : f32 to vector<16xf32>
          %min3A_693 = arith.minimumf %min3A_692, %get3A_535 : vector<16xf32>
          %slice3A_694 = vector.extract_strided_slice %get3A_529 {offsets = [2], sizes = [1], strides = [1]} : vector<16xf32> to vector<1xf32>
          %squeeze3A_695 = vector.extract %slice3A_694[0] : f32 from vector<1xf32>
          %max3A_696 = vector.broadcast %squeeze3A_695 : f32 to vector<16xf32>
          %max3A_697 = arith.maximumf %max3A_696, %get3A_529 : vector<16xf32>
          %sub3A_698 = arith.subf %min3A_693, %max3A_697 : vector<16xf32>
          %jit3A_699 = arith.constant 0.000000e+00 : f32
          %max3A_700 = vector.broadcast %jit3A_699 : f32 to vector<16xf32>
          %max3A_701 = arith.maximumf %max3A_700, %sub3A_698 : vector<16xf32>
          %slice3A_702 = vector.extract_strided_slice %get3A_538 {offsets = [2], sizes = [1], strides = [1]} : vector<16xf32> to vector<1xf32>
          %squeeze3A_703 = vector.extract %slice3A_702[0] : f32 from vector<1xf32>
          %min3A_704 = vector.broadcast %squeeze3A_703 : f32 to vector<16xf32>
          %min3A_705 = arith.minimumf %min3A_704, %get3A_538 : vector<16xf32>
          %slice3A_706 = vector.extract_strided_slice %get3A_532 {offsets = [2], sizes = [1], strides = [1]} : vector<16xf32> to vector<1xf32>
          %squeeze3A_707 = vector.extract %slice3A_706[0] : f32 from vector<1xf32>
          %max3A_708 = vector.broadcast %squeeze3A_707 : f32 to vector<16xf32>
          %max3A_709 = arith.maximumf %max3A_708, %get3A_532 : vector<16xf32>
          %sub3A_710 = arith.subf %min3A_705, %max3A_709 : vector<16xf32>
          %jit3A_711 = arith.constant 0.000000e+00 : f32
          %max3A_712 = vector.broadcast %jit3A_711 : f32 to vector<16xf32>
          %max3A_713 = arith.maximumf %max3A_712, %sub3A_710 : vector<16xf32>
          %mul3A_714 = arith.mulf %max3A_701, %max3A_713 : vector<16xf32>
          %slice3A_715 = vector.extract_strided_slice %get3A_541 {offsets = [2], sizes = [1], strides = [1]} : vector<16xf32> to vector<1xf32>
          %squeeze3A_716 = vector.extract %slice3A_715[0] : f32 from vector<1xf32>
          %add3A_717 = vector.broadcast %squeeze3A_716 : f32 to vector<16xf32>
          %add3A_718 = arith.addf %add3A_717, %get3A_541 : vector<16xf32>
          %sub3A_719 = arith.subf %add3A_718, %mul3A_714 : vector<16xf32>
          %add3A_720 = arith.constant 9.99999971E-10 : f32
          %add3A_721 = vector.broadcast %add3A_720 : f32 to vector<16xf32>
          %add3A_722 = arith.addf %sub3A_719, %add3A_721 : vector<16xf32>
          %div3A_723 = arith.divf %mul3A_714, %add3A_722 : vector<16xf32>
          %gt3A_724 = arith.constant 3.000000e-01 : f32
          %gt3A_725 = vector.broadcast %gt3A_724 : f32 to vector<16xf32>
          %gt3A_726 = arith.cmpf ogt, %div3A_723, %gt3A_725 : vector<16xf32>
          %gt3A_727 = arith.constant 2 : i32
          %gt3A_728 = vector.broadcast %gt3A_727 : i32 to vector<16xi32>
          %gt3A_729 = arith.cmpi sgt, %iota3A, %gt3A_728 : vector<16xi32>
          %and3A_730 = arith.andi %gt3A_726, %gt3A_729 : vector<16xi1>
          %broadcast_in_dim3A_731 = arith.constant 2 : i32
          %broadcast_in_dim3A_732 = vector.broadcast %broadcast_in_dim3A_731 : i32 to vector<16x1xi32>
          %gather3A_733 = vector.shape_cast %broadcast_in_dim3A_732 : vector<16x1xi32> to vector<16xi32>
          %gather3A_734 = tpu.dynamic_gather %max3A_666[%gather3A_733] in [0] : vector<16xf32>, vector<16xi32> -> vector<16xf32>
          %slice3A_735 = vector.extract_strided_slice %max3A_666 {offsets = [2], sizes = [1], strides = [1]} : vector<16xf32> to vector<1xf32>
          %squeeze3A_736 = vector.extract %slice3A_735[0] : f32 from vector<1xf32>
          %sub3A_737 = arith.constant 1.000000e+00 : f32
          %sub3A_738 = vector.broadcast %sub3A_737 : f32 to vector<16xf32>
          %sub3A_739 = arith.subf %sub3A_738, %gather3A_734 : vector<16xf32>
          %jit3A_740 = arith.constant 0.000000e+00 : f32
          %broadcast_in_dim3A_741 = vector.broadcast %jit3A_740 : f32 to vector<16xf32>
          %select_n3A_742 = arith.select %and3A_730, %sub3A_739, %broadcast_in_dim3A_741 : vector<16xi1>, vector<16xf32>
          %max3A_743 = arith.maximumf %max3A_666, %select_n3A_742 : vector<16xf32>
          %eq3A_744 = arith.constant 0.000000e+00 : f32
          %eq3A_745 = arith.cmpf oeq, %squeeze3A_736, %eq3A_744 : f32
          %add3A_746 = arith.constant 2 : i32
          %add3A_747 = arith.addi %add3A, %add3A_746 : i32
          %jit3A_748 = arith.constant 5120 : i32
          %select_n3A_749 = arith.select %eq3A_745, %add3A_747, %jit3A_748 : i32
          %eq3A_750 = arith.constant 0 : i32
          %eq3A_751 = vector.broadcast %eq3A_750 : i32 to vector<16xi32>
          %eq3A_752 = arith.cmpi eq, %iota3A, %eq3A_751 : vector<16xi32>
          %jit3A_753 = arith.constant 5120 : i32
          %broadcast_in_dim3A_754 = vector.broadcast %select_n3A_749 : i32 to vector<16xi32>
          %broadcast_in_dim3A_755 = vector.broadcast %jit3A_753 : i32 to vector<16xi32>
          %select_n3A_756 = arith.select %eq3A_752, %broadcast_in_dim3A_754, %broadcast_in_dim3A_755 : vector<16xi1>, vector<16xi32>
          %swap3A_757 = arith.index_cast %add3A_689 : i32 to index
          %swap3A_758 = tpu.vector_load %arg15[%swap3A_757] {strides = array<i32>} : memref<368xi32, #tpu.memory_space<vmem>>, vector<16xi32>,
          %swap3A_759 = vector.shape_cast %swap3A_758 : vector<16xi32> to vector<16xi32>
          %swap3A_760 = vector.shape_cast %select_n3A_756 : vector<16xi32> to vector<16xi32>
          tpu.vector_store %arg15[%swap3A_757], %swap3A_760 {strides = array<i32>} : memref<368xi32, #tpu.memory_space<vmem>>, vector<16xi32>,
          %eq3A_761 = arith.constant 0.000000e+00 : f32
          %eq3A_762 = arith.cmpf oeq, %squeeze3A_736, %eq3A_761 : f32
          %jit3A_763 = arith.constant 1 : i32
          %jit3A_764 = arith.constant 0 : i32
          %select_n3A_765 = arith.select %eq3A_762, %jit3A_763, %jit3A_764 : i32
          %add3A_766 = arith.addi %add3A_689, %select_n3A_765 : i32
          %slice3A_767 = vector.extract_strided_slice %get3A_535 {offsets = [3], sizes = [1], strides = [1]} : vector<16xf32> to vector<1xf32>
          %squeeze3A_768 = vector.extract %slice3A_767[0] : f32 from vector<1xf32>
          %min3A_769 = vector.broadcast %squeeze3A_768 : f32 to vector<16xf32>
          %min3A_770 = arith.minimumf %min3A_769, %get3A_535 : vector<16xf32>
          %slice3A_771 = vector.extract_strided_slice %get3A_529 {offsets = [3], sizes = [1], strides = [1]} : vector<16xf32> to vector<1xf32>
          %squeeze3A_772 = vector.extract %slice3A_771[0] : f32 from vector<1xf32>
          %max3A_773 = vector.broadcast %squeeze3A_772 : f32 to vector<16xf32>
          %max3A_774 = arith.maximumf %max3A_773, %get3A_529 : vector<16xf32>
          %sub3A_775 = arith.subf %min3A_770, %max3A_774 : vector<16xf32>
          %jit3A_776 = arith.constant 0.000000e+00 : f32
          %max3A_777 = vector.broadcast %jit3A_776 : f32 to vector<16xf32>
          %max3A_778 = arith.maximumf %max3A_777, %sub3A_775 : vector<16xf32>
          %slice3A_779 = vector.extract_strided_slice %get3A_538 {offsets = [3], sizes = [1], strides = [1]} : vector<16xf32> to vector<1xf32>
          %squeeze3A_780 = vector.extract %slice3A_779[0] : f32 from vector<1xf32>
          %min3A_781 = vector.broadcast %squeeze3A_780 : f32 to vector<16xf32>
          %min3A_782 = arith.minimumf %min3A_781, %get3A_538 : vector<16xf32>
          %slice3A_783 = vector.extract_strided_slice %get3A_532 {offsets = [3], sizes = [1], strides = [1]} : vector<16xf32> to vector<1xf32>
          %squeeze3A_784 = vector.extract %slice3A_783[0] : f32 from vector<1xf32>
          %max3A_785 = vector.broadcast %squeeze3A_784 : f32 to vector<16xf32>
          %max3A_786 = arith.maximumf %max3A_785, %get3A_532 : vector<16xf32>
          %sub3A_787 = arith.subf %min3A_782, %max3A_786 : vector<16xf32>
          %jit3A_788 = arith.constant 0.000000e+00 : f32
          %max3A_789 = vector.broadcast %jit3A_788 : f32 to vector<16xf32>
          %max3A_790 = arith.maximumf %max3A_789, %sub3A_787 : vector<16xf32>
          %mul3A_791 = arith.mulf %max3A_778, %max3A_790 : vector<16xf32>
          %slice3A_792 = vector.extract_strided_slice %get3A_541 {offsets = [3], sizes = [1], strides = [1]} : vector<16xf32> to vector<1xf32>
          %squeeze3A_793 = vector.extract %slice3A_792[0] : f32 from vector<1xf32>
          %add3A_794 = vector.broadcast %squeeze3A_793 : f32 to vector<16xf32>
          %add3A_795 = arith.addf %add3A_794, %get3A_541 : vector<16xf32>
          %sub3A_796 = arith.subf %add3A_795, %mul3A_791 : vector<16xf32>
          %add3A_797 = arith.constant 9.99999971E-10 : f32
          %add3A_798 = vector.broadcast %add3A_797 : f32 to vector<16xf32>
          %add3A_799 = arith.addf %sub3A_796, %add3A_798 : vector<16xf32>
          %div3A_800 = arith.divf %mul3A_791, %add3A_799 : vector<16xf32>
          %gt3A_801 = arith.constant 3.000000e-01 : f32
          %gt3A_802 = vector.broadcast %gt3A_801 : f32 to vector<16xf32>
          %gt3A_803 = arith.cmpf ogt, %div3A_800, %gt3A_802 : vector<16xf32>
          %gt3A_804 = arith.constant 3 : i32
          %gt3A_805 = vector.broadcast %gt3A_804 : i32 to vector<16xi32>
          %gt3A_806 = arith.cmpi sgt, %iota3A, %gt3A_805 : vector<16xi32>
          %and3A_807 = arith.andi %gt3A_803, %gt3A_806 : vector<16xi1>
          %broadcast_in_dim3A_808 = arith.constant 3 : i32
          %broadcast_in_dim3A_809 = vector.broadcast %broadcast_in_dim3A_808 : i32 to vector<16x1xi32>
          %gather3A_810 = vector.shape_cast %broadcast_in_dim3A_809 : vector<16x1xi32> to vector<16xi32>
          %gather3A_811 = tpu.dynamic_gather %max3A_743[%gather3A_810] in [0] : vector<16xf32>, vector<16xi32> -> vector<16xf32>
          %slice3A_812 = vector.extract_strided_slice %max3A_743 {offsets = [3], sizes = [1], strides = [1]} : vector<16xf32> to vector<1xf32>
          %squeeze3A_813 = vector.extract %slice3A_812[0] : f32 from vector<1xf32>
          %sub3A_814 = arith.constant 1.000000e+00 : f32
          %sub3A_815 = vector.broadcast %sub3A_814 : f32 to vector<16xf32>
          %sub3A_816 = arith.subf %sub3A_815, %gather3A_811 : vector<16xf32>
          %jit3A_817 = arith.constant 0.000000e+00 : f32
          %broadcast_in_dim3A_818 = vector.broadcast %jit3A_817 : f32 to vector<16xf32>
          %select_n3A_819 = arith.select %and3A_807, %sub3A_816, %broadcast_in_dim3A_818 : vector<16xi1>, vector<16xf32>
          %max3A_820 = arith.maximumf %max3A_743, %select_n3A_819 : vector<16xf32>
          %eq3A_821 = arith.constant 0.000000e+00 : f32
          %eq3A_822 = arith.cmpf oeq, %squeeze3A_813, %eq3A_821 : f32
          %add3A_823 = arith.constant 3 : i32
          %add3A_824 = arith.addi %add3A, %add3A_823 : i32
          %jit3A_825 = arith.constant 5120 : i32
          %select_n3A_826 = arith.select %eq3A_822, %add3A_824, %jit3A_825 : i32
          %eq3A_827 = arith.constant 0 : i32
          %eq3A_828 = vector.broadcast %eq3A_827 : i32 to vector<16xi32>
          %eq3A_829 = arith.cmpi eq, %iota3A, %eq3A_828 : vector<16xi32>
          %jit3A_830 = arith.constant 5120 : i32
          %broadcast_in_dim3A_831 = vector.broadcast %select_n3A_826 : i32 to vector<16xi32>
          %broadcast_in_dim3A_832 = vector.broadcast %jit3A_830 : i32 to vector<16xi32>
          %select_n3A_833 = arith.select %eq3A_829, %broadcast_in_dim3A_831, %broadcast_in_dim3A_832 : vector<16xi1>, vector<16xi32>
          %swap3A_834 = arith.index_cast %add3A_766 : i32 to index
          %swap3A_835 = tpu.vector_load %arg15[%swap3A_834] {strides = array<i32>} : memref<368xi32, #tpu.memory_space<vmem>>, vector<16xi32>,
          %swap3A_836 = vector.shape_cast %swap3A_835 : vector<16xi32> to vector<16xi32>
          %swap3A_837 = vector.shape_cast %select_n3A_833 : vector<16xi32> to vector<16xi32>
          tpu.vector_store %arg15[%swap3A_834], %swap3A_837 {strides = array<i32>} : memref<368xi32, #tpu.memory_space<vmem>>, vector<16xi32>,
          %eq3A_838 = arith.constant 0.000000e+00 : f32
          %eq3A_839 = arith.cmpf oeq, %squeeze3A_813, %eq3A_838 : f32
          %jit3A_840 = arith.constant 1 : i32
          %jit3A_841 = arith.constant 0 : i32
          %select_n3A_842 = arith.select %eq3A_839, %jit3A_840, %jit3A_841 : i32
          %add3A_843 = arith.addi %add3A_766, %select_n3A_842 : i32
          %slice3A_844 = vector.extract_strided_slice %get3A_535 {offsets = [4], sizes = [1], strides = [1]} : vector<16xf32> to vector<1xf32>
          %squeeze3A_845 = vector.extract %slice3A_844[0] : f32 from vector<1xf32>
          %min3A_846 = vector.broadcast %squeeze3A_845 : f32 to vector<16xf32>
          %min3A_847 = arith.minimumf %min3A_846, %get3A_535 : vector<16xf32>
          %slice3A_848 = vector.extract_strided_slice %get3A_529 {offsets = [4], sizes = [1], strides = [1]} : vector<16xf32> to vector<1xf32>
          %squeeze3A_849 = vector.extract %slice3A_848[0] : f32 from vector<1xf32>
          %max3A_850 = vector.broadcast %squeeze3A_849 : f32 to vector<16xf32>
          %max3A_851 = arith.maximumf %max3A_850, %get3A_529 : vector<16xf32>
          %sub3A_852 = arith.subf %min3A_847, %max3A_851 : vector<16xf32>
          %jit3A_853 = arith.constant 0.000000e+00 : f32
          %max3A_854 = vector.broadcast %jit3A_853 : f32 to vector<16xf32>
          %max3A_855 = arith.maximumf %max3A_854, %sub3A_852 : vector<16xf32>
          %slice3A_856 = vector.extract_strided_slice %get3A_538 {offsets = [4], sizes = [1], strides = [1]} : vector<16xf32> to vector<1xf32>
          %squeeze3A_857 = vector.extract %slice3A_856[0] : f32 from vector<1xf32>
          %min3A_858 = vector.broadcast %squeeze3A_857 : f32 to vector<16xf32>
          %min3A_859 = arith.minimumf %min3A_858, %get3A_538 : vector<16xf32>
          %slice3A_860 = vector.extract_strided_slice %get3A_532 {offsets = [4], sizes = [1], strides = [1]} : vector<16xf32> to vector<1xf32>
          %squeeze3A_861 = vector.extract %slice3A_860[0] : f32 from vector<1xf32>
          %max3A_862 = vector.broadcast %squeeze3A_861 : f32 to vector<16xf32>
          %max3A_863 = arith.maximumf %max3A_862, %get3A_532 : vector<16xf32>
          %sub3A_864 = arith.subf %min3A_859, %max3A_863 : vector<16xf32>
          %jit3A_865 = arith.constant 0.000000e+00 : f32
          %max3A_866 = vector.broadcast %jit3A_865 : f32 to vector<16xf32>
          %max3A_867 = arith.maximumf %max3A_866, %sub3A_864 : vector<16xf32>
          %mul3A_868 = arith.mulf %max3A_855, %max3A_867 : vector<16xf32>
          %slice3A_869 = vector.extract_strided_slice %get3A_541 {offsets = [4], sizes = [1], strides = [1]} : vector<16xf32> to vector<1xf32>
          %squeeze3A_870 = vector.extract %slice3A_869[0] : f32 from vector<1xf32>
          %add3A_871 = vector.broadcast %squeeze3A_870 : f32 to vector<16xf32>
          %add3A_872 = arith.addf %add3A_871, %get3A_541 : vector<16xf32>
          %sub3A_873 = arith.subf %add3A_872, %mul3A_868 : vector<16xf32>
          %add3A_874 = arith.constant 9.99999971E-10 : f32
          %add3A_875 = vector.broadcast %add3A_874 : f32 to vector<16xf32>
          %add3A_876 = arith.addf %sub3A_873, %add3A_875 : vector<16xf32>
          %div3A_877 = arith.divf %mul3A_868, %add3A_876 : vector<16xf32>
          %gt3A_878 = arith.constant 3.000000e-01 : f32
          %gt3A_879 = vector.broadcast %gt3A_878 : f32 to vector<16xf32>
          %gt3A_880 = arith.cmpf ogt, %div3A_877, %gt3A_879 : vector<16xf32>
          %gt3A_881 = arith.constant 4 : i32
          %gt3A_882 = vector.broadcast %gt3A_881 : i32 to vector<16xi32>
          %gt3A_883 = arith.cmpi sgt, %iota3A, %gt3A_882 : vector<16xi32>
          %and3A_884 = arith.andi %gt3A_880, %gt3A_883 : vector<16xi1>
          %broadcast_in_dim3A_885 = arith.constant 4 : i32
          %broadcast_in_dim3A_886 = vector.broadcast %broadcast_in_dim3A_885 : i32 to vector<16x1xi32>
          %gather3A_887 = vector.shape_cast %broadcast_in_dim3A_886 : vector<16x1xi32> to vector<16xi32>
          %gather3A_888 = tpu.dynamic_gather %max3A_820[%gather3A_887] in [0] : vector<16xf32>, vector<16xi32> -> vector<16xf32>
          %slice3A_889 = vector.extract_strided_slice %max3A_820 {offsets = [4], sizes = [1], strides = [1]} : vector<16xf32> to vector<1xf32>
          %squeeze3A_890 = vector.extract %slice3A_889[0] : f32 from vector<1xf32>
          %sub3A_891 = arith.constant 1.000000e+00 : f32
          %sub3A_892 = vector.broadcast %sub3A_891 : f32 to vector<16xf32>
          %sub3A_893 = arith.subf %sub3A_892, %gather3A_888 : vector<16xf32>
          %jit3A_894 = arith.constant 0.000000e+00 : f32
          %broadcast_in_dim3A_895 = vector.broadcast %jit3A_894 : f32 to vector<16xf32>
          %select_n3A_896 = arith.select %and3A_884, %sub3A_893, %broadcast_in_dim3A_895 : vector<16xi1>, vector<16xf32>
          %max3A_897 = arith.maximumf %max3A_820, %select_n3A_896 : vector<16xf32>
          %eq3A_898 = arith.constant 0.000000e+00 : f32
          %eq3A_899 = arith.cmpf oeq, %squeeze3A_890, %eq3A_898 : f32
          %add3A_900 = arith.constant 4 : i32
          %add3A_901 = arith.addi %add3A, %add3A_900 : i32
          %jit3A_902 = arith.constant 5120 : i32
          %select_n3A_903 = arith.select %eq3A_899, %add3A_901, %jit3A_902 : i32
          %eq3A_904 = arith.constant 0 : i32
          %eq3A_905 = vector.broadcast %eq3A_904 : i32 to vector<16xi32>
          %eq3A_906 = arith.cmpi eq, %iota3A, %eq3A_905 : vector<16xi32>
          %jit3A_907 = arith.constant 5120 : i32
          %broadcast_in_dim3A_908 = vector.broadcast %select_n3A_903 : i32 to vector<16xi32>
          %broadcast_in_dim3A_909 = vector.broadcast %jit3A_907 : i32 to vector<16xi32>
          %select_n3A_910 = arith.select %eq3A_906, %broadcast_in_dim3A_908, %broadcast_in_dim3A_909 : vector<16xi1>, vector<16xi32>
          %swap3A_911 = arith.index_cast %add3A_843 : i32 to index
          %swap3A_912 = tpu.vector_load %arg15[%swap3A_911] {strides = array<i32>} : memref<368xi32, #tpu.memory_space<vmem>>, vector<16xi32>,
          %swap3A_913 = vector.shape_cast %swap3A_912 : vector<16xi32> to vector<16xi32>
          %swap3A_914 = vector.shape_cast %select_n3A_910 : vector<16xi32> to vector<16xi32>
          tpu.vector_store %arg15[%swap3A_911], %swap3A_914 {strides = array<i32>} : memref<368xi32, #tpu.memory_space<vmem>>, vector<16xi32>,
          %eq3A_915 = arith.constant 0.000000e+00 : f32
          %eq3A_916 = arith.cmpf oeq, %squeeze3A_890, %eq3A_915 : f32
          %jit3A_917 = arith.constant 1 : i32
          %jit3A_918 = arith.constant 0 : i32
          %select_n3A_919 = arith.select %eq3A_916, %jit3A_917, %jit3A_918 : i32
          %add3A_920 = arith.addi %add3A_843, %select_n3A_919 : i32
          %slice3A_921 = vector.extract_strided_slice %get3A_535 {offsets = [5], sizes = [1], strides = [1]} : vector<16xf32> to vector<1xf32>
          %squeeze3A_922 = vector.extract %slice3A_921[0] : f32 from vector<1xf32>
          %min3A_923 = vector.broadcast %squeeze3A_922 : f32 to vector<16xf32>
          %min3A_924 = arith.minimumf %min3A_923, %get3A_535 : vector<16xf32>
          %slice3A_925 = vector.extract_strided_slice %get3A_529 {offsets = [5], sizes = [1], strides = [1]} : vector<16xf32> to vector<1xf32>
          %squeeze3A_926 = vector.extract %slice3A_925[0] : f32 from vector<1xf32>
          %max3A_927 = vector.broadcast %squeeze3A_926 : f32 to vector<16xf32>
          %max3A_928 = arith.maximumf %max3A_927, %get3A_529 : vector<16xf32>
          %sub3A_929 = arith.subf %min3A_924, %max3A_928 : vector<16xf32>
          %jit3A_930 = arith.constant 0.000000e+00 : f32
          %max3A_931 = vector.broadcast %jit3A_930 : f32 to vector<16xf32>
          %max3A_932 = arith.maximumf %max3A_931, %sub3A_929 : vector<16xf32>
          %slice3A_933 = vector.extract_strided_slice %get3A_538 {offsets = [5], sizes = [1], strides = [1]} : vector<16xf32> to vector<1xf32>
          %squeeze3A_934 = vector.extract %slice3A_933[0] : f32 from vector<1xf32>
          %min3A_935 = vector.broadcast %squeeze3A_934 : f32 to vector<16xf32>
          %min3A_936 = arith.minimumf %min3A_935, %get3A_538 : vector<16xf32>
          %slice3A_937 = vector.extract_strided_slice %get3A_532 {offsets = [5], sizes = [1], strides = [1]} : vector<16xf32> to vector<1xf32>
          %squeeze3A_938 = vector.extract %slice3A_937[0] : f32 from vector<1xf32>
          %max3A_939 = vector.broadcast %squeeze3A_938 : f32 to vector<16xf32>
          %max3A_940 = arith.maximumf %max3A_939, %get3A_532 : vector<16xf32>
          %sub3A_941 = arith.subf %min3A_936, %max3A_940 : vector<16xf32>
          %jit3A_942 = arith.constant 0.000000e+00 : f32
          %max3A_943 = vector.broadcast %jit3A_942 : f32 to vector<16xf32>
          %max3A_944 = arith.maximumf %max3A_943, %sub3A_941 : vector<16xf32>
          %mul3A_945 = arith.mulf %max3A_932, %max3A_944 : vector<16xf32>
          %slice3A_946 = vector.extract_strided_slice %get3A_541 {offsets = [5], sizes = [1], strides = [1]} : vector<16xf32> to vector<1xf32>
          %squeeze3A_947 = vector.extract %slice3A_946[0] : f32 from vector<1xf32>
          %add3A_948 = vector.broadcast %squeeze3A_947 : f32 to vector<16xf32>
          %add3A_949 = arith.addf %add3A_948, %get3A_541 : vector<16xf32>
          %sub3A_950 = arith.subf %add3A_949, %mul3A_945 : vector<16xf32>
          %add3A_951 = arith.constant 9.99999971E-10 : f32
          %add3A_952 = vector.broadcast %add3A_951 : f32 to vector<16xf32>
          %add3A_953 = arith.addf %sub3A_950, %add3A_952 : vector<16xf32>
          %div3A_954 = arith.divf %mul3A_945, %add3A_953 : vector<16xf32>
          %gt3A_955 = arith.constant 3.000000e-01 : f32
          %gt3A_956 = vector.broadcast %gt3A_955 : f32 to vector<16xf32>
          %gt3A_957 = arith.cmpf ogt, %div3A_954, %gt3A_956 : vector<16xf32>
          %gt3A_958 = arith.constant 5 : i32
          %gt3A_959 = vector.broadcast %gt3A_958 : i32 to vector<16xi32>
          %gt3A_960 = arith.cmpi sgt, %iota3A, %gt3A_959 : vector<16xi32>
          %and3A_961 = arith.andi %gt3A_957, %gt3A_960 : vector<16xi1>
          %broadcast_in_dim3A_962 = arith.constant 5 : i32
          %broadcast_in_dim3A_963 = vector.broadcast %broadcast_in_dim3A_962 : i32 to vector<16x1xi32>
          %gather3A_964 = vector.shape_cast %broadcast_in_dim3A_963 : vector<16x1xi32> to vector<16xi32>
          %gather3A_965 = tpu.dynamic_gather %max3A_897[%gather3A_964] in [0] : vector<16xf32>, vector<16xi32> -> vector<16xf32>
          %slice3A_966 = vector.extract_strided_slice %max3A_897 {offsets = [5], sizes = [1], strides = [1]} : vector<16xf32> to vector<1xf32>
          %squeeze3A_967 = vector.extract %slice3A_966[0] : f32 from vector<1xf32>
          %sub3A_968 = arith.constant 1.000000e+00 : f32
          %sub3A_969 = vector.broadcast %sub3A_968 : f32 to vector<16xf32>
          %sub3A_970 = arith.subf %sub3A_969, %gather3A_965 : vector<16xf32>
          %jit3A_971 = arith.constant 0.000000e+00 : f32
          %broadcast_in_dim3A_972 = vector.broadcast %jit3A_971 : f32 to vector<16xf32>
          %select_n3A_973 = arith.select %and3A_961, %sub3A_970, %broadcast_in_dim3A_972 : vector<16xi1>, vector<16xf32>
          %max3A_974 = arith.maximumf %max3A_897, %select_n3A_973 : vector<16xf32>
          %eq3A_975 = arith.constant 0.000000e+00 : f32
          %eq3A_976 = arith.cmpf oeq, %squeeze3A_967, %eq3A_975 : f32
          %add3A_977 = arith.constant 5 : i32
          %add3A_978 = arith.addi %add3A, %add3A_977 : i32
          %jit3A_979 = arith.constant 5120 : i32
          %select_n3A_980 = arith.select %eq3A_976, %add3A_978, %jit3A_979 : i32
          %eq3A_981 = arith.constant 0 : i32
          %eq3A_982 = vector.broadcast %eq3A_981 : i32 to vector<16xi32>
          %eq3A_983 = arith.cmpi eq, %iota3A, %eq3A_982 : vector<16xi32>
          %jit3A_984 = arith.constant 5120 : i32
          %broadcast_in_dim3A_985 = vector.broadcast %select_n3A_980 : i32 to vector<16xi32>
          %broadcast_in_dim3A_986 = vector.broadcast %jit3A_984 : i32 to vector<16xi32>
          %select_n3A_987 = arith.select %eq3A_983, %broadcast_in_dim3A_985, %broadcast_in_dim3A_986 : vector<16xi1>, vector<16xi32>
          %swap3A_988 = arith.index_cast %add3A_920 : i32 to index
          %swap3A_989 = tpu.vector_load %arg15[%swap3A_988] {strides = array<i32>} : memref<368xi32, #tpu.memory_space<vmem>>, vector<16xi32>,
          %swap3A_990 = vector.shape_cast %swap3A_989 : vector<16xi32> to vector<16xi32>
          %swap3A_991 = vector.shape_cast %select_n3A_987 : vector<16xi32> to vector<16xi32>
          tpu.vector_store %arg15[%swap3A_988], %swap3A_991 {strides = array<i32>} : memref<368xi32, #tpu.memory_space<vmem>>, vector<16xi32>,
          %eq3A_992 = arith.constant 0.000000e+00 : f32
          %eq3A_993 = arith.cmpf oeq, %squeeze3A_967, %eq3A_992 : f32
          %jit3A_994 = arith.constant 1 : i32
          %jit3A_995 = arith.constant 0 : i32
          %select_n3A_996 = arith.select %eq3A_993, %jit3A_994, %jit3A_995 : i32
          %add3A_997 = arith.addi %add3A_920, %select_n3A_996 : i32
          %slice3A_998 = vector.extract_strided_slice %get3A_535 {offsets = [6], sizes = [1], strides = [1]} : vector<16xf32> to vector<1xf32>
          %squeeze3A_999 = vector.extract %slice3A_998[0] : f32 from vector<1xf32>
          %min3A_1000 = vector.broadcast %squeeze3A_999 : f32 to vector<16xf32>
          %min3A_1001 = arith.minimumf %min3A_1000, %get3A_535 : vector<16xf32>
          %slice3A_1002 = vector.extract_strided_slice %get3A_529 {offsets = [6], sizes = [1], strides = [1]} : vector<16xf32> to vector<1xf32>
          %squeeze3A_1003 = vector.extract %slice3A_1002[0] : f32 from vector<1xf32>
          %max3A_1004 = vector.broadcast %squeeze3A_1003 : f32 to vector<16xf32>
          %max3A_1005 = arith.maximumf %max3A_1004, %get3A_529 : vector<16xf32>
          %sub3A_1006 = arith.subf %min3A_1001, %max3A_1005 : vector<16xf32>
          %jit3A_1007 = arith.constant 0.000000e+00 : f32
          %max3A_1008 = vector.broadcast %jit3A_1007 : f32 to vector<16xf32>
          %max3A_1009 = arith.maximumf %max3A_1008, %sub3A_1006 : vector<16xf32>
          %slice3A_1010 = vector.extract_strided_slice %get3A_538 {offsets = [6], sizes = [1], strides = [1]} : vector<16xf32> to vector<1xf32>
          %squeeze3A_1011 = vector.extract %slice3A_1010[0] : f32 from vector<1xf32>
          %min3A_1012 = vector.broadcast %squeeze3A_1011 : f32 to vector<16xf32>
          %min3A_1013 = arith.minimumf %min3A_1012, %get3A_538 : vector<16xf32>
          %slice3A_1014 = vector.extract_strided_slice %get3A_532 {offsets = [6], sizes = [1], strides = [1]} : vector<16xf32> to vector<1xf32>
          %squeeze3A_1015 = vector.extract %slice3A_1014[0] : f32 from vector<1xf32>
          %max3A_1016 = vector.broadcast %squeeze3A_1015 : f32 to vector<16xf32>
          %max3A_1017 = arith.maximumf %max3A_1016, %get3A_532 : vector<16xf32>
          %sub3A_1018 = arith.subf %min3A_1013, %max3A_1017 : vector<16xf32>
          %jit3A_1019 = arith.constant 0.000000e+00 : f32
          %max3A_1020 = vector.broadcast %jit3A_1019 : f32 to vector<16xf32>
          %max3A_1021 = arith.maximumf %max3A_1020, %sub3A_1018 : vector<16xf32>
          %mul3A_1022 = arith.mulf %max3A_1009, %max3A_1021 : vector<16xf32>
          %slice3A_1023 = vector.extract_strided_slice %get3A_541 {offsets = [6], sizes = [1], strides = [1]} : vector<16xf32> to vector<1xf32>
          %squeeze3A_1024 = vector.extract %slice3A_1023[0] : f32 from vector<1xf32>
          %add3A_1025 = vector.broadcast %squeeze3A_1024 : f32 to vector<16xf32>
          %add3A_1026 = arith.addf %add3A_1025, %get3A_541 : vector<16xf32>
          %sub3A_1027 = arith.subf %add3A_1026, %mul3A_1022 : vector<16xf32>
          %add3A_1028 = arith.constant 9.99999971E-10 : f32
          %add3A_1029 = vector.broadcast %add3A_1028 : f32 to vector<16xf32>
          %add3A_1030 = arith.addf %sub3A_1027, %add3A_1029 : vector<16xf32>
          %div3A_1031 = arith.divf %mul3A_1022, %add3A_1030 : vector<16xf32>
          %gt3A_1032 = arith.constant 3.000000e-01 : f32
          %gt3A_1033 = vector.broadcast %gt3A_1032 : f32 to vector<16xf32>
          %gt3A_1034 = arith.cmpf ogt, %div3A_1031, %gt3A_1033 : vector<16xf32>
          %gt3A_1035 = arith.constant 6 : i32
          %gt3A_1036 = vector.broadcast %gt3A_1035 : i32 to vector<16xi32>
          %gt3A_1037 = arith.cmpi sgt, %iota3A, %gt3A_1036 : vector<16xi32>
          %and3A_1038 = arith.andi %gt3A_1034, %gt3A_1037 : vector<16xi1>
          %broadcast_in_dim3A_1039 = arith.constant 6 : i32
          %broadcast_in_dim3A_1040 = vector.broadcast %broadcast_in_dim3A_1039 : i32 to vector<16x1xi32>
          %gather3A_1041 = vector.shape_cast %broadcast_in_dim3A_1040 : vector<16x1xi32> to vector<16xi32>
          %gather3A_1042 = tpu.dynamic_gather %max3A_974[%gather3A_1041] in [0] : vector<16xf32>, vector<16xi32> -> vector<16xf32>
          %slice3A_1043 = vector.extract_strided_slice %max3A_974 {offsets = [6], sizes = [1], strides = [1]} : vector<16xf32> to vector<1xf32>
          %squeeze3A_1044 = vector.extract %slice3A_1043[0] : f32 from vector<1xf32>
          %sub3A_1045 = arith.constant 1.000000e+00 : f32
          %sub3A_1046 = vector.broadcast %sub3A_1045 : f32 to vector<16xf32>
          %sub3A_1047 = arith.subf %sub3A_1046, %gather3A_1042 : vector<16xf32>
          %jit3A_1048 = arith.constant 0.000000e+00 : f32
          %broadcast_in_dim3A_1049 = vector.broadcast %jit3A_1048 : f32 to vector<16xf32>
          %select_n3A_1050 = arith.select %and3A_1038, %sub3A_1047, %broadcast_in_dim3A_1049 : vector<16xi1>, vector<16xf32>
          %max3A_1051 = arith.maximumf %max3A_974, %select_n3A_1050 : vector<16xf32>
          %eq3A_1052 = arith.constant 0.000000e+00 : f32
          %eq3A_1053 = arith.cmpf oeq, %squeeze3A_1044, %eq3A_1052 : f32
          %add3A_1054 = arith.constant 6 : i32
          %add3A_1055 = arith.addi %add3A, %add3A_1054 : i32
          %jit3A_1056 = arith.constant 5120 : i32
          %select_n3A_1057 = arith.select %eq3A_1053, %add3A_1055, %jit3A_1056 : i32
          %eq3A_1058 = arith.constant 0 : i32
          %eq3A_1059 = vector.broadcast %eq3A_1058 : i32 to vector<16xi32>
          %eq3A_1060 = arith.cmpi eq, %iota3A, %eq3A_1059 : vector<16xi32>
          %jit3A_1061 = arith.constant 5120 : i32
          %broadcast_in_dim3A_1062 = vector.broadcast %select_n3A_1057 : i32 to vector<16xi32>
          %broadcast_in_dim3A_1063 = vector.broadcast %jit3A_1061 : i32 to vector<16xi32>
          %select_n3A_1064 = arith.select %eq3A_1060, %broadcast_in_dim3A_1062, %broadcast_in_dim3A_1063 : vector<16xi1>, vector<16xi32>
          %swap3A_1065 = arith.index_cast %add3A_997 : i32 to index
          %swap3A_1066 = tpu.vector_load %arg15[%swap3A_1065] {strides = array<i32>} : memref<368xi32, #tpu.memory_space<vmem>>, vector<16xi32>,
          %swap3A_1067 = vector.shape_cast %swap3A_1066 : vector<16xi32> to vector<16xi32>
          %swap3A_1068 = vector.shape_cast %select_n3A_1064 : vector<16xi32> to vector<16xi32>
          tpu.vector_store %arg15[%swap3A_1065], %swap3A_1068 {strides = array<i32>} : memref<368xi32, #tpu.memory_space<vmem>>, vector<16xi32>,
          %eq3A_1069 = arith.constant 0.000000e+00 : f32
          %eq3A_1070 = arith.cmpf oeq, %squeeze3A_1044, %eq3A_1069 : f32
          %jit3A_1071 = arith.constant 1 : i32
          %jit3A_1072 = arith.constant 0 : i32
          %select_n3A_1073 = arith.select %eq3A_1070, %jit3A_1071, %jit3A_1072 : i32
          %add3A_1074 = arith.addi %add3A_997, %select_n3A_1073 : i32
          %slice3A_1075 = vector.extract_strided_slice %get3A_535 {offsets = [7], sizes = [1], strides = [1]} : vector<16xf32> to vector<1xf32>
          %squeeze3A_1076 = vector.extract %slice3A_1075[0] : f32 from vector<1xf32>
          %min3A_1077 = vector.broadcast %squeeze3A_1076 : f32 to vector<16xf32>
          %min3A_1078 = arith.minimumf %min3A_1077, %get3A_535 : vector<16xf32>
          %slice3A_1079 = vector.extract_strided_slice %get3A_529 {offsets = [7], sizes = [1], strides = [1]} : vector<16xf32> to vector<1xf32>
          %squeeze3A_1080 = vector.extract %slice3A_1079[0] : f32 from vector<1xf32>
          %max3A_1081 = vector.broadcast %squeeze3A_1080 : f32 to vector<16xf32>
          %max3A_1082 = arith.maximumf %max3A_1081, %get3A_529 : vector<16xf32>
          %sub3A_1083 = arith.subf %min3A_1078, %max3A_1082 : vector<16xf32>
          %jit3A_1084 = arith.constant 0.000000e+00 : f32
          %max3A_1085 = vector.broadcast %jit3A_1084 : f32 to vector<16xf32>
          %max3A_1086 = arith.maximumf %max3A_1085, %sub3A_1083 : vector<16xf32>
          %slice3A_1087 = vector.extract_strided_slice %get3A_538 {offsets = [7], sizes = [1], strides = [1]} : vector<16xf32> to vector<1xf32>
          %squeeze3A_1088 = vector.extract %slice3A_1087[0] : f32 from vector<1xf32>
          %min3A_1089 = vector.broadcast %squeeze3A_1088 : f32 to vector<16xf32>
          %min3A_1090 = arith.minimumf %min3A_1089, %get3A_538 : vector<16xf32>
          %slice3A_1091 = vector.extract_strided_slice %get3A_532 {offsets = [7], sizes = [1], strides = [1]} : vector<16xf32> to vector<1xf32>
          %squeeze3A_1092 = vector.extract %slice3A_1091[0] : f32 from vector<1xf32>
          %max3A_1093 = vector.broadcast %squeeze3A_1092 : f32 to vector<16xf32>
          %max3A_1094 = arith.maximumf %max3A_1093, %get3A_532 : vector<16xf32>
          %sub3A_1095 = arith.subf %min3A_1090, %max3A_1094 : vector<16xf32>
          %jit3A_1096 = arith.constant 0.000000e+00 : f32
          %max3A_1097 = vector.broadcast %jit3A_1096 : f32 to vector<16xf32>
          %max3A_1098 = arith.maximumf %max3A_1097, %sub3A_1095 : vector<16xf32>
          %mul3A_1099 = arith.mulf %max3A_1086, %max3A_1098 : vector<16xf32>
          %slice3A_1100 = vector.extract_strided_slice %get3A_541 {offsets = [7], sizes = [1], strides = [1]} : vector<16xf32> to vector<1xf32>
          %squeeze3A_1101 = vector.extract %slice3A_1100[0] : f32 from vector<1xf32>
          %add3A_1102 = vector.broadcast %squeeze3A_1101 : f32 to vector<16xf32>
          %add3A_1103 = arith.addf %add3A_1102, %get3A_541 : vector<16xf32>
          %sub3A_1104 = arith.subf %add3A_1103, %mul3A_1099 : vector<16xf32>
          %add3A_1105 = arith.constant 9.99999971E-10 : f32
          %add3A_1106 = vector.broadcast %add3A_1105 : f32 to vector<16xf32>
          %add3A_1107 = arith.addf %sub3A_1104, %add3A_1106 : vector<16xf32>
          %div3A_1108 = arith.divf %mul3A_1099, %add3A_1107 : vector<16xf32>
          %gt3A_1109 = arith.constant 3.000000e-01 : f32
          %gt3A_1110 = vector.broadcast %gt3A_1109 : f32 to vector<16xf32>
          %gt3A_1111 = arith.cmpf ogt, %div3A_1108, %gt3A_1110 : vector<16xf32>
          %gt3A_1112 = arith.constant 7 : i32
          %gt3A_1113 = vector.broadcast %gt3A_1112 : i32 to vector<16xi32>
          %gt3A_1114 = arith.cmpi sgt, %iota3A, %gt3A_1113 : vector<16xi32>
          %and3A_1115 = arith.andi %gt3A_1111, %gt3A_1114 : vector<16xi1>
          %broadcast_in_dim3A_1116 = arith.constant 7 : i32
          %broadcast_in_dim3A_1117 = vector.broadcast %broadcast_in_dim3A_1116 : i32 to vector<16x1xi32>
          %gather3A_1118 = vector.shape_cast %broadcast_in_dim3A_1117 : vector<16x1xi32> to vector<16xi32>
          %gather3A_1119 = tpu.dynamic_gather %max3A_1051[%gather3A_1118] in [0] : vector<16xf32>, vector<16xi32> -> vector<16xf32>
          %slice3A_1120 = vector.extract_strided_slice %max3A_1051 {offsets = [7], sizes = [1], strides = [1]} : vector<16xf32> to vector<1xf32>
          %squeeze3A_1121 = vector.extract %slice3A_1120[0] : f32 from vector<1xf32>
          %sub3A_1122 = arith.constant 1.000000e+00 : f32
          %sub3A_1123 = vector.broadcast %sub3A_1122 : f32 to vector<16xf32>
          %sub3A_1124 = arith.subf %sub3A_1123, %gather3A_1119 : vector<16xf32>
          %jit3A_1125 = arith.constant 0.000000e+00 : f32
          %broadcast_in_dim3A_1126 = vector.broadcast %jit3A_1125 : f32 to vector<16xf32>
          %select_n3A_1127 = arith.select %and3A_1115, %sub3A_1124, %broadcast_in_dim3A_1126 : vector<16xi1>, vector<16xf32>
          %max3A_1128 = arith.maximumf %max3A_1051, %select_n3A_1127 : vector<16xf32>
          %eq3A_1129 = arith.constant 0.000000e+00 : f32
          %eq3A_1130 = arith.cmpf oeq, %squeeze3A_1121, %eq3A_1129 : f32
          %add3A_1131 = arith.constant 7 : i32
          %add3A_1132 = arith.addi %add3A, %add3A_1131 : i32
          %jit3A_1133 = arith.constant 5120 : i32
          %select_n3A_1134 = arith.select %eq3A_1130, %add3A_1132, %jit3A_1133 : i32
          %eq3A_1135 = arith.constant 0 : i32
          %eq3A_1136 = vector.broadcast %eq3A_1135 : i32 to vector<16xi32>
          %eq3A_1137 = arith.cmpi eq, %iota3A, %eq3A_1136 : vector<16xi32>
          %jit3A_1138 = arith.constant 5120 : i32
          %broadcast_in_dim3A_1139 = vector.broadcast %select_n3A_1134 : i32 to vector<16xi32>
          %broadcast_in_dim3A_1140 = vector.broadcast %jit3A_1138 : i32 to vector<16xi32>
          %select_n3A_1141 = arith.select %eq3A_1137, %broadcast_in_dim3A_1139, %broadcast_in_dim3A_1140 : vector<16xi1>, vector<16xi32>
          %swap3A_1142 = arith.index_cast %add3A_1074 : i32 to index
          %swap3A_1143 = tpu.vector_load %arg15[%swap3A_1142] {strides = array<i32>} : memref<368xi32, #tpu.memory_space<vmem>>, vector<16xi32>,
          %swap3A_1144 = vector.shape_cast %swap3A_1143 : vector<16xi32> to vector<16xi32>
          %swap3A_1145 = vector.shape_cast %select_n3A_1141 : vector<16xi32> to vector<16xi32>
          tpu.vector_store %arg15[%swap3A_1142], %swap3A_1145 {strides = array<i32>} : memref<368xi32, #tpu.memory_space<vmem>>, vector<16xi32>,
          %eq3A_1146 = arith.constant 0.000000e+00 : f32
          %eq3A_1147 = arith.cmpf oeq, %squeeze3A_1121, %eq3A_1146 : f32
          %jit3A_1148 = arith.constant 1 : i32
          %jit3A_1149 = arith.constant 0 : i32
          %select_n3A_1150 = arith.select %eq3A_1147, %jit3A_1148, %jit3A_1149 : i32
          %add3A_1151 = arith.addi %add3A_1074, %select_n3A_1150 : i32
          %slice3A_1152 = vector.extract_strided_slice %get3A_535 {offsets = [8], sizes = [1], strides = [1]} : vector<16xf32> to vector<1xf32>
          %squeeze3A_1153 = vector.extract %slice3A_1152[0] : f32 from vector<1xf32>
          %min3A_1154 = vector.broadcast %squeeze3A_1153 : f32 to vector<16xf32>
          %min3A_1155 = arith.minimumf %min3A_1154, %get3A_535 : vector<16xf32>
          %slice3A_1156 = vector.extract_strided_slice %get3A_529 {offsets = [8], sizes = [1], strides = [1]} : vector<16xf32> to vector<1xf32>
          %squeeze3A_1157 = vector.extract %slice3A_1156[0] : f32 from vector<1xf32>
          %max3A_1158 = vector.broadcast %squeeze3A_1157 : f32 to vector<16xf32>
          %max3A_1159 = arith.maximumf %max3A_1158, %get3A_529 : vector<16xf32>
          %sub3A_1160 = arith.subf %min3A_1155, %max3A_1159 : vector<16xf32>
          %jit3A_1161 = arith.constant 0.000000e+00 : f32
          %max3A_1162 = vector.broadcast %jit3A_1161 : f32 to vector<16xf32>
          %max3A_1163 = arith.maximumf %max3A_1162, %sub3A_1160 : vector<16xf32>
          %slice3A_1164 = vector.extract_strided_slice %get3A_538 {offsets = [8], sizes = [1], strides = [1]} : vector<16xf32> to vector<1xf32>
          %squeeze3A_1165 = vector.extract %slice3A_1164[0] : f32 from vector<1xf32>
          %min3A_1166 = vector.broadcast %squeeze3A_1165 : f32 to vector<16xf32>
          %min3A_1167 = arith.minimumf %min3A_1166, %get3A_538 : vector<16xf32>
          %slice3A_1168 = vector.extract_strided_slice %get3A_532 {offsets = [8], sizes = [1], strides = [1]} : vector<16xf32> to vector<1xf32>
          %squeeze3A_1169 = vector.extract %slice3A_1168[0] : f32 from vector<1xf32>
          %max3A_1170 = vector.broadcast %squeeze3A_1169 : f32 to vector<16xf32>
          %max3A_1171 = arith.maximumf %max3A_1170, %get3A_532 : vector<16xf32>
          %sub3A_1172 = arith.subf %min3A_1167, %max3A_1171 : vector<16xf32>
          %jit3A_1173 = arith.constant 0.000000e+00 : f32
          %max3A_1174 = vector.broadcast %jit3A_1173 : f32 to vector<16xf32>
          %max3A_1175 = arith.maximumf %max3A_1174, %sub3A_1172 : vector<16xf32>
          %mul3A_1176 = arith.mulf %max3A_1163, %max3A_1175 : vector<16xf32>
          %slice3A_1177 = vector.extract_strided_slice %get3A_541 {offsets = [8], sizes = [1], strides = [1]} : vector<16xf32> to vector<1xf32>
          %squeeze3A_1178 = vector.extract %slice3A_1177[0] : f32 from vector<1xf32>
          %add3A_1179 = vector.broadcast %squeeze3A_1178 : f32 to vector<16xf32>
          %add3A_1180 = arith.addf %add3A_1179, %get3A_541 : vector<16xf32>
          %sub3A_1181 = arith.subf %add3A_1180, %mul3A_1176 : vector<16xf32>
          %add3A_1182 = arith.constant 9.99999971E-10 : f32
          %add3A_1183 = vector.broadcast %add3A_1182 : f32 to vector<16xf32>
          %add3A_1184 = arith.addf %sub3A_1181, %add3A_1183 : vector<16xf32>
          %div3A_1185 = arith.divf %mul3A_1176, %add3A_1184 : vector<16xf32>
          %gt3A_1186 = arith.constant 3.000000e-01 : f32
          %gt3A_1187 = vector.broadcast %gt3A_1186 : f32 to vector<16xf32>
          %gt3A_1188 = arith.cmpf ogt, %div3A_1185, %gt3A_1187 : vector<16xf32>
          %gt3A_1189 = arith.constant 8 : i32
          %gt3A_1190 = vector.broadcast %gt3A_1189 : i32 to vector<16xi32>
          %gt3A_1191 = arith.cmpi sgt, %iota3A, %gt3A_1190 : vector<16xi32>
          %and3A_1192 = arith.andi %gt3A_1188, %gt3A_1191 : vector<16xi1>
          %broadcast_in_dim3A_1193 = arith.constant 8 : i32
          %broadcast_in_dim3A_1194 = vector.broadcast %broadcast_in_dim3A_1193 : i32 to vector<16x1xi32>
          %gather3A_1195 = vector.shape_cast %broadcast_in_dim3A_1194 : vector<16x1xi32> to vector<16xi32>
          %gather3A_1196 = tpu.dynamic_gather %max3A_1128[%gather3A_1195] in [0] : vector<16xf32>, vector<16xi32> -> vector<16xf32>
          %slice3A_1197 = vector.extract_strided_slice %max3A_1128 {offsets = [8], sizes = [1], strides = [1]} : vector<16xf32> to vector<1xf32>
          %squeeze3A_1198 = vector.extract %slice3A_1197[0] : f32 from vector<1xf32>
          %sub3A_1199 = arith.constant 1.000000e+00 : f32
          %sub3A_1200 = vector.broadcast %sub3A_1199 : f32 to vector<16xf32>
          %sub3A_1201 = arith.subf %sub3A_1200, %gather3A_1196 : vector<16xf32>
          %jit3A_1202 = arith.constant 0.000000e+00 : f32
          %broadcast_in_dim3A_1203 = vector.broadcast %jit3A_1202 : f32 to vector<16xf32>
          %select_n3A_1204 = arith.select %and3A_1192, %sub3A_1201, %broadcast_in_dim3A_1203 : vector<16xi1>, vector<16xf32>
          %max3A_1205 = arith.maximumf %max3A_1128, %select_n3A_1204 : vector<16xf32>
          %eq3A_1206 = arith.constant 0.000000e+00 : f32
          %eq3A_1207 = arith.cmpf oeq, %squeeze3A_1198, %eq3A_1206 : f32
          %add3A_1208 = arith.constant 8 : i32
          %add3A_1209 = arith.addi %add3A, %add3A_1208 : i32
          %jit3A_1210 = arith.constant 5120 : i32
          %select_n3A_1211 = arith.select %eq3A_1207, %add3A_1209, %jit3A_1210 : i32
          %eq3A_1212 = arith.constant 0 : i32
          %eq3A_1213 = vector.broadcast %eq3A_1212 : i32 to vector<16xi32>
          %eq3A_1214 = arith.cmpi eq, %iota3A, %eq3A_1213 : vector<16xi32>
          %jit3A_1215 = arith.constant 5120 : i32
          %broadcast_in_dim3A_1216 = vector.broadcast %select_n3A_1211 : i32 to vector<16xi32>
          %broadcast_in_dim3A_1217 = vector.broadcast %jit3A_1215 : i32 to vector<16xi32>
          %select_n3A_1218 = arith.select %eq3A_1214, %broadcast_in_dim3A_1216, %broadcast_in_dim3A_1217 : vector<16xi1>, vector<16xi32>
          %swap3A_1219 = arith.index_cast %add3A_1151 : i32 to index
          %swap3A_1220 = tpu.vector_load %arg15[%swap3A_1219] {strides = array<i32>} : memref<368xi32, #tpu.memory_space<vmem>>, vector<16xi32>,
          %swap3A_1221 = vector.shape_cast %swap3A_1220 : vector<16xi32> to vector<16xi32>
          %swap3A_1222 = vector.shape_cast %select_n3A_1218 : vector<16xi32> to vector<16xi32>
          tpu.vector_store %arg15[%swap3A_1219], %swap3A_1222 {strides = array<i32>} : memref<368xi32, #tpu.memory_space<vmem>>, vector<16xi32>,
          %eq3A_1223 = arith.constant 0.000000e+00 : f32
          %eq3A_1224 = arith.cmpf oeq, %squeeze3A_1198, %eq3A_1223 : f32
          %jit3A_1225 = arith.constant 1 : i32
          %jit3A_1226 = arith.constant 0 : i32
          %select_n3A_1227 = arith.select %eq3A_1224, %jit3A_1225, %jit3A_1226 : i32
          %add3A_1228 = arith.addi %add3A_1151, %select_n3A_1227 : i32
          %slice3A_1229 = vector.extract_strided_slice %get3A_535 {offsets = [9], sizes = [1], strides = [1]} : vector<16xf32> to vector<1xf32>
          %squeeze3A_1230 = vector.extract %slice3A_1229[0] : f32 from vector<1xf32>
          %min3A_1231 = vector.broadcast %squeeze3A_1230 : f32 to vector<16xf32>
          %min3A_1232 = arith.minimumf %min3A_1231, %get3A_535 : vector<16xf32>
          %slice3A_1233 = vector.extract_strided_slice %get3A_529 {offsets = [9], sizes = [1], strides = [1]} : vector<16xf32> to vector<1xf32>
          %squeeze3A_1234 = vector.extract %slice3A_1233[0] : f32 from vector<1xf32>
          %max3A_1235 = vector.broadcast %squeeze3A_1234 : f32 to vector<16xf32>
          %max3A_1236 = arith.maximumf %max3A_1235, %get3A_529 : vector<16xf32>
          %sub3A_1237 = arith.subf %min3A_1232, %max3A_1236 : vector<16xf32>
          %jit3A_1238 = arith.constant 0.000000e+00 : f32
          %max3A_1239 = vector.broadcast %jit3A_1238 : f32 to vector<16xf32>
          %max3A_1240 = arith.maximumf %max3A_1239, %sub3A_1237 : vector<16xf32>
          %slice3A_1241 = vector.extract_strided_slice %get3A_538 {offsets = [9], sizes = [1], strides = [1]} : vector<16xf32> to vector<1xf32>
          %squeeze3A_1242 = vector.extract %slice3A_1241[0] : f32 from vector<1xf32>
          %min3A_1243 = vector.broadcast %squeeze3A_1242 : f32 to vector<16xf32>
          %min3A_1244 = arith.minimumf %min3A_1243, %get3A_538 : vector<16xf32>
          %slice3A_1245 = vector.extract_strided_slice %get3A_532 {offsets = [9], sizes = [1], strides = [1]} : vector<16xf32> to vector<1xf32>
          %squeeze3A_1246 = vector.extract %slice3A_1245[0] : f32 from vector<1xf32>
          %max3A_1247 = vector.broadcast %squeeze3A_1246 : f32 to vector<16xf32>
          %max3A_1248 = arith.maximumf %max3A_1247, %get3A_532 : vector<16xf32>
          %sub3A_1249 = arith.subf %min3A_1244, %max3A_1248 : vector<16xf32>
          %jit3A_1250 = arith.constant 0.000000e+00 : f32
          %max3A_1251 = vector.broadcast %jit3A_1250 : f32 to vector<16xf32>
          %max3A_1252 = arith.maximumf %max3A_1251, %sub3A_1249 : vector<16xf32>
          %mul3A_1253 = arith.mulf %max3A_1240, %max3A_1252 : vector<16xf32>
          %slice3A_1254 = vector.extract_strided_slice %get3A_541 {offsets = [9], sizes = [1], strides = [1]} : vector<16xf32> to vector<1xf32>
          %squeeze3A_1255 = vector.extract %slice3A_1254[0] : f32 from vector<1xf32>
          %add3A_1256 = vector.broadcast %squeeze3A_1255 : f32 to vector<16xf32>
          %add3A_1257 = arith.addf %add3A_1256, %get3A_541 : vector<16xf32>
          %sub3A_1258 = arith.subf %add3A_1257, %mul3A_1253 : vector<16xf32>
          %add3A_1259 = arith.constant 9.99999971E-10 : f32
          %add3A_1260 = vector.broadcast %add3A_1259 : f32 to vector<16xf32>
          %add3A_1261 = arith.addf %sub3A_1258, %add3A_1260 : vector<16xf32>
          %div3A_1262 = arith.divf %mul3A_1253, %add3A_1261 : vector<16xf32>
          %gt3A_1263 = arith.constant 3.000000e-01 : f32
          %gt3A_1264 = vector.broadcast %gt3A_1263 : f32 to vector<16xf32>
          %gt3A_1265 = arith.cmpf ogt, %div3A_1262, %gt3A_1264 : vector<16xf32>
          %gt3A_1266 = arith.constant 9 : i32
          %gt3A_1267 = vector.broadcast %gt3A_1266 : i32 to vector<16xi32>
          %gt3A_1268 = arith.cmpi sgt, %iota3A, %gt3A_1267 : vector<16xi32>
          %and3A_1269 = arith.andi %gt3A_1265, %gt3A_1268 : vector<16xi1>
          %broadcast_in_dim3A_1270 = arith.constant 9 : i32
          %broadcast_in_dim3A_1271 = vector.broadcast %broadcast_in_dim3A_1270 : i32 to vector<16x1xi32>
          %gather3A_1272 = vector.shape_cast %broadcast_in_dim3A_1271 : vector<16x1xi32> to vector<16xi32>
          %gather3A_1273 = tpu.dynamic_gather %max3A_1205[%gather3A_1272] in [0] : vector<16xf32>, vector<16xi32> -> vector<16xf32>
          %slice3A_1274 = vector.extract_strided_slice %max3A_1205 {offsets = [9], sizes = [1], strides = [1]} : vector<16xf32> to vector<1xf32>
          %squeeze3A_1275 = vector.extract %slice3A_1274[0] : f32 from vector<1xf32>
          %sub3A_1276 = arith.constant 1.000000e+00 : f32
          %sub3A_1277 = vector.broadcast %sub3A_1276 : f32 to vector<16xf32>
          %sub3A_1278 = arith.subf %sub3A_1277, %gather3A_1273 : vector<16xf32>
          %jit3A_1279 = arith.constant 0.000000e+00 : f32
          %broadcast_in_dim3A_1280 = vector.broadcast %jit3A_1279 : f32 to vector<16xf32>
          %select_n3A_1281 = arith.select %and3A_1269, %sub3A_1278, %broadcast_in_dim3A_1280 : vector<16xi1>, vector<16xf32>
          %max3A_1282 = arith.maximumf %max3A_1205, %select_n3A_1281 : vector<16xf32>
          %eq3A_1283 = arith.constant 0.000000e+00 : f32
          %eq3A_1284 = arith.cmpf oeq, %squeeze3A_1275, %eq3A_1283 : f32
          %add3A_1285 = arith.constant 9 : i32
          %add3A_1286 = arith.addi %add3A, %add3A_1285 : i32
          %jit3A_1287 = arith.constant 5120 : i32
          %select_n3A_1288 = arith.select %eq3A_1284, %add3A_1286, %jit3A_1287 : i32
          %eq3A_1289 = arith.constant 0 : i32
          %eq3A_1290 = vector.broadcast %eq3A_1289 : i32 to vector<16xi32>
          %eq3A_1291 = arith.cmpi eq, %iota3A, %eq3A_1290 : vector<16xi32>
          %jit3A_1292 = arith.constant 5120 : i32
          %broadcast_in_dim3A_1293 = vector.broadcast %select_n3A_1288 : i32 to vector<16xi32>
          %broadcast_in_dim3A_1294 = vector.broadcast %jit3A_1292 : i32 to vector<16xi32>
          %select_n3A_1295 = arith.select %eq3A_1291, %broadcast_in_dim3A_1293, %broadcast_in_dim3A_1294 : vector<16xi1>, vector<16xi32>
          %swap3A_1296 = arith.index_cast %add3A_1228 : i32 to index
          %swap3A_1297 = tpu.vector_load %arg15[%swap3A_1296] {strides = array<i32>} : memref<368xi32, #tpu.memory_space<vmem>>, vector<16xi32>,
          %swap3A_1298 = vector.shape_cast %swap3A_1297 : vector<16xi32> to vector<16xi32>
          %swap3A_1299 = vector.shape_cast %select_n3A_1295 : vector<16xi32> to vector<16xi32>
          tpu.vector_store %arg15[%swap3A_1296], %swap3A_1299 {strides = array<i32>} : memref<368xi32, #tpu.memory_space<vmem>>, vector<16xi32>,
          %eq3A_1300 = arith.constant 0.000000e+00 : f32
          %eq3A_1301 = arith.cmpf oeq, %squeeze3A_1275, %eq3A_1300 : f32
          %jit3A_1302 = arith.constant 1 : i32
          %jit3A_1303 = arith.constant 0 : i32
          %select_n3A_1304 = arith.select %eq3A_1301, %jit3A_1302, %jit3A_1303 : i32
          %add3A_1305 = arith.addi %add3A_1228, %select_n3A_1304 : i32
          %slice3A_1306 = vector.extract_strided_slice %get3A_535 {offsets = [10], sizes = [1], strides = [1]} : vector<16xf32> to vector<1xf32>
          %squeeze3A_1307 = vector.extract %slice3A_1306[0] : f32 from vector<1xf32>
          %min3A_1308 = vector.broadcast %squeeze3A_1307 : f32 to vector<16xf32>
          %min3A_1309 = arith.minimumf %min3A_1308, %get3A_535 : vector<16xf32>
          %slice3A_1310 = vector.extract_strided_slice %get3A_529 {offsets = [10], sizes = [1], strides = [1]} : vector<16xf32> to vector<1xf32>
          %squeeze3A_1311 = vector.extract %slice3A_1310[0] : f32 from vector<1xf32>
          %max3A_1312 = vector.broadcast %squeeze3A_1311 : f32 to vector<16xf32>
          %max3A_1313 = arith.maximumf %max3A_1312, %get3A_529 : vector<16xf32>
          %sub3A_1314 = arith.subf %min3A_1309, %max3A_1313 : vector<16xf32>
          %jit3A_1315 = arith.constant 0.000000e+00 : f32
          %max3A_1316 = vector.broadcast %jit3A_1315 : f32 to vector<16xf32>
          %max3A_1317 = arith.maximumf %max3A_1316, %sub3A_1314 : vector<16xf32>
          %slice3A_1318 = vector.extract_strided_slice %get3A_538 {offsets = [10], sizes = [1], strides = [1]} : vector<16xf32> to vector<1xf32>
          %squeeze3A_1319 = vector.extract %slice3A_1318[0] : f32 from vector<1xf32>
          %min3A_1320 = vector.broadcast %squeeze3A_1319 : f32 to vector<16xf32>
          %min3A_1321 = arith.minimumf %min3A_1320, %get3A_538 : vector<16xf32>
          %slice3A_1322 = vector.extract_strided_slice %get3A_532 {offsets = [10], sizes = [1], strides = [1]} : vector<16xf32> to vector<1xf32>
          %squeeze3A_1323 = vector.extract %slice3A_1322[0] : f32 from vector<1xf32>
          %max3A_1324 = vector.broadcast %squeeze3A_1323 : f32 to vector<16xf32>
          %max3A_1325 = arith.maximumf %max3A_1324, %get3A_532 : vector<16xf32>
          %sub3A_1326 = arith.subf %min3A_1321, %max3A_1325 : vector<16xf32>
          %jit3A_1327 = arith.constant 0.000000e+00 : f32
          %max3A_1328 = vector.broadcast %jit3A_1327 : f32 to vector<16xf32>
          %max3A_1329 = arith.maximumf %max3A_1328, %sub3A_1326 : vector<16xf32>
          %mul3A_1330 = arith.mulf %max3A_1317, %max3A_1329 : vector<16xf32>
          %slice3A_1331 = vector.extract_strided_slice %get3A_541 {offsets = [10], sizes = [1], strides = [1]} : vector<16xf32> to vector<1xf32>
          %squeeze3A_1332 = vector.extract %slice3A_1331[0] : f32 from vector<1xf32>
          %add3A_1333 = vector.broadcast %squeeze3A_1332 : f32 to vector<16xf32>
          %add3A_1334 = arith.addf %add3A_1333, %get3A_541 : vector<16xf32>
          %sub3A_1335 = arith.subf %add3A_1334, %mul3A_1330 : vector<16xf32>
          %add3A_1336 = arith.constant 9.99999971E-10 : f32
          %add3A_1337 = vector.broadcast %add3A_1336 : f32 to vector<16xf32>
          %add3A_1338 = arith.addf %sub3A_1335, %add3A_1337 : vector<16xf32>
          %div3A_1339 = arith.divf %mul3A_1330, %add3A_1338 : vector<16xf32>
          %gt3A_1340 = arith.constant 3.000000e-01 : f32
          %gt3A_1341 = vector.broadcast %gt3A_1340 : f32 to vector<16xf32>
          %gt3A_1342 = arith.cmpf ogt, %div3A_1339, %gt3A_1341 : vector<16xf32>
          %gt3A_1343 = arith.constant 10 : i32
          %gt3A_1344 = vector.broadcast %gt3A_1343 : i32 to vector<16xi32>
          %gt3A_1345 = arith.cmpi sgt, %iota3A, %gt3A_1344 : vector<16xi32>
          %and3A_1346 = arith.andi %gt3A_1342, %gt3A_1345 : vector<16xi1>
          %broadcast_in_dim3A_1347 = arith.constant 10 : i32
          %broadcast_in_dim3A_1348 = vector.broadcast %broadcast_in_dim3A_1347 : i32 to vector<16x1xi32>
          %gather3A_1349 = vector.shape_cast %broadcast_in_dim3A_1348 : vector<16x1xi32> to vector<16xi32>
          %gather3A_1350 = tpu.dynamic_gather %max3A_1282[%gather3A_1349] in [0] : vector<16xf32>, vector<16xi32> -> vector<16xf32>
          %slice3A_1351 = vector.extract_strided_slice %max3A_1282 {offsets = [10], sizes = [1], strides = [1]} : vector<16xf32> to vector<1xf32>
          %squeeze3A_1352 = vector.extract %slice3A_1351[0] : f32 from vector<1xf32>
          %sub3A_1353 = arith.constant 1.000000e+00 : f32
          %sub3A_1354 = vector.broadcast %sub3A_1353 : f32 to vector<16xf32>
          %sub3A_1355 = arith.subf %sub3A_1354, %gather3A_1350 : vector<16xf32>
          %jit3A_1356 = arith.constant 0.000000e+00 : f32
          %broadcast_in_dim3A_1357 = vector.broadcast %jit3A_1356 : f32 to vector<16xf32>
          %select_n3A_1358 = arith.select %and3A_1346, %sub3A_1355, %broadcast_in_dim3A_1357 : vector<16xi1>, vector<16xf32>
          %max3A_1359 = arith.maximumf %max3A_1282, %select_n3A_1358 : vector<16xf32>
          %eq3A_1360 = arith.constant 0.000000e+00 : f32
          %eq3A_1361 = arith.cmpf oeq, %squeeze3A_1352, %eq3A_1360 : f32
          %add3A_1362 = arith.constant 10 : i32
          %add3A_1363 = arith.addi %add3A, %add3A_1362 : i32
          %jit3A_1364 = arith.constant 5120 : i32
          %select_n3A_1365 = arith.select %eq3A_1361, %add3A_1363, %jit3A_1364 : i32
          %eq3A_1366 = arith.constant 0 : i32
          %eq3A_1367 = vector.broadcast %eq3A_1366 : i32 to vector<16xi32>
          %eq3A_1368 = arith.cmpi eq, %iota3A, %eq3A_1367 : vector<16xi32>
          %jit3A_1369 = arith.constant 5120 : i32
          %broadcast_in_dim3A_1370 = vector.broadcast %select_n3A_1365 : i32 to vector<16xi32>
          %broadcast_in_dim3A_1371 = vector.broadcast %jit3A_1369 : i32 to vector<16xi32>
          %select_n3A_1372 = arith.select %eq3A_1368, %broadcast_in_dim3A_1370, %broadcast_in_dim3A_1371 : vector<16xi1>, vector<16xi32>
          %swap3A_1373 = arith.index_cast %add3A_1305 : i32 to index
          %swap3A_1374 = tpu.vector_load %arg15[%swap3A_1373] {strides = array<i32>} : memref<368xi32, #tpu.memory_space<vmem>>, vector<16xi32>,
          %swap3A_1375 = vector.shape_cast %swap3A_1374 : vector<16xi32> to vector<16xi32>
          %swap3A_1376 = vector.shape_cast %select_n3A_1372 : vector<16xi32> to vector<16xi32>
          tpu.vector_store %arg15[%swap3A_1373], %swap3A_1376 {strides = array<i32>} : memref<368xi32, #tpu.memory_space<vmem>>, vector<16xi32>,
          %eq3A_1377 = arith.constant 0.000000e+00 : f32
          %eq3A_1378 = arith.cmpf oeq, %squeeze3A_1352, %eq3A_1377 : f32
          %jit3A_1379 = arith.constant 1 : i32
          %jit3A_1380 = arith.constant 0 : i32
          %select_n3A_1381 = arith.select %eq3A_1378, %jit3A_1379, %jit3A_1380 : i32
          %add3A_1382 = arith.addi %add3A_1305, %select_n3A_1381 : i32
          %slice3A_1383 = vector.extract_strided_slice %get3A_535 {offsets = [11], sizes = [1], strides = [1]} : vector<16xf32> to vector<1xf32>
          %squeeze3A_1384 = vector.extract %slice3A_1383[0] : f32 from vector<1xf32>
          %min3A_1385 = vector.broadcast %squeeze3A_1384 : f32 to vector<16xf32>
          %min3A_1386 = arith.minimumf %min3A_1385, %get3A_535 : vector<16xf32>
          %slice3A_1387 = vector.extract_strided_slice %get3A_529 {offsets = [11], sizes = [1], strides = [1]} : vector<16xf32> to vector<1xf32>
          %squeeze3A_1388 = vector.extract %slice3A_1387[0] : f32 from vector<1xf32>
          %max3A_1389 = vector.broadcast %squeeze3A_1388 : f32 to vector<16xf32>
          %max3A_1390 = arith.maximumf %max3A_1389, %get3A_529 : vector<16xf32>
          %sub3A_1391 = arith.subf %min3A_1386, %max3A_1390 : vector<16xf32>
          %jit3A_1392 = arith.constant 0.000000e+00 : f32
          %max3A_1393 = vector.broadcast %jit3A_1392 : f32 to vector<16xf32>
          %max3A_1394 = arith.maximumf %max3A_1393, %sub3A_1391 : vector<16xf32>
          %slice3A_1395 = vector.extract_strided_slice %get3A_538 {offsets = [11], sizes = [1], strides = [1]} : vector<16xf32> to vector<1xf32>
          %squeeze3A_1396 = vector.extract %slice3A_1395[0] : f32 from vector<1xf32>
          %min3A_1397 = vector.broadcast %squeeze3A_1396 : f32 to vector<16xf32>
          %min3A_1398 = arith.minimumf %min3A_1397, %get3A_538 : vector<16xf32>
          %slice3A_1399 = vector.extract_strided_slice %get3A_532 {offsets = [11], sizes = [1], strides = [1]} : vector<16xf32> to vector<1xf32>
          %squeeze3A_1400 = vector.extract %slice3A_1399[0] : f32 from vector<1xf32>
          %max3A_1401 = vector.broadcast %squeeze3A_1400 : f32 to vector<16xf32>
          %max3A_1402 = arith.maximumf %max3A_1401, %get3A_532 : vector<16xf32>
          %sub3A_1403 = arith.subf %min3A_1398, %max3A_1402 : vector<16xf32>
          %jit3A_1404 = arith.constant 0.000000e+00 : f32
          %max3A_1405 = vector.broadcast %jit3A_1404 : f32 to vector<16xf32>
          %max3A_1406 = arith.maximumf %max3A_1405, %sub3A_1403 : vector<16xf32>
          %mul3A_1407 = arith.mulf %max3A_1394, %max3A_1406 : vector<16xf32>
          %slice3A_1408 = vector.extract_strided_slice %get3A_541 {offsets = [11], sizes = [1], strides = [1]} : vector<16xf32> to vector<1xf32>
          %squeeze3A_1409 = vector.extract %slice3A_1408[0] : f32 from vector<1xf32>
          %add3A_1410 = vector.broadcast %squeeze3A_1409 : f32 to vector<16xf32>
          %add3A_1411 = arith.addf %add3A_1410, %get3A_541 : vector<16xf32>
          %sub3A_1412 = arith.subf %add3A_1411, %mul3A_1407 : vector<16xf32>
          %add3A_1413 = arith.constant 9.99999971E-10 : f32
          %add3A_1414 = vector.broadcast %add3A_1413 : f32 to vector<16xf32>
          %add3A_1415 = arith.addf %sub3A_1412, %add3A_1414 : vector<16xf32>
          %div3A_1416 = arith.divf %mul3A_1407, %add3A_1415 : vector<16xf32>
          %gt3A_1417 = arith.constant 3.000000e-01 : f32
          %gt3A_1418 = vector.broadcast %gt3A_1417 : f32 to vector<16xf32>
          %gt3A_1419 = arith.cmpf ogt, %div3A_1416, %gt3A_1418 : vector<16xf32>
          %gt3A_1420 = arith.constant 11 : i32
          %gt3A_1421 = vector.broadcast %gt3A_1420 : i32 to vector<16xi32>
          %gt3A_1422 = arith.cmpi sgt, %iota3A, %gt3A_1421 : vector<16xi32>
          %and3A_1423 = arith.andi %gt3A_1419, %gt3A_1422 : vector<16xi1>
          %broadcast_in_dim3A_1424 = arith.constant 11 : i32
          %broadcast_in_dim3A_1425 = vector.broadcast %broadcast_in_dim3A_1424 : i32 to vector<16x1xi32>
          %gather3A_1426 = vector.shape_cast %broadcast_in_dim3A_1425 : vector<16x1xi32> to vector<16xi32>
          %gather3A_1427 = tpu.dynamic_gather %max3A_1359[%gather3A_1426] in [0] : vector<16xf32>, vector<16xi32> -> vector<16xf32>
          %slice3A_1428 = vector.extract_strided_slice %max3A_1359 {offsets = [11], sizes = [1], strides = [1]} : vector<16xf32> to vector<1xf32>
          %squeeze3A_1429 = vector.extract %slice3A_1428[0] : f32 from vector<1xf32>
          %sub3A_1430 = arith.constant 1.000000e+00 : f32
          %sub3A_1431 = vector.broadcast %sub3A_1430 : f32 to vector<16xf32>
          %sub3A_1432 = arith.subf %sub3A_1431, %gather3A_1427 : vector<16xf32>
          %jit3A_1433 = arith.constant 0.000000e+00 : f32
          %broadcast_in_dim3A_1434 = vector.broadcast %jit3A_1433 : f32 to vector<16xf32>
          %select_n3A_1435 = arith.select %and3A_1423, %sub3A_1432, %broadcast_in_dim3A_1434 : vector<16xi1>, vector<16xf32>
          %max3A_1436 = arith.maximumf %max3A_1359, %select_n3A_1435 : vector<16xf32>
          %eq3A_1437 = arith.constant 0.000000e+00 : f32
          %eq3A_1438 = arith.cmpf oeq, %squeeze3A_1429, %eq3A_1437 : f32
          %add3A_1439 = arith.constant 11 : i32
          %add3A_1440 = arith.addi %add3A, %add3A_1439 : i32
          %jit3A_1441 = arith.constant 5120 : i32
          %select_n3A_1442 = arith.select %eq3A_1438, %add3A_1440, %jit3A_1441 : i32
          %eq3A_1443 = arith.constant 0 : i32
          %eq3A_1444 = vector.broadcast %eq3A_1443 : i32 to vector<16xi32>
          %eq3A_1445 = arith.cmpi eq, %iota3A, %eq3A_1444 : vector<16xi32>
          %jit3A_1446 = arith.constant 5120 : i32
          %broadcast_in_dim3A_1447 = vector.broadcast %select_n3A_1442 : i32 to vector<16xi32>
          %broadcast_in_dim3A_1448 = vector.broadcast %jit3A_1446 : i32 to vector<16xi32>
          %select_n3A_1449 = arith.select %eq3A_1445, %broadcast_in_dim3A_1447, %broadcast_in_dim3A_1448 : vector<16xi1>, vector<16xi32>
          %swap3A_1450 = arith.index_cast %add3A_1382 : i32 to index
          %swap3A_1451 = tpu.vector_load %arg15[%swap3A_1450] {strides = array<i32>} : memref<368xi32, #tpu.memory_space<vmem>>, vector<16xi32>,
          %swap3A_1452 = vector.shape_cast %swap3A_1451 : vector<16xi32> to vector<16xi32>
          %swap3A_1453 = vector.shape_cast %select_n3A_1449 : vector<16xi32> to vector<16xi32>
          tpu.vector_store %arg15[%swap3A_1450], %swap3A_1453 {strides = array<i32>} : memref<368xi32, #tpu.memory_space<vmem>>, vector<16xi32>,
          %eq3A_1454 = arith.constant 0.000000e+00 : f32
          %eq3A_1455 = arith.cmpf oeq, %squeeze3A_1429, %eq3A_1454 : f32
          %jit3A_1456 = arith.constant 1 : i32
          %jit3A_1457 = arith.constant 0 : i32
          %select_n3A_1458 = arith.select %eq3A_1455, %jit3A_1456, %jit3A_1457 : i32
          %add3A_1459 = arith.addi %add3A_1382, %select_n3A_1458 : i32
          %slice3A_1460 = vector.extract_strided_slice %get3A_535 {offsets = [12], sizes = [1], strides = [1]} : vector<16xf32> to vector<1xf32>
          %squeeze3A_1461 = vector.extract %slice3A_1460[0] : f32 from vector<1xf32>
          %min3A_1462 = vector.broadcast %squeeze3A_1461 : f32 to vector<16xf32>
          %min3A_1463 = arith.minimumf %min3A_1462, %get3A_535 : vector<16xf32>
          %slice3A_1464 = vector.extract_strided_slice %get3A_529 {offsets = [12], sizes = [1], strides = [1]} : vector<16xf32> to vector<1xf32>
          %squeeze3A_1465 = vector.extract %slice3A_1464[0] : f32 from vector<1xf32>
          %max3A_1466 = vector.broadcast %squeeze3A_1465 : f32 to vector<16xf32>
          %max3A_1467 = arith.maximumf %max3A_1466, %get3A_529 : vector<16xf32>
          %sub3A_1468 = arith.subf %min3A_1463, %max3A_1467 : vector<16xf32>
          %jit3A_1469 = arith.constant 0.000000e+00 : f32
          %max3A_1470 = vector.broadcast %jit3A_1469 : f32 to vector<16xf32>
          %max3A_1471 = arith.maximumf %max3A_1470, %sub3A_1468 : vector<16xf32>
          %slice3A_1472 = vector.extract_strided_slice %get3A_538 {offsets = [12], sizes = [1], strides = [1]} : vector<16xf32> to vector<1xf32>
          %squeeze3A_1473 = vector.extract %slice3A_1472[0] : f32 from vector<1xf32>
          %min3A_1474 = vector.broadcast %squeeze3A_1473 : f32 to vector<16xf32>
          %min3A_1475 = arith.minimumf %min3A_1474, %get3A_538 : vector<16xf32>
          %slice3A_1476 = vector.extract_strided_slice %get3A_532 {offsets = [12], sizes = [1], strides = [1]} : vector<16xf32> to vector<1xf32>
          %squeeze3A_1477 = vector.extract %slice3A_1476[0] : f32 from vector<1xf32>
          %max3A_1478 = vector.broadcast %squeeze3A_1477 : f32 to vector<16xf32>
          %max3A_1479 = arith.maximumf %max3A_1478, %get3A_532 : vector<16xf32>
          %sub3A_1480 = arith.subf %min3A_1475, %max3A_1479 : vector<16xf32>
          %jit3A_1481 = arith.constant 0.000000e+00 : f32
          %max3A_1482 = vector.broadcast %jit3A_1481 : f32 to vector<16xf32>
          %max3A_1483 = arith.maximumf %max3A_1482, %sub3A_1480 : vector<16xf32>
          %mul3A_1484 = arith.mulf %max3A_1471, %max3A_1483 : vector<16xf32>
          %slice3A_1485 = vector.extract_strided_slice %get3A_541 {offsets = [12], sizes = [1], strides = [1]} : vector<16xf32> to vector<1xf32>
          %squeeze3A_1486 = vector.extract %slice3A_1485[0] : f32 from vector<1xf32>
          %add3A_1487 = vector.broadcast %squeeze3A_1486 : f32 to vector<16xf32>
          %add3A_1488 = arith.addf %add3A_1487, %get3A_541 : vector<16xf32>
          %sub3A_1489 = arith.subf %add3A_1488, %mul3A_1484 : vector<16xf32>
          %add3A_1490 = arith.constant 9.99999971E-10 : f32
          %add3A_1491 = vector.broadcast %add3A_1490 : f32 to vector<16xf32>
          %add3A_1492 = arith.addf %sub3A_1489, %add3A_1491 : vector<16xf32>
          %div3A_1493 = arith.divf %mul3A_1484, %add3A_1492 : vector<16xf32>
          %gt3A_1494 = arith.constant 3.000000e-01 : f32
          %gt3A_1495 = vector.broadcast %gt3A_1494 : f32 to vector<16xf32>
          %gt3A_1496 = arith.cmpf ogt, %div3A_1493, %gt3A_1495 : vector<16xf32>
          %gt3A_1497 = arith.constant 12 : i32
          %gt3A_1498 = vector.broadcast %gt3A_1497 : i32 to vector<16xi32>
          %gt3A_1499 = arith.cmpi sgt, %iota3A, %gt3A_1498 : vector<16xi32>
          %and3A_1500 = arith.andi %gt3A_1496, %gt3A_1499 : vector<16xi1>
          %broadcast_in_dim3A_1501 = arith.constant 12 : i32
          %broadcast_in_dim3A_1502 = vector.broadcast %broadcast_in_dim3A_1501 : i32 to vector<16x1xi32>
          %gather3A_1503 = vector.shape_cast %broadcast_in_dim3A_1502 : vector<16x1xi32> to vector<16xi32>
          %gather3A_1504 = tpu.dynamic_gather %max3A_1436[%gather3A_1503] in [0] : vector<16xf32>, vector<16xi32> -> vector<16xf32>
          %slice3A_1505 = vector.extract_strided_slice %max3A_1436 {offsets = [12], sizes = [1], strides = [1]} : vector<16xf32> to vector<1xf32>
          %squeeze3A_1506 = vector.extract %slice3A_1505[0] : f32 from vector<1xf32>
          %sub3A_1507 = arith.constant 1.000000e+00 : f32
          %sub3A_1508 = vector.broadcast %sub3A_1507 : f32 to vector<16xf32>
          %sub3A_1509 = arith.subf %sub3A_1508, %gather3A_1504 : vector<16xf32>
          %jit3A_1510 = arith.constant 0.000000e+00 : f32
          %broadcast_in_dim3A_1511 = vector.broadcast %jit3A_1510 : f32 to vector<16xf32>
          %select_n3A_1512 = arith.select %and3A_1500, %sub3A_1509, %broadcast_in_dim3A_1511 : vector<16xi1>, vector<16xf32>
          %max3A_1513 = arith.maximumf %max3A_1436, %select_n3A_1512 : vector<16xf32>
          %eq3A_1514 = arith.constant 0.000000e+00 : f32
          %eq3A_1515 = arith.cmpf oeq, %squeeze3A_1506, %eq3A_1514 : f32
          %add3A_1516 = arith.constant 12 : i32
          %add3A_1517 = arith.addi %add3A, %add3A_1516 : i32
          %jit3A_1518 = arith.constant 5120 : i32
          %select_n3A_1519 = arith.select %eq3A_1515, %add3A_1517, %jit3A_1518 : i32
          %eq3A_1520 = arith.constant 0 : i32
          %eq3A_1521 = vector.broadcast %eq3A_1520 : i32 to vector<16xi32>
          %eq3A_1522 = arith.cmpi eq, %iota3A, %eq3A_1521 : vector<16xi32>
          %jit3A_1523 = arith.constant 5120 : i32
          %broadcast_in_dim3A_1524 = vector.broadcast %select_n3A_1519 : i32 to vector<16xi32>
          %broadcast_in_dim3A_1525 = vector.broadcast %jit3A_1523 : i32 to vector<16xi32>
          %select_n3A_1526 = arith.select %eq3A_1522, %broadcast_in_dim3A_1524, %broadcast_in_dim3A_1525 : vector<16xi1>, vector<16xi32>
          %swap3A_1527 = arith.index_cast %add3A_1459 : i32 to index
          %swap3A_1528 = tpu.vector_load %arg15[%swap3A_1527] {strides = array<i32>} : memref<368xi32, #tpu.memory_space<vmem>>, vector<16xi32>,
          %swap3A_1529 = vector.shape_cast %swap3A_1528 : vector<16xi32> to vector<16xi32>
          %swap3A_1530 = vector.shape_cast %select_n3A_1526 : vector<16xi32> to vector<16xi32>
          tpu.vector_store %arg15[%swap3A_1527], %swap3A_1530 {strides = array<i32>} : memref<368xi32, #tpu.memory_space<vmem>>, vector<16xi32>,
          %eq3A_1531 = arith.constant 0.000000e+00 : f32
          %eq3A_1532 = arith.cmpf oeq, %squeeze3A_1506, %eq3A_1531 : f32
          %jit3A_1533 = arith.constant 1 : i32
          %jit3A_1534 = arith.constant 0 : i32
          %select_n3A_1535 = arith.select %eq3A_1532, %jit3A_1533, %jit3A_1534 : i32
          %add3A_1536 = arith.addi %add3A_1459, %select_n3A_1535 : i32
          %slice3A_1537 = vector.extract_strided_slice %get3A_535 {offsets = [13], sizes = [1], strides = [1]} : vector<16xf32> to vector<1xf32>
          %squeeze3A_1538 = vector.extract %slice3A_1537[0] : f32 from vector<1xf32>
          %min3A_1539 = vector.broadcast %squeeze3A_1538 : f32 to vector<16xf32>
          %min3A_1540 = arith.minimumf %min3A_1539, %get3A_535 : vector<16xf32>
          %slice3A_1541 = vector.extract_strided_slice %get3A_529 {offsets = [13], sizes = [1], strides = [1]} : vector<16xf32> to vector<1xf32>
          %squeeze3A_1542 = vector.extract %slice3A_1541[0] : f32 from vector<1xf32>
          %max3A_1543 = vector.broadcast %squeeze3A_1542 : f32 to vector<16xf32>
          %max3A_1544 = arith.maximumf %max3A_1543, %get3A_529 : vector<16xf32>
          %sub3A_1545 = arith.subf %min3A_1540, %max3A_1544 : vector<16xf32>
          %jit3A_1546 = arith.constant 0.000000e+00 : f32
          %max3A_1547 = vector.broadcast %jit3A_1546 : f32 to vector<16xf32>
          %max3A_1548 = arith.maximumf %max3A_1547, %sub3A_1545 : vector<16xf32>
          %slice3A_1549 = vector.extract_strided_slice %get3A_538 {offsets = [13], sizes = [1], strides = [1]} : vector<16xf32> to vector<1xf32>
          %squeeze3A_1550 = vector.extract %slice3A_1549[0] : f32 from vector<1xf32>
          %min3A_1551 = vector.broadcast %squeeze3A_1550 : f32 to vector<16xf32>
          %min3A_1552 = arith.minimumf %min3A_1551, %get3A_538 : vector<16xf32>
          %slice3A_1553 = vector.extract_strided_slice %get3A_532 {offsets = [13], sizes = [1], strides = [1]} : vector<16xf32> to vector<1xf32>
          %squeeze3A_1554 = vector.extract %slice3A_1553[0] : f32 from vector<1xf32>
          %max3A_1555 = vector.broadcast %squeeze3A_1554 : f32 to vector<16xf32>
          %max3A_1556 = arith.maximumf %max3A_1555, %get3A_532 : vector<16xf32>
          %sub3A_1557 = arith.subf %min3A_1552, %max3A_1556 : vector<16xf32>
          %jit3A_1558 = arith.constant 0.000000e+00 : f32
          %max3A_1559 = vector.broadcast %jit3A_1558 : f32 to vector<16xf32>
          %max3A_1560 = arith.maximumf %max3A_1559, %sub3A_1557 : vector<16xf32>
          %mul3A_1561 = arith.mulf %max3A_1548, %max3A_1560 : vector<16xf32>
          %slice3A_1562 = vector.extract_strided_slice %get3A_541 {offsets = [13], sizes = [1], strides = [1]} : vector<16xf32> to vector<1xf32>
          %squeeze3A_1563 = vector.extract %slice3A_1562[0] : f32 from vector<1xf32>
          %add3A_1564 = vector.broadcast %squeeze3A_1563 : f32 to vector<16xf32>
          %add3A_1565 = arith.addf %add3A_1564, %get3A_541 : vector<16xf32>
          %sub3A_1566 = arith.subf %add3A_1565, %mul3A_1561 : vector<16xf32>
          %add3A_1567 = arith.constant 9.99999971E-10 : f32
          %add3A_1568 = vector.broadcast %add3A_1567 : f32 to vector<16xf32>
          %add3A_1569 = arith.addf %sub3A_1566, %add3A_1568 : vector<16xf32>
          %div3A_1570 = arith.divf %mul3A_1561, %add3A_1569 : vector<16xf32>
          %gt3A_1571 = arith.constant 3.000000e-01 : f32
          %gt3A_1572 = vector.broadcast %gt3A_1571 : f32 to vector<16xf32>
          %gt3A_1573 = arith.cmpf ogt, %div3A_1570, %gt3A_1572 : vector<16xf32>
          %gt3A_1574 = arith.constant 13 : i32
          %gt3A_1575 = vector.broadcast %gt3A_1574 : i32 to vector<16xi32>
          %gt3A_1576 = arith.cmpi sgt, %iota3A, %gt3A_1575 : vector<16xi32>
          %and3A_1577 = arith.andi %gt3A_1573, %gt3A_1576 : vector<16xi1>
          %broadcast_in_dim3A_1578 = arith.constant 13 : i32
          %broadcast_in_dim3A_1579 = vector.broadcast %broadcast_in_dim3A_1578 : i32 to vector<16x1xi32>
          %gather3A_1580 = vector.shape_cast %broadcast_in_dim3A_1579 : vector<16x1xi32> to vector<16xi32>
          %gather3A_1581 = tpu.dynamic_gather %max3A_1513[%gather3A_1580] in [0] : vector<16xf32>, vector<16xi32> -> vector<16xf32>
          %slice3A_1582 = vector.extract_strided_slice %max3A_1513 {offsets = [13], sizes = [1], strides = [1]} : vector<16xf32> to vector<1xf32>
          %squeeze3A_1583 = vector.extract %slice3A_1582[0] : f32 from vector<1xf32>
          %sub3A_1584 = arith.constant 1.000000e+00 : f32
          %sub3A_1585 = vector.broadcast %sub3A_1584 : f32 to vector<16xf32>
          %sub3A_1586 = arith.subf %sub3A_1585, %gather3A_1581 : vector<16xf32>
          %jit3A_1587 = arith.constant 0.000000e+00 : f32
          %broadcast_in_dim3A_1588 = vector.broadcast %jit3A_1587 : f32 to vector<16xf32>
          %select_n3A_1589 = arith.select %and3A_1577, %sub3A_1586, %broadcast_in_dim3A_1588 : vector<16xi1>, vector<16xf32>
          %max3A_1590 = arith.maximumf %max3A_1513, %select_n3A_1589 : vector<16xf32>
          %eq3A_1591 = arith.constant 0.000000e+00 : f32
          %eq3A_1592 = arith.cmpf oeq, %squeeze3A_1583, %eq3A_1591 : f32
          %add3A_1593 = arith.constant 13 : i32
          %add3A_1594 = arith.addi %add3A, %add3A_1593 : i32
          %jit3A_1595 = arith.constant 5120 : i32
          %select_n3A_1596 = arith.select %eq3A_1592, %add3A_1594, %jit3A_1595 : i32
          %eq3A_1597 = arith.constant 0 : i32
          %eq3A_1598 = vector.broadcast %eq3A_1597 : i32 to vector<16xi32>
          %eq3A_1599 = arith.cmpi eq, %iota3A, %eq3A_1598 : vector<16xi32>
          %jit3A_1600 = arith.constant 5120 : i32
          %broadcast_in_dim3A_1601 = vector.broadcast %select_n3A_1596 : i32 to vector<16xi32>
          %broadcast_in_dim3A_1602 = vector.broadcast %jit3A_1600 : i32 to vector<16xi32>
          %select_n3A_1603 = arith.select %eq3A_1599, %broadcast_in_dim3A_1601, %broadcast_in_dim3A_1602 : vector<16xi1>, vector<16xi32>
          %swap3A_1604 = arith.index_cast %add3A_1536 : i32 to index
          %swap3A_1605 = tpu.vector_load %arg15[%swap3A_1604] {strides = array<i32>} : memref<368xi32, #tpu.memory_space<vmem>>, vector<16xi32>,
          %swap3A_1606 = vector.shape_cast %swap3A_1605 : vector<16xi32> to vector<16xi32>
          %swap3A_1607 = vector.shape_cast %select_n3A_1603 : vector<16xi32> to vector<16xi32>
          tpu.vector_store %arg15[%swap3A_1604], %swap3A_1607 {strides = array<i32>} : memref<368xi32, #tpu.memory_space<vmem>>, vector<16xi32>,
          %eq3A_1608 = arith.constant 0.000000e+00 : f32
          %eq3A_1609 = arith.cmpf oeq, %squeeze3A_1583, %eq3A_1608 : f32
          %jit3A_1610 = arith.constant 1 : i32
          %jit3A_1611 = arith.constant 0 : i32
          %select_n3A_1612 = arith.select %eq3A_1609, %jit3A_1610, %jit3A_1611 : i32
          %add3A_1613 = arith.addi %add3A_1536, %select_n3A_1612 : i32
          %slice3A_1614 = vector.extract_strided_slice %get3A_535 {offsets = [14], sizes = [1], strides = [1]} : vector<16xf32> to vector<1xf32>
          %squeeze3A_1615 = vector.extract %slice3A_1614[0] : f32 from vector<1xf32>
          %min3A_1616 = vector.broadcast %squeeze3A_1615 : f32 to vector<16xf32>
          %min3A_1617 = arith.minimumf %min3A_1616, %get3A_535 : vector<16xf32>
          %slice3A_1618 = vector.extract_strided_slice %get3A_529 {offsets = [14], sizes = [1], strides = [1]} : vector<16xf32> to vector<1xf32>
          %squeeze3A_1619 = vector.extract %slice3A_1618[0] : f32 from vector<1xf32>
          %max3A_1620 = vector.broadcast %squeeze3A_1619 : f32 to vector<16xf32>
          %max3A_1621 = arith.maximumf %max3A_1620, %get3A_529 : vector<16xf32>
          %sub3A_1622 = arith.subf %min3A_1617, %max3A_1621 : vector<16xf32>
          %jit3A_1623 = arith.constant 0.000000e+00 : f32
          %max3A_1624 = vector.broadcast %jit3A_1623 : f32 to vector<16xf32>
          %max3A_1625 = arith.maximumf %max3A_1624, %sub3A_1622 : vector<16xf32>
          %slice3A_1626 = vector.extract_strided_slice %get3A_538 {offsets = [14], sizes = [1], strides = [1]} : vector<16xf32> to vector<1xf32>
          %squeeze3A_1627 = vector.extract %slice3A_1626[0] : f32 from vector<1xf32>
          %min3A_1628 = vector.broadcast %squeeze3A_1627 : f32 to vector<16xf32>
          %min3A_1629 = arith.minimumf %min3A_1628, %get3A_538 : vector<16xf32>
          %slice3A_1630 = vector.extract_strided_slice %get3A_532 {offsets = [14], sizes = [1], strides = [1]} : vector<16xf32> to vector<1xf32>
          %squeeze3A_1631 = vector.extract %slice3A_1630[0] : f32 from vector<1xf32>
          %max3A_1632 = vector.broadcast %squeeze3A_1631 : f32 to vector<16xf32>
          %max3A_1633 = arith.maximumf %max3A_1632, %get3A_532 : vector<16xf32>
          %sub3A_1634 = arith.subf %min3A_1629, %max3A_1633 : vector<16xf32>
          %jit3A_1635 = arith.constant 0.000000e+00 : f32
          %max3A_1636 = vector.broadcast %jit3A_1635 : f32 to vector<16xf32>
          %max3A_1637 = arith.maximumf %max3A_1636, %sub3A_1634 : vector<16xf32>
          %mul3A_1638 = arith.mulf %max3A_1625, %max3A_1637 : vector<16xf32>
          %slice3A_1639 = vector.extract_strided_slice %get3A_541 {offsets = [14], sizes = [1], strides = [1]} : vector<16xf32> to vector<1xf32>
          %squeeze3A_1640 = vector.extract %slice3A_1639[0] : f32 from vector<1xf32>
          %add3A_1641 = vector.broadcast %squeeze3A_1640 : f32 to vector<16xf32>
          %add3A_1642 = arith.addf %add3A_1641, %get3A_541 : vector<16xf32>
          %sub3A_1643 = arith.subf %add3A_1642, %mul3A_1638 : vector<16xf32>
          %add3A_1644 = arith.constant 9.99999971E-10 : f32
          %add3A_1645 = vector.broadcast %add3A_1644 : f32 to vector<16xf32>
          %add3A_1646 = arith.addf %sub3A_1643, %add3A_1645 : vector<16xf32>
          %div3A_1647 = arith.divf %mul3A_1638, %add3A_1646 : vector<16xf32>
          %gt3A_1648 = arith.constant 3.000000e-01 : f32
          %gt3A_1649 = vector.broadcast %gt3A_1648 : f32 to vector<16xf32>
          %gt3A_1650 = arith.cmpf ogt, %div3A_1647, %gt3A_1649 : vector<16xf32>
          %gt3A_1651 = arith.constant 14 : i32
          %gt3A_1652 = vector.broadcast %gt3A_1651 : i32 to vector<16xi32>
          %gt3A_1653 = arith.cmpi sgt, %iota3A, %gt3A_1652 : vector<16xi32>
          %and3A_1654 = arith.andi %gt3A_1650, %gt3A_1653 : vector<16xi1>
          %broadcast_in_dim3A_1655 = arith.constant 14 : i32
          %broadcast_in_dim3A_1656 = vector.broadcast %broadcast_in_dim3A_1655 : i32 to vector<16x1xi32>
          %gather3A_1657 = vector.shape_cast %broadcast_in_dim3A_1656 : vector<16x1xi32> to vector<16xi32>
          %gather3A_1658 = tpu.dynamic_gather %max3A_1590[%gather3A_1657] in [0] : vector<16xf32>, vector<16xi32> -> vector<16xf32>
          %slice3A_1659 = vector.extract_strided_slice %max3A_1590 {offsets = [14], sizes = [1], strides = [1]} : vector<16xf32> to vector<1xf32>
          %squeeze3A_1660 = vector.extract %slice3A_1659[0] : f32 from vector<1xf32>
          %sub3A_1661 = arith.constant 1.000000e+00 : f32
          %sub3A_1662 = vector.broadcast %sub3A_1661 : f32 to vector<16xf32>
          %sub3A_1663 = arith.subf %sub3A_1662, %gather3A_1658 : vector<16xf32>
          %jit3A_1664 = arith.constant 0.000000e+00 : f32
          %broadcast_in_dim3A_1665 = vector.broadcast %jit3A_1664 : f32 to vector<16xf32>
          %select_n3A_1666 = arith.select %and3A_1654, %sub3A_1663, %broadcast_in_dim3A_1665 : vector<16xi1>, vector<16xf32>
          %max3A_1667 = arith.maximumf %max3A_1590, %select_n3A_1666 : vector<16xf32>
          %eq3A_1668 = arith.constant 0.000000e+00 : f32
          %eq3A_1669 = arith.cmpf oeq, %squeeze3A_1660, %eq3A_1668 : f32
          %add3A_1670 = arith.constant 14 : i32
          %add3A_1671 = arith.addi %add3A, %add3A_1670 : i32
          %jit3A_1672 = arith.constant 5120 : i32
          %select_n3A_1673 = arith.select %eq3A_1669, %add3A_1671, %jit3A_1672 : i32
          %eq3A_1674 = arith.constant 0 : i32
          %eq3A_1675 = vector.broadcast %eq3A_1674 : i32 to vector<16xi32>
          %eq3A_1676 = arith.cmpi eq, %iota3A, %eq3A_1675 : vector<16xi32>
          %jit3A_1677 = arith.constant 5120 : i32
          %broadcast_in_dim3A_1678 = vector.broadcast %select_n3A_1673 : i32 to vector<16xi32>
          %broadcast_in_dim3A_1679 = vector.broadcast %jit3A_1677 : i32 to vector<16xi32>
          %select_n3A_1680 = arith.select %eq3A_1676, %broadcast_in_dim3A_1678, %broadcast_in_dim3A_1679 : vector<16xi1>, vector<16xi32>
          %swap3A_1681 = arith.index_cast %add3A_1613 : i32 to index
          %swap3A_1682 = tpu.vector_load %arg15[%swap3A_1681] {strides = array<i32>} : memref<368xi32, #tpu.memory_space<vmem>>, vector<16xi32>,
          %swap3A_1683 = vector.shape_cast %swap3A_1682 : vector<16xi32> to vector<16xi32>
          %swap3A_1684 = vector.shape_cast %select_n3A_1680 : vector<16xi32> to vector<16xi32>
          tpu.vector_store %arg15[%swap3A_1681], %swap3A_1684 {strides = array<i32>} : memref<368xi32, #tpu.memory_space<vmem>>, vector<16xi32>,
          %eq3A_1685 = arith.constant 0.000000e+00 : f32
          %eq3A_1686 = arith.cmpf oeq, %squeeze3A_1660, %eq3A_1685 : f32
          %jit3A_1687 = arith.constant 1 : i32
          %jit3A_1688 = arith.constant 0 : i32
          %select_n3A_1689 = arith.select %eq3A_1686, %jit3A_1687, %jit3A_1688 : i32
          %add3A_1690 = arith.addi %add3A_1613, %select_n3A_1689 : i32
          %slice3A_1691 = vector.extract_strided_slice %get3A_535 {offsets = [15], sizes = [1], strides = [1]} : vector<16xf32> to vector<1xf32>
          %squeeze3A_1692 = vector.extract %slice3A_1691[0] : f32 from vector<1xf32>
          %min3A_1693 = vector.broadcast %squeeze3A_1692 : f32 to vector<16xf32>
          %min3A_1694 = arith.minimumf %min3A_1693, %get3A_535 : vector<16xf32>
          %slice3A_1695 = vector.extract_strided_slice %get3A_529 {offsets = [15], sizes = [1], strides = [1]} : vector<16xf32> to vector<1xf32>
          %squeeze3A_1696 = vector.extract %slice3A_1695[0] : f32 from vector<1xf32>
          %max3A_1697 = vector.broadcast %squeeze3A_1696 : f32 to vector<16xf32>
          %max3A_1698 = arith.maximumf %max3A_1697, %get3A_529 : vector<16xf32>
          %sub3A_1699 = arith.subf %min3A_1694, %max3A_1698 : vector<16xf32>
          %jit3A_1700 = arith.constant 0.000000e+00 : f32
          %max3A_1701 = vector.broadcast %jit3A_1700 : f32 to vector<16xf32>
          %max3A_1702 = arith.maximumf %max3A_1701, %sub3A_1699 : vector<16xf32>
          %slice3A_1703 = vector.extract_strided_slice %get3A_538 {offsets = [15], sizes = [1], strides = [1]} : vector<16xf32> to vector<1xf32>
          %squeeze3A_1704 = vector.extract %slice3A_1703[0] : f32 from vector<1xf32>
          %min3A_1705 = vector.broadcast %squeeze3A_1704 : f32 to vector<16xf32>
          %min3A_1706 = arith.minimumf %min3A_1705, %get3A_538 : vector<16xf32>
          %slice3A_1707 = vector.extract_strided_slice %get3A_532 {offsets = [15], sizes = [1], strides = [1]} : vector<16xf32> to vector<1xf32>
          %squeeze3A_1708 = vector.extract %slice3A_1707[0] : f32 from vector<1xf32>
          %max3A_1709 = vector.broadcast %squeeze3A_1708 : f32 to vector<16xf32>
          %max3A_1710 = arith.maximumf %max3A_1709, %get3A_532 : vector<16xf32>
          %sub3A_1711 = arith.subf %min3A_1706, %max3A_1710 : vector<16xf32>
          %jit3A_1712 = arith.constant 0.000000e+00 : f32
          %max3A_1713 = vector.broadcast %jit3A_1712 : f32 to vector<16xf32>
          %max3A_1714 = arith.maximumf %max3A_1713, %sub3A_1711 : vector<16xf32>
          %mul3A_1715 = arith.mulf %max3A_1702, %max3A_1714 : vector<16xf32>
          %slice3A_1716 = vector.extract_strided_slice %get3A_541 {offsets = [15], sizes = [1], strides = [1]} : vector<16xf32> to vector<1xf32>
          %squeeze3A_1717 = vector.extract %slice3A_1716[0] : f32 from vector<1xf32>
          %add3A_1718 = vector.broadcast %squeeze3A_1717 : f32 to vector<16xf32>
          %add3A_1719 = arith.addf %add3A_1718, %get3A_541 : vector<16xf32>
          %sub3A_1720 = arith.subf %add3A_1719, %mul3A_1715 : vector<16xf32>
          %add3A_1721 = arith.constant 9.99999971E-10 : f32
          %add3A_1722 = vector.broadcast %add3A_1721 : f32 to vector<16xf32>
          %add3A_1723 = arith.addf %sub3A_1720, %add3A_1722 : vector<16xf32>
          %div3A_1724 = arith.divf %mul3A_1715, %add3A_1723 : vector<16xf32>
          %gt3A_1725 = arith.constant 3.000000e-01 : f32
          %gt3A_1726 = vector.broadcast %gt3A_1725 : f32 to vector<16xf32>
          %gt3A_1727 = arith.cmpf ogt, %div3A_1724, %gt3A_1726 : vector<16xf32>
          %gt3A_1728 = arith.constant 15 : i32
          %gt3A_1729 = vector.broadcast %gt3A_1728 : i32 to vector<16xi32>
          %gt3A_1730 = arith.cmpi sgt, %iota3A, %gt3A_1729 : vector<16xi32>
          %and3A_1731 = arith.andi %gt3A_1727, %gt3A_1730 : vector<16xi1>
          %broadcast_in_dim3A_1732 = arith.constant 15 : i32
          %broadcast_in_dim3A_1733 = vector.broadcast %broadcast_in_dim3A_1732 : i32 to vector<16x1xi32>
          %gather3A_1734 = vector.shape_cast %broadcast_in_dim3A_1733 : vector<16x1xi32> to vector<16xi32>
          %gather3A_1735 = tpu.dynamic_gather %max3A_1667[%gather3A_1734] in [0] : vector<16xf32>, vector<16xi32> -> vector<16xf32>
          %slice3A_1736 = vector.extract_strided_slice %max3A_1667 {offsets = [15], sizes = [1], strides = [1]} : vector<16xf32> to vector<1xf32>
          %squeeze3A_1737 = vector.extract %slice3A_1736[0] : f32 from vector<1xf32>
          %sub3A_1738 = arith.constant 1.000000e+00 : f32
          %sub3A_1739 = vector.broadcast %sub3A_1738 : f32 to vector<16xf32>
          %sub3A_1740 = arith.subf %sub3A_1739, %gather3A_1735 : vector<16xf32>
          %jit3A_1741 = arith.constant 0.000000e+00 : f32
          %broadcast_in_dim3A_1742 = vector.broadcast %jit3A_1741 : f32 to vector<16xf32>
          %select_n3A_1743 = arith.select %and3A_1731, %sub3A_1740, %broadcast_in_dim3A_1742 : vector<16xi1>, vector<16xf32>
          %max3A_1744 = arith.maximumf %max3A_1667, %select_n3A_1743 : vector<16xf32>
          %eq3A_1745 = arith.constant 0.000000e+00 : f32
          %eq3A_1746 = arith.cmpf oeq, %squeeze3A_1737, %eq3A_1745 : f32
          %add3A_1747 = arith.constant 15 : i32
          %add3A_1748 = arith.addi %add3A, %add3A_1747 : i32
          %jit3A_1749 = arith.constant 5120 : i32
          %select_n3A_1750 = arith.select %eq3A_1746, %add3A_1748, %jit3A_1749 : i32
          %eq3A_1751 = arith.constant 0 : i32
          %eq3A_1752 = vector.broadcast %eq3A_1751 : i32 to vector<16xi32>
          %eq3A_1753 = arith.cmpi eq, %iota3A, %eq3A_1752 : vector<16xi32>
          %jit3A_1754 = arith.constant 5120 : i32
          %broadcast_in_dim3A_1755 = vector.broadcast %select_n3A_1750 : i32 to vector<16xi32>
          %broadcast_in_dim3A_1756 = vector.broadcast %jit3A_1754 : i32 to vector<16xi32>
          %select_n3A_1757 = arith.select %eq3A_1753, %broadcast_in_dim3A_1755, %broadcast_in_dim3A_1756 : vector<16xi1>, vector<16xi32>
          %swap3A_1758 = arith.index_cast %add3A_1690 : i32 to index
          %swap3A_1759 = tpu.vector_load %arg15[%swap3A_1758] {strides = array<i32>} : memref<368xi32, #tpu.memory_space<vmem>>, vector<16xi32>,
          %swap3A_1760 = vector.shape_cast %swap3A_1759 : vector<16xi32> to vector<16xi32>
          %swap3A_1761 = vector.shape_cast %select_n3A_1757 : vector<16xi32> to vector<16xi32>
          tpu.vector_store %arg15[%swap3A_1758], %swap3A_1761 {strides = array<i32>} : memref<368xi32, #tpu.memory_space<vmem>>, vector<16xi32>,
          %eq3A_1762 = arith.constant 0.000000e+00 : f32
          %eq3A_1763 = arith.cmpf oeq, %squeeze3A_1737, %eq3A_1762 : f32
          %jit3A_1764 = arith.constant 1 : i32
          %jit3A_1765 = arith.constant 0 : i32
          %select_n3A_1766 = arith.select %eq3A_1763, %jit3A_1764, %jit3A_1765 : i32
          %add3A_1767 = arith.addi %add3A_1690, %select_n3A_1766 : i32
          %swap3A_1768 = arith.index_cast %mul3A_526 : i32 to index
          %swap3A_1769 = tpu.vector_load %arg13[%swap3A_1768] {strides = array<i32>} : memref<336xf32, #tpu.memory_space<vmem>>, vector<16xf32>,
          %swap3A_1770 = vector.shape_cast %swap3A_1769 : vector<16xf32> to vector<16xf32>
          %swap3A_1771 = vector.shape_cast %max3A_1744 : vector<16xf32> to vector<16xf32>
          tpu.vector_store %arg13[%swap3A_1768], %swap3A_1771 {strides = array<i32>} : memref<336xf32, #tpu.memory_space<vmem>>, vector<16xf32>,
          %add3A_1772 = arith.constant 1 : i32
          %add3A_1773 = arith.addi %scan3A_523, %add3A_1772 : i32
          %sub3A_1774 = arith.subi %add3A_1767, %scan3A_524 : i32
          %add3A_1775 = arith.constant 7 : i32
          %add3A_1776 = arith.addi %sub3A_1774, %add3A_1775 : i32
          %jit3A_1777 = arith.constant 8 : i32
          %div3A_1778 = arith.divsi %add3A_1776, %jit3A_1777 : i32
          %sign3A = arith.constant 0 : i32
          %sign3A_1779 = arith.cmpi sgt, %add3A_1776, %sign3A : i32
          %sign3A_1780 = arith.extui %sign3A_1779 : i1 to i32
          %sign3A_1781 = arith.constant 0 : i32
          %sign3A_1782 = arith.cmpi slt, %add3A_1776, %sign3A_1781 : i32
          %sign3A_1783 = arith.extui %sign3A_1782 : i1 to i32
          %sign3A_1784 = arith.subi %sign3A_1780, %sign3A_1783 : i32
          %sign3A_1785 = arith.constant 0 : i32
          %sign3A_1786 = arith.cmpi sgt, %jit3A_1777, %sign3A_1785 : i32
          %sign3A_1787 = arith.extui %sign3A_1786 : i1 to i32
          %sign3A_1788 = arith.constant 0 : i32
          %sign3A_1789 = arith.cmpi slt, %jit3A_1777, %sign3A_1788 : i32
          %sign3A_1790 = arith.extui %sign3A_1789 : i1 to i32
          %sign3A_1791 = arith.subi %sign3A_1787, %sign3A_1790 : i32
          %ne3A = arith.cmpi ne, %sign3A_1784, %sign3A_1791 : i32
          %rem3A = arith.remsi %add3A_1776, %jit3A_1777 : i32
          %ne3A_1792 = arith.constant 0 : i32
          %ne3A_1793 = arith.cmpi ne, %rem3A, %ne3A_1792 : i32
          %and3A_1794 = arith.andi %ne3A, %ne3A_1793 : i1
          %sub3A_1795 = arith.constant 1 : i32
          %sub3A_1796 = arith.subi %div3A_1778, %sub3A_1795 : i32
          %select_n3A_1797 = arith.select %and3A_1794, %sub3A_1796, %div3A_1778 : i32
          %while3A = arith.constant 0 : i32
          %while3A_1798 = arith.constant 0 : i32
          %while3A_1799 = arith.subi %select_n3A_1797, %while3A : i32
          %while3A_1800 = arith.addi %while3A, %while3A_1799 : i32
          %while3A_1801 = arith.constant 1 : i32
          %while3A_1802 = arith.divsi %while3A_1799, %while3A_1801 : i32
          %while3A_1803 = arith.muli %while3A_1802, %while3A_1801 : i32
          %while3A_1804 = arith.addi %while3A, %while3A_1803 : i32
          %while3A_1805 = arith.constant 1 : i32
          %while3A_1806 = scf.for %while3A_1809 = %while3A to %while3A_1804 step %while3A_1805 iter_args(%while3A_1810 = %while3A_1798) -> (i32)  : i32 {
            %mul3A_1811 = arith.constant 8 : i32
            %mul3A_1812 = arith.muli %while3A_1809, %mul3A_1811 : i32
            %add3A_1813 = arith.addi %scan3A_524, %mul3A_1812 : i32
            %add3A_1814 = arith.constant 0 : i32
            %add3A_1815 = arith.addi %add3A_1813, %add3A_1814 : i32
            %get3A_1816 = arith.index_cast %add3A_1815 : i32 to index
            %get3A_1817 = tpu.vector_load %arg15[%get3A_1816] {strides = array<i32>} : memref<368xi32, #tpu.memory_space<vmem>>, vector<16xi32>,
            %get3A_1818 = vector.shape_cast %get3A_1817 : vector<16xi32> to vector<16xi32>
            %slice3A_1819 = vector.extract_strided_slice %get3A_1818 {offsets = [0], sizes = [1], strides = [1]} : vector<16xi32> to vector<1xi32>
            %squeeze3A_1820 = vector.extract %slice3A_1819[0] : i32 from vector<1xi32>
            %get3A_1821 = arith.index_cast %squeeze3A_1820 : i32 to index
            %get3A_1822 = tpu.vector_load %arg8[%get3A_1821] {strides = array<i32>} : memref<5136xf32, #tpu.memory_space<vmem>>, vector<16xf32>,
            %get3A_1823 = vector.shape_cast %get3A_1822 : vector<16xf32> to vector<16xf32>
            %slice3A_1824 = vector.extract_strided_slice %get3A_1823 {offsets = [0], sizes = [1], strides = [1]} : vector<16xf32> to vector<1xf32>
            %squeeze3A_1825 = vector.extract %slice3A_1824[0] : f32 from vector<1xf32>
            %get3A_1826 = arith.index_cast %squeeze3A_1820 : i32 to index
            %get3A_1827 = tpu.vector_load %arg9[%get3A_1826] {strides = array<i32>} : memref<5136xf32, #tpu.memory_space<vmem>>, vector<16xf32>,
            %get3A_1828 = vector.shape_cast %get3A_1827 : vector<16xf32> to vector<16xf32>
            %slice3A_1829 = vector.extract_strided_slice %get3A_1828 {offsets = [0], sizes = [1], strides = [1]} : vector<16xf32> to vector<1xf32>
            %squeeze3A_1830 = vector.extract %slice3A_1829[0] : f32 from vector<1xf32>
            %get3A_1831 = arith.index_cast %squeeze3A_1820 : i32 to index
            %get3A_1832 = tpu.vector_load %arg10[%get3A_1831] {strides = array<i32>} : memref<5136xf32, #tpu.memory_space<vmem>>, vector<16xf32>,
            %get3A_1833 = vector.shape_cast %get3A_1832 : vector<16xf32> to vector<16xf32>
            %slice3A_1834 = vector.extract_strided_slice %get3A_1833 {offsets = [0], sizes = [1], strides = [1]} : vector<16xf32> to vector<1xf32>
            %squeeze3A_1835 = vector.extract %slice3A_1834[0] : f32 from vector<1xf32>
            %get3A_1836 = arith.index_cast %squeeze3A_1820 : i32 to index
            %get3A_1837 = tpu.vector_load %arg11[%get3A_1836] {strides = array<i32>} : memref<5136xf32, #tpu.memory_space<vmem>>, vector<16xf32>,
            %get3A_1838 = vector.shape_cast %get3A_1837 : vector<16xf32> to vector<16xf32>
            %slice3A_1839 = vector.extract_strided_slice %get3A_1838 {offsets = [0], sizes = [1], strides = [1]} : vector<16xf32> to vector<1xf32>
            %squeeze3A_1840 = vector.extract %slice3A_1839[0] : f32 from vector<1xf32>
            %get3A_1841 = arith.index_cast %squeeze3A_1820 : i32 to index
            %get3A_1842 = tpu.vector_load %arg12[%get3A_1841] {strides = array<i32>} : memref<5136xf32, #tpu.memory_space<vmem>>, vector<16xf32>,
            %get3A_1843 = vector.shape_cast %get3A_1842 : vector<16xf32> to vector<16xf32>
            %slice3A_1844 = vector.extract_strided_slice %get3A_1843 {offsets = [0], sizes = [1], strides = [1]} : vector<16xf32> to vector<1xf32>
            %squeeze3A_1845 = vector.extract %slice3A_1844[0] : f32 from vector<1xf32>
            %add3A_1846 = arith.constant 1 : i32
            %add3A_1847 = arith.addi %add3A_1813, %add3A_1846 : i32
            %get3A_1848 = arith.index_cast %add3A_1847 : i32 to index
            %get3A_1849 = tpu.vector_load %arg15[%get3A_1848] {strides = array<i32>} : memref<368xi32, #tpu.memory_space<vmem>>, vector<16xi32>,
            %get3A_1850 = vector.shape_cast %get3A_1849 : vector<16xi32> to vector<16xi32>
            %slice3A_1851 = vector.extract_strided_slice %get3A_1850 {offsets = [0], sizes = [1], strides = [1]} : vector<16xi32> to vector<1xi32>
            %squeeze3A_1852 = vector.extract %slice3A_1851[0] : i32 from vector<1xi32>
            %get3A_1853 = arith.index_cast %squeeze3A_1852 : i32 to index
            %get3A_1854 = tpu.vector_load %arg8[%get3A_1853] {strides = array<i32>} : memref<5136xf32, #tpu.memory_space<vmem>>, vector<16xf32>,
            %get3A_1855 = vector.shape_cast %get3A_1854 : vector<16xf32> to vector<16xf32>
            %slice3A_1856 = vector.extract_strided_slice %get3A_1855 {offsets = [0], sizes = [1], strides = [1]} : vector<16xf32> to vector<1xf32>
            %squeeze3A_1857 = vector.extract %slice3A_1856[0] : f32 from vector<1xf32>
            %get3A_1858 = arith.index_cast %squeeze3A_1852 : i32 to index
            %get3A_1859 = tpu.vector_load %arg9[%get3A_1858] {strides = array<i32>} : memref<5136xf32, #tpu.memory_space<vmem>>, vector<16xf32>,
            %get3A_1860 = vector.shape_cast %get3A_1859 : vector<16xf32> to vector<16xf32>
            %slice3A_1861 = vector.extract_strided_slice %get3A_1860 {offsets = [0], sizes = [1], strides = [1]} : vector<16xf32> to vector<1xf32>
            %squeeze3A_1862 = vector.extract %slice3A_1861[0] : f32 from vector<1xf32>
            %get3A_1863 = arith.index_cast %squeeze3A_1852 : i32 to index
            %get3A_1864 = tpu.vector_load %arg10[%get3A_1863] {strides = array<i32>} : memref<5136xf32, #tpu.memory_space<vmem>>, vector<16xf32>,
            %get3A_1865 = vector.shape_cast %get3A_1864 : vector<16xf32> to vector<16xf32>
            %slice3A_1866 = vector.extract_strided_slice %get3A_1865 {offsets = [0], sizes = [1], strides = [1]} : vector<16xf32> to vector<1xf32>
            %squeeze3A_1867 = vector.extract %slice3A_1866[0] : f32 from vector<1xf32>
            %get3A_1868 = arith.index_cast %squeeze3A_1852 : i32 to index
            %get3A_1869 = tpu.vector_load %arg11[%get3A_1868] {strides = array<i32>} : memref<5136xf32, #tpu.memory_space<vmem>>, vector<16xf32>,
            %get3A_1870 = vector.shape_cast %get3A_1869 : vector<16xf32> to vector<16xf32>
            %slice3A_1871 = vector.extract_strided_slice %get3A_1870 {offsets = [0], sizes = [1], strides = [1]} : vector<16xf32> to vector<1xf32>
            %squeeze3A_1872 = vector.extract %slice3A_1871[0] : f32 from vector<1xf32>
            %get3A_1873 = arith.index_cast %squeeze3A_1852 : i32 to index
            %get3A_1874 = tpu.vector_load %arg12[%get3A_1873] {strides = array<i32>} : memref<5136xf32, #tpu.memory_space<vmem>>, vector<16xf32>,
            %get3A_1875 = vector.shape_cast %get3A_1874 : vector<16xf32> to vector<16xf32>
            %slice3A_1876 = vector.extract_strided_slice %get3A_1875 {offsets = [0], sizes = [1], strides = [1]} : vector<16xf32> to vector<1xf32>
            %squeeze3A_1877 = vector.extract %slice3A_1876[0] : f32 from vector<1xf32>
            %add3A_1878 = arith.constant 2 : i32
            %add3A_1879 = arith.addi %add3A_1813, %add3A_1878 : i32
            %get3A_1880 = arith.index_cast %add3A_1879 : i32 to index
            %get3A_1881 = tpu.vector_load %arg15[%get3A_1880] {strides = array<i32>} : memref<368xi32, #tpu.memory_space<vmem>>, vector<16xi32>,
            %get3A_1882 = vector.shape_cast %get3A_1881 : vector<16xi32> to vector<16xi32>
            %slice3A_1883 = vector.extract_strided_slice %get3A_1882 {offsets = [0], sizes = [1], strides = [1]} : vector<16xi32> to vector<1xi32>
            %squeeze3A_1884 = vector.extract %slice3A_1883[0] : i32 from vector<1xi32>
            %get3A_1885 = arith.index_cast %squeeze3A_1884 : i32 to index
            %get3A_1886 = tpu.vector_load %arg8[%get3A_1885] {strides = array<i32>} : memref<5136xf32, #tpu.memory_space<vmem>>, vector<16xf32>,
            %get3A_1887 = vector.shape_cast %get3A_1886 : vector<16xf32> to vector<16xf32>
            %slice3A_1888 = vector.extract_strided_slice %get3A_1887 {offsets = [0], sizes = [1], strides = [1]} : vector<16xf32> to vector<1xf32>
            %squeeze3A_1889 = vector.extract %slice3A_1888[0] : f32 from vector<1xf32>
            %get3A_1890 = arith.index_cast %squeeze3A_1884 : i32 to index
            %get3A_1891 = tpu.vector_load %arg9[%get3A_1890] {strides = array<i32>} : memref<5136xf32, #tpu.memory_space<vmem>>, vector<16xf32>,
            %get3A_1892 = vector.shape_cast %get3A_1891 : vector<16xf32> to vector<16xf32>
            %slice3A_1893 = vector.extract_strided_slice %get3A_1892 {offsets = [0], sizes = [1], strides = [1]} : vector<16xf32> to vector<1xf32>
            %squeeze3A_1894 = vector.extract %slice3A_1893[0] : f32 from vector<1xf32>
            %get3A_1895 = arith.index_cast %squeeze3A_1884 : i32 to index
            %get3A_1896 = tpu.vector_load %arg10[%get3A_1895] {strides = array<i32>} : memref<5136xf32, #tpu.memory_space<vmem>>, vector<16xf32>,
            %get3A_1897 = vector.shape_cast %get3A_1896 : vector<16xf32> to vector<16xf32>
            %slice3A_1898 = vector.extract_strided_slice %get3A_1897 {offsets = [0], sizes = [1], strides = [1]} : vector<16xf32> to vector<1xf32>
            %squeeze3A_1899 = vector.extract %slice3A_1898[0] : f32 from vector<1xf32>
            %get3A_1900 = arith.index_cast %squeeze3A_1884 : i32 to index
            %get3A_1901 = tpu.vector_load %arg11[%get3A_1900] {strides = array<i32>} : memref<5136xf32, #tpu.memory_space<vmem>>, vector<16xf32>,
            %get3A_1902 = vector.shape_cast %get3A_1901 : vector<16xf32> to vector<16xf32>
            %slice3A_1903 = vector.extract_strided_slice %get3A_1902 {offsets = [0], sizes = [1], strides = [1]} : vector<16xf32> to vector<1xf32>
            %squeeze3A_1904 = vector.extract %slice3A_1903[0] : f32 from vector<1xf32>
            %get3A_1905 = arith.index_cast %squeeze3A_1884 : i32 to index
            %get3A_1906 = tpu.vector_load %arg12[%get3A_1905] {strides = array<i32>} : memref<5136xf32, #tpu.memory_space<vmem>>, vector<16xf32>,
            %get3A_1907 = vector.shape_cast %get3A_1906 : vector<16xf32> to vector<16xf32>
            %slice3A_1908 = vector.extract_strided_slice %get3A_1907 {offsets = [0], sizes = [1], strides = [1]} : vector<16xf32> to vector<1xf32>
            %squeeze3A_1909 = vector.extract %slice3A_1908[0] : f32 from vector<1xf32>
            %add3A_1910 = arith.constant 3 : i32
            %add3A_1911 = arith.addi %add3A_1813, %add3A_1910 : i32
            %get3A_1912 = arith.index_cast %add3A_1911 : i32 to index
            %get3A_1913 = tpu.vector_load %arg15[%get3A_1912] {strides = array<i32>} : memref<368xi32, #tpu.memory_space<vmem>>, vector<16xi32>,
            %get3A_1914 = vector.shape_cast %get3A_1913 : vector<16xi32> to vector<16xi32>
            %slice3A_1915 = vector.extract_strided_slice %get3A_1914 {offsets = [0], sizes = [1], strides = [1]} : vector<16xi32> to vector<1xi32>
            %squeeze3A_1916 = vector.extract %slice3A_1915[0] : i32 from vector<1xi32>
            %get3A_1917 = arith.index_cast %squeeze3A_1916 : i32 to index
            %get3A_1918 = tpu.vector_load %arg8[%get3A_1917] {strides = array<i32>} : memref<5136xf32, #tpu.memory_space<vmem>>, vector<16xf32>,
            %get3A_1919 = vector.shape_cast %get3A_1918 : vector<16xf32> to vector<16xf32>
            %slice3A_1920 = vector.extract_strided_slice %get3A_1919 {offsets = [0], sizes = [1], strides = [1]} : vector<16xf32> to vector<1xf32>
            %squeeze3A_1921 = vector.extract %slice3A_1920[0] : f32 from vector<1xf32>
            %get3A_1922 = arith.index_cast %squeeze3A_1916 : i32 to index
            %get3A_1923 = tpu.vector_load %arg9[%get3A_1922] {strides = array<i32>} : memref<5136xf32, #tpu.memory_space<vmem>>, vector<16xf32>,
            %get3A_1924 = vector.shape_cast %get3A_1923 : vector<16xf32> to vector<16xf32>
            %slice3A_1925 = vector.extract_strided_slice %get3A_1924 {offsets = [0], sizes = [1], strides = [1]} : vector<16xf32> to vector<1xf32>
            %squeeze3A_1926 = vector.extract %slice3A_1925[0] : f32 from vector<1xf32>
            %get3A_1927 = arith.index_cast %squeeze3A_1916 : i32 to index
            %get3A_1928 = tpu.vector_load %arg10[%get3A_1927] {strides = array<i32>} : memref<5136xf32, #tpu.memory_space<vmem>>, vector<16xf32>,
            %get3A_1929 = vector.shape_cast %get3A_1928 : vector<16xf32> to vector<16xf32>
            %slice3A_1930 = vector.extract_strided_slice %get3A_1929 {offsets = [0], sizes = [1], strides = [1]} : vector<16xf32> to vector<1xf32>
            %squeeze3A_1931 = vector.extract %slice3A_1930[0] : f32 from vector<1xf32>
            %get3A_1932 = arith.index_cast %squeeze3A_1916 : i32 to index
            %get3A_1933 = tpu.vector_load %arg11[%get3A_1932] {strides = array<i32>} : memref<5136xf32, #tpu.memory_space<vmem>>, vector<16xf32>,
            %get3A_1934 = vector.shape_cast %get3A_1933 : vector<16xf32> to vector<16xf32>
            %slice3A_1935 = vector.extract_strided_slice %get3A_1934 {offsets = [0], sizes = [1], strides = [1]} : vector<16xf32> to vector<1xf32>
            %squeeze3A_1936 = vector.extract %slice3A_1935[0] : f32 from vector<1xf32>
            %get3A_1937 = arith.index_cast %squeeze3A_1916 : i32 to index
            %get3A_1938 = tpu.vector_load %arg12[%get3A_1937] {strides = array<i32>} : memref<5136xf32, #tpu.memory_space<vmem>>, vector<16xf32>,
            %get3A_1939 = vector.shape_cast %get3A_1938 : vector<16xf32> to vector<16xf32>
            %slice3A_1940 = vector.extract_strided_slice %get3A_1939 {offsets = [0], sizes = [1], strides = [1]} : vector<16xf32> to vector<1xf32>
            %squeeze3A_1941 = vector.extract %slice3A_1940[0] : f32 from vector<1xf32>
            %add3A_1942 = arith.constant 4 : i32
            %add3A_1943 = arith.addi %add3A_1813, %add3A_1942 : i32
            %get3A_1944 = arith.index_cast %add3A_1943 : i32 to index
            %get3A_1945 = tpu.vector_load %arg15[%get3A_1944] {strides = array<i32>} : memref<368xi32, #tpu.memory_space<vmem>>, vector<16xi32>,
            %get3A_1946 = vector.shape_cast %get3A_1945 : vector<16xi32> to vector<16xi32>
            %slice3A_1947 = vector.extract_strided_slice %get3A_1946 {offsets = [0], sizes = [1], strides = [1]} : vector<16xi32> to vector<1xi32>
            %squeeze3A_1948 = vector.extract %slice3A_1947[0] : i32 from vector<1xi32>
            %get3A_1949 = arith.index_cast %squeeze3A_1948 : i32 to index
            %get3A_1950 = tpu.vector_load %arg8[%get3A_1949] {strides = array<i32>} : memref<5136xf32, #tpu.memory_space<vmem>>, vector<16xf32>,
            %get3A_1951 = vector.shape_cast %get3A_1950 : vector<16xf32> to vector<16xf32>
            %slice3A_1952 = vector.extract_strided_slice %get3A_1951 {offsets = [0], sizes = [1], strides = [1]} : vector<16xf32> to vector<1xf32>
            %squeeze3A_1953 = vector.extract %slice3A_1952[0] : f32 from vector<1xf32>
            %get3A_1954 = arith.index_cast %squeeze3A_1948 : i32 to index
            %get3A_1955 = tpu.vector_load %arg9[%get3A_1954] {strides = array<i32>} : memref<5136xf32, #tpu.memory_space<vmem>>, vector<16xf32>,
            %get3A_1956 = vector.shape_cast %get3A_1955 : vector<16xf32> to vector<16xf32>
            %slice3A_1957 = vector.extract_strided_slice %get3A_1956 {offsets = [0], sizes = [1], strides = [1]} : vector<16xf32> to vector<1xf32>
            %squeeze3A_1958 = vector.extract %slice3A_1957[0] : f32 from vector<1xf32>
            %get3A_1959 = arith.index_cast %squeeze3A_1948 : i32 to index
            %get3A_1960 = tpu.vector_load %arg10[%get3A_1959] {strides = array<i32>} : memref<5136xf32, #tpu.memory_space<vmem>>, vector<16xf32>,
            %get3A_1961 = vector.shape_cast %get3A_1960 : vector<16xf32> to vector<16xf32>
            %slice3A_1962 = vector.extract_strided_slice %get3A_1961 {offsets = [0], sizes = [1], strides = [1]} : vector<16xf32> to vector<1xf32>
            %squeeze3A_1963 = vector.extract %slice3A_1962[0] : f32 from vector<1xf32>
            %get3A_1964 = arith.index_cast %squeeze3A_1948 : i32 to index
            %get3A_1965 = tpu.vector_load %arg11[%get3A_1964] {strides = array<i32>} : memref<5136xf32, #tpu.memory_space<vmem>>, vector<16xf32>,
            %get3A_1966 = vector.shape_cast %get3A_1965 : vector<16xf32> to vector<16xf32>
            %slice3A_1967 = vector.extract_strided_slice %get3A_1966 {offsets = [0], sizes = [1], strides = [1]} : vector<16xf32> to vector<1xf32>
            %squeeze3A_1968 = vector.extract %slice3A_1967[0] : f32 from vector<1xf32>
            %get3A_1969 = arith.index_cast %squeeze3A_1948 : i32 to index
            %get3A_1970 = tpu.vector_load %arg12[%get3A_1969] {strides = array<i32>} : memref<5136xf32, #tpu.memory_space<vmem>>, vector<16xf32>,
            %get3A_1971 = vector.shape_cast %get3A_1970 : vector<16xf32> to vector<16xf32>
            %slice3A_1972 = vector.extract_strided_slice %get3A_1971 {offsets = [0], sizes = [1], strides = [1]} : vector<16xf32> to vector<1xf32>
            %squeeze3A_1973 = vector.extract %slice3A_1972[0] : f32 from vector<1xf32>
            %add3A_1974 = arith.constant 5 : i32
            %add3A_1975 = arith.addi %add3A_1813, %add3A_1974 : i32
            %get3A_1976 = arith.index_cast %add3A_1975 : i32 to index
            %get3A_1977 = tpu.vector_load %arg15[%get3A_1976] {strides = array<i32>} : memref<368xi32, #tpu.memory_space<vmem>>, vector<16xi32>,
            %get3A_1978 = vector.shape_cast %get3A_1977 : vector<16xi32> to vector<16xi32>
            %slice3A_1979 = vector.extract_strided_slice %get3A_1978 {offsets = [0], sizes = [1], strides = [1]} : vector<16xi32> to vector<1xi32>
            %squeeze3A_1980 = vector.extract %slice3A_1979[0] : i32 from vector<1xi32>
            %get3A_1981 = arith.index_cast %squeeze3A_1980 : i32 to index
            %get3A_1982 = tpu.vector_load %arg8[%get3A_1981] {strides = array<i32>} : memref<5136xf32, #tpu.memory_space<vmem>>, vector<16xf32>,
            %get3A_1983 = vector.shape_cast %get3A_1982 : vector<16xf32> to vector<16xf32>
            %slice3A_1984 = vector.extract_strided_slice %get3A_1983 {offsets = [0], sizes = [1], strides = [1]} : vector<16xf32> to vector<1xf32>
            %squeeze3A_1985 = vector.extract %slice3A_1984[0] : f32 from vector<1xf32>
            %get3A_1986 = arith.index_cast %squeeze3A_1980 : i32 to index
            %get3A_1987 = tpu.vector_load %arg9[%get3A_1986] {strides = array<i32>} : memref<5136xf32, #tpu.memory_space<vmem>>, vector<16xf32>,
            %get3A_1988 = vector.shape_cast %get3A_1987 : vector<16xf32> to vector<16xf32>
            %slice3A_1989 = vector.extract_strided_slice %get3A_1988 {offsets = [0], sizes = [1], strides = [1]} : vector<16xf32> to vector<1xf32>
            %squeeze3A_1990 = vector.extract %slice3A_1989[0] : f32 from vector<1xf32>
            %get3A_1991 = arith.index_cast %squeeze3A_1980 : i32 to index
            %get3A_1992 = tpu.vector_load %arg10[%get3A_1991] {strides = array<i32>} : memref<5136xf32, #tpu.memory_space<vmem>>, vector<16xf32>,
            %get3A_1993 = vector.shape_cast %get3A_1992 : vector<16xf32> to vector<16xf32>
            %slice3A_1994 = vector.extract_strided_slice %get3A_1993 {offsets = [0], sizes = [1], strides = [1]} : vector<16xf32> to vector<1xf32>
            %squeeze3A_1995 = vector.extract %slice3A_1994[0] : f32 from vector<1xf32>
            %get3A_1996 = arith.index_cast %squeeze3A_1980 : i32 to index
            %get3A_1997 = tpu.vector_load %arg11[%get3A_1996] {strides = array<i32>} : memref<5136xf32, #tpu.memory_space<vmem>>, vector<16xf32>,
            %get3A_1998 = vector.shape_cast %get3A_1997 : vector<16xf32> to vector<16xf32>
            %slice3A_1999 = vector.extract_strided_slice %get3A_1998 {offsets = [0], sizes = [1], strides = [1]} : vector<16xf32> to vector<1xf32>
            %squeeze3A_2000 = vector.extract %slice3A_1999[0] : f32 from vector<1xf32>
            %get3A_2001 = arith.index_cast %squeeze3A_1980 : i32 to index
            %get3A_2002 = tpu.vector_load %arg12[%get3A_2001] {strides = array<i32>} : memref<5136xf32, #tpu.memory_space<vmem>>, vector<16xf32>,
            %get3A_2003 = vector.shape_cast %get3A_2002 : vector<16xf32> to vector<16xf32>
            %slice3A_2004 = vector.extract_strided_slice %get3A_2003 {offsets = [0], sizes = [1], strides = [1]} : vector<16xf32> to vector<1xf32>
            %squeeze3A_2005 = vector.extract %slice3A_2004[0] : f32 from vector<1xf32>
            %add3A_2006 = arith.constant 6 : i32
            %add3A_2007 = arith.addi %add3A_1813, %add3A_2006 : i32
            %get3A_2008 = arith.index_cast %add3A_2007 : i32 to index
            %get3A_2009 = tpu.vector_load %arg15[%get3A_2008] {strides = array<i32>} : memref<368xi32, #tpu.memory_space<vmem>>, vector<16xi32>,
            %get3A_2010 = vector.shape_cast %get3A_2009 : vector<16xi32> to vector<16xi32>
            %slice3A_2011 = vector.extract_strided_slice %get3A_2010 {offsets = [0], sizes = [1], strides = [1]} : vector<16xi32> to vector<1xi32>
            %squeeze3A_2012 = vector.extract %slice3A_2011[0] : i32 from vector<1xi32>
            %get3A_2013 = arith.index_cast %squeeze3A_2012 : i32 to index
            %get3A_2014 = tpu.vector_load %arg8[%get3A_2013] {strides = array<i32>} : memref<5136xf32, #tpu.memory_space<vmem>>, vector<16xf32>,
            %get3A_2015 = vector.shape_cast %get3A_2014 : vector<16xf32> to vector<16xf32>
            %slice3A_2016 = vector.extract_strided_slice %get3A_2015 {offsets = [0], sizes = [1], strides = [1]} : vector<16xf32> to vector<1xf32>
            %squeeze3A_2017 = vector.extract %slice3A_2016[0] : f32 from vector<1xf32>
            %get3A_2018 = arith.index_cast %squeeze3A_2012 : i32 to index
            %get3A_2019 = tpu.vector_load %arg9[%get3A_2018] {strides = array<i32>} : memref<5136xf32, #tpu.memory_space<vmem>>, vector<16xf32>,
            %get3A_2020 = vector.shape_cast %get3A_2019 : vector<16xf32> to vector<16xf32>
            %slice3A_2021 = vector.extract_strided_slice %get3A_2020 {offsets = [0], sizes = [1], strides = [1]} : vector<16xf32> to vector<1xf32>
            %squeeze3A_2022 = vector.extract %slice3A_2021[0] : f32 from vector<1xf32>
            %get3A_2023 = arith.index_cast %squeeze3A_2012 : i32 to index
            %get3A_2024 = tpu.vector_load %arg10[%get3A_2023] {strides = array<i32>} : memref<5136xf32, #tpu.memory_space<vmem>>, vector<16xf32>,
            %get3A_2025 = vector.shape_cast %get3A_2024 : vector<16xf32> to vector<16xf32>
            %slice3A_2026 = vector.extract_strided_slice %get3A_2025 {offsets = [0], sizes = [1], strides = [1]} : vector<16xf32> to vector<1xf32>
            %squeeze3A_2027 = vector.extract %slice3A_2026[0] : f32 from vector<1xf32>
            %get3A_2028 = arith.index_cast %squeeze3A_2012 : i32 to index
            %get3A_2029 = tpu.vector_load %arg11[%get3A_2028] {strides = array<i32>} : memref<5136xf32, #tpu.memory_space<vmem>>, vector<16xf32>,
            %get3A_2030 = vector.shape_cast %get3A_2029 : vector<16xf32> to vector<16xf32>
            %slice3A_2031 = vector.extract_strided_slice %get3A_2030 {offsets = [0], sizes = [1], strides = [1]} : vector<16xf32> to vector<1xf32>
            %squeeze3A_2032 = vector.extract %slice3A_2031[0] : f32 from vector<1xf32>
            %get3A_2033 = arith.index_cast %squeeze3A_2012 : i32 to index
            %get3A_2034 = tpu.vector_load %arg12[%get3A_2033] {strides = array<i32>} : memref<5136xf32, #tpu.memory_space<vmem>>, vector<16xf32>,
            %get3A_2035 = vector.shape_cast %get3A_2034 : vector<16xf32> to vector<16xf32>
            %slice3A_2036 = vector.extract_strided_slice %get3A_2035 {offsets = [0], sizes = [1], strides = [1]} : vector<16xf32> to vector<1xf32>
            %squeeze3A_2037 = vector.extract %slice3A_2036[0] : f32 from vector<1xf32>
            %add3A_2038 = arith.constant 7 : i32
            %add3A_2039 = arith.addi %add3A_1813, %add3A_2038 : i32
            %get3A_2040 = arith.index_cast %add3A_2039 : i32 to index
            %get3A_2041 = tpu.vector_load %arg15[%get3A_2040] {strides = array<i32>} : memref<368xi32, #tpu.memory_space<vmem>>, vector<16xi32>,
            %get3A_2042 = vector.shape_cast %get3A_2041 : vector<16xi32> to vector<16xi32>
            %slice3A_2043 = vector.extract_strided_slice %get3A_2042 {offsets = [0], sizes = [1], strides = [1]} : vector<16xi32> to vector<1xi32>
            %squeeze3A_2044 = vector.extract %slice3A_2043[0] : i32 from vector<1xi32>
            %get3A_2045 = arith.index_cast %squeeze3A_2044 : i32 to index
            %get3A_2046 = tpu.vector_load %arg8[%get3A_2045] {strides = array<i32>} : memref<5136xf32, #tpu.memory_space<vmem>>, vector<16xf32>,
            %get3A_2047 = vector.shape_cast %get3A_2046 : vector<16xf32> to vector<16xf32>
            %slice3A_2048 = vector.extract_strided_slice %get3A_2047 {offsets = [0], sizes = [1], strides = [1]} : vector<16xf32> to vector<1xf32>
            %squeeze3A_2049 = vector.extract %slice3A_2048[0] : f32 from vector<1xf32>
            %get3A_2050 = arith.index_cast %squeeze3A_2044 : i32 to index
            %get3A_2051 = tpu.vector_load %arg9[%get3A_2050] {strides = array<i32>} : memref<5136xf32, #tpu.memory_space<vmem>>, vector<16xf32>,
            %get3A_2052 = vector.shape_cast %get3A_2051 : vector<16xf32> to vector<16xf32>
            %slice3A_2053 = vector.extract_strided_slice %get3A_2052 {offsets = [0], sizes = [1], strides = [1]} : vector<16xf32> to vector<1xf32>
            %squeeze3A_2054 = vector.extract %slice3A_2053[0] : f32 from vector<1xf32>
            %get3A_2055 = arith.index_cast %squeeze3A_2044 : i32 to index
            %get3A_2056 = tpu.vector_load %arg10[%get3A_2055] {strides = array<i32>} : memref<5136xf32, #tpu.memory_space<vmem>>, vector<16xf32>,
            %get3A_2057 = vector.shape_cast %get3A_2056 : vector<16xf32> to vector<16xf32>
            %slice3A_2058 = vector.extract_strided_slice %get3A_2057 {offsets = [0], sizes = [1], strides = [1]} : vector<16xf32> to vector<1xf32>
            %squeeze3A_2059 = vector.extract %slice3A_2058[0] : f32 from vector<1xf32>
            %get3A_2060 = arith.index_cast %squeeze3A_2044 : i32 to index
            %get3A_2061 = tpu.vector_load %arg11[%get3A_2060] {strides = array<i32>} : memref<5136xf32, #tpu.memory_space<vmem>>, vector<16xf32>,
            %get3A_2062 = vector.shape_cast %get3A_2061 : vector<16xf32> to vector<16xf32>
            %slice3A_2063 = vector.extract_strided_slice %get3A_2062 {offsets = [0], sizes = [1], strides = [1]} : vector<16xf32> to vector<1xf32>
            %squeeze3A_2064 = vector.extract %slice3A_2063[0] : f32 from vector<1xf32>
            %get3A_2065 = arith.index_cast %squeeze3A_2044 : i32 to index
            %get3A_2066 = tpu.vector_load %arg12[%get3A_2065] {strides = array<i32>} : memref<5136xf32, #tpu.memory_space<vmem>>, vector<16xf32>,
            %get3A_2067 = vector.shape_cast %get3A_2066 : vector<16xf32> to vector<16xf32>
            %slice3A_2068 = vector.extract_strided_slice %get3A_2067 {offsets = [0], sizes = [1], strides = [1]} : vector<16xf32> to vector<1xf32>
            %squeeze3A_2069 = vector.extract %slice3A_2068[0] : f32 from vector<1xf32>
            %while3A_2070 = arith.constant 20 : i32
            %while3A_2071 = arith.constant 0 : i32
            %while3A_2072 = arith.subi %while3A_2070, %add3A_1773 : i32
            %while3A_2073 = arith.addi %add3A_1773, %while3A_2072 : i32
            %while3A_2074 = arith.constant 1 : i32
            %while3A_2075 = arith.divsi %while3A_2072, %while3A_2074 : i32
            %while3A_2076 = arith.muli %while3A_2075, %while3A_2074 : i32
            %while3A_2077 = arith.addi %add3A_1773, %while3A_2076 : i32
            %while3A_2078 = arith.constant 1 : i32
            %while3A_2079 = scf.for %while3A_2083 = %add3A_1773 to %while3A_2077 step %while3A_2078 iter_args(%while3A_2084 = %while3A_2071) -> (i32)  : i32 {
              %mul3A_2085 = arith.constant 16 : i32
              %mul3A_2086 = arith.muli %while3A_2083, %mul3A_2085 : i32
              %add3A_2087 = arith.addi %mul3A_0, %mul3A_2086 : i32
              %get3A_2088 = arith.index_cast %add3A_2087 : i32 to index
              %get3A_2089 = tpu.vector_load %arg8[%get3A_2088] {strides = array<i32>} : memref<5136xf32, #tpu.memory_space<vmem>>, vector<16xf32>,
              %get3A_2090 = vector.shape_cast %get3A_2089 : vector<16xf32> to vector<16xf32>
              %add3A_2091 = arith.addi %mul3A_0, %mul3A_2086 : i32
              %get3A_2092 = arith.index_cast %add3A_2091 : i32 to index
              %get3A_2093 = tpu.vector_load %arg9[%get3A_2092] {strides = array<i32>} : memref<5136xf32, #tpu.memory_space<vmem>>, vector<16xf32>,
              %get3A_2094 = vector.shape_cast %get3A_2093 : vector<16xf32> to vector<16xf32>
              %add3A_2095 = arith.addi %mul3A_0, %mul3A_2086 : i32
              %get3A_2096 = arith.index_cast %add3A_2095 : i32 to index
              %get3A_2097 = tpu.vector_load %arg10[%get3A_2096] {strides = array<i32>} : memref<5136xf32, #tpu.memory_space<vmem>>, vector<16xf32>,
              %get3A_2098 = vector.shape_cast %get3A_2097 : vector<16xf32> to vector<16xf32>
              %add3A_2099 = arith.addi %mul3A_0, %mul3A_2086 : i32
              %get3A_2100 = arith.index_cast %add3A_2099 : i32 to index
              %get3A_2101 = tpu.vector_load %arg11[%get3A_2100] {strides = array<i32>} : memref<5136xf32, #tpu.memory_space<vmem>>, vector<16xf32>,
              %get3A_2102 = vector.shape_cast %get3A_2101 : vector<16xf32> to vector<16xf32>
              %add3A_2103 = arith.addi %mul3A_0, %mul3A_2086 : i32
              %get3A_2104 = arith.index_cast %add3A_2103 : i32 to index
              %get3A_2105 = tpu.vector_load %arg12[%get3A_2104] {strides = array<i32>} : memref<5136xf32, #tpu.memory_space<vmem>>, vector<16xf32>,
              %get3A_2106 = vector.shape_cast %get3A_2105 : vector<16xf32> to vector<16xf32>
              %get3A_2107 = arith.index_cast %mul3A_2086 : i32 to index
              %get3A_2108 = tpu.vector_load %arg13[%get3A_2107] {strides = array<i32>} : memref<336xf32, #tpu.memory_space<vmem>>, vector<16xf32>,
              %get3A_2109 = vector.shape_cast %get3A_2108 : vector<16xf32> to vector<16xf32>
              %min3A_2110 = vector.broadcast %squeeze3A_1835 : f32 to vector<16xf32>
              %min3A_2111 = arith.minimumf %min3A_2110, %get3A_2098 : vector<16xf32>
              %max3A_2112 = vector.broadcast %squeeze3A_1825 : f32 to vector<16xf32>
              %max3A_2113 = arith.maximumf %max3A_2112, %get3A_2090 : vector<16xf32>
              %sub3A_2114 = arith.subf %min3A_2111, %max3A_2113 : vector<16xf32>
              %jit3A_2115 = arith.constant 0.000000e+00 : f32
              %max3A_2116 = vector.broadcast %jit3A_2115 : f32 to vector<16xf32>
              %max3A_2117 = arith.maximumf %max3A_2116, %sub3A_2114 : vector<16xf32>
              %min3A_2118 = vector.broadcast %squeeze3A_1840 : f32 to vector<16xf32>
              %min3A_2119 = arith.minimumf %min3A_2118, %get3A_2102 : vector<16xf32>
              %max3A_2120 = vector.broadcast %squeeze3A_1830 : f32 to vector<16xf32>
              %max3A_2121 = arith.maximumf %max3A_2120, %get3A_2094 : vector<16xf32>
              %sub3A_2122 = arith.subf %min3A_2119, %max3A_2121 : vector<16xf32>
              %jit3A_2123 = arith.constant 0.000000e+00 : f32
              %max3A_2124 = vector.broadcast %jit3A_2123 : f32 to vector<16xf32>
              %max3A_2125 = arith.maximumf %max3A_2124, %sub3A_2122 : vector<16xf32>
              %mul3A_2126 = arith.mulf %max3A_2117, %max3A_2125 : vector<16xf32>
              %add3A_2127 = vector.broadcast %squeeze3A_1845 : f32 to vector<16xf32>
              %add3A_2128 = arith.addf %add3A_2127, %get3A_2106 : vector<16xf32>
              %sub3A_2129 = arith.subf %add3A_2128, %mul3A_2126 : vector<16xf32>
              %add3A_2130 = arith.constant 9.99999971E-10 : f32
              %add3A_2131 = vector.broadcast %add3A_2130 : f32 to vector<16xf32>
              %add3A_2132 = arith.addf %sub3A_2129, %add3A_2131 : vector<16xf32>
              %div3A_2133 = arith.divf %mul3A_2126, %add3A_2132 : vector<16xf32>
              %gt3A_2134 = arith.constant 3.000000e-01 : f32
              %gt3A_2135 = vector.broadcast %gt3A_2134 : f32 to vector<16xf32>
              %gt3A_2136 = arith.cmpf ogt, %div3A_2133, %gt3A_2135 : vector<16xf32>
              %jit3A_2137 = arith.constant 1.000000e+00 : f32
              %broadcast_in_dim3A_2138 = vector.broadcast %jit3A_2137 : f32 to vector<16xf32>
              %select_n3A_2139 = arith.select %gt3A_2136, %broadcast_in_dim3A_2138, %get3A_2109 : vector<16xi1>, vector<16xf32>
              %min3A_2140 = vector.broadcast %squeeze3A_1867 : f32 to vector<16xf32>
              %min3A_2141 = arith.minimumf %min3A_2140, %get3A_2098 : vector<16xf32>
              %max3A_2142 = vector.broadcast %squeeze3A_1857 : f32 to vector<16xf32>
              %max3A_2143 = arith.maximumf %max3A_2142, %get3A_2090 : vector<16xf32>
              %sub3A_2144 = arith.subf %min3A_2141, %max3A_2143 : vector<16xf32>
              %jit3A_2145 = arith.constant 0.000000e+00 : f32
              %max3A_2146 = vector.broadcast %jit3A_2145 : f32 to vector<16xf32>
              %max3A_2147 = arith.maximumf %max3A_2146, %sub3A_2144 : vector<16xf32>
              %min3A_2148 = vector.broadcast %squeeze3A_1872 : f32 to vector<16xf32>
              %min3A_2149 = arith.minimumf %min3A_2148, %get3A_2102 : vector<16xf32>
              %max3A_2150 = vector.broadcast %squeeze3A_1862 : f32 to vector<16xf32>
              %max3A_2151 = arith.maximumf %max3A_2150, %get3A_2094 : vector<16xf32>
              %sub3A_2152 = arith.subf %min3A_2149, %max3A_2151 : vector<16xf32>
              %jit3A_2153 = arith.constant 0.000000e+00 : f32
              %max3A_2154 = vector.broadcast %jit3A_2153 : f32 to vector<16xf32>
              %max3A_2155 = arith.maximumf %max3A_2154, %sub3A_2152 : vector<16xf32>
              %mul3A_2156 = arith.mulf %max3A_2147, %max3A_2155 : vector<16xf32>
              %add3A_2157 = vector.broadcast %squeeze3A_1877 : f32 to vector<16xf32>
              %add3A_2158 = arith.addf %add3A_2157, %get3A_2106 : vector<16xf32>
              %sub3A_2159 = arith.subf %add3A_2158, %mul3A_2156 : vector<16xf32>
              %add3A_2160 = arith.constant 9.99999971E-10 : f32
              %add3A_2161 = vector.broadcast %add3A_2160 : f32 to vector<16xf32>
              %add3A_2162 = arith.addf %sub3A_2159, %add3A_2161 : vector<16xf32>
              %div3A_2163 = arith.divf %mul3A_2156, %add3A_2162 : vector<16xf32>
              %gt3A_2164 = arith.constant 3.000000e-01 : f32
              %gt3A_2165 = vector.broadcast %gt3A_2164 : f32 to vector<16xf32>
              %gt3A_2166 = arith.cmpf ogt, %div3A_2163, %gt3A_2165 : vector<16xf32>
              %jit3A_2167 = arith.constant 1.000000e+00 : f32
              %broadcast_in_dim3A_2168 = vector.broadcast %jit3A_2167 : f32 to vector<16xf32>
              %select_n3A_2169 = arith.select %gt3A_2166, %broadcast_in_dim3A_2168, %select_n3A_2139 : vector<16xi1>, vector<16xf32>
              %min3A_2170 = vector.broadcast %squeeze3A_1899 : f32 to vector<16xf32>
              %min3A_2171 = arith.minimumf %min3A_2170, %get3A_2098 : vector<16xf32>
              %max3A_2172 = vector.broadcast %squeeze3A_1889 : f32 to vector<16xf32>
              %max3A_2173 = arith.maximumf %max3A_2172, %get3A_2090 : vector<16xf32>
              %sub3A_2174 = arith.subf %min3A_2171, %max3A_2173 : vector<16xf32>
              %jit3A_2175 = arith.constant 0.000000e+00 : f32
              %max3A_2176 = vector.broadcast %jit3A_2175 : f32 to vector<16xf32>
              %max3A_2177 = arith.maximumf %max3A_2176, %sub3A_2174 : vector<16xf32>
              %min3A_2178 = vector.broadcast %squeeze3A_1904 : f32 to vector<16xf32>
              %min3A_2179 = arith.minimumf %min3A_2178, %get3A_2102 : vector<16xf32>
              %max3A_2180 = vector.broadcast %squeeze3A_1894 : f32 to vector<16xf32>
              %max3A_2181 = arith.maximumf %max3A_2180, %get3A_2094 : vector<16xf32>
              %sub3A_2182 = arith.subf %min3A_2179, %max3A_2181 : vector<16xf32>
              %jit3A_2183 = arith.constant 0.000000e+00 : f32
              %max3A_2184 = vector.broadcast %jit3A_2183 : f32 to vector<16xf32>
              %max3A_2185 = arith.maximumf %max3A_2184, %sub3A_2182 : vector<16xf32>
              %mul3A_2186 = arith.mulf %max3A_2177, %max3A_2185 : vector<16xf32>
              %add3A_2187 = vector.broadcast %squeeze3A_1909 : f32 to vector<16xf32>
              %add3A_2188 = arith.addf %add3A_2187, %get3A_2106 : vector<16xf32>
              %sub3A_2189 = arith.subf %add3A_2188, %mul3A_2186 : vector<16xf32>
              %add3A_2190 = arith.constant 9.99999971E-10 : f32
              %add3A_2191 = vector.broadcast %add3A_2190 : f32 to vector<16xf32>
              %add3A_2192 = arith.addf %sub3A_2189, %add3A_2191 : vector<16xf32>
              %div3A_2193 = arith.divf %mul3A_2186, %add3A_2192 : vector<16xf32>
              %gt3A_2194 = arith.constant 3.000000e-01 : f32
              %gt3A_2195 = vector.broadcast %gt3A_2194 : f32 to vector<16xf32>
              %gt3A_2196 = arith.cmpf ogt, %div3A_2193, %gt3A_2195 : vector<16xf32>
              %jit3A_2197 = arith.constant 1.000000e+00 : f32
              %broadcast_in_dim3A_2198 = vector.broadcast %jit3A_2197 : f32 to vector<16xf32>
              %select_n3A_2199 = arith.select %gt3A_2196, %broadcast_in_dim3A_2198, %select_n3A_2169 : vector<16xi1>, vector<16xf32>
              %min3A_2200 = vector.broadcast %squeeze3A_1931 : f32 to vector<16xf32>
              %min3A_2201 = arith.minimumf %min3A_2200, %get3A_2098 : vector<16xf32>
              %max3A_2202 = vector.broadcast %squeeze3A_1921 : f32 to vector<16xf32>
              %max3A_2203 = arith.maximumf %max3A_2202, %get3A_2090 : vector<16xf32>
              %sub3A_2204 = arith.subf %min3A_2201, %max3A_2203 : vector<16xf32>
              %jit3A_2205 = arith.constant 0.000000e+00 : f32
              %max3A_2206 = vector.broadcast %jit3A_2205 : f32 to vector<16xf32>
              %max3A_2207 = arith.maximumf %max3A_2206, %sub3A_2204 : vector<16xf32>
              %min3A_2208 = vector.broadcast %squeeze3A_1936 : f32 to vector<16xf32>
              %min3A_2209 = arith.minimumf %min3A_2208, %get3A_2102 : vector<16xf32>
              %max3A_2210 = vector.broadcast %squeeze3A_1926 : f32 to vector<16xf32>
              %max3A_2211 = arith.maximumf %max3A_2210, %get3A_2094 : vector<16xf32>
              %sub3A_2212 = arith.subf %min3A_2209, %max3A_2211 : vector<16xf32>
              %jit3A_2213 = arith.constant 0.000000e+00 : f32
              %max3A_2214 = vector.broadcast %jit3A_2213 : f32 to vector<16xf32>
              %max3A_2215 = arith.maximumf %max3A_2214, %sub3A_2212 : vector<16xf32>
              %mul3A_2216 = arith.mulf %max3A_2207, %max3A_2215 : vector<16xf32>
              %add3A_2217 = vector.broadcast %squeeze3A_1941 : f32 to vector<16xf32>
              %add3A_2218 = arith.addf %add3A_2217, %get3A_2106 : vector<16xf32>
              %sub3A_2219 = arith.subf %add3A_2218, %mul3A_2216 : vector<16xf32>
              %add3A_2220 = arith.constant 9.99999971E-10 : f32
              %add3A_2221 = vector.broadcast %add3A_2220 : f32 to vector<16xf32>
              %add3A_2222 = arith.addf %sub3A_2219, %add3A_2221 : vector<16xf32>
              %div3A_2223 = arith.divf %mul3A_2216, %add3A_2222 : vector<16xf32>
              %gt3A_2224 = arith.constant 3.000000e-01 : f32
              %gt3A_2225 = vector.broadcast %gt3A_2224 : f32 to vector<16xf32>
              %gt3A_2226 = arith.cmpf ogt, %div3A_2223, %gt3A_2225 : vector<16xf32>
              %jit3A_2227 = arith.constant 1.000000e+00 : f32
              %broadcast_in_dim3A_2228 = vector.broadcast %jit3A_2227 : f32 to vector<16xf32>
              %select_n3A_2229 = arith.select %gt3A_2226, %broadcast_in_dim3A_2228, %select_n3A_2199 : vector<16xi1>, vector<16xf32>
              %min3A_2230 = vector.broadcast %squeeze3A_1963 : f32 to vector<16xf32>
              %min3A_2231 = arith.minimumf %min3A_2230, %get3A_2098 : vector<16xf32>
              %max3A_2232 = vector.broadcast %squeeze3A_1953 : f32 to vector<16xf32>
              %max3A_2233 = arith.maximumf %max3A_2232, %get3A_2090 : vector<16xf32>
              %sub3A_2234 = arith.subf %min3A_2231, %max3A_2233 : vector<16xf32>
              %jit3A_2235 = arith.constant 0.000000e+00 : f32
              %max3A_2236 = vector.broadcast %jit3A_2235 : f32 to vector<16xf32>
              %max3A_2237 = arith.maximumf %max3A_2236, %sub3A_2234 : vector<16xf32>
              %min3A_2238 = vector.broadcast %squeeze3A_1968 : f32 to vector<16xf32>
              %min3A_2239 = arith.minimumf %min3A_2238, %get3A_2102 : vector<16xf32>
              %max3A_2240 = vector.broadcast %squeeze3A_1958 : f32 to vector<16xf32>
              %max3A_2241 = arith.maximumf %max3A_2240, %get3A_2094 : vector<16xf32>
              %sub3A_2242 = arith.subf %min3A_2239, %max3A_2241 : vector<16xf32>
              %jit3A_2243 = arith.constant 0.000000e+00 : f32
              %max3A_2244 = vector.broadcast %jit3A_2243 : f32 to vector<16xf32>
              %max3A_2245 = arith.maximumf %max3A_2244, %sub3A_2242 : vector<16xf32>
              %mul3A_2246 = arith.mulf %max3A_2237, %max3A_2245 : vector<16xf32>
              %add3A_2247 = vector.broadcast %squeeze3A_1973 : f32 to vector<16xf32>
              %add3A_2248 = arith.addf %add3A_2247, %get3A_2106 : vector<16xf32>
              %sub3A_2249 = arith.subf %add3A_2248, %mul3A_2246 : vector<16xf32>
              %add3A_2250 = arith.constant 9.99999971E-10 : f32
              %add3A_2251 = vector.broadcast %add3A_2250 : f32 to vector<16xf32>
              %add3A_2252 = arith.addf %sub3A_2249, %add3A_2251 : vector<16xf32>
              %div3A_2253 = arith.divf %mul3A_2246, %add3A_2252 : vector<16xf32>
              %gt3A_2254 = arith.constant 3.000000e-01 : f32
              %gt3A_2255 = vector.broadcast %gt3A_2254 : f32 to vector<16xf32>
              %gt3A_2256 = arith.cmpf ogt, %div3A_2253, %gt3A_2255 : vector<16xf32>
              %jit3A_2257 = arith.constant 1.000000e+00 : f32
              %broadcast_in_dim3A_2258 = vector.broadcast %jit3A_2257 : f32 to vector<16xf32>
              %select_n3A_2259 = arith.select %gt3A_2256, %broadcast_in_dim3A_2258, %select_n3A_2229 : vector<16xi1>, vector<16xf32>
              %min3A_2260 = vector.broadcast %squeeze3A_1995 : f32 to vector<16xf32>
              %min3A_2261 = arith.minimumf %min3A_2260, %get3A_2098 : vector<16xf32>
              %max3A_2262 = vector.broadcast %squeeze3A_1985 : f32 to vector<16xf32>
              %max3A_2263 = arith.maximumf %max3A_2262, %get3A_2090 : vector<16xf32>
              %sub3A_2264 = arith.subf %min3A_2261, %max3A_2263 : vector<16xf32>
              %jit3A_2265 = arith.constant 0.000000e+00 : f32
              %max3A_2266 = vector.broadcast %jit3A_2265 : f32 to vector<16xf32>
              %max3A_2267 = arith.maximumf %max3A_2266, %sub3A_2264 : vector<16xf32>
              %min3A_2268 = vector.broadcast %squeeze3A_2000 : f32 to vector<16xf32>
              %min3A_2269 = arith.minimumf %min3A_2268, %get3A_2102 : vector<16xf32>
              %max3A_2270 = vector.broadcast %squeeze3A_1990 : f32 to vector<16xf32>
              %max3A_2271 = arith.maximumf %max3A_2270, %get3A_2094 : vector<16xf32>
              %sub3A_2272 = arith.subf %min3A_2269, %max3A_2271 : vector<16xf32>
              %jit3A_2273 = arith.constant 0.000000e+00 : f32
              %max3A_2274 = vector.broadcast %jit3A_2273 : f32 to vector<16xf32>
              %max3A_2275 = arith.maximumf %max3A_2274, %sub3A_2272 : vector<16xf32>
              %mul3A_2276 = arith.mulf %max3A_2267, %max3A_2275 : vector<16xf32>
              %add3A_2277 = vector.broadcast %squeeze3A_2005 : f32 to vector<16xf32>
              %add3A_2278 = arith.addf %add3A_2277, %get3A_2106 : vector<16xf32>
              %sub3A_2279 = arith.subf %add3A_2278, %mul3A_2276 : vector<16xf32>
              %add3A_2280 = arith.constant 9.99999971E-10 : f32
              %add3A_2281 = vector.broadcast %add3A_2280 : f32 to vector<16xf32>
              %add3A_2282 = arith.addf %sub3A_2279, %add3A_2281 : vector<16xf32>
              %div3A_2283 = arith.divf %mul3A_2276, %add3A_2282 : vector<16xf32>
              %gt3A_2284 = arith.constant 3.000000e-01 : f32
              %gt3A_2285 = vector.broadcast %gt3A_2284 : f32 to vector<16xf32>
              %gt3A_2286 = arith.cmpf ogt, %div3A_2283, %gt3A_2285 : vector<16xf32>
              %jit3A_2287 = arith.constant 1.000000e+00 : f32
              %broadcast_in_dim3A_2288 = vector.broadcast %jit3A_2287 : f32 to vector<16xf32>
              %select_n3A_2289 = arith.select %gt3A_2286, %broadcast_in_dim3A_2288, %select_n3A_2259 : vector<16xi1>, vector<16xf32>
              %min3A_2290 = vector.broadcast %squeeze3A_2027 : f32 to vector<16xf32>
              %min3A_2291 = arith.minimumf %min3A_2290, %get3A_2098 : vector<16xf32>
              %max3A_2292 = vector.broadcast %squeeze3A_2017 : f32 to vector<16xf32>
              %max3A_2293 = arith.maximumf %max3A_2292, %get3A_2090 : vector<16xf32>
              %sub3A_2294 = arith.subf %min3A_2291, %max3A_2293 : vector<16xf32>
              %jit3A_2295 = arith.constant 0.000000e+00 : f32
              %max3A_2296 = vector.broadcast %jit3A_2295 : f32 to vector<16xf32>
              %max3A_2297 = arith.maximumf %max3A_2296, %sub3A_2294 : vector<16xf32>
              %min3A_2298 = vector.broadcast %squeeze3A_2032 : f32 to vector<16xf32>
              %min3A_2299 = arith.minimumf %min3A_2298, %get3A_2102 : vector<16xf32>
              %max3A_2300 = vector.broadcast %squeeze3A_2022 : f32 to vector<16xf32>
              %max3A_2301 = arith.maximumf %max3A_2300, %get3A_2094 : vector<16xf32>
              %sub3A_2302 = arith.subf %min3A_2299, %max3A_2301 : vector<16xf32>
              %jit3A_2303 = arith.constant 0.000000e+00 : f32
              %max3A_2304 = vector.broadcast %jit3A_2303 : f32 to vector<16xf32>
              %max3A_2305 = arith.maximumf %max3A_2304, %sub3A_2302 : vector<16xf32>
              %mul3A_2306 = arith.mulf %max3A_2297, %max3A_2305 : vector<16xf32>
              %add3A_2307 = vector.broadcast %squeeze3A_2037 : f32 to vector<16xf32>
              %add3A_2308 = arith.addf %add3A_2307, %get3A_2106 : vector<16xf32>
              %sub3A_2309 = arith.subf %add3A_2308, %mul3A_2306 : vector<16xf32>
              %add3A_2310 = arith.constant 9.99999971E-10 : f32
              %add3A_2311 = vector.broadcast %add3A_2310 : f32 to vector<16xf32>
              %add3A_2312 = arith.addf %sub3A_2309, %add3A_2311 : vector<16xf32>
              %div3A_2313 = arith.divf %mul3A_2306, %add3A_2312 : vector<16xf32>
              %gt3A_2314 = arith.constant 3.000000e-01 : f32
              %gt3A_2315 = vector.broadcast %gt3A_2314 : f32 to vector<16xf32>
              %gt3A_2316 = arith.cmpf ogt, %div3A_2313, %gt3A_2315 : vector<16xf32>
              %jit3A_2317 = arith.constant 1.000000e+00 : f32
              %broadcast_in_dim3A_2318 = vector.broadcast %jit3A_2317 : f32 to vector<16xf32>
              %select_n3A_2319 = arith.select %gt3A_2316, %broadcast_in_dim3A_2318, %select_n3A_2289 : vector<16xi1>, vector<16xf32>
              %min3A_2320 = vector.broadcast %squeeze3A_2059 : f32 to vector<16xf32>
              %min3A_2321 = arith.minimumf %min3A_2320, %get3A_2098 : vector<16xf32>
              %max3A_2322 = vector.broadcast %squeeze3A_2049 : f32 to vector<16xf32>
              %max3A_2323 = arith.maximumf %max3A_2322, %get3A_2090 : vector<16xf32>
              %sub3A_2324 = arith.subf %min3A_2321, %max3A_2323 : vector<16xf32>
              %jit3A_2325 = arith.constant 0.000000e+00 : f32
              %max3A_2326 = vector.broadcast %jit3A_2325 : f32 to vector<16xf32>
              %max3A_2327 = arith.maximumf %max3A_2326, %sub3A_2324 : vector<16xf32>
              %min3A_2328 = vector.broadcast %squeeze3A_2064 : f32 to vector<16xf32>
              %min3A_2329 = arith.minimumf %min3A_2328, %get3A_2102 : vector<16xf32>
              %max3A_2330 = vector.broadcast %squeeze3A_2054 : f32 to vector<16xf32>
              %max3A_2331 = arith.maximumf %max3A_2330, %get3A_2094 : vector<16xf32>
              %sub3A_2332 = arith.subf %min3A_2329, %max3A_2331 : vector<16xf32>
              %jit3A_2333 = arith.constant 0.000000e+00 : f32
              %max3A_2334 = vector.broadcast %jit3A_2333 : f32 to vector<16xf32>
              %max3A_2335 = arith.maximumf %max3A_2334, %sub3A_2332 : vector<16xf32>
              %mul3A_2336 = arith.mulf %max3A_2327, %max3A_2335 : vector<16xf32>
              %add3A_2337 = vector.broadcast %squeeze3A_2069 : f32 to vector<16xf32>
              %add3A_2338 = arith.addf %add3A_2337, %get3A_2106 : vector<16xf32>
              %sub3A_2339 = arith.subf %add3A_2338, %mul3A_2336 : vector<16xf32>
              %add3A_2340 = arith.constant 9.99999971E-10 : f32
              %add3A_2341 = vector.broadcast %add3A_2340 : f32 to vector<16xf32>
              %add3A_2342 = arith.addf %sub3A_2339, %add3A_2341 : vector<16xf32>
              %div3A_2343 = arith.divf %mul3A_2336, %add3A_2342 : vector<16xf32>
              %gt3A_2344 = arith.constant 3.000000e-01 : f32
              %gt3A_2345 = vector.broadcast %gt3A_2344 : f32 to vector<16xf32>
              %gt3A_2346 = arith.cmpf ogt, %div3A_2343, %gt3A_2345 : vector<16xf32>
              %jit3A_2347 = arith.constant 1.000000e+00 : f32
              %broadcast_in_dim3A_2348 = vector.broadcast %jit3A_2347 : f32 to vector<16xf32>
              %select_n3A_2349 = arith.select %gt3A_2346, %broadcast_in_dim3A_2348, %select_n3A_2319 : vector<16xi1>, vector<16xf32>
              %swap3A_2350 = arith.index_cast %mul3A_2086 : i32 to index
              %swap3A_2351 = tpu.vector_load %arg13[%swap3A_2350] {strides = array<i32>} : memref<336xf32, #tpu.memory_space<vmem>>, vector<16xf32>,
              %swap3A_2352 = vector.shape_cast %swap3A_2351 : vector<16xf32> to vector<16xf32>
              %swap3A_2353 = vector.shape_cast %select_n3A_2349 : vector<16xf32> to vector<16xf32>
              tpu.vector_store %arg13[%swap3A_2350], %swap3A_2353 {strides = array<i32>} : memref<336xf32, #tpu.memory_space<vmem>>, vector<16xf32>,
              %while3A_2354 = arith.constant 0 : i32
              scf.yield %while3A_2354 : i32
            }
            %while3A_2080 = arith.constant 1 : i32
            %while3A_2081 = scf.for %while3A_2083 = %while3A_2077 to %while3A_2073 step %while3A_2080 iter_args(%while3A_2084 = %while3A_2079) -> (i32)  : i32 {
              %mul3A_2085 = arith.constant 16 : i32
              %mul3A_2086 = arith.muli %while3A_2083, %mul3A_2085 : i32
              %add3A_2087 = arith.addi %mul3A_0, %mul3A_2086 : i32
              %get3A_2088 = arith.index_cast %add3A_2087 : i32 to index
              %get3A_2089 = tpu.vector_load %arg8[%get3A_2088] {strides = array<i32>} : memref<5136xf32, #tpu.memory_space<vmem>>, vector<16xf32>,
              %get3A_2090 = vector.shape_cast %get3A_2089 : vector<16xf32> to vector<16xf32>
              %add3A_2091 = arith.addi %mul3A_0, %mul3A_2086 : i32
              %get3A_2092 = arith.index_cast %add3A_2091 : i32 to index
              %get3A_2093 = tpu.vector_load %arg9[%get3A_2092] {strides = array<i32>} : memref<5136xf32, #tpu.memory_space<vmem>>, vector<16xf32>,
              %get3A_2094 = vector.shape_cast %get3A_2093 : vector<16xf32> to vector<16xf32>
              %add3A_2095 = arith.addi %mul3A_0, %mul3A_2086 : i32
              %get3A_2096 = arith.index_cast %add3A_2095 : i32 to index
              %get3A_2097 = tpu.vector_load %arg10[%get3A_2096] {strides = array<i32>} : memref<5136xf32, #tpu.memory_space<vmem>>, vector<16xf32>,
              %get3A_2098 = vector.shape_cast %get3A_2097 : vector<16xf32> to vector<16xf32>
              %add3A_2099 = arith.addi %mul3A_0, %mul3A_2086 : i32
              %get3A_2100 = arith.index_cast %add3A_2099 : i32 to index
              %get3A_2101 = tpu.vector_load %arg11[%get3A_2100] {strides = array<i32>} : memref<5136xf32, #tpu.memory_space<vmem>>, vector<16xf32>,
              %get3A_2102 = vector.shape_cast %get3A_2101 : vector<16xf32> to vector<16xf32>
              %add3A_2103 = arith.addi %mul3A_0, %mul3A_2086 : i32
              %get3A_2104 = arith.index_cast %add3A_2103 : i32 to index
              %get3A_2105 = tpu.vector_load %arg12[%get3A_2104] {strides = array<i32>} : memref<5136xf32, #tpu.memory_space<vmem>>, vector<16xf32>,
              %get3A_2106 = vector.shape_cast %get3A_2105 : vector<16xf32> to vector<16xf32>
              %get3A_2107 = arith.index_cast %mul3A_2086 : i32 to index
              %get3A_2108 = tpu.vector_load %arg13[%get3A_2107] {strides = array<i32>} : memref<336xf32, #tpu.memory_space<vmem>>, vector<16xf32>,
              %get3A_2109 = vector.shape_cast %get3A_2108 : vector<16xf32> to vector<16xf32>
              %min3A_2110 = vector.broadcast %squeeze3A_1835 : f32 to vector<16xf32>
              %min3A_2111 = arith.minimumf %min3A_2110, %get3A_2098 : vector<16xf32>
              %max3A_2112 = vector.broadcast %squeeze3A_1825 : f32 to vector<16xf32>
              %max3A_2113 = arith.maximumf %max3A_2112, %get3A_2090 : vector<16xf32>
              %sub3A_2114 = arith.subf %min3A_2111, %max3A_2113 : vector<16xf32>
              %jit3A_2115 = arith.constant 0.000000e+00 : f32
              %max3A_2116 = vector.broadcast %jit3A_2115 : f32 to vector<16xf32>
              %max3A_2117 = arith.maximumf %max3A_2116, %sub3A_2114 : vector<16xf32>
              %min3A_2118 = vector.broadcast %squeeze3A_1840 : f32 to vector<16xf32>
              %min3A_2119 = arith.minimumf %min3A_2118, %get3A_2102 : vector<16xf32>
              %max3A_2120 = vector.broadcast %squeeze3A_1830 : f32 to vector<16xf32>
              %max3A_2121 = arith.maximumf %max3A_2120, %get3A_2094 : vector<16xf32>
              %sub3A_2122 = arith.subf %min3A_2119, %max3A_2121 : vector<16xf32>
              %jit3A_2123 = arith.constant 0.000000e+00 : f32
              %max3A_2124 = vector.broadcast %jit3A_2123 : f32 to vector<16xf32>
              %max3A_2125 = arith.maximumf %max3A_2124, %sub3A_2122 : vector<16xf32>
              %mul3A_2126 = arith.mulf %max3A_2117, %max3A_2125 : vector<16xf32>
              %add3A_2127 = vector.broadcast %squeeze3A_1845 : f32 to vector<16xf32>
              %add3A_2128 = arith.addf %add3A_2127, %get3A_2106 : vector<16xf32>
              %sub3A_2129 = arith.subf %add3A_2128, %mul3A_2126 : vector<16xf32>
              %add3A_2130 = arith.constant 9.99999971E-10 : f32
              %add3A_2131 = vector.broadcast %add3A_2130 : f32 to vector<16xf32>
              %add3A_2132 = arith.addf %sub3A_2129, %add3A_2131 : vector<16xf32>
              %div3A_2133 = arith.divf %mul3A_2126, %add3A_2132 : vector<16xf32>
              %gt3A_2134 = arith.constant 3.000000e-01 : f32
              %gt3A_2135 = vector.broadcast %gt3A_2134 : f32 to vector<16xf32>
              %gt3A_2136 = arith.cmpf ogt, %div3A_2133, %gt3A_2135 : vector<16xf32>
              %jit3A_2137 = arith.constant 1.000000e+00 : f32
              %broadcast_in_dim3A_2138 = vector.broadcast %jit3A_2137 : f32 to vector<16xf32>
              %select_n3A_2139 = arith.select %gt3A_2136, %broadcast_in_dim3A_2138, %get3A_2109 : vector<16xi1>, vector<16xf32>
              %min3A_2140 = vector.broadcast %squeeze3A_1867 : f32 to vector<16xf32>
              %min3A_2141 = arith.minimumf %min3A_2140, %get3A_2098 : vector<16xf32>
              %max3A_2142 = vector.broadcast %squeeze3A_1857 : f32 to vector<16xf32>
              %max3A_2143 = arith.maximumf %max3A_2142, %get3A_2090 : vector<16xf32>
              %sub3A_2144 = arith.subf %min3A_2141, %max3A_2143 : vector<16xf32>
              %jit3A_2145 = arith.constant 0.000000e+00 : f32
              %max3A_2146 = vector.broadcast %jit3A_2145 : f32 to vector<16xf32>
              %max3A_2147 = arith.maximumf %max3A_2146, %sub3A_2144 : vector<16xf32>
              %min3A_2148 = vector.broadcast %squeeze3A_1872 : f32 to vector<16xf32>
              %min3A_2149 = arith.minimumf %min3A_2148, %get3A_2102 : vector<16xf32>
              %max3A_2150 = vector.broadcast %squeeze3A_1862 : f32 to vector<16xf32>
              %max3A_2151 = arith.maximumf %max3A_2150, %get3A_2094 : vector<16xf32>
              %sub3A_2152 = arith.subf %min3A_2149, %max3A_2151 : vector<16xf32>
              %jit3A_2153 = arith.constant 0.000000e+00 : f32
              %max3A_2154 = vector.broadcast %jit3A_2153 : f32 to vector<16xf32>
              %max3A_2155 = arith.maximumf %max3A_2154, %sub3A_2152 : vector<16xf32>
              %mul3A_2156 = arith.mulf %max3A_2147, %max3A_2155 : vector<16xf32>
              %add3A_2157 = vector.broadcast %squeeze3A_1877 : f32 to vector<16xf32>
              %add3A_2158 = arith.addf %add3A_2157, %get3A_2106 : vector<16xf32>
              %sub3A_2159 = arith.subf %add3A_2158, %mul3A_2156 : vector<16xf32>
              %add3A_2160 = arith.constant 9.99999971E-10 : f32
              %add3A_2161 = vector.broadcast %add3A_2160 : f32 to vector<16xf32>
              %add3A_2162 = arith.addf %sub3A_2159, %add3A_2161 : vector<16xf32>
              %div3A_2163 = arith.divf %mul3A_2156, %add3A_2162 : vector<16xf32>
              %gt3A_2164 = arith.constant 3.000000e-01 : f32
              %gt3A_2165 = vector.broadcast %gt3A_2164 : f32 to vector<16xf32>
              %gt3A_2166 = arith.cmpf ogt, %div3A_2163, %gt3A_2165 : vector<16xf32>
              %jit3A_2167 = arith.constant 1.000000e+00 : f32
              %broadcast_in_dim3A_2168 = vector.broadcast %jit3A_2167 : f32 to vector<16xf32>
              %select_n3A_2169 = arith.select %gt3A_2166, %broadcast_in_dim3A_2168, %select_n3A_2139 : vector<16xi1>, vector<16xf32>
              %min3A_2170 = vector.broadcast %squeeze3A_1899 : f32 to vector<16xf32>
              %min3A_2171 = arith.minimumf %min3A_2170, %get3A_2098 : vector<16xf32>
              %max3A_2172 = vector.broadcast %squeeze3A_1889 : f32 to vector<16xf32>
              %max3A_2173 = arith.maximumf %max3A_2172, %get3A_2090 : vector<16xf32>
              %sub3A_2174 = arith.subf %min3A_2171, %max3A_2173 : vector<16xf32>
              %jit3A_2175 = arith.constant 0.000000e+00 : f32
              %max3A_2176 = vector.broadcast %jit3A_2175 : f32 to vector<16xf32>
              %max3A_2177 = arith.maximumf %max3A_2176, %sub3A_2174 : vector<16xf32>
              %min3A_2178 = vector.broadcast %squeeze3A_1904 : f32 to vector<16xf32>
              %min3A_2179 = arith.minimumf %min3A_2178, %get3A_2102 : vector<16xf32>
              %max3A_2180 = vector.broadcast %squeeze3A_1894 : f32 to vector<16xf32>
              %max3A_2181 = arith.maximumf %max3A_2180, %get3A_2094 : vector<16xf32>
              %sub3A_2182 = arith.subf %min3A_2179, %max3A_2181 : vector<16xf32>
              %jit3A_2183 = arith.constant 0.000000e+00 : f32
              %max3A_2184 = vector.broadcast %jit3A_2183 : f32 to vector<16xf32>
              %max3A_2185 = arith.maximumf %max3A_2184, %sub3A_2182 : vector<16xf32>
              %mul3A_2186 = arith.mulf %max3A_2177, %max3A_2185 : vector<16xf32>
              %add3A_2187 = vector.broadcast %squeeze3A_1909 : f32 to vector<16xf32>
              %add3A_2188 = arith.addf %add3A_2187, %get3A_2106 : vector<16xf32>
              %sub3A_2189 = arith.subf %add3A_2188, %mul3A_2186 : vector<16xf32>
              %add3A_2190 = arith.constant 9.99999971E-10 : f32
              %add3A_2191 = vector.broadcast %add3A_2190 : f32 to vector<16xf32>
              %add3A_2192 = arith.addf %sub3A_2189, %add3A_2191 : vector<16xf32>
              %div3A_2193 = arith.divf %mul3A_2186, %add3A_2192 : vector<16xf32>
              %gt3A_2194 = arith.constant 3.000000e-01 : f32
              %gt3A_2195 = vector.broadcast %gt3A_2194 : f32 to vector<16xf32>
              %gt3A_2196 = arith.cmpf ogt, %div3A_2193, %gt3A_2195 : vector<16xf32>
              %jit3A_2197 = arith.constant 1.000000e+00 : f32
              %broadcast_in_dim3A_2198 = vector.broadcast %jit3A_2197 : f32 to vector<16xf32>
              %select_n3A_2199 = arith.select %gt3A_2196, %broadcast_in_dim3A_2198, %select_n3A_2169 : vector<16xi1>, vector<16xf32>
              %min3A_2200 = vector.broadcast %squeeze3A_1931 : f32 to vector<16xf32>
              %min3A_2201 = arith.minimumf %min3A_2200, %get3A_2098 : vector<16xf32>
              %max3A_2202 = vector.broadcast %squeeze3A_1921 : f32 to vector<16xf32>
              %max3A_2203 = arith.maximumf %max3A_2202, %get3A_2090 : vector<16xf32>
              %sub3A_2204 = arith.subf %min3A_2201, %max3A_2203 : vector<16xf32>
              %jit3A_2205 = arith.constant 0.000000e+00 : f32
              %max3A_2206 = vector.broadcast %jit3A_2205 : f32 to vector<16xf32>
              %max3A_2207 = arith.maximumf %max3A_2206, %sub3A_2204 : vector<16xf32>
              %min3A_2208 = vector.broadcast %squeeze3A_1936 : f32 to vector<16xf32>
              %min3A_2209 = arith.minimumf %min3A_2208, %get3A_2102 : vector<16xf32>
              %max3A_2210 = vector.broadcast %squeeze3A_1926 : f32 to vector<16xf32>
              %max3A_2211 = arith.maximumf %max3A_2210, %get3A_2094 : vector<16xf32>
              %sub3A_2212 = arith.subf %min3A_2209, %max3A_2211 : vector<16xf32>
              %jit3A_2213 = arith.constant 0.000000e+00 : f32
              %max3A_2214 = vector.broadcast %jit3A_2213 : f32 to vector<16xf32>
              %max3A_2215 = arith.maximumf %max3A_2214, %sub3A_2212 : vector<16xf32>
              %mul3A_2216 = arith.mulf %max3A_2207, %max3A_2215 : vector<16xf32>
              %add3A_2217 = vector.broadcast %squeeze3A_1941 : f32 to vector<16xf32>
              %add3A_2218 = arith.addf %add3A_2217, %get3A_2106 : vector<16xf32>
              %sub3A_2219 = arith.subf %add3A_2218, %mul3A_2216 : vector<16xf32>
              %add3A_2220 = arith.constant 9.99999971E-10 : f32
              %add3A_2221 = vector.broadcast %add3A_2220 : f32 to vector<16xf32>
              %add3A_2222 = arith.addf %sub3A_2219, %add3A_2221 : vector<16xf32>
              %div3A_2223 = arith.divf %mul3A_2216, %add3A_2222 : vector<16xf32>
              %gt3A_2224 = arith.constant 3.000000e-01 : f32
              %gt3A_2225 = vector.broadcast %gt3A_2224 : f32 to vector<16xf32>
              %gt3A_2226 = arith.cmpf ogt, %div3A_2223, %gt3A_2225 : vector<16xf32>
              %jit3A_2227 = arith.constant 1.000000e+00 : f32
              %broadcast_in_dim3A_2228 = vector.broadcast %jit3A_2227 : f32 to vector<16xf32>
              %select_n3A_2229 = arith.select %gt3A_2226, %broadcast_in_dim3A_2228, %select_n3A_2199 : vector<16xi1>, vector<16xf32>
              %min3A_2230 = vector.broadcast %squeeze3A_1963 : f32 to vector<16xf32>
              %min3A_2231 = arith.minimumf %min3A_2230, %get3A_2098 : vector<16xf32>
              %max3A_2232 = vector.broadcast %squeeze3A_1953 : f32 to vector<16xf32>
              %max3A_2233 = arith.maximumf %max3A_2232, %get3A_2090 : vector<16xf32>
              %sub3A_2234 = arith.subf %min3A_2231, %max3A_2233 : vector<16xf32>
              %jit3A_2235 = arith.constant 0.000000e+00 : f32
              %max3A_2236 = vector.broadcast %jit3A_2235 : f32 to vector<16xf32>
              %max3A_2237 = arith.maximumf %max3A_2236, %sub3A_2234 : vector<16xf32>
              %min3A_2238 = vector.broadcast %squeeze3A_1968 : f32 to vector<16xf32>
              %min3A_2239 = arith.minimumf %min3A_2238, %get3A_2102 : vector<16xf32>
              %max3A_2240 = vector.broadcast %squeeze3A_1958 : f32 to vector<16xf32>
              %max3A_2241 = arith.maximumf %max3A_2240, %get3A_2094 : vector<16xf32>
              %sub3A_2242 = arith.subf %min3A_2239, %max3A_2241 : vector<16xf32>
              %jit3A_2243 = arith.constant 0.000000e+00 : f32
              %max3A_2244 = vector.broadcast %jit3A_2243 : f32 to vector<16xf32>
              %max3A_2245 = arith.maximumf %max3A_2244, %sub3A_2242 : vector<16xf32>
              %mul3A_2246 = arith.mulf %max3A_2237, %max3A_2245 : vector<16xf32>
              %add3A_2247 = vector.broadcast %squeeze3A_1973 : f32 to vector<16xf32>
              %add3A_2248 = arith.addf %add3A_2247, %get3A_2106 : vector<16xf32>
              %sub3A_2249 = arith.subf %add3A_2248, %mul3A_2246 : vector<16xf32>
              %add3A_2250 = arith.constant 9.99999971E-10 : f32
              %add3A_2251 = vector.broadcast %add3A_2250 : f32 to vector<16xf32>
              %add3A_2252 = arith.addf %sub3A_2249, %add3A_2251 : vector<16xf32>
              %div3A_2253 = arith.divf %mul3A_2246, %add3A_2252 : vector<16xf32>
              %gt3A_2254 = arith.constant 3.000000e-01 : f32
              %gt3A_2255 = vector.broadcast %gt3A_2254 : f32 to vector<16xf32>
              %gt3A_2256 = arith.cmpf ogt, %div3A_2253, %gt3A_2255 : vector<16xf32>
              %jit3A_2257 = arith.constant 1.000000e+00 : f32
              %broadcast_in_dim3A_2258 = vector.broadcast %jit3A_2257 : f32 to vector<16xf32>
              %select_n3A_2259 = arith.select %gt3A_2256, %broadcast_in_dim3A_2258, %select_n3A_2229 : vector<16xi1>, vector<16xf32>
              %min3A_2260 = vector.broadcast %squeeze3A_1995 : f32 to vector<16xf32>
              %min3A_2261 = arith.minimumf %min3A_2260, %get3A_2098 : vector<16xf32>
              %max3A_2262 = vector.broadcast %squeeze3A_1985 : f32 to vector<16xf32>
              %max3A_2263 = arith.maximumf %max3A_2262, %get3A_2090 : vector<16xf32>
              %sub3A_2264 = arith.subf %min3A_2261, %max3A_2263 : vector<16xf32>
              %jit3A_2265 = arith.constant 0.000000e+00 : f32
              %max3A_2266 = vector.broadcast %jit3A_2265 : f32 to vector<16xf32>
              %max3A_2267 = arith.maximumf %max3A_2266, %sub3A_2264 : vector<16xf32>
              %min3A_2268 = vector.broadcast %squeeze3A_2000 : f32 to vector<16xf32>
              %min3A_2269 = arith.minimumf %min3A_2268, %get3A_2102 : vector<16xf32>
              %max3A_2270 = vector.broadcast %squeeze3A_1990 : f32 to vector<16xf32>
              %max3A_2271 = arith.maximumf %max3A_2270, %get3A_2094 : vector<16xf32>
              %sub3A_2272 = arith.subf %min3A_2269, %max3A_2271 : vector<16xf32>
              %jit3A_2273 = arith.constant 0.000000e+00 : f32
              %max3A_2274 = vector.broadcast %jit3A_2273 : f32 to vector<16xf32>
              %max3A_2275 = arith.maximumf %max3A_2274, %sub3A_2272 : vector<16xf32>
              %mul3A_2276 = arith.mulf %max3A_2267, %max3A_2275 : vector<16xf32>
              %add3A_2277 = vector.broadcast %squeeze3A_2005 : f32 to vector<16xf32>
              %add3A_2278 = arith.addf %add3A_2277, %get3A_2106 : vector<16xf32>
              %sub3A_2279 = arith.subf %add3A_2278, %mul3A_2276 : vector<16xf32>
              %add3A_2280 = arith.constant 9.99999971E-10 : f32
              %add3A_2281 = vector.broadcast %add3A_2280 : f32 to vector<16xf32>
              %add3A_2282 = arith.addf %sub3A_2279, %add3A_2281 : vector<16xf32>
              %div3A_2283 = arith.divf %mul3A_2276, %add3A_2282 : vector<16xf32>
              %gt3A_2284 = arith.constant 3.000000e-01 : f32
              %gt3A_2285 = vector.broadcast %gt3A_2284 : f32 to vector<16xf32>
              %gt3A_2286 = arith.cmpf ogt, %div3A_2283, %gt3A_2285 : vector<16xf32>
              %jit3A_2287 = arith.constant 1.000000e+00 : f32
              %broadcast_in_dim3A_2288 = vector.broadcast %jit3A_2287 : f32 to vector<16xf32>
              %select_n3A_2289 = arith.select %gt3A_2286, %broadcast_in_dim3A_2288, %select_n3A_2259 : vector<16xi1>, vector<16xf32>
              %min3A_2290 = vector.broadcast %squeeze3A_2027 : f32 to vector<16xf32>
              %min3A_2291 = arith.minimumf %min3A_2290, %get3A_2098 : vector<16xf32>
              %max3A_2292 = vector.broadcast %squeeze3A_2017 : f32 to vector<16xf32>
              %max3A_2293 = arith.maximumf %max3A_2292, %get3A_2090 : vector<16xf32>
              %sub3A_2294 = arith.subf %min3A_2291, %max3A_2293 : vector<16xf32>
              %jit3A_2295 = arith.constant 0.000000e+00 : f32
              %max3A_2296 = vector.broadcast %jit3A_2295 : f32 to vector<16xf32>
              %max3A_2297 = arith.maximumf %max3A_2296, %sub3A_2294 : vector<16xf32>
              %min3A_2298 = vector.broadcast %squeeze3A_2032 : f32 to vector<16xf32>
              %min3A_2299 = arith.minimumf %min3A_2298, %get3A_2102 : vector<16xf32>
              %max3A_2300 = vector.broadcast %squeeze3A_2022 : f32 to vector<16xf32>
              %max3A_2301 = arith.maximumf %max3A_2300, %get3A_2094 : vector<16xf32>
              %sub3A_2302 = arith.subf %min3A_2299, %max3A_2301 : vector<16xf32>
              %jit3A_2303 = arith.constant 0.000000e+00 : f32
              %max3A_2304 = vector.broadcast %jit3A_2303 : f32 to vector<16xf32>
              %max3A_2305 = arith.maximumf %max3A_2304, %sub3A_2302 : vector<16xf32>
              %mul3A_2306 = arith.mulf %max3A_2297, %max3A_2305 : vector<16xf32>
              %add3A_2307 = vector.broadcast %squeeze3A_2037 : f32 to vector<16xf32>
              %add3A_2308 = arith.addf %add3A_2307, %get3A_2106 : vector<16xf32>
              %sub3A_2309 = arith.subf %add3A_2308, %mul3A_2306 : vector<16xf32>
              %add3A_2310 = arith.constant 9.99999971E-10 : f32
              %add3A_2311 = vector.broadcast %add3A_2310 : f32 to vector<16xf32>
              %add3A_2312 = arith.addf %sub3A_2309, %add3A_2311 : vector<16xf32>
              %div3A_2313 = arith.divf %mul3A_2306, %add3A_2312 : vector<16xf32>
              %gt3A_2314 = arith.constant 3.000000e-01 : f32
              %gt3A_2315 = vector.broadcast %gt3A_2314 : f32 to vector<16xf32>
              %gt3A_2316 = arith.cmpf ogt, %div3A_2313, %gt3A_2315 : vector<16xf32>
              %jit3A_2317 = arith.constant 1.000000e+00 : f32
              %broadcast_in_dim3A_2318 = vector.broadcast %jit3A_2317 : f32 to vector<16xf32>
              %select_n3A_2319 = arith.select %gt3A_2316, %broadcast_in_dim3A_2318, %select_n3A_2289 : vector<16xi1>, vector<16xf32>
              %min3A_2320 = vector.broadcast %squeeze3A_2059 : f32 to vector<16xf32>
              %min3A_2321 = arith.minimumf %min3A_2320, %get3A_2098 : vector<16xf32>
              %max3A_2322 = vector.broadcast %squeeze3A_2049 : f32 to vector<16xf32>
              %max3A_2323 = arith.maximumf %max3A_2322, %get3A_2090 : vector<16xf32>
              %sub3A_2324 = arith.subf %min3A_2321, %max3A_2323 : vector<16xf32>
              %jit3A_2325 = arith.constant 0.000000e+00 : f32
              %max3A_2326 = vector.broadcast %jit3A_2325 : f32 to vector<16xf32>
              %max3A_2327 = arith.maximumf %max3A_2326, %sub3A_2324 : vector<16xf32>
              %min3A_2328 = vector.broadcast %squeeze3A_2064 : f32 to vector<16xf32>
              %min3A_2329 = arith.minimumf %min3A_2328, %get3A_2102 : vector<16xf32>
              %max3A_2330 = vector.broadcast %squeeze3A_2054 : f32 to vector<16xf32>
              %max3A_2331 = arith.maximumf %max3A_2330, %get3A_2094 : vector<16xf32>
              %sub3A_2332 = arith.subf %min3A_2329, %max3A_2331 : vector<16xf32>
              %jit3A_2333 = arith.constant 0.000000e+00 : f32
              %max3A_2334 = vector.broadcast %jit3A_2333 : f32 to vector<16xf32>
              %max3A_2335 = arith.maximumf %max3A_2334, %sub3A_2332 : vector<16xf32>
              %mul3A_2336 = arith.mulf %max3A_2327, %max3A_2335 : vector<16xf32>
              %add3A_2337 = vector.broadcast %squeeze3A_2069 : f32 to vector<16xf32>
              %add3A_2338 = arith.addf %add3A_2337, %get3A_2106 : vector<16xf32>
              %sub3A_2339 = arith.subf %add3A_2338, %mul3A_2336 : vector<16xf32>
              %add3A_2340 = arith.constant 9.99999971E-10 : f32
              %add3A_2341 = vector.broadcast %add3A_2340 : f32 to vector<16xf32>
              %add3A_2342 = arith.addf %sub3A_2339, %add3A_2341 : vector<16xf32>
              %div3A_2343 = arith.divf %mul3A_2336, %add3A_2342 : vector<16xf32>
              %gt3A_2344 = arith.constant 3.000000e-01 : f32
              %gt3A_2345 = vector.broadcast %gt3A_2344 : f32 to vector<16xf32>
              %gt3A_2346 = arith.cmpf ogt, %div3A_2343, %gt3A_2345 : vector<16xf32>
              %jit3A_2347 = arith.constant 1.000000e+00 : f32
              %broadcast_in_dim3A_2348 = vector.broadcast %jit3A_2347 : f32 to vector<16xf32>
              %select_n3A_2349 = arith.select %gt3A_2346, %broadcast_in_dim3A_2348, %select_n3A_2319 : vector<16xi1>, vector<16xf32>
              %swap3A_2350 = arith.index_cast %mul3A_2086 : i32 to index
              %swap3A_2351 = tpu.vector_load %arg13[%swap3A_2350] {strides = array<i32>} : memref<336xf32, #tpu.memory_space<vmem>>, vector<16xf32>,
              %swap3A_2352 = vector.shape_cast %swap3A_2351 : vector<16xf32> to vector<16xf32>
              %swap3A_2353 = vector.shape_cast %select_n3A_2349 : vector<16xf32> to vector<16xf32>
              tpu.vector_store %arg13[%swap3A_2350], %swap3A_2353 {strides = array<i32>} : memref<336xf32, #tpu.memory_space<vmem>>, vector<16xf32>,
              %while3A_2354 = arith.constant 0 : i32
              scf.yield %while3A_2354 : i32
            }
            %while3A_2082 = arith.constant 0 : i32
            scf.yield %while3A_2082 : i32
          }
          %while3A_1807 = arith.constant 1 : i32
          %while3A_1808 = scf.for %while3A_1809 = %while3A_1804 to %while3A_1800 step %while3A_1807 iter_args(%while3A_1810 = %while3A_1806) -> (i32)  : i32 {
            %mul3A_1811 = arith.constant 8 : i32
            %mul3A_1812 = arith.muli %while3A_1809, %mul3A_1811 : i32
            %add3A_1813 = arith.addi %scan3A_524, %mul3A_1812 : i32
            %add3A_1814 = arith.constant 0 : i32
            %add3A_1815 = arith.addi %add3A_1813, %add3A_1814 : i32
            %get3A_1816 = arith.index_cast %add3A_1815 : i32 to index
            %get3A_1817 = tpu.vector_load %arg15[%get3A_1816] {strides = array<i32>} : memref<368xi32, #tpu.memory_space<vmem>>, vector<16xi32>,
            %get3A_1818 = vector.shape_cast %get3A_1817 : vector<16xi32> to vector<16xi32>
            %slice3A_1819 = vector.extract_strided_slice %get3A_1818 {offsets = [0], sizes = [1], strides = [1]} : vector<16xi32> to vector<1xi32>
            %squeeze3A_1820 = vector.extract %slice3A_1819[0] : i32 from vector<1xi32>
            %get3A_1821 = arith.index_cast %squeeze3A_1820 : i32 to index
            %get3A_1822 = tpu.vector_load %arg8[%get3A_1821] {strides = array<i32>} : memref<5136xf32, #tpu.memory_space<vmem>>, vector<16xf32>,
            %get3A_1823 = vector.shape_cast %get3A_1822 : vector<16xf32> to vector<16xf32>
            %slice3A_1824 = vector.extract_strided_slice %get3A_1823 {offsets = [0], sizes = [1], strides = [1]} : vector<16xf32> to vector<1xf32>
            %squeeze3A_1825 = vector.extract %slice3A_1824[0] : f32 from vector<1xf32>
            %get3A_1826 = arith.index_cast %squeeze3A_1820 : i32 to index
            %get3A_1827 = tpu.vector_load %arg9[%get3A_1826] {strides = array<i32>} : memref<5136xf32, #tpu.memory_space<vmem>>, vector<16xf32>,
            %get3A_1828 = vector.shape_cast %get3A_1827 : vector<16xf32> to vector<16xf32>
            %slice3A_1829 = vector.extract_strided_slice %get3A_1828 {offsets = [0], sizes = [1], strides = [1]} : vector<16xf32> to vector<1xf32>
            %squeeze3A_1830 = vector.extract %slice3A_1829[0] : f32 from vector<1xf32>
            %get3A_1831 = arith.index_cast %squeeze3A_1820 : i32 to index
            %get3A_1832 = tpu.vector_load %arg10[%get3A_1831] {strides = array<i32>} : memref<5136xf32, #tpu.memory_space<vmem>>, vector<16xf32>,
            %get3A_1833 = vector.shape_cast %get3A_1832 : vector<16xf32> to vector<16xf32>
            %slice3A_1834 = vector.extract_strided_slice %get3A_1833 {offsets = [0], sizes = [1], strides = [1]} : vector<16xf32> to vector<1xf32>
            %squeeze3A_1835 = vector.extract %slice3A_1834[0] : f32 from vector<1xf32>
            %get3A_1836 = arith.index_cast %squeeze3A_1820 : i32 to index
            %get3A_1837 = tpu.vector_load %arg11[%get3A_1836] {strides = array<i32>} : memref<5136xf32, #tpu.memory_space<vmem>>, vector<16xf32>,
            %get3A_1838 = vector.shape_cast %get3A_1837 : vector<16xf32> to vector<16xf32>
            %slice3A_1839 = vector.extract_strided_slice %get3A_1838 {offsets = [0], sizes = [1], strides = [1]} : vector<16xf32> to vector<1xf32>
            %squeeze3A_1840 = vector.extract %slice3A_1839[0] : f32 from vector<1xf32>
            %get3A_1841 = arith.index_cast %squeeze3A_1820 : i32 to index
            %get3A_1842 = tpu.vector_load %arg12[%get3A_1841] {strides = array<i32>} : memref<5136xf32, #tpu.memory_space<vmem>>, vector<16xf32>,
            %get3A_1843 = vector.shape_cast %get3A_1842 : vector<16xf32> to vector<16xf32>
            %slice3A_1844 = vector.extract_strided_slice %get3A_1843 {offsets = [0], sizes = [1], strides = [1]} : vector<16xf32> to vector<1xf32>
            %squeeze3A_1845 = vector.extract %slice3A_1844[0] : f32 from vector<1xf32>
            %add3A_1846 = arith.constant 1 : i32
            %add3A_1847 = arith.addi %add3A_1813, %add3A_1846 : i32
            %get3A_1848 = arith.index_cast %add3A_1847 : i32 to index
            %get3A_1849 = tpu.vector_load %arg15[%get3A_1848] {strides = array<i32>} : memref<368xi32, #tpu.memory_space<vmem>>, vector<16xi32>,
            %get3A_1850 = vector.shape_cast %get3A_1849 : vector<16xi32> to vector<16xi32>
            %slice3A_1851 = vector.extract_strided_slice %get3A_1850 {offsets = [0], sizes = [1], strides = [1]} : vector<16xi32> to vector<1xi32>
            %squeeze3A_1852 = vector.extract %slice3A_1851[0] : i32 from vector<1xi32>
            %get3A_1853 = arith.index_cast %squeeze3A_1852 : i32 to index
            %get3A_1854 = tpu.vector_load %arg8[%get3A_1853] {strides = array<i32>} : memref<5136xf32, #tpu.memory_space<vmem>>, vector<16xf32>,
            %get3A_1855 = vector.shape_cast %get3A_1854 : vector<16xf32> to vector<16xf32>
            %slice3A_1856 = vector.extract_strided_slice %get3A_1855 {offsets = [0], sizes = [1], strides = [1]} : vector<16xf32> to vector<1xf32>
            %squeeze3A_1857 = vector.extract %slice3A_1856[0] : f32 from vector<1xf32>
            %get3A_1858 = arith.index_cast %squeeze3A_1852 : i32 to index
            %get3A_1859 = tpu.vector_load %arg9[%get3A_1858] {strides = array<i32>} : memref<5136xf32, #tpu.memory_space<vmem>>, vector<16xf32>,
            %get3A_1860 = vector.shape_cast %get3A_1859 : vector<16xf32> to vector<16xf32>
            %slice3A_1861 = vector.extract_strided_slice %get3A_1860 {offsets = [0], sizes = [1], strides = [1]} : vector<16xf32> to vector<1xf32>
            %squeeze3A_1862 = vector.extract %slice3A_1861[0] : f32 from vector<1xf32>
            %get3A_1863 = arith.index_cast %squeeze3A_1852 : i32 to index
            %get3A_1864 = tpu.vector_load %arg10[%get3A_1863] {strides = array<i32>} : memref<5136xf32, #tpu.memory_space<vmem>>, vector<16xf32>,
            %get3A_1865 = vector.shape_cast %get3A_1864 : vector<16xf32> to vector<16xf32>
            %slice3A_1866 = vector.extract_strided_slice %get3A_1865 {offsets = [0], sizes = [1], strides = [1]} : vector<16xf32> to vector<1xf32>
            %squeeze3A_1867 = vector.extract %slice3A_1866[0] : f32 from vector<1xf32>
            %get3A_1868 = arith.index_cast %squeeze3A_1852 : i32 to index
            %get3A_1869 = tpu.vector_load %arg11[%get3A_1868] {strides = array<i32>} : memref<5136xf32, #tpu.memory_space<vmem>>, vector<16xf32>,
            %get3A_1870 = vector.shape_cast %get3A_1869 : vector<16xf32> to vector<16xf32>
            %slice3A_1871 = vector.extract_strided_slice %get3A_1870 {offsets = [0], sizes = [1], strides = [1]} : vector<16xf32> to vector<1xf32>
            %squeeze3A_1872 = vector.extract %slice3A_1871[0] : f32 from vector<1xf32>
            %get3A_1873 = arith.index_cast %squeeze3A_1852 : i32 to index
            %get3A_1874 = tpu.vector_load %arg12[%get3A_1873] {strides = array<i32>} : memref<5136xf32, #tpu.memory_space<vmem>>, vector<16xf32>,
            %get3A_1875 = vector.shape_cast %get3A_1874 : vector<16xf32> to vector<16xf32>
            %slice3A_1876 = vector.extract_strided_slice %get3A_1875 {offsets = [0], sizes = [1], strides = [1]} : vector<16xf32> to vector<1xf32>
            %squeeze3A_1877 = vector.extract %slice3A_1876[0] : f32 from vector<1xf32>
            %add3A_1878 = arith.constant 2 : i32
            %add3A_1879 = arith.addi %add3A_1813, %add3A_1878 : i32
            %get3A_1880 = arith.index_cast %add3A_1879 : i32 to index
            %get3A_1881 = tpu.vector_load %arg15[%get3A_1880] {strides = array<i32>} : memref<368xi32, #tpu.memory_space<vmem>>, vector<16xi32>,
            %get3A_1882 = vector.shape_cast %get3A_1881 : vector<16xi32> to vector<16xi32>
            %slice3A_1883 = vector.extract_strided_slice %get3A_1882 {offsets = [0], sizes = [1], strides = [1]} : vector<16xi32> to vector<1xi32>
            %squeeze3A_1884 = vector.extract %slice3A_1883[0] : i32 from vector<1xi32>
            %get3A_1885 = arith.index_cast %squeeze3A_1884 : i32 to index
            %get3A_1886 = tpu.vector_load %arg8[%get3A_1885] {strides = array<i32>} : memref<5136xf32, #tpu.memory_space<vmem>>, vector<16xf32>,
            %get3A_1887 = vector.shape_cast %get3A_1886 : vector<16xf32> to vector<16xf32>
            %slice3A_1888 = vector.extract_strided_slice %get3A_1887 {offsets = [0], sizes = [1], strides = [1]} : vector<16xf32> to vector<1xf32>
            %squeeze3A_1889 = vector.extract %slice3A_1888[0] : f32 from vector<1xf32>
            %get3A_1890 = arith.index_cast %squeeze3A_1884 : i32 to index
            %get3A_1891 = tpu.vector_load %arg9[%get3A_1890] {strides = array<i32>} : memref<5136xf32, #tpu.memory_space<vmem>>, vector<16xf32>,
            %get3A_1892 = vector.shape_cast %get3A_1891 : vector<16xf32> to vector<16xf32>
            %slice3A_1893 = vector.extract_strided_slice %get3A_1892 {offsets = [0], sizes = [1], strides = [1]} : vector<16xf32> to vector<1xf32>
            %squeeze3A_1894 = vector.extract %slice3A_1893[0] : f32 from vector<1xf32>
            %get3A_1895 = arith.index_cast %squeeze3A_1884 : i32 to index
            %get3A_1896 = tpu.vector_load %arg10[%get3A_1895] {strides = array<i32>} : memref<5136xf32, #tpu.memory_space<vmem>>, vector<16xf32>,
            %get3A_1897 = vector.shape_cast %get3A_1896 : vector<16xf32> to vector<16xf32>
            %slice3A_1898 = vector.extract_strided_slice %get3A_1897 {offsets = [0], sizes = [1], strides = [1]} : vector<16xf32> to vector<1xf32>
            %squeeze3A_1899 = vector.extract %slice3A_1898[0] : f32 from vector<1xf32>
            %get3A_1900 = arith.index_cast %squeeze3A_1884 : i32 to index
            %get3A_1901 = tpu.vector_load %arg11[%get3A_1900] {strides = array<i32>} : memref<5136xf32, #tpu.memory_space<vmem>>, vector<16xf32>,
            %get3A_1902 = vector.shape_cast %get3A_1901 : vector<16xf32> to vector<16xf32>
            %slice3A_1903 = vector.extract_strided_slice %get3A_1902 {offsets = [0], sizes = [1], strides = [1]} : vector<16xf32> to vector<1xf32>
            %squeeze3A_1904 = vector.extract %slice3A_1903[0] : f32 from vector<1xf32>
            %get3A_1905 = arith.index_cast %squeeze3A_1884 : i32 to index
            %get3A_1906 = tpu.vector_load %arg12[%get3A_1905] {strides = array<i32>} : memref<5136xf32, #tpu.memory_space<vmem>>, vector<16xf32>,
            %get3A_1907 = vector.shape_cast %get3A_1906 : vector<16xf32> to vector<16xf32>
            %slice3A_1908 = vector.extract_strided_slice %get3A_1907 {offsets = [0], sizes = [1], strides = [1]} : vector<16xf32> to vector<1xf32>
            %squeeze3A_1909 = vector.extract %slice3A_1908[0] : f32 from vector<1xf32>
            %add3A_1910 = arith.constant 3 : i32
            %add3A_1911 = arith.addi %add3A_1813, %add3A_1910 : i32
            %get3A_1912 = arith.index_cast %add3A_1911 : i32 to index
            %get3A_1913 = tpu.vector_load %arg15[%get3A_1912] {strides = array<i32>} : memref<368xi32, #tpu.memory_space<vmem>>, vector<16xi32>,
            %get3A_1914 = vector.shape_cast %get3A_1913 : vector<16xi32> to vector<16xi32>
            %slice3A_1915 = vector.extract_strided_slice %get3A_1914 {offsets = [0], sizes = [1], strides = [1]} : vector<16xi32> to vector<1xi32>
            %squeeze3A_1916 = vector.extract %slice3A_1915[0] : i32 from vector<1xi32>
            %get3A_1917 = arith.index_cast %squeeze3A_1916 : i32 to index
            %get3A_1918 = tpu.vector_load %arg8[%get3A_1917] {strides = array<i32>} : memref<5136xf32, #tpu.memory_space<vmem>>, vector<16xf32>,
            %get3A_1919 = vector.shape_cast %get3A_1918 : vector<16xf32> to vector<16xf32>
            %slice3A_1920 = vector.extract_strided_slice %get3A_1919 {offsets = [0], sizes = [1], strides = [1]} : vector<16xf32> to vector<1xf32>
            %squeeze3A_1921 = vector.extract %slice3A_1920[0] : f32 from vector<1xf32>
            %get3A_1922 = arith.index_cast %squeeze3A_1916 : i32 to index
            %get3A_1923 = tpu.vector_load %arg9[%get3A_1922] {strides = array<i32>} : memref<5136xf32, #tpu.memory_space<vmem>>, vector<16xf32>,
            %get3A_1924 = vector.shape_cast %get3A_1923 : vector<16xf32> to vector<16xf32>
            %slice3A_1925 = vector.extract_strided_slice %get3A_1924 {offsets = [0], sizes = [1], strides = [1]} : vector<16xf32> to vector<1xf32>
            %squeeze3A_1926 = vector.extract %slice3A_1925[0] : f32 from vector<1xf32>
            %get3A_1927 = arith.index_cast %squeeze3A_1916 : i32 to index
            %get3A_1928 = tpu.vector_load %arg10[%get3A_1927] {strides = array<i32>} : memref<5136xf32, #tpu.memory_space<vmem>>, vector<16xf32>,
            %get3A_1929 = vector.shape_cast %get3A_1928 : vector<16xf32> to vector<16xf32>
            %slice3A_1930 = vector.extract_strided_slice %get3A_1929 {offsets = [0], sizes = [1], strides = [1]} : vector<16xf32> to vector<1xf32>
            %squeeze3A_1931 = vector.extract %slice3A_1930[0] : f32 from vector<1xf32>
            %get3A_1932 = arith.index_cast %squeeze3A_1916 : i32 to index
            %get3A_1933 = tpu.vector_load %arg11[%get3A_1932] {strides = array<i32>} : memref<5136xf32, #tpu.memory_space<vmem>>, vector<16xf32>,
            %get3A_1934 = vector.shape_cast %get3A_1933 : vector<16xf32> to vector<16xf32>
            %slice3A_1935 = vector.extract_strided_slice %get3A_1934 {offsets = [0], sizes = [1], strides = [1]} : vector<16xf32> to vector<1xf32>
            %squeeze3A_1936 = vector.extract %slice3A_1935[0] : f32 from vector<1xf32>
            %get3A_1937 = arith.index_cast %squeeze3A_1916 : i32 to index
            %get3A_1938 = tpu.vector_load %arg12[%get3A_1937] {strides = array<i32>} : memref<5136xf32, #tpu.memory_space<vmem>>, vector<16xf32>,
            %get3A_1939 = vector.shape_cast %get3A_1938 : vector<16xf32> to vector<16xf32>
            %slice3A_1940 = vector.extract_strided_slice %get3A_1939 {offsets = [0], sizes = [1], strides = [1]} : vector<16xf32> to vector<1xf32>
            %squeeze3A_1941 = vector.extract %slice3A_1940[0] : f32 from vector<1xf32>
            %add3A_1942 = arith.constant 4 : i32
            %add3A_1943 = arith.addi %add3A_1813, %add3A_1942 : i32
            %get3A_1944 = arith.index_cast %add3A_1943 : i32 to index
            %get3A_1945 = tpu.vector_load %arg15[%get3A_1944] {strides = array<i32>} : memref<368xi32, #tpu.memory_space<vmem>>, vector<16xi32>,
            %get3A_1946 = vector.shape_cast %get3A_1945 : vector<16xi32> to vector<16xi32>
            %slice3A_1947 = vector.extract_strided_slice %get3A_1946 {offsets = [0], sizes = [1], strides = [1]} : vector<16xi32> to vector<1xi32>
            %squeeze3A_1948 = vector.extract %slice3A_1947[0] : i32 from vector<1xi32>
            %get3A_1949 = arith.index_cast %squeeze3A_1948 : i32 to index
            %get3A_1950 = tpu.vector_load %arg8[%get3A_1949] {strides = array<i32>} : memref<5136xf32, #tpu.memory_space<vmem>>, vector<16xf32>,
            %get3A_1951 = vector.shape_cast %get3A_1950 : vector<16xf32> to vector<16xf32>
            %slice3A_1952 = vector.extract_strided_slice %get3A_1951 {offsets = [0], sizes = [1], strides = [1]} : vector<16xf32> to vector<1xf32>
            %squeeze3A_1953 = vector.extract %slice3A_1952[0] : f32 from vector<1xf32>
            %get3A_1954 = arith.index_cast %squeeze3A_1948 : i32 to index
            %get3A_1955 = tpu.vector_load %arg9[%get3A_1954] {strides = array<i32>} : memref<5136xf32, #tpu.memory_space<vmem>>, vector<16xf32>,
            %get3A_1956 = vector.shape_cast %get3A_1955 : vector<16xf32> to vector<16xf32>
            %slice3A_1957 = vector.extract_strided_slice %get3A_1956 {offsets = [0], sizes = [1], strides = [1]} : vector<16xf32> to vector<1xf32>
            %squeeze3A_1958 = vector.extract %slice3A_1957[0] : f32 from vector<1xf32>
            %get3A_1959 = arith.index_cast %squeeze3A_1948 : i32 to index
            %get3A_1960 = tpu.vector_load %arg10[%get3A_1959] {strides = array<i32>} : memref<5136xf32, #tpu.memory_space<vmem>>, vector<16xf32>,
            %get3A_1961 = vector.shape_cast %get3A_1960 : vector<16xf32> to vector<16xf32>
            %slice3A_1962 = vector.extract_strided_slice %get3A_1961 {offsets = [0], sizes = [1], strides = [1]} : vector<16xf32> to vector<1xf32>
            %squeeze3A_1963 = vector.extract %slice3A_1962[0] : f32 from vector<1xf32>
            %get3A_1964 = arith.index_cast %squeeze3A_1948 : i32 to index
            %get3A_1965 = tpu.vector_load %arg11[%get3A_1964] {strides = array<i32>} : memref<5136xf32, #tpu.memory_space<vmem>>, vector<16xf32>,
            %get3A_1966 = vector.shape_cast %get3A_1965 : vector<16xf32> to vector<16xf32>
            %slice3A_1967 = vector.extract_strided_slice %get3A_1966 {offsets = [0], sizes = [1], strides = [1]} : vector<16xf32> to vector<1xf32>
            %squeeze3A_1968 = vector.extract %slice3A_1967[0] : f32 from vector<1xf32>
            %get3A_1969 = arith.index_cast %squeeze3A_1948 : i32 to index
            %get3A_1970 = tpu.vector_load %arg12[%get3A_1969] {strides = array<i32>} : memref<5136xf32, #tpu.memory_space<vmem>>, vector<16xf32>,
            %get3A_1971 = vector.shape_cast %get3A_1970 : vector<16xf32> to vector<16xf32>
            %slice3A_1972 = vector.extract_strided_slice %get3A_1971 {offsets = [0], sizes = [1], strides = [1]} : vector<16xf32> to vector<1xf32>
            %squeeze3A_1973 = vector.extract %slice3A_1972[0] : f32 from vector<1xf32>
            %add3A_1974 = arith.constant 5 : i32
            %add3A_1975 = arith.addi %add3A_1813, %add3A_1974 : i32
            %get3A_1976 = arith.index_cast %add3A_1975 : i32 to index
            %get3A_1977 = tpu.vector_load %arg15[%get3A_1976] {strides = array<i32>} : memref<368xi32, #tpu.memory_space<vmem>>, vector<16xi32>,
            %get3A_1978 = vector.shape_cast %get3A_1977 : vector<16xi32> to vector<16xi32>
            %slice3A_1979 = vector.extract_strided_slice %get3A_1978 {offsets = [0], sizes = [1], strides = [1]} : vector<16xi32> to vector<1xi32>
            %squeeze3A_1980 = vector.extract %slice3A_1979[0] : i32 from vector<1xi32>
            %get3A_1981 = arith.index_cast %squeeze3A_1980 : i32 to index
            %get3A_1982 = tpu.vector_load %arg8[%get3A_1981] {strides = array<i32>} : memref<5136xf32, #tpu.memory_space<vmem>>, vector<16xf32>,
            %get3A_1983 = vector.shape_cast %get3A_1982 : vector<16xf32> to vector<16xf32>
            %slice3A_1984 = vector.extract_strided_slice %get3A_1983 {offsets = [0], sizes = [1], strides = [1]} : vector<16xf32> to vector<1xf32>
            %squeeze3A_1985 = vector.extract %slice3A_1984[0] : f32 from vector<1xf32>
            %get3A_1986 = arith.index_cast %squeeze3A_1980 : i32 to index
            %get3A_1987 = tpu.vector_load %arg9[%get3A_1986] {strides = array<i32>} : memref<5136xf32, #tpu.memory_space<vmem>>, vector<16xf32>,
            %get3A_1988 = vector.shape_cast %get3A_1987 : vector<16xf32> to vector<16xf32>
            %slice3A_1989 = vector.extract_strided_slice %get3A_1988 {offsets = [0], sizes = [1], strides = [1]} : vector<16xf32> to vector<1xf32>
            %squeeze3A_1990 = vector.extract %slice3A_1989[0] : f32 from vector<1xf32>
            %get3A_1991 = arith.index_cast %squeeze3A_1980 : i32 to index
            %get3A_1992 = tpu.vector_load %arg10[%get3A_1991] {strides = array<i32>} : memref<5136xf32, #tpu.memory_space<vmem>>, vector<16xf32>,
            %get3A_1993 = vector.shape_cast %get3A_1992 : vector<16xf32> to vector<16xf32>
            %slice3A_1994 = vector.extract_strided_slice %get3A_1993 {offsets = [0], sizes = [1], strides = [1]} : vector<16xf32> to vector<1xf32>
            %squeeze3A_1995 = vector.extract %slice3A_1994[0] : f32 from vector<1xf32>
            %get3A_1996 = arith.index_cast %squeeze3A_1980 : i32 to index
            %get3A_1997 = tpu.vector_load %arg11[%get3A_1996] {strides = array<i32>} : memref<5136xf32, #tpu.memory_space<vmem>>, vector<16xf32>,
            %get3A_1998 = vector.shape_cast %get3A_1997 : vector<16xf32> to vector<16xf32>
            %slice3A_1999 = vector.extract_strided_slice %get3A_1998 {offsets = [0], sizes = [1], strides = [1]} : vector<16xf32> to vector<1xf32>
            %squeeze3A_2000 = vector.extract %slice3A_1999[0] : f32 from vector<1xf32>
            %get3A_2001 = arith.index_cast %squeeze3A_1980 : i32 to index
            %get3A_2002 = tpu.vector_load %arg12[%get3A_2001] {strides = array<i32>} : memref<5136xf32, #tpu.memory_space<vmem>>, vector<16xf32>,
            %get3A_2003 = vector.shape_cast %get3A_2002 : vector<16xf32> to vector<16xf32>
            %slice3A_2004 = vector.extract_strided_slice %get3A_2003 {offsets = [0], sizes = [1], strides = [1]} : vector<16xf32> to vector<1xf32>
            %squeeze3A_2005 = vector.extract %slice3A_2004[0] : f32 from vector<1xf32>
            %add3A_2006 = arith.constant 6 : i32
            %add3A_2007 = arith.addi %add3A_1813, %add3A_2006 : i32
            %get3A_2008 = arith.index_cast %add3A_2007 : i32 to index
            %get3A_2009 = tpu.vector_load %arg15[%get3A_2008] {strides = array<i32>} : memref<368xi32, #tpu.memory_space<vmem>>, vector<16xi32>,
            %get3A_2010 = vector.shape_cast %get3A_2009 : vector<16xi32> to vector<16xi32>
            %slice3A_2011 = vector.extract_strided_slice %get3A_2010 {offsets = [0], sizes = [1], strides = [1]} : vector<16xi32> to vector<1xi32>
            %squeeze3A_2012 = vector.extract %slice3A_2011[0] : i32 from vector<1xi32>
            %get3A_2013 = arith.index_cast %squeeze3A_2012 : i32 to index
            %get3A_2014 = tpu.vector_load %arg8[%get3A_2013] {strides = array<i32>} : memref<5136xf32, #tpu.memory_space<vmem>>, vector<16xf32>,
            %get3A_2015 = vector.shape_cast %get3A_2014 : vector<16xf32> to vector<16xf32>
            %slice3A_2016 = vector.extract_strided_slice %get3A_2015 {offsets = [0], sizes = [1], strides = [1]} : vector<16xf32> to vector<1xf32>
            %squeeze3A_2017 = vector.extract %slice3A_2016[0] : f32 from vector<1xf32>
            %get3A_2018 = arith.index_cast %squeeze3A_2012 : i32 to index
            %get3A_2019 = tpu.vector_load %arg9[%get3A_2018] {strides = array<i32>} : memref<5136xf32, #tpu.memory_space<vmem>>, vector<16xf32>,
            %get3A_2020 = vector.shape_cast %get3A_2019 : vector<16xf32> to vector<16xf32>
            %slice3A_2021 = vector.extract_strided_slice %get3A_2020 {offsets = [0], sizes = [1], strides = [1]} : vector<16xf32> to vector<1xf32>
            %squeeze3A_2022 = vector.extract %slice3A_2021[0] : f32 from vector<1xf32>
            %get3A_2023 = arith.index_cast %squeeze3A_2012 : i32 to index
            %get3A_2024 = tpu.vector_load %arg10[%get3A_2023] {strides = array<i32>} : memref<5136xf32, #tpu.memory_space<vmem>>, vector<16xf32>,
            %get3A_2025 = vector.shape_cast %get3A_2024 : vector<16xf32> to vector<16xf32>
            %slice3A_2026 = vector.extract_strided_slice %get3A_2025 {offsets = [0], sizes = [1], strides = [1]} : vector<16xf32> to vector<1xf32>
            %squeeze3A_2027 = vector.extract %slice3A_2026[0] : f32 from vector<1xf32>
            %get3A_2028 = arith.index_cast %squeeze3A_2012 : i32 to index
            %get3A_2029 = tpu.vector_load %arg11[%get3A_2028] {strides = array<i32>} : memref<5136xf32, #tpu.memory_space<vmem>>, vector<16xf32>,
            %get3A_2030 = vector.shape_cast %get3A_2029 : vector<16xf32> to vector<16xf32>
            %slice3A_2031 = vector.extract_strided_slice %get3A_2030 {offsets = [0], sizes = [1], strides = [1]} : vector<16xf32> to vector<1xf32>
            %squeeze3A_2032 = vector.extract %slice3A_2031[0] : f32 from vector<1xf32>
            %get3A_2033 = arith.index_cast %squeeze3A_2012 : i32 to index
            %get3A_2034 = tpu.vector_load %arg12[%get3A_2033] {strides = array<i32>} : memref<5136xf32, #tpu.memory_space<vmem>>, vector<16xf32>,
            %get3A_2035 = vector.shape_cast %get3A_2034 : vector<16xf32> to vector<16xf32>
            %slice3A_2036 = vector.extract_strided_slice %get3A_2035 {offsets = [0], sizes = [1], strides = [1]} : vector<16xf32> to vector<1xf32>
            %squeeze3A_2037 = vector.extract %slice3A_2036[0] : f32 from vector<1xf32>
            %add3A_2038 = arith.constant 7 : i32
            %add3A_2039 = arith.addi %add3A_1813, %add3A_2038 : i32
            %get3A_2040 = arith.index_cast %add3A_2039 : i32 to index
            %get3A_2041 = tpu.vector_load %arg15[%get3A_2040] {strides = array<i32>} : memref<368xi32, #tpu.memory_space<vmem>>, vector<16xi32>,
            %get3A_2042 = vector.shape_cast %get3A_2041 : vector<16xi32> to vector<16xi32>
            %slice3A_2043 = vector.extract_strided_slice %get3A_2042 {offsets = [0], sizes = [1], strides = [1]} : vector<16xi32> to vector<1xi32>
            %squeeze3A_2044 = vector.extract %slice3A_2043[0] : i32 from vector<1xi32>
            %get3A_2045 = arith.index_cast %squeeze3A_2044 : i32 to index
            %get3A_2046 = tpu.vector_load %arg8[%get3A_2045] {strides = array<i32>} : memref<5136xf32, #tpu.memory_space<vmem>>, vector<16xf32>,
            %get3A_2047 = vector.shape_cast %get3A_2046 : vector<16xf32> to vector<16xf32>
            %slice3A_2048 = vector.extract_strided_slice %get3A_2047 {offsets = [0], sizes = [1], strides = [1]} : vector<16xf32> to vector<1xf32>
            %squeeze3A_2049 = vector.extract %slice3A_2048[0] : f32 from vector<1xf32>
            %get3A_2050 = arith.index_cast %squeeze3A_2044 : i32 to index
            %get3A_2051 = tpu.vector_load %arg9[%get3A_2050] {strides = array<i32>} : memref<5136xf32, #tpu.memory_space<vmem>>, vector<16xf32>,
            %get3A_2052 = vector.shape_cast %get3A_2051 : vector<16xf32> to vector<16xf32>
            %slice3A_2053 = vector.extract_strided_slice %get3A_2052 {offsets = [0], sizes = [1], strides = [1]} : vector<16xf32> to vector<1xf32>
            %squeeze3A_2054 = vector.extract %slice3A_2053[0] : f32 from vector<1xf32>
            %get3A_2055 = arith.index_cast %squeeze3A_2044 : i32 to index
            %get3A_2056 = tpu.vector_load %arg10[%get3A_2055] {strides = array<i32>} : memref<5136xf32, #tpu.memory_space<vmem>>, vector<16xf32>,
            %get3A_2057 = vector.shape_cast %get3A_2056 : vector<16xf32> to vector<16xf32>
            %slice3A_2058 = vector.extract_strided_slice %get3A_2057 {offsets = [0], sizes = [1], strides = [1]} : vector<16xf32> to vector<1xf32>
            %squeeze3A_2059 = vector.extract %slice3A_2058[0] : f32 from vector<1xf32>
            %get3A_2060 = arith.index_cast %squeeze3A_2044 : i32 to index
            %get3A_2061 = tpu.vector_load %arg11[%get3A_2060] {strides = array<i32>} : memref<5136xf32, #tpu.memory_space<vmem>>, vector<16xf32>,
            %get3A_2062 = vector.shape_cast %get3A_2061 : vector<16xf32> to vector<16xf32>
            %slice3A_2063 = vector.extract_strided_slice %get3A_2062 {offsets = [0], sizes = [1], strides = [1]} : vector<16xf32> to vector<1xf32>
            %squeeze3A_2064 = vector.extract %slice3A_2063[0] : f32 from vector<1xf32>
            %get3A_2065 = arith.index_cast %squeeze3A_2044 : i32 to index
            %get3A_2066 = tpu.vector_load %arg12[%get3A_2065] {strides = array<i32>} : memref<5136xf32, #tpu.memory_space<vmem>>, vector<16xf32>,
            %get3A_2067 = vector.shape_cast %get3A_2066 : vector<16xf32> to vector<16xf32>
            %slice3A_2068 = vector.extract_strided_slice %get3A_2067 {offsets = [0], sizes = [1], strides = [1]} : vector<16xf32> to vector<1xf32>
            %squeeze3A_2069 = vector.extract %slice3A_2068[0] : f32 from vector<1xf32>
            %while3A_2070 = arith.constant 20 : i32
            %while3A_2071 = arith.constant 0 : i32
            %while3A_2072 = arith.subi %while3A_2070, %add3A_1773 : i32
            %while3A_2073 = arith.addi %add3A_1773, %while3A_2072 : i32
            %while3A_2074 = arith.constant 1 : i32
            %while3A_2075 = arith.divsi %while3A_2072, %while3A_2074 : i32
            %while3A_2076 = arith.muli %while3A_2075, %while3A_2074 : i32
            %while3A_2077 = arith.addi %add3A_1773, %while3A_2076 : i32
            %while3A_2078 = arith.constant 1 : i32
            %while3A_2079 = scf.for %while3A_2083 = %add3A_1773 to %while3A_2077 step %while3A_2078 iter_args(%while3A_2084 = %while3A_2071) -> (i32)  : i32 {
              %mul3A_2085 = arith.constant 16 : i32
              %mul3A_2086 = arith.muli %while3A_2083, %mul3A_2085 : i32
              %add3A_2087 = arith.addi %mul3A_0, %mul3A_2086 : i32
              %get3A_2088 = arith.index_cast %add3A_2087 : i32 to index
              %get3A_2089 = tpu.vector_load %arg8[%get3A_2088] {strides = array<i32>} : memref<5136xf32, #tpu.memory_space<vmem>>, vector<16xf32>,
              %get3A_2090 = vector.shape_cast %get3A_2089 : vector<16xf32> to vector<16xf32>
              %add3A_2091 = arith.addi %mul3A_0, %mul3A_2086 : i32
              %get3A_2092 = arith.index_cast %add3A_2091 : i32 to index
              %get3A_2093 = tpu.vector_load %arg9[%get3A_2092] {strides = array<i32>} : memref<5136xf32, #tpu.memory_space<vmem>>, vector<16xf32>,
              %get3A_2094 = vector.shape_cast %get3A_2093 : vector<16xf32> to vector<16xf32>
              %add3A_2095 = arith.addi %mul3A_0, %mul3A_2086 : i32
              %get3A_2096 = arith.index_cast %add3A_2095 : i32 to index
              %get3A_2097 = tpu.vector_load %arg10[%get3A_2096] {strides = array<i32>} : memref<5136xf32, #tpu.memory_space<vmem>>, vector<16xf32>,
              %get3A_2098 = vector.shape_cast %get3A_2097 : vector<16xf32> to vector<16xf32>
              %add3A_2099 = arith.addi %mul3A_0, %mul3A_2086 : i32
              %get3A_2100 = arith.index_cast %add3A_2099 : i32 to index
              %get3A_2101 = tpu.vector_load %arg11[%get3A_2100] {strides = array<i32>} : memref<5136xf32, #tpu.memory_space<vmem>>, vector<16xf32>,
              %get3A_2102 = vector.shape_cast %get3A_2101 : vector<16xf32> to vector<16xf32>
              %add3A_2103 = arith.addi %mul3A_0, %mul3A_2086 : i32
              %get3A_2104 = arith.index_cast %add3A_2103 : i32 to index
              %get3A_2105 = tpu.vector_load %arg12[%get3A_2104] {strides = array<i32>} : memref<5136xf32, #tpu.memory_space<vmem>>, vector<16xf32>,
              %get3A_2106 = vector.shape_cast %get3A_2105 : vector<16xf32> to vector<16xf32>
              %get3A_2107 = arith.index_cast %mul3A_2086 : i32 to index
              %get3A_2108 = tpu.vector_load %arg13[%get3A_2107] {strides = array<i32>} : memref<336xf32, #tpu.memory_space<vmem>>, vector<16xf32>,
              %get3A_2109 = vector.shape_cast %get3A_2108 : vector<16xf32> to vector<16xf32>
              %min3A_2110 = vector.broadcast %squeeze3A_1835 : f32 to vector<16xf32>
              %min3A_2111 = arith.minimumf %min3A_2110, %get3A_2098 : vector<16xf32>
              %max3A_2112 = vector.broadcast %squeeze3A_1825 : f32 to vector<16xf32>
              %max3A_2113 = arith.maximumf %max3A_2112, %get3A_2090 : vector<16xf32>
              %sub3A_2114 = arith.subf %min3A_2111, %max3A_2113 : vector<16xf32>
              %jit3A_2115 = arith.constant 0.000000e+00 : f32
              %max3A_2116 = vector.broadcast %jit3A_2115 : f32 to vector<16xf32>
              %max3A_2117 = arith.maximumf %max3A_2116, %sub3A_2114 : vector<16xf32>
              %min3A_2118 = vector.broadcast %squeeze3A_1840 : f32 to vector<16xf32>
              %min3A_2119 = arith.minimumf %min3A_2118, %get3A_2102 : vector<16xf32>
              %max3A_2120 = vector.broadcast %squeeze3A_1830 : f32 to vector<16xf32>
              %max3A_2121 = arith.maximumf %max3A_2120, %get3A_2094 : vector<16xf32>
              %sub3A_2122 = arith.subf %min3A_2119, %max3A_2121 : vector<16xf32>
              %jit3A_2123 = arith.constant 0.000000e+00 : f32
              %max3A_2124 = vector.broadcast %jit3A_2123 : f32 to vector<16xf32>
              %max3A_2125 = arith.maximumf %max3A_2124, %sub3A_2122 : vector<16xf32>
              %mul3A_2126 = arith.mulf %max3A_2117, %max3A_2125 : vector<16xf32>
              %add3A_2127 = vector.broadcast %squeeze3A_1845 : f32 to vector<16xf32>
              %add3A_2128 = arith.addf %add3A_2127, %get3A_2106 : vector<16xf32>
              %sub3A_2129 = arith.subf %add3A_2128, %mul3A_2126 : vector<16xf32>
              %add3A_2130 = arith.constant 9.99999971E-10 : f32
              %add3A_2131 = vector.broadcast %add3A_2130 : f32 to vector<16xf32>
              %add3A_2132 = arith.addf %sub3A_2129, %add3A_2131 : vector<16xf32>
              %div3A_2133 = arith.divf %mul3A_2126, %add3A_2132 : vector<16xf32>
              %gt3A_2134 = arith.constant 3.000000e-01 : f32
              %gt3A_2135 = vector.broadcast %gt3A_2134 : f32 to vector<16xf32>
              %gt3A_2136 = arith.cmpf ogt, %div3A_2133, %gt3A_2135 : vector<16xf32>
              %jit3A_2137 = arith.constant 1.000000e+00 : f32
              %broadcast_in_dim3A_2138 = vector.broadcast %jit3A_2137 : f32 to vector<16xf32>
              %select_n3A_2139 = arith.select %gt3A_2136, %broadcast_in_dim3A_2138, %get3A_2109 : vector<16xi1>, vector<16xf32>
              %min3A_2140 = vector.broadcast %squeeze3A_1867 : f32 to vector<16xf32>
              %min3A_2141 = arith.minimumf %min3A_2140, %get3A_2098 : vector<16xf32>
              %max3A_2142 = vector.broadcast %squeeze3A_1857 : f32 to vector<16xf32>
              %max3A_2143 = arith.maximumf %max3A_2142, %get3A_2090 : vector<16xf32>
              %sub3A_2144 = arith.subf %min3A_2141, %max3A_2143 : vector<16xf32>
              %jit3A_2145 = arith.constant 0.000000e+00 : f32
              %max3A_2146 = vector.broadcast %jit3A_2145 : f32 to vector<16xf32>
              %max3A_2147 = arith.maximumf %max3A_2146, %sub3A_2144 : vector<16xf32>
              %min3A_2148 = vector.broadcast %squeeze3A_1872 : f32 to vector<16xf32>
              %min3A_2149 = arith.minimumf %min3A_2148, %get3A_2102 : vector<16xf32>
              %max3A_2150 = vector.broadcast %squeeze3A_1862 : f32 to vector<16xf32>
              %max3A_2151 = arith.maximumf %max3A_2150, %get3A_2094 : vector<16xf32>
              %sub3A_2152 = arith.subf %min3A_2149, %max3A_2151 : vector<16xf32>
              %jit3A_2153 = arith.constant 0.000000e+00 : f32
              %max3A_2154 = vector.broadcast %jit3A_2153 : f32 to vector<16xf32>
              %max3A_2155 = arith.maximumf %max3A_2154, %sub3A_2152 : vector<16xf32>
              %mul3A_2156 = arith.mulf %max3A_2147, %max3A_2155 : vector<16xf32>
              %add3A_2157 = vector.broadcast %squeeze3A_1877 : f32 to vector<16xf32>
              %add3A_2158 = arith.addf %add3A_2157, %get3A_2106 : vector<16xf32>
              %sub3A_2159 = arith.subf %add3A_2158, %mul3A_2156 : vector<16xf32>
              %add3A_2160 = arith.constant 9.99999971E-10 : f32
              %add3A_2161 = vector.broadcast %add3A_2160 : f32 to vector<16xf32>
              %add3A_2162 = arith.addf %sub3A_2159, %add3A_2161 : vector<16xf32>
              %div3A_2163 = arith.divf %mul3A_2156, %add3A_2162 : vector<16xf32>
              %gt3A_2164 = arith.constant 3.000000e-01 : f32
              %gt3A_2165 = vector.broadcast %gt3A_2164 : f32 to vector<16xf32>
              %gt3A_2166 = arith.cmpf ogt, %div3A_2163, %gt3A_2165 : vector<16xf32>
              %jit3A_2167 = arith.constant 1.000000e+00 : f32
              %broadcast_in_dim3A_2168 = vector.broadcast %jit3A_2167 : f32 to vector<16xf32>
              %select_n3A_2169 = arith.select %gt3A_2166, %broadcast_in_dim3A_2168, %select_n3A_2139 : vector<16xi1>, vector<16xf32>
              %min3A_2170 = vector.broadcast %squeeze3A_1899 : f32 to vector<16xf32>
              %min3A_2171 = arith.minimumf %min3A_2170, %get3A_2098 : vector<16xf32>
              %max3A_2172 = vector.broadcast %squeeze3A_1889 : f32 to vector<16xf32>
              %max3A_2173 = arith.maximumf %max3A_2172, %get3A_2090 : vector<16xf32>
              %sub3A_2174 = arith.subf %min3A_2171, %max3A_2173 : vector<16xf32>
              %jit3A_2175 = arith.constant 0.000000e+00 : f32
              %max3A_2176 = vector.broadcast %jit3A_2175 : f32 to vector<16xf32>
              %max3A_2177 = arith.maximumf %max3A_2176, %sub3A_2174 : vector<16xf32>
              %min3A_2178 = vector.broadcast %squeeze3A_1904 : f32 to vector<16xf32>
              %min3A_2179 = arith.minimumf %min3A_2178, %get3A_2102 : vector<16xf32>
              %max3A_2180 = vector.broadcast %squeeze3A_1894 : f32 to vector<16xf32>
              %max3A_2181 = arith.maximumf %max3A_2180, %get3A_2094 : vector<16xf32>
              %sub3A_2182 = arith.subf %min3A_2179, %max3A_2181 : vector<16xf32>
              %jit3A_2183 = arith.constant 0.000000e+00 : f32
              %max3A_2184 = vector.broadcast %jit3A_2183 : f32 to vector<16xf32>
              %max3A_2185 = arith.maximumf %max3A_2184, %sub3A_2182 : vector<16xf32>
              %mul3A_2186 = arith.mulf %max3A_2177, %max3A_2185 : vector<16xf32>
              %add3A_2187 = vector.broadcast %squeeze3A_1909 : f32 to vector<16xf32>
              %add3A_2188 = arith.addf %add3A_2187, %get3A_2106 : vector<16xf32>
              %sub3A_2189 = arith.subf %add3A_2188, %mul3A_2186 : vector<16xf32>
              %add3A_2190 = arith.constant 9.99999971E-10 : f32
              %add3A_2191 = vector.broadcast %add3A_2190 : f32 to vector<16xf32>
              %add3A_2192 = arith.addf %sub3A_2189, %add3A_2191 : vector<16xf32>
              %div3A_2193 = arith.divf %mul3A_2186, %add3A_2192 : vector<16xf32>
              %gt3A_2194 = arith.constant 3.000000e-01 : f32
              %gt3A_2195 = vector.broadcast %gt3A_2194 : f32 to vector<16xf32>
              %gt3A_2196 = arith.cmpf ogt, %div3A_2193, %gt3A_2195 : vector<16xf32>
              %jit3A_2197 = arith.constant 1.000000e+00 : f32
              %broadcast_in_dim3A_2198 = vector.broadcast %jit3A_2197 : f32 to vector<16xf32>
              %select_n3A_2199 = arith.select %gt3A_2196, %broadcast_in_dim3A_2198, %select_n3A_2169 : vector<16xi1>, vector<16xf32>
              %min3A_2200 = vector.broadcast %squeeze3A_1931 : f32 to vector<16xf32>
              %min3A_2201 = arith.minimumf %min3A_2200, %get3A_2098 : vector<16xf32>
              %max3A_2202 = vector.broadcast %squeeze3A_1921 : f32 to vector<16xf32>
              %max3A_2203 = arith.maximumf %max3A_2202, %get3A_2090 : vector<16xf32>
              %sub3A_2204 = arith.subf %min3A_2201, %max3A_2203 : vector<16xf32>
              %jit3A_2205 = arith.constant 0.000000e+00 : f32
              %max3A_2206 = vector.broadcast %jit3A_2205 : f32 to vector<16xf32>
              %max3A_2207 = arith.maximumf %max3A_2206, %sub3A_2204 : vector<16xf32>
              %min3A_2208 = vector.broadcast %squeeze3A_1936 : f32 to vector<16xf32>
              %min3A_2209 = arith.minimumf %min3A_2208, %get3A_2102 : vector<16xf32>
              %max3A_2210 = vector.broadcast %squeeze3A_1926 : f32 to vector<16xf32>
              %max3A_2211 = arith.maximumf %max3A_2210, %get3A_2094 : vector<16xf32>
              %sub3A_2212 = arith.subf %min3A_2209, %max3A_2211 : vector<16xf32>
              %jit3A_2213 = arith.constant 0.000000e+00 : f32
              %max3A_2214 = vector.broadcast %jit3A_2213 : f32 to vector<16xf32>
              %max3A_2215 = arith.maximumf %max3A_2214, %sub3A_2212 : vector<16xf32>
              %mul3A_2216 = arith.mulf %max3A_2207, %max3A_2215 : vector<16xf32>
              %add3A_2217 = vector.broadcast %squeeze3A_1941 : f32 to vector<16xf32>
              %add3A_2218 = arith.addf %add3A_2217, %get3A_2106 : vector<16xf32>
              %sub3A_2219 = arith.subf %add3A_2218, %mul3A_2216 : vector<16xf32>
              %add3A_2220 = arith.constant 9.99999971E-10 : f32
              %add3A_2221 = vector.broadcast %add3A_2220 : f32 to vector<16xf32>
              %add3A_2222 = arith.addf %sub3A_2219, %add3A_2221 : vector<16xf32>
              %div3A_2223 = arith.divf %mul3A_2216, %add3A_2222 : vector<16xf32>
              %gt3A_2224 = arith.constant 3.000000e-01 : f32
              %gt3A_2225 = vector.broadcast %gt3A_2224 : f32 to vector<16xf32>
              %gt3A_2226 = arith.cmpf ogt, %div3A_2223, %gt3A_2225 : vector<16xf32>
              %jit3A_2227 = arith.constant 1.000000e+00 : f32
              %broadcast_in_dim3A_2228 = vector.broadcast %jit3A_2227 : f32 to vector<16xf32>
              %select_n3A_2229 = arith.select %gt3A_2226, %broadcast_in_dim3A_2228, %select_n3A_2199 : vector<16xi1>, vector<16xf32>
              %min3A_2230 = vector.broadcast %squeeze3A_1963 : f32 to vector<16xf32>
              %min3A_2231 = arith.minimumf %min3A_2230, %get3A_2098 : vector<16xf32>
              %max3A_2232 = vector.broadcast %squeeze3A_1953 : f32 to vector<16xf32>
              %max3A_2233 = arith.maximumf %max3A_2232, %get3A_2090 : vector<16xf32>
              %sub3A_2234 = arith.subf %min3A_2231, %max3A_2233 : vector<16xf32>
              %jit3A_2235 = arith.constant 0.000000e+00 : f32
              %max3A_2236 = vector.broadcast %jit3A_2235 : f32 to vector<16xf32>
              %max3A_2237 = arith.maximumf %max3A_2236, %sub3A_2234 : vector<16xf32>
              %min3A_2238 = vector.broadcast %squeeze3A_1968 : f32 to vector<16xf32>
              %min3A_2239 = arith.minimumf %min3A_2238, %get3A_2102 : vector<16xf32>
              %max3A_2240 = vector.broadcast %squeeze3A_1958 : f32 to vector<16xf32>
              %max3A_2241 = arith.maximumf %max3A_2240, %get3A_2094 : vector<16xf32>
              %sub3A_2242 = arith.subf %min3A_2239, %max3A_2241 : vector<16xf32>
              %jit3A_2243 = arith.constant 0.000000e+00 : f32
              %max3A_2244 = vector.broadcast %jit3A_2243 : f32 to vector<16xf32>
              %max3A_2245 = arith.maximumf %max3A_2244, %sub3A_2242 : vector<16xf32>
              %mul3A_2246 = arith.mulf %max3A_2237, %max3A_2245 : vector<16xf32>
              %add3A_2247 = vector.broadcast %squeeze3A_1973 : f32 to vector<16xf32>
              %add3A_2248 = arith.addf %add3A_2247, %get3A_2106 : vector<16xf32>
              %sub3A_2249 = arith.subf %add3A_2248, %mul3A_2246 : vector<16xf32>
              %add3A_2250 = arith.constant 9.99999971E-10 : f32
              %add3A_2251 = vector.broadcast %add3A_2250 : f32 to vector<16xf32>
              %add3A_2252 = arith.addf %sub3A_2249, %add3A_2251 : vector<16xf32>
              %div3A_2253 = arith.divf %mul3A_2246, %add3A_2252 : vector<16xf32>
              %gt3A_2254 = arith.constant 3.000000e-01 : f32
              %gt3A_2255 = vector.broadcast %gt3A_2254 : f32 to vector<16xf32>
              %gt3A_2256 = arith.cmpf ogt, %div3A_2253, %gt3A_2255 : vector<16xf32>
              %jit3A_2257 = arith.constant 1.000000e+00 : f32
              %broadcast_in_dim3A_2258 = vector.broadcast %jit3A_2257 : f32 to vector<16xf32>
              %select_n3A_2259 = arith.select %gt3A_2256, %broadcast_in_dim3A_2258, %select_n3A_2229 : vector<16xi1>, vector<16xf32>
              %min3A_2260 = vector.broadcast %squeeze3A_1995 : f32 to vector<16xf32>
              %min3A_2261 = arith.minimumf %min3A_2260, %get3A_2098 : vector<16xf32>
              %max3A_2262 = vector.broadcast %squeeze3A_1985 : f32 to vector<16xf32>
              %max3A_2263 = arith.maximumf %max3A_2262, %get3A_2090 : vector<16xf32>
              %sub3A_2264 = arith.subf %min3A_2261, %max3A_2263 : vector<16xf32>
              %jit3A_2265 = arith.constant 0.000000e+00 : f32
              %max3A_2266 = vector.broadcast %jit3A_2265 : f32 to vector<16xf32>
              %max3A_2267 = arith.maximumf %max3A_2266, %sub3A_2264 : vector<16xf32>
              %min3A_2268 = vector.broadcast %squeeze3A_2000 : f32 to vector<16xf32>
              %min3A_2269 = arith.minimumf %min3A_2268, %get3A_2102 : vector<16xf32>
              %max3A_2270 = vector.broadcast %squeeze3A_1990 : f32 to vector<16xf32>
              %max3A_2271 = arith.maximumf %max3A_2270, %get3A_2094 : vector<16xf32>
              %sub3A_2272 = arith.subf %min3A_2269, %max3A_2271 : vector<16xf32>
              %jit3A_2273 = arith.constant 0.000000e+00 : f32
              %max3A_2274 = vector.broadcast %jit3A_2273 : f32 to vector<16xf32>
              %max3A_2275 = arith.maximumf %max3A_2274, %sub3A_2272 : vector<16xf32>
              %mul3A_2276 = arith.mulf %max3A_2267, %max3A_2275 : vector<16xf32>
              %add3A_2277 = vector.broadcast %squeeze3A_2005 : f32 to vector<16xf32>
              %add3A_2278 = arith.addf %add3A_2277, %get3A_2106 : vector<16xf32>
              %sub3A_2279 = arith.subf %add3A_2278, %mul3A_2276 : vector<16xf32>
              %add3A_2280 = arith.constant 9.99999971E-10 : f32
              %add3A_2281 = vector.broadcast %add3A_2280 : f32 to vector<16xf32>
              %add3A_2282 = arith.addf %sub3A_2279, %add3A_2281 : vector<16xf32>
              %div3A_2283 = arith.divf %mul3A_2276, %add3A_2282 : vector<16xf32>
              %gt3A_2284 = arith.constant 3.000000e-01 : f32
              %gt3A_2285 = vector.broadcast %gt3A_2284 : f32 to vector<16xf32>
              %gt3A_2286 = arith.cmpf ogt, %div3A_2283, %gt3A_2285 : vector<16xf32>
              %jit3A_2287 = arith.constant 1.000000e+00 : f32
              %broadcast_in_dim3A_2288 = vector.broadcast %jit3A_2287 : f32 to vector<16xf32>
              %select_n3A_2289 = arith.select %gt3A_2286, %broadcast_in_dim3A_2288, %select_n3A_2259 : vector<16xi1>, vector<16xf32>
              %min3A_2290 = vector.broadcast %squeeze3A_2027 : f32 to vector<16xf32>
              %min3A_2291 = arith.minimumf %min3A_2290, %get3A_2098 : vector<16xf32>
              %max3A_2292 = vector.broadcast %squeeze3A_2017 : f32 to vector<16xf32>
              %max3A_2293 = arith.maximumf %max3A_2292, %get3A_2090 : vector<16xf32>
              %sub3A_2294 = arith.subf %min3A_2291, %max3A_2293 : vector<16xf32>
              %jit3A_2295 = arith.constant 0.000000e+00 : f32
              %max3A_2296 = vector.broadcast %jit3A_2295 : f32 to vector<16xf32>
              %max3A_2297 = arith.maximumf %max3A_2296, %sub3A_2294 : vector<16xf32>
              %min3A_2298 = vector.broadcast %squeeze3A_2032 : f32 to vector<16xf32>
              %min3A_2299 = arith.minimumf %min3A_2298, %get3A_2102 : vector<16xf32>
              %max3A_2300 = vector.broadcast %squeeze3A_2022 : f32 to vector<16xf32>
              %max3A_2301 = arith.maximumf %max3A_2300, %get3A_2094 : vector<16xf32>
              %sub3A_2302 = arith.subf %min3A_2299, %max3A_2301 : vector<16xf32>
              %jit3A_2303 = arith.constant 0.000000e+00 : f32
              %max3A_2304 = vector.broadcast %jit3A_2303 : f32 to vector<16xf32>
              %max3A_2305 = arith.maximumf %max3A_2304, %sub3A_2302 : vector<16xf32>
              %mul3A_2306 = arith.mulf %max3A_2297, %max3A_2305 : vector<16xf32>
              %add3A_2307 = vector.broadcast %squeeze3A_2037 : f32 to vector<16xf32>
              %add3A_2308 = arith.addf %add3A_2307, %get3A_2106 : vector<16xf32>
              %sub3A_2309 = arith.subf %add3A_2308, %mul3A_2306 : vector<16xf32>
              %add3A_2310 = arith.constant 9.99999971E-10 : f32
              %add3A_2311 = vector.broadcast %add3A_2310 : f32 to vector<16xf32>
              %add3A_2312 = arith.addf %sub3A_2309, %add3A_2311 : vector<16xf32>
              %div3A_2313 = arith.divf %mul3A_2306, %add3A_2312 : vector<16xf32>
              %gt3A_2314 = arith.constant 3.000000e-01 : f32
              %gt3A_2315 = vector.broadcast %gt3A_2314 : f32 to vector<16xf32>
              %gt3A_2316 = arith.cmpf ogt, %div3A_2313, %gt3A_2315 : vector<16xf32>
              %jit3A_2317 = arith.constant 1.000000e+00 : f32
              %broadcast_in_dim3A_2318 = vector.broadcast %jit3A_2317 : f32 to vector<16xf32>
              %select_n3A_2319 = arith.select %gt3A_2316, %broadcast_in_dim3A_2318, %select_n3A_2289 : vector<16xi1>, vector<16xf32>
              %min3A_2320 = vector.broadcast %squeeze3A_2059 : f32 to vector<16xf32>
              %min3A_2321 = arith.minimumf %min3A_2320, %get3A_2098 : vector<16xf32>
              %max3A_2322 = vector.broadcast %squeeze3A_2049 : f32 to vector<16xf32>
              %max3A_2323 = arith.maximumf %max3A_2322, %get3A_2090 : vector<16xf32>
              %sub3A_2324 = arith.subf %min3A_2321, %max3A_2323 : vector<16xf32>
              %jit3A_2325 = arith.constant 0.000000e+00 : f32
              %max3A_2326 = vector.broadcast %jit3A_2325 : f32 to vector<16xf32>
              %max3A_2327 = arith.maximumf %max3A_2326, %sub3A_2324 : vector<16xf32>
              %min3A_2328 = vector.broadcast %squeeze3A_2064 : f32 to vector<16xf32>
              %min3A_2329 = arith.minimumf %min3A_2328, %get3A_2102 : vector<16xf32>
              %max3A_2330 = vector.broadcast %squeeze3A_2054 : f32 to vector<16xf32>
              %max3A_2331 = arith.maximumf %max3A_2330, %get3A_2094 : vector<16xf32>
              %sub3A_2332 = arith.subf %min3A_2329, %max3A_2331 : vector<16xf32>
              %jit3A_2333 = arith.constant 0.000000e+00 : f32
              %max3A_2334 = vector.broadcast %jit3A_2333 : f32 to vector<16xf32>
              %max3A_2335 = arith.maximumf %max3A_2334, %sub3A_2332 : vector<16xf32>
              %mul3A_2336 = arith.mulf %max3A_2327, %max3A_2335 : vector<16xf32>
              %add3A_2337 = vector.broadcast %squeeze3A_2069 : f32 to vector<16xf32>
              %add3A_2338 = arith.addf %add3A_2337, %get3A_2106 : vector<16xf32>
              %sub3A_2339 = arith.subf %add3A_2338, %mul3A_2336 : vector<16xf32>
              %add3A_2340 = arith.constant 9.99999971E-10 : f32
              %add3A_2341 = vector.broadcast %add3A_2340 : f32 to vector<16xf32>
              %add3A_2342 = arith.addf %sub3A_2339, %add3A_2341 : vector<16xf32>
              %div3A_2343 = arith.divf %mul3A_2336, %add3A_2342 : vector<16xf32>
              %gt3A_2344 = arith.constant 3.000000e-01 : f32
              %gt3A_2345 = vector.broadcast %gt3A_2344 : f32 to vector<16xf32>
              %gt3A_2346 = arith.cmpf ogt, %div3A_2343, %gt3A_2345 : vector<16xf32>
              %jit3A_2347 = arith.constant 1.000000e+00 : f32
              %broadcast_in_dim3A_2348 = vector.broadcast %jit3A_2347 : f32 to vector<16xf32>
              %select_n3A_2349 = arith.select %gt3A_2346, %broadcast_in_dim3A_2348, %select_n3A_2319 : vector<16xi1>, vector<16xf32>
              %swap3A_2350 = arith.index_cast %mul3A_2086 : i32 to index
              %swap3A_2351 = tpu.vector_load %arg13[%swap3A_2350] {strides = array<i32>} : memref<336xf32, #tpu.memory_space<vmem>>, vector<16xf32>,
              %swap3A_2352 = vector.shape_cast %swap3A_2351 : vector<16xf32> to vector<16xf32>
              %swap3A_2353 = vector.shape_cast %select_n3A_2349 : vector<16xf32> to vector<16xf32>
              tpu.vector_store %arg13[%swap3A_2350], %swap3A_2353 {strides = array<i32>} : memref<336xf32, #tpu.memory_space<vmem>>, vector<16xf32>,
              %while3A_2354 = arith.constant 0 : i32
              scf.yield %while3A_2354 : i32
            }
            %while3A_2080 = arith.constant 1 : i32
            %while3A_2081 = scf.for %while3A_2083 = %while3A_2077 to %while3A_2073 step %while3A_2080 iter_args(%while3A_2084 = %while3A_2079) -> (i32)  : i32 {
              %mul3A_2085 = arith.constant 16 : i32
              %mul3A_2086 = arith.muli %while3A_2083, %mul3A_2085 : i32
              %add3A_2087 = arith.addi %mul3A_0, %mul3A_2086 : i32
              %get3A_2088 = arith.index_cast %add3A_2087 : i32 to index
              %get3A_2089 = tpu.vector_load %arg8[%get3A_2088] {strides = array<i32>} : memref<5136xf32, #tpu.memory_space<vmem>>, vector<16xf32>,
              %get3A_2090 = vector.shape_cast %get3A_2089 : vector<16xf32> to vector<16xf32>
              %add3A_2091 = arith.addi %mul3A_0, %mul3A_2086 : i32
              %get3A_2092 = arith.index_cast %add3A_2091 : i32 to index
              %get3A_2093 = tpu.vector_load %arg9[%get3A_2092] {strides = array<i32>} : memref<5136xf32, #tpu.memory_space<vmem>>, vector<16xf32>,
              %get3A_2094 = vector.shape_cast %get3A_2093 : vector<16xf32> to vector<16xf32>
              %add3A_2095 = arith.addi %mul3A_0, %mul3A_2086 : i32
              %get3A_2096 = arith.index_cast %add3A_2095 : i32 to index
              %get3A_2097 = tpu.vector_load %arg10[%get3A_2096] {strides = array<i32>} : memref<5136xf32, #tpu.memory_space<vmem>>, vector<16xf32>,
              %get3A_2098 = vector.shape_cast %get3A_2097 : vector<16xf32> to vector<16xf32>
              %add3A_2099 = arith.addi %mul3A_0, %mul3A_2086 : i32
              %get3A_2100 = arith.index_cast %add3A_2099 : i32 to index
              %get3A_2101 = tpu.vector_load %arg11[%get3A_2100] {strides = array<i32>} : memref<5136xf32, #tpu.memory_space<vmem>>, vector<16xf32>,
              %get3A_2102 = vector.shape_cast %get3A_2101 : vector<16xf32> to vector<16xf32>
              %add3A_2103 = arith.addi %mul3A_0, %mul3A_2086 : i32
              %get3A_2104 = arith.index_cast %add3A_2103 : i32 to index
              %get3A_2105 = tpu.vector_load %arg12[%get3A_2104] {strides = array<i32>} : memref<5136xf32, #tpu.memory_space<vmem>>, vector<16xf32>,
              %get3A_2106 = vector.shape_cast %get3A_2105 : vector<16xf32> to vector<16xf32>
              %get3A_2107 = arith.index_cast %mul3A_2086 : i32 to index
              %get3A_2108 = tpu.vector_load %arg13[%get3A_2107] {strides = array<i32>} : memref<336xf32, #tpu.memory_space<vmem>>, vector<16xf32>,
              %get3A_2109 = vector.shape_cast %get3A_2108 : vector<16xf32> to vector<16xf32>
              %min3A_2110 = vector.broadcast %squeeze3A_1835 : f32 to vector<16xf32>
              %min3A_2111 = arith.minimumf %min3A_2110, %get3A_2098 : vector<16xf32>
              %max3A_2112 = vector.broadcast %squeeze3A_1825 : f32 to vector<16xf32>
              %max3A_2113 = arith.maximumf %max3A_2112, %get3A_2090 : vector<16xf32>
              %sub3A_2114 = arith.subf %min3A_2111, %max3A_2113 : vector<16xf32>
              %jit3A_2115 = arith.constant 0.000000e+00 : f32
              %max3A_2116 = vector.broadcast %jit3A_2115 : f32 to vector<16xf32>
              %max3A_2117 = arith.maximumf %max3A_2116, %sub3A_2114 : vector<16xf32>
              %min3A_2118 = vector.broadcast %squeeze3A_1840 : f32 to vector<16xf32>
              %min3A_2119 = arith.minimumf %min3A_2118, %get3A_2102 : vector<16xf32>
              %max3A_2120 = vector.broadcast %squeeze3A_1830 : f32 to vector<16xf32>
              %max3A_2121 = arith.maximumf %max3A_2120, %get3A_2094 : vector<16xf32>
              %sub3A_2122 = arith.subf %min3A_2119, %max3A_2121 : vector<16xf32>
              %jit3A_2123 = arith.constant 0.000000e+00 : f32
              %max3A_2124 = vector.broadcast %jit3A_2123 : f32 to vector<16xf32>
              %max3A_2125 = arith.maximumf %max3A_2124, %sub3A_2122 : vector<16xf32>
              %mul3A_2126 = arith.mulf %max3A_2117, %max3A_2125 : vector<16xf32>
              %add3A_2127 = vector.broadcast %squeeze3A_1845 : f32 to vector<16xf32>
              %add3A_2128 = arith.addf %add3A_2127, %get3A_2106 : vector<16xf32>
              %sub3A_2129 = arith.subf %add3A_2128, %mul3A_2126 : vector<16xf32>
              %add3A_2130 = arith.constant 9.99999971E-10 : f32
              %add3A_2131 = vector.broadcast %add3A_2130 : f32 to vector<16xf32>
              %add3A_2132 = arith.addf %sub3A_2129, %add3A_2131 : vector<16xf32>
              %div3A_2133 = arith.divf %mul3A_2126, %add3A_2132 : vector<16xf32>
              %gt3A_2134 = arith.constant 3.000000e-01 : f32
              %gt3A_2135 = vector.broadcast %gt3A_2134 : f32 to vector<16xf32>
              %gt3A_2136 = arith.cmpf ogt, %div3A_2133, %gt3A_2135 : vector<16xf32>
              %jit3A_2137 = arith.constant 1.000000e+00 : f32
              %broadcast_in_dim3A_2138 = vector.broadcast %jit3A_2137 : f32 to vector<16xf32>
              %select_n3A_2139 = arith.select %gt3A_2136, %broadcast_in_dim3A_2138, %get3A_2109 : vector<16xi1>, vector<16xf32>
              %min3A_2140 = vector.broadcast %squeeze3A_1867 : f32 to vector<16xf32>
              %min3A_2141 = arith.minimumf %min3A_2140, %get3A_2098 : vector<16xf32>
              %max3A_2142 = vector.broadcast %squeeze3A_1857 : f32 to vector<16xf32>
              %max3A_2143 = arith.maximumf %max3A_2142, %get3A_2090 : vector<16xf32>
              %sub3A_2144 = arith.subf %min3A_2141, %max3A_2143 : vector<16xf32>
              %jit3A_2145 = arith.constant 0.000000e+00 : f32
              %max3A_2146 = vector.broadcast %jit3A_2145 : f32 to vector<16xf32>
              %max3A_2147 = arith.maximumf %max3A_2146, %sub3A_2144 : vector<16xf32>
              %min3A_2148 = vector.broadcast %squeeze3A_1872 : f32 to vector<16xf32>
              %min3A_2149 = arith.minimumf %min3A_2148, %get3A_2102 : vector<16xf32>
              %max3A_2150 = vector.broadcast %squeeze3A_1862 : f32 to vector<16xf32>
              %max3A_2151 = arith.maximumf %max3A_2150, %get3A_2094 : vector<16xf32>
              %sub3A_2152 = arith.subf %min3A_2149, %max3A_2151 : vector<16xf32>
              %jit3A_2153 = arith.constant 0.000000e+00 : f32
              %max3A_2154 = vector.broadcast %jit3A_2153 : f32 to vector<16xf32>
              %max3A_2155 = arith.maximumf %max3A_2154, %sub3A_2152 : vector<16xf32>
              %mul3A_2156 = arith.mulf %max3A_2147, %max3A_2155 : vector<16xf32>
              %add3A_2157 = vector.broadcast %squeeze3A_1877 : f32 to vector<16xf32>
              %add3A_2158 = arith.addf %add3A_2157, %get3A_2106 : vector<16xf32>
              %sub3A_2159 = arith.subf %add3A_2158, %mul3A_2156 : vector<16xf32>
              %add3A_2160 = arith.constant 9.99999971E-10 : f32
              %add3A_2161 = vector.broadcast %add3A_2160 : f32 to vector<16xf32>
              %add3A_2162 = arith.addf %sub3A_2159, %add3A_2161 : vector<16xf32>
              %div3A_2163 = arith.divf %mul3A_2156, %add3A_2162 : vector<16xf32>
              %gt3A_2164 = arith.constant 3.000000e-01 : f32
              %gt3A_2165 = vector.broadcast %gt3A_2164 : f32 to vector<16xf32>
              %gt3A_2166 = arith.cmpf ogt, %div3A_2163, %gt3A_2165 : vector<16xf32>
              %jit3A_2167 = arith.constant 1.000000e+00 : f32
              %broadcast_in_dim3A_2168 = vector.broadcast %jit3A_2167 : f32 to vector<16xf32>
              %select_n3A_2169 = arith.select %gt3A_2166, %broadcast_in_dim3A_2168, %select_n3A_2139 : vector<16xi1>, vector<16xf32>
              %min3A_2170 = vector.broadcast %squeeze3A_1899 : f32 to vector<16xf32>
              %min3A_2171 = arith.minimumf %min3A_2170, %get3A_2098 : vector<16xf32>
              %max3A_2172 = vector.broadcast %squeeze3A_1889 : f32 to vector<16xf32>
              %max3A_2173 = arith.maximumf %max3A_2172, %get3A_2090 : vector<16xf32>
              %sub3A_2174 = arith.subf %min3A_2171, %max3A_2173 : vector<16xf32>
              %jit3A_2175 = arith.constant 0.000000e+00 : f32
              %max3A_2176 = vector.broadcast %jit3A_2175 : f32 to vector<16xf32>
              %max3A_2177 = arith.maximumf %max3A_2176, %sub3A_2174 : vector<16xf32>
              %min3A_2178 = vector.broadcast %squeeze3A_1904 : f32 to vector<16xf32>
              %min3A_2179 = arith.minimumf %min3A_2178, %get3A_2102 : vector<16xf32>
              %max3A_2180 = vector.broadcast %squeeze3A_1894 : f32 to vector<16xf32>
              %max3A_2181 = arith.maximumf %max3A_2180, %get3A_2094 : vector<16xf32>
              %sub3A_2182 = arith.subf %min3A_2179, %max3A_2181 : vector<16xf32>
              %jit3A_2183 = arith.constant 0.000000e+00 : f32
              %max3A_2184 = vector.broadcast %jit3A_2183 : f32 to vector<16xf32>
              %max3A_2185 = arith.maximumf %max3A_2184, %sub3A_2182 : vector<16xf32>
              %mul3A_2186 = arith.mulf %max3A_2177, %max3A_2185 : vector<16xf32>
              %add3A_2187 = vector.broadcast %squeeze3A_1909 : f32 to vector<16xf32>
              %add3A_2188 = arith.addf %add3A_2187, %get3A_2106 : vector<16xf32>
              %sub3A_2189 = arith.subf %add3A_2188, %mul3A_2186 : vector<16xf32>
              %add3A_2190 = arith.constant 9.99999971E-10 : f32
              %add3A_2191 = vector.broadcast %add3A_2190 : f32 to vector<16xf32>
              %add3A_2192 = arith.addf %sub3A_2189, %add3A_2191 : vector<16xf32>
              %div3A_2193 = arith.divf %mul3A_2186, %add3A_2192 : vector<16xf32>
              %gt3A_2194 = arith.constant 3.000000e-01 : f32
              %gt3A_2195 = vector.broadcast %gt3A_2194 : f32 to vector<16xf32>
              %gt3A_2196 = arith.cmpf ogt, %div3A_2193, %gt3A_2195 : vector<16xf32>
              %jit3A_2197 = arith.constant 1.000000e+00 : f32
              %broadcast_in_dim3A_2198 = vector.broadcast %jit3A_2197 : f32 to vector<16xf32>
              %select_n3A_2199 = arith.select %gt3A_2196, %broadcast_in_dim3A_2198, %select_n3A_2169 : vector<16xi1>, vector<16xf32>
              %min3A_2200 = vector.broadcast %squeeze3A_1931 : f32 to vector<16xf32>
              %min3A_2201 = arith.minimumf %min3A_2200, %get3A_2098 : vector<16xf32>
              %max3A_2202 = vector.broadcast %squeeze3A_1921 : f32 to vector<16xf32>
              %max3A_2203 = arith.maximumf %max3A_2202, %get3A_2090 : vector<16xf32>
              %sub3A_2204 = arith.subf %min3A_2201, %max3A_2203 : vector<16xf32>
              %jit3A_2205 = arith.constant 0.000000e+00 : f32
              %max3A_2206 = vector.broadcast %jit3A_2205 : f32 to vector<16xf32>
              %max3A_2207 = arith.maximumf %max3A_2206, %sub3A_2204 : vector<16xf32>
              %min3A_2208 = vector.broadcast %squeeze3A_1936 : f32 to vector<16xf32>
              %min3A_2209 = arith.minimumf %min3A_2208, %get3A_2102 : vector<16xf32>
              %max3A_2210 = vector.broadcast %squeeze3A_1926 : f32 to vector<16xf32>
              %max3A_2211 = arith.maximumf %max3A_2210, %get3A_2094 : vector<16xf32>
              %sub3A_2212 = arith.subf %min3A_2209, %max3A_2211 : vector<16xf32>
              %jit3A_2213 = arith.constant 0.000000e+00 : f32
              %max3A_2214 = vector.broadcast %jit3A_2213 : f32 to vector<16xf32>
              %max3A_2215 = arith.maximumf %max3A_2214, %sub3A_2212 : vector<16xf32>
              %mul3A_2216 = arith.mulf %max3A_2207, %max3A_2215 : vector<16xf32>
              %add3A_2217 = vector.broadcast %squeeze3A_1941 : f32 to vector<16xf32>
              %add3A_2218 = arith.addf %add3A_2217, %get3A_2106 : vector<16xf32>
              %sub3A_2219 = arith.subf %add3A_2218, %mul3A_2216 : vector<16xf32>
              %add3A_2220 = arith.constant 9.99999971E-10 : f32
              %add3A_2221 = vector.broadcast %add3A_2220 : f32 to vector<16xf32>
              %add3A_2222 = arith.addf %sub3A_2219, %add3A_2221 : vector<16xf32>
              %div3A_2223 = arith.divf %mul3A_2216, %add3A_2222 : vector<16xf32>
              %gt3A_2224 = arith.constant 3.000000e-01 : f32
              %gt3A_2225 = vector.broadcast %gt3A_2224 : f32 to vector<16xf32>
              %gt3A_2226 = arith.cmpf ogt, %div3A_2223, %gt3A_2225 : vector<16xf32>
              %jit3A_2227 = arith.constant 1.000000e+00 : f32
              %broadcast_in_dim3A_2228 = vector.broadcast %jit3A_2227 : f32 to vector<16xf32>
              %select_n3A_2229 = arith.select %gt3A_2226, %broadcast_in_dim3A_2228, %select_n3A_2199 : vector<16xi1>, vector<16xf32>
              %min3A_2230 = vector.broadcast %squeeze3A_1963 : f32 to vector<16xf32>
              %min3A_2231 = arith.minimumf %min3A_2230, %get3A_2098 : vector<16xf32>
              %max3A_2232 = vector.broadcast %squeeze3A_1953 : f32 to vector<16xf32>
              %max3A_2233 = arith.maximumf %max3A_2232, %get3A_2090 : vector<16xf32>
              %sub3A_2234 = arith.subf %min3A_2231, %max3A_2233 : vector<16xf32>
              %jit3A_2235 = arith.constant 0.000000e+00 : f32
              %max3A_2236 = vector.broadcast %jit3A_2235 : f32 to vector<16xf32>
              %max3A_2237 = arith.maximumf %max3A_2236, %sub3A_2234 : vector<16xf32>
              %min3A_2238 = vector.broadcast %squeeze3A_1968 : f32 to vector<16xf32>
              %min3A_2239 = arith.minimumf %min3A_2238, %get3A_2102 : vector<16xf32>
              %max3A_2240 = vector.broadcast %squeeze3A_1958 : f32 to vector<16xf32>
              %max3A_2241 = arith.maximumf %max3A_2240, %get3A_2094 : vector<16xf32>
              %sub3A_2242 = arith.subf %min3A_2239, %max3A_2241 : vector<16xf32>
              %jit3A_2243 = arith.constant 0.000000e+00 : f32
              %max3A_2244 = vector.broadcast %jit3A_2243 : f32 to vector<16xf32>
              %max3A_2245 = arith.maximumf %max3A_2244, %sub3A_2242 : vector<16xf32>
              %mul3A_2246 = arith.mulf %max3A_2237, %max3A_2245 : vector<16xf32>
              %add3A_2247 = vector.broadcast %squeeze3A_1973 : f32 to vector<16xf32>
              %add3A_2248 = arith.addf %add3A_2247, %get3A_2106 : vector<16xf32>
              %sub3A_2249 = arith.subf %add3A_2248, %mul3A_2246 : vector<16xf32>
              %add3A_2250 = arith.constant 9.99999971E-10 : f32
              %add3A_2251 = vector.broadcast %add3A_2250 : f32 to vector<16xf32>
              %add3A_2252 = arith.addf %sub3A_2249, %add3A_2251 : vector<16xf32>
              %div3A_2253 = arith.divf %mul3A_2246, %add3A_2252 : vector<16xf32>
              %gt3A_2254 = arith.constant 3.000000e-01 : f32
              %gt3A_2255 = vector.broadcast %gt3A_2254 : f32 to vector<16xf32>
              %gt3A_2256 = arith.cmpf ogt, %div3A_2253, %gt3A_2255 : vector<16xf32>
              %jit3A_2257 = arith.constant 1.000000e+00 : f32
              %broadcast_in_dim3A_2258 = vector.broadcast %jit3A_2257 : f32 to vector<16xf32>
              %select_n3A_2259 = arith.select %gt3A_2256, %broadcast_in_dim3A_2258, %select_n3A_2229 : vector<16xi1>, vector<16xf32>
              %min3A_2260 = vector.broadcast %squeeze3A_1995 : f32 to vector<16xf32>
              %min3A_2261 = arith.minimumf %min3A_2260, %get3A_2098 : vector<16xf32>
              %max3A_2262 = vector.broadcast %squeeze3A_1985 : f32 to vector<16xf32>
              %max3A_2263 = arith.maximumf %max3A_2262, %get3A_2090 : vector<16xf32>
              %sub3A_2264 = arith.subf %min3A_2261, %max3A_2263 : vector<16xf32>
              %jit3A_2265 = arith.constant 0.000000e+00 : f32
              %max3A_2266 = vector.broadcast %jit3A_2265 : f32 to vector<16xf32>
              %max3A_2267 = arith.maximumf %max3A_2266, %sub3A_2264 : vector<16xf32>
              %min3A_2268 = vector.broadcast %squeeze3A_2000 : f32 to vector<16xf32>
              %min3A_2269 = arith.minimumf %min3A_2268, %get3A_2102 : vector<16xf32>
              %max3A_2270 = vector.broadcast %squeeze3A_1990 : f32 to vector<16xf32>
              %max3A_2271 = arith.maximumf %max3A_2270, %get3A_2094 : vector<16xf32>
              %sub3A_2272 = arith.subf %min3A_2269, %max3A_2271 : vector<16xf32>
              %jit3A_2273 = arith.constant 0.000000e+00 : f32
              %max3A_2274 = vector.broadcast %jit3A_2273 : f32 to vector<16xf32>
              %max3A_2275 = arith.maximumf %max3A_2274, %sub3A_2272 : vector<16xf32>
              %mul3A_2276 = arith.mulf %max3A_2267, %max3A_2275 : vector<16xf32>
              %add3A_2277 = vector.broadcast %squeeze3A_2005 : f32 to vector<16xf32>
              %add3A_2278 = arith.addf %add3A_2277, %get3A_2106 : vector<16xf32>
              %sub3A_2279 = arith.subf %add3A_2278, %mul3A_2276 : vector<16xf32>
              %add3A_2280 = arith.constant 9.99999971E-10 : f32
              %add3A_2281 = vector.broadcast %add3A_2280 : f32 to vector<16xf32>
              %add3A_2282 = arith.addf %sub3A_2279, %add3A_2281 : vector<16xf32>
              %div3A_2283 = arith.divf %mul3A_2276, %add3A_2282 : vector<16xf32>
              %gt3A_2284 = arith.constant 3.000000e-01 : f32
              %gt3A_2285 = vector.broadcast %gt3A_2284 : f32 to vector<16xf32>
              %gt3A_2286 = arith.cmpf ogt, %div3A_2283, %gt3A_2285 : vector<16xf32>
              %jit3A_2287 = arith.constant 1.000000e+00 : f32
              %broadcast_in_dim3A_2288 = vector.broadcast %jit3A_2287 : f32 to vector<16xf32>
              %select_n3A_2289 = arith.select %gt3A_2286, %broadcast_in_dim3A_2288, %select_n3A_2259 : vector<16xi1>, vector<16xf32>
              %min3A_2290 = vector.broadcast %squeeze3A_2027 : f32 to vector<16xf32>
              %min3A_2291 = arith.minimumf %min3A_2290, %get3A_2098 : vector<16xf32>
              %max3A_2292 = vector.broadcast %squeeze3A_2017 : f32 to vector<16xf32>
              %max3A_2293 = arith.maximumf %max3A_2292, %get3A_2090 : vector<16xf32>
              %sub3A_2294 = arith.subf %min3A_2291, %max3A_2293 : vector<16xf32>
              %jit3A_2295 = arith.constant 0.000000e+00 : f32
              %max3A_2296 = vector.broadcast %jit3A_2295 : f32 to vector<16xf32>
              %max3A_2297 = arith.maximumf %max3A_2296, %sub3A_2294 : vector<16xf32>
              %min3A_2298 = vector.broadcast %squeeze3A_2032 : f32 to vector<16xf32>
              %min3A_2299 = arith.minimumf %min3A_2298, %get3A_2102 : vector<16xf32>
              %max3A_2300 = vector.broadcast %squeeze3A_2022 : f32 to vector<16xf32>
              %max3A_2301 = arith.maximumf %max3A_2300, %get3A_2094 : vector<16xf32>
              %sub3A_2302 = arith.subf %min3A_2299, %max3A_2301 : vector<16xf32>
              %jit3A_2303 = arith.constant 0.000000e+00 : f32
              %max3A_2304 = vector.broadcast %jit3A_2303 : f32 to vector<16xf32>
              %max3A_2305 = arith.maximumf %max3A_2304, %sub3A_2302 : vector<16xf32>
              %mul3A_2306 = arith.mulf %max3A_2297, %max3A_2305 : vector<16xf32>
              %add3A_2307 = vector.broadcast %squeeze3A_2037 : f32 to vector<16xf32>
              %add3A_2308 = arith.addf %add3A_2307, %get3A_2106 : vector<16xf32>
              %sub3A_2309 = arith.subf %add3A_2308, %mul3A_2306 : vector<16xf32>
              %add3A_2310 = arith.constant 9.99999971E-10 : f32
              %add3A_2311 = vector.broadcast %add3A_2310 : f32 to vector<16xf32>
              %add3A_2312 = arith.addf %sub3A_2309, %add3A_2311 : vector<16xf32>
              %div3A_2313 = arith.divf %mul3A_2306, %add3A_2312 : vector<16xf32>
              %gt3A_2314 = arith.constant 3.000000e-01 : f32
              %gt3A_2315 = vector.broadcast %gt3A_2314 : f32 to vector<16xf32>
              %gt3A_2316 = arith.cmpf ogt, %div3A_2313, %gt3A_2315 : vector<16xf32>
              %jit3A_2317 = arith.constant 1.000000e+00 : f32
              %broadcast_in_dim3A_2318 = vector.broadcast %jit3A_2317 : f32 to vector<16xf32>
              %select_n3A_2319 = arith.select %gt3A_2316, %broadcast_in_dim3A_2318, %select_n3A_2289 : vector<16xi1>, vector<16xf32>
              %min3A_2320 = vector.broadcast %squeeze3A_2059 : f32 to vector<16xf32>
              %min3A_2321 = arith.minimumf %min3A_2320, %get3A_2098 : vector<16xf32>
              %max3A_2322 = vector.broadcast %squeeze3A_2049 : f32 to vector<16xf32>
              %max3A_2323 = arith.maximumf %max3A_2322, %get3A_2090 : vector<16xf32>
              %sub3A_2324 = arith.subf %min3A_2321, %max3A_2323 : vector<16xf32>
              %jit3A_2325 = arith.constant 0.000000e+00 : f32
              %max3A_2326 = vector.broadcast %jit3A_2325 : f32 to vector<16xf32>
              %max3A_2327 = arith.maximumf %max3A_2326, %sub3A_2324 : vector<16xf32>
              %min3A_2328 = vector.broadcast %squeeze3A_2064 : f32 to vector<16xf32>
              %min3A_2329 = arith.minimumf %min3A_2328, %get3A_2102 : vector<16xf32>
              %max3A_2330 = vector.broadcast %squeeze3A_2054 : f32 to vector<16xf32>
              %max3A_2331 = arith.maximumf %max3A_2330, %get3A_2094 : vector<16xf32>
              %sub3A_2332 = arith.subf %min3A_2329, %max3A_2331 : vector<16xf32>
              %jit3A_2333 = arith.constant 0.000000e+00 : f32
              %max3A_2334 = vector.broadcast %jit3A_2333 : f32 to vector<16xf32>
              %max3A_2335 = arith.maximumf %max3A_2334, %sub3A_2332 : vector<16xf32>
              %mul3A_2336 = arith.mulf %max3A_2327, %max3A_2335 : vector<16xf32>
              %add3A_2337 = vector.broadcast %squeeze3A_2069 : f32 to vector<16xf32>
              %add3A_2338 = arith.addf %add3A_2337, %get3A_2106 : vector<16xf32>
              %sub3A_2339 = arith.subf %add3A_2338, %mul3A_2336 : vector<16xf32>
              %add3A_2340 = arith.constant 9.99999971E-10 : f32
              %add3A_2341 = vector.broadcast %add3A_2340 : f32 to vector<16xf32>
              %add3A_2342 = arith.addf %sub3A_2339, %add3A_2341 : vector<16xf32>
              %div3A_2343 = arith.divf %mul3A_2336, %add3A_2342 : vector<16xf32>
              %gt3A_2344 = arith.constant 3.000000e-01 : f32
              %gt3A_2345 = vector.broadcast %gt3A_2344 : f32 to vector<16xf32>
              %gt3A_2346 = arith.cmpf ogt, %div3A_2343, %gt3A_2345 : vector<16xf32>
              %jit3A_2347 = arith.constant 1.000000e+00 : f32
              %broadcast_in_dim3A_2348 = vector.broadcast %jit3A_2347 : f32 to vector<16xf32>
              %select_n3A_2349 = arith.select %gt3A_2346, %broadcast_in_dim3A_2348, %select_n3A_2319 : vector<16xi1>, vector<16xf32>
              %swap3A_2350 = arith.index_cast %mul3A_2086 : i32 to index
              %swap3A_2351 = tpu.vector_load %arg13[%swap3A_2350] {strides = array<i32>} : memref<336xf32, #tpu.memory_space<vmem>>, vector<16xf32>,
              %swap3A_2352 = vector.shape_cast %swap3A_2351 : vector<16xf32> to vector<16xf32>
              %swap3A_2353 = vector.shape_cast %select_n3A_2349 : vector<16xf32> to vector<16xf32>
              tpu.vector_store %arg13[%swap3A_2350], %swap3A_2353 {strides = array<i32>} : memref<336xf32, #tpu.memory_space<vmem>>, vector<16xf32>,
              %while3A_2354 = arith.constant 0 : i32
              scf.yield %while3A_2354 : i32
            }
            %while3A_2082 = arith.constant 0 : i32
            scf.yield %while3A_2082 : i32
          }
          scf.yield %add3A_1767 : i32
        }
        %scan3A_310 = arith.constant 20 : i32
        %get3A = arith.constant 0 : index
        %get3A_311 = tpu.vector_load %arg13[%get3A] {strides = array<i32>} : memref<336xf32, #tpu.memory_space<vmem>>, vector<16xf32>,
        %get3A_312 = vector.shape_cast %get3A_311 : vector<16xf32> to vector<16xf32>
        %sub3A = arith.constant 1.000000e+00 : f32
        %sub3A_313 = vector.broadcast %sub3A : f32 to vector<16xf32>
        %sub3A_314 = arith.subf %sub3A_313, %get3A_312 : vector<16xf32>
        %swap3A_315 = arith.constant 0 : index
        %swap3A_316 = tpu.vector_load %arg14[%swap3A_315] {strides = array<i32>} : memref<336xf32, #tpu.memory_space<vmem>>, vector<16xf32>,
        %swap3A_317 = vector.shape_cast %swap3A_316 : vector<16xf32> to vector<16xf32>
        %swap3A_318 = vector.shape_cast %sub3A_314 : vector<16xf32> to vector<16xf32>
        tpu.vector_store %arg14[%swap3A_315], %swap3A_318 {strides = array<i32>} : memref<336xf32, #tpu.memory_space<vmem>>, vector<16xf32>,
        %get3A_319 = arith.constant 16 : index
        %get3A_320 = tpu.vector_load %arg13[%get3A_319] {strides = array<i32>} : memref<336xf32, #tpu.memory_space<vmem>>, vector<16xf32>,
        %get3A_321 = vector.shape_cast %get3A_320 : vector<16xf32> to vector<16xf32>
        %sub3A_322 = arith.constant 1.000000e+00 : f32
        %sub3A_323 = vector.broadcast %sub3A_322 : f32 to vector<16xf32>
        %sub3A_324 = arith.subf %sub3A_323, %get3A_321 : vector<16xf32>
        %swap3A_325 = arith.constant 16 : index
        %swap3A_326 = tpu.vector_load %arg14[%swap3A_325] {strides = array<i32>} : memref<336xf32, #tpu.memory_space<vmem>>, vector<16xf32>,
        %swap3A_327 = vector.shape_cast %swap3A_326 : vector<16xf32> to vector<16xf32>
        %swap3A_328 = vector.shape_cast %sub3A_324 : vector<16xf32> to vector<16xf32>
        tpu.vector_store %arg14[%swap3A_325], %swap3A_328 {strides = array<i32>} : memref<336xf32, #tpu.memory_space<vmem>>, vector<16xf32>,
        %get3A_329 = arith.constant 32 : index
        %get3A_330 = tpu.vector_load %arg13[%get3A_329] {strides = array<i32>} : memref<336xf32, #tpu.memory_space<vmem>>, vector<16xf32>,
        %get3A_331 = vector.shape_cast %get3A_330 : vector<16xf32> to vector<16xf32>
        %sub3A_332 = arith.constant 1.000000e+00 : f32
        %sub3A_333 = vector.broadcast %sub3A_332 : f32 to vector<16xf32>
        %sub3A_334 = arith.subf %sub3A_333, %get3A_331 : vector<16xf32>
        %swap3A_335 = arith.constant 32 : index
        %swap3A_336 = tpu.vector_load %arg14[%swap3A_335] {strides = array<i32>} : memref<336xf32, #tpu.memory_space<vmem>>, vector<16xf32>,
        %swap3A_337 = vector.shape_cast %swap3A_336 : vector<16xf32> to vector<16xf32>
        %swap3A_338 = vector.shape_cast %sub3A_334 : vector<16xf32> to vector<16xf32>
        tpu.vector_store %arg14[%swap3A_335], %swap3A_338 {strides = array<i32>} : memref<336xf32, #tpu.memory_space<vmem>>, vector<16xf32>,
        %get3A_339 = arith.constant 48 : index
        %get3A_340 = tpu.vector_load %arg13[%get3A_339] {strides = array<i32>} : memref<336xf32, #tpu.memory_space<vmem>>, vector<16xf32>,
        %get3A_341 = vector.shape_cast %get3A_340 : vector<16xf32> to vector<16xf32>
        %sub3A_342 = arith.constant 1.000000e+00 : f32
        %sub3A_343 = vector.broadcast %sub3A_342 : f32 to vector<16xf32>
        %sub3A_344 = arith.subf %sub3A_343, %get3A_341 : vector<16xf32>
        %swap3A_345 = arith.constant 48 : index
        %swap3A_346 = tpu.vector_load %arg14[%swap3A_345] {strides = array<i32>} : memref<336xf32, #tpu.memory_space<vmem>>, vector<16xf32>,
        %swap3A_347 = vector.shape_cast %swap3A_346 : vector<16xf32> to vector<16xf32>
        %swap3A_348 = vector.shape_cast %sub3A_344 : vector<16xf32> to vector<16xf32>
        tpu.vector_store %arg14[%swap3A_345], %swap3A_348 {strides = array<i32>} : memref<336xf32, #tpu.memory_space<vmem>>, vector<16xf32>,
        %get3A_349 = arith.constant 64 : index
        %get3A_350 = tpu.vector_load %arg13[%get3A_349] {strides = array<i32>} : memref<336xf32, #tpu.memory_space<vmem>>, vector<16xf32>,
        %get3A_351 = vector.shape_cast %get3A_350 : vector<16xf32> to vector<16xf32>
        %sub3A_352 = arith.constant 1.000000e+00 : f32
        %sub3A_353 = vector.broadcast %sub3A_352 : f32 to vector<16xf32>
        %sub3A_354 = arith.subf %sub3A_353, %get3A_351 : vector<16xf32>
        %swap3A_355 = arith.constant 64 : index
        %swap3A_356 = tpu.vector_load %arg14[%swap3A_355] {strides = array<i32>} : memref<336xf32, #tpu.memory_space<vmem>>, vector<16xf32>,
        %swap3A_357 = vector.shape_cast %swap3A_356 : vector<16xf32> to vector<16xf32>
        %swap3A_358 = vector.shape_cast %sub3A_354 : vector<16xf32> to vector<16xf32>
        tpu.vector_store %arg14[%swap3A_355], %swap3A_358 {strides = array<i32>} : memref<336xf32, #tpu.memory_space<vmem>>, vector<16xf32>,
        %get3A_359 = arith.constant 80 : index
        %get3A_360 = tpu.vector_load %arg13[%get3A_359] {strides = array<i32>} : memref<336xf32, #tpu.memory_space<vmem>>, vector<16xf32>,
        %get3A_361 = vector.shape_cast %get3A_360 : vector<16xf32> to vector<16xf32>
        %sub3A_362 = arith.constant 1.000000e+00 : f32
        %sub3A_363 = vector.broadcast %sub3A_362 : f32 to vector<16xf32>
        %sub3A_364 = arith.subf %sub3A_363, %get3A_361 : vector<16xf32>
        %swap3A_365 = arith.constant 80 : index
        %swap3A_366 = tpu.vector_load %arg14[%swap3A_365] {strides = array<i32>} : memref<336xf32, #tpu.memory_space<vmem>>, vector<16xf32>,
        %swap3A_367 = vector.shape_cast %swap3A_366 : vector<16xf32> to vector<16xf32>
        %swap3A_368 = vector.shape_cast %sub3A_364 : vector<16xf32> to vector<16xf32>
        tpu.vector_store %arg14[%swap3A_365], %swap3A_368 {strides = array<i32>} : memref<336xf32, #tpu.memory_space<vmem>>, vector<16xf32>,
        %get3A_369 = arith.constant 96 : index
        %get3A_370 = tpu.vector_load %arg13[%get3A_369] {strides = array<i32>} : memref<336xf32, #tpu.memory_space<vmem>>, vector<16xf32>,
        %get3A_371 = vector.shape_cast %get3A_370 : vector<16xf32> to vector<16xf32>
        %sub3A_372 = arith.constant 1.000000e+00 : f32
        %sub3A_373 = vector.broadcast %sub3A_372 : f32 to vector<16xf32>
        %sub3A_374 = arith.subf %sub3A_373, %get3A_371 : vector<16xf32>
        %swap3A_375 = arith.constant 96 : index
        %swap3A_376 = tpu.vector_load %arg14[%swap3A_375] {strides = array<i32>} : memref<336xf32, #tpu.memory_space<vmem>>, vector<16xf32>,
        %swap3A_377 = vector.shape_cast %swap3A_376 : vector<16xf32> to vector<16xf32>
        %swap3A_378 = vector.shape_cast %sub3A_374 : vector<16xf32> to vector<16xf32>
        tpu.vector_store %arg14[%swap3A_375], %swap3A_378 {strides = array<i32>} : memref<336xf32, #tpu.memory_space<vmem>>, vector<16xf32>,
        %get3A_379 = arith.constant 112 : index
        %get3A_380 = tpu.vector_load %arg13[%get3A_379] {strides = array<i32>} : memref<336xf32, #tpu.memory_space<vmem>>, vector<16xf32>,
        %get3A_381 = vector.shape_cast %get3A_380 : vector<16xf32> to vector<16xf32>
        %sub3A_382 = arith.constant 1.000000e+00 : f32
        %sub3A_383 = vector.broadcast %sub3A_382 : f32 to vector<16xf32>
        %sub3A_384 = arith.subf %sub3A_383, %get3A_381 : vector<16xf32>
        %swap3A_385 = arith.constant 112 : index
        %swap3A_386 = tpu.vector_load %arg14[%swap3A_385] {strides = array<i32>} : memref<336xf32, #tpu.memory_space<vmem>>, vector<16xf32>,
        %swap3A_387 = vector.shape_cast %swap3A_386 : vector<16xf32> to vector<16xf32>
        %swap3A_388 = vector.shape_cast %sub3A_384 : vector<16xf32> to vector<16xf32>
        tpu.vector_store %arg14[%swap3A_385], %swap3A_388 {strides = array<i32>} : memref<336xf32, #tpu.memory_space<vmem>>, vector<16xf32>,
        %get3A_389 = arith.constant 128 : index
        %get3A_390 = tpu.vector_load %arg13[%get3A_389] {strides = array<i32>} : memref<336xf32, #tpu.memory_space<vmem>>, vector<16xf32>,
        %get3A_391 = vector.shape_cast %get3A_390 : vector<16xf32> to vector<16xf32>
        %sub3A_392 = arith.constant 1.000000e+00 : f32
        %sub3A_393 = vector.broadcast %sub3A_392 : f32 to vector<16xf32>
        %sub3A_394 = arith.subf %sub3A_393, %get3A_391 : vector<16xf32>
        %swap3A_395 = arith.constant 128 : index
        %swap3A_396 = tpu.vector_load %arg14[%swap3A_395] {strides = array<i32>} : memref<336xf32, #tpu.memory_space<vmem>>, vector<16xf32>,
        %swap3A_397 = vector.shape_cast %swap3A_396 : vector<16xf32> to vector<16xf32>
        %swap3A_398 = vector.shape_cast %sub3A_394 : vector<16xf32> to vector<16xf32>
        tpu.vector_store %arg14[%swap3A_395], %swap3A_398 {strides = array<i32>} : memref<336xf32, #tpu.memory_space<vmem>>, vector<16xf32>,
        %get3A_399 = arith.constant 144 : index
        %get3A_400 = tpu.vector_load %arg13[%get3A_399] {strides = array<i32>} : memref<336xf32, #tpu.memory_space<vmem>>, vector<16xf32>,
        %get3A_401 = vector.shape_cast %get3A_400 : vector<16xf32> to vector<16xf32>
        %sub3A_402 = arith.constant 1.000000e+00 : f32
        %sub3A_403 = vector.broadcast %sub3A_402 : f32 to vector<16xf32>
        %sub3A_404 = arith.subf %sub3A_403, %get3A_401 : vector<16xf32>
        %swap3A_405 = arith.constant 144 : index
        %swap3A_406 = tpu.vector_load %arg14[%swap3A_405] {strides = array<i32>} : memref<336xf32, #tpu.memory_space<vmem>>, vector<16xf32>,
        %swap3A_407 = vector.shape_cast %swap3A_406 : vector<16xf32> to vector<16xf32>
        %swap3A_408 = vector.shape_cast %sub3A_404 : vector<16xf32> to vector<16xf32>
        tpu.vector_store %arg14[%swap3A_405], %swap3A_408 {strides = array<i32>} : memref<336xf32, #tpu.memory_space<vmem>>, vector<16xf32>,
        %get3A_409 = arith.constant 160 : index
        %get3A_410 = tpu.vector_load %arg13[%get3A_409] {strides = array<i32>} : memref<336xf32, #tpu.memory_space<vmem>>, vector<16xf32>,
        %get3A_411 = vector.shape_cast %get3A_410 : vector<16xf32> to vector<16xf32>
        %sub3A_412 = arith.constant 1.000000e+00 : f32
        %sub3A_413 = vector.broadcast %sub3A_412 : f32 to vector<16xf32>
        %sub3A_414 = arith.subf %sub3A_413, %get3A_411 : vector<16xf32>
        %swap3A_415 = arith.constant 160 : index
        %swap3A_416 = tpu.vector_load %arg14[%swap3A_415] {strides = array<i32>} : memref<336xf32, #tpu.memory_space<vmem>>, vector<16xf32>,
        %swap3A_417 = vector.shape_cast %swap3A_416 : vector<16xf32> to vector<16xf32>
        %swap3A_418 = vector.shape_cast %sub3A_414 : vector<16xf32> to vector<16xf32>
        tpu.vector_store %arg14[%swap3A_415], %swap3A_418 {strides = array<i32>} : memref<336xf32, #tpu.memory_space<vmem>>, vector<16xf32>,
        %get3A_419 = arith.constant 176 : index
        %get3A_420 = tpu.vector_load %arg13[%get3A_419] {strides = array<i32>} : memref<336xf32, #tpu.memory_space<vmem>>, vector<16xf32>,
        %get3A_421 = vector.shape_cast %get3A_420 : vector<16xf32> to vector<16xf32>
        %sub3A_422 = arith.constant 1.000000e+00 : f32
        %sub3A_423 = vector.broadcast %sub3A_422 : f32 to vector<16xf32>
        %sub3A_424 = arith.subf %sub3A_423, %get3A_421 : vector<16xf32>
        %swap3A_425 = arith.constant 176 : index
        %swap3A_426 = tpu.vector_load %arg14[%swap3A_425] {strides = array<i32>} : memref<336xf32, #tpu.memory_space<vmem>>, vector<16xf32>,
        %swap3A_427 = vector.shape_cast %swap3A_426 : vector<16xf32> to vector<16xf32>
        %swap3A_428 = vector.shape_cast %sub3A_424 : vector<16xf32> to vector<16xf32>
        tpu.vector_store %arg14[%swap3A_425], %swap3A_428 {strides = array<i32>} : memref<336xf32, #tpu.memory_space<vmem>>, vector<16xf32>,
        %get3A_429 = arith.constant 192 : index
        %get3A_430 = tpu.vector_load %arg13[%get3A_429] {strides = array<i32>} : memref<336xf32, #tpu.memory_space<vmem>>, vector<16xf32>,
        %get3A_431 = vector.shape_cast %get3A_430 : vector<16xf32> to vector<16xf32>
        %sub3A_432 = arith.constant 1.000000e+00 : f32
        %sub3A_433 = vector.broadcast %sub3A_432 : f32 to vector<16xf32>
        %sub3A_434 = arith.subf %sub3A_433, %get3A_431 : vector<16xf32>
        %swap3A_435 = arith.constant 192 : index
        %swap3A_436 = tpu.vector_load %arg14[%swap3A_435] {strides = array<i32>} : memref<336xf32, #tpu.memory_space<vmem>>, vector<16xf32>,
        %swap3A_437 = vector.shape_cast %swap3A_436 : vector<16xf32> to vector<16xf32>
        %swap3A_438 = vector.shape_cast %sub3A_434 : vector<16xf32> to vector<16xf32>
        tpu.vector_store %arg14[%swap3A_435], %swap3A_438 {strides = array<i32>} : memref<336xf32, #tpu.memory_space<vmem>>, vector<16xf32>,
        %get3A_439 = arith.constant 208 : index
        %get3A_440 = tpu.vector_load %arg13[%get3A_439] {strides = array<i32>} : memref<336xf32, #tpu.memory_space<vmem>>, vector<16xf32>,
        %get3A_441 = vector.shape_cast %get3A_440 : vector<16xf32> to vector<16xf32>
        %sub3A_442 = arith.constant 1.000000e+00 : f32
        %sub3A_443 = vector.broadcast %sub3A_442 : f32 to vector<16xf32>
        %sub3A_444 = arith.subf %sub3A_443, %get3A_441 : vector<16xf32>
        %swap3A_445 = arith.constant 208 : index
        %swap3A_446 = tpu.vector_load %arg14[%swap3A_445] {strides = array<i32>} : memref<336xf32, #tpu.memory_space<vmem>>, vector<16xf32>,
        %swap3A_447 = vector.shape_cast %swap3A_446 : vector<16xf32> to vector<16xf32>
        %swap3A_448 = vector.shape_cast %sub3A_444 : vector<16xf32> to vector<16xf32>
        tpu.vector_store %arg14[%swap3A_445], %swap3A_448 {strides = array<i32>} : memref<336xf32, #tpu.memory_space<vmem>>, vector<16xf32>,
        %get3A_449 = arith.constant 224 : index
        %get3A_450 = tpu.vector_load %arg13[%get3A_449] {strides = array<i32>} : memref<336xf32, #tpu.memory_space<vmem>>, vector<16xf32>,
        %get3A_451 = vector.shape_cast %get3A_450 : vector<16xf32> to vector<16xf32>
        %sub3A_452 = arith.constant 1.000000e+00 : f32
        %sub3A_453 = vector.broadcast %sub3A_452 : f32 to vector<16xf32>
        %sub3A_454 = arith.subf %sub3A_453, %get3A_451 : vector<16xf32>
        %swap3A_455 = arith.constant 224 : index
        %swap3A_456 = tpu.vector_load %arg14[%swap3A_455] {strides = array<i32>} : memref<336xf32, #tpu.memory_space<vmem>>, vector<16xf32>,
        %swap3A_457 = vector.shape_cast %swap3A_456 : vector<16xf32> to vector<16xf32>
        %swap3A_458 = vector.shape_cast %sub3A_454 : vector<16xf32> to vector<16xf32>
        tpu.vector_store %arg14[%swap3A_455], %swap3A_458 {strides = array<i32>} : memref<336xf32, #tpu.memory_space<vmem>>, vector<16xf32>,
        %get3A_459 = arith.constant 240 : index
        %get3A_460 = tpu.vector_load %arg13[%get3A_459] {strides = array<i32>} : memref<336xf32, #tpu.memory_space<vmem>>, vector<16xf32>,
        %get3A_461 = vector.shape_cast %get3A_460 : vector<16xf32> to vector<16xf32>
        %sub3A_462 = arith.constant 1.000000e+00 : f32
        %sub3A_463 = vector.broadcast %sub3A_462 : f32 to vector<16xf32>
        %sub3A_464 = arith.subf %sub3A_463, %get3A_461 : vector<16xf32>
        %swap3A_465 = arith.constant 240 : index
        %swap3A_466 = tpu.vector_load %arg14[%swap3A_465] {strides = array<i32>} : memref<336xf32, #tpu.memory_space<vmem>>, vector<16xf32>,
        %swap3A_467 = vector.shape_cast %swap3A_466 : vector<16xf32> to vector<16xf32>
        %swap3A_468 = vector.shape_cast %sub3A_464 : vector<16xf32> to vector<16xf32>
        tpu.vector_store %arg14[%swap3A_465], %swap3A_468 {strides = array<i32>} : memref<336xf32, #tpu.memory_space<vmem>>, vector<16xf32>,
        %get3A_469 = arith.constant 256 : index
        %get3A_470 = tpu.vector_load %arg13[%get3A_469] {strides = array<i32>} : memref<336xf32, #tpu.memory_space<vmem>>, vector<16xf32>,
        %get3A_471 = vector.shape_cast %get3A_470 : vector<16xf32> to vector<16xf32>
        %sub3A_472 = arith.constant 1.000000e+00 : f32
        %sub3A_473 = vector.broadcast %sub3A_472 : f32 to vector<16xf32>
        %sub3A_474 = arith.subf %sub3A_473, %get3A_471 : vector<16xf32>
        %swap3A_475 = arith.constant 256 : index
        %swap3A_476 = tpu.vector_load %arg14[%swap3A_475] {strides = array<i32>} : memref<336xf32, #tpu.memory_space<vmem>>, vector<16xf32>,
        %swap3A_477 = vector.shape_cast %swap3A_476 : vector<16xf32> to vector<16xf32>
        %swap3A_478 = vector.shape_cast %sub3A_474 : vector<16xf32> to vector<16xf32>
        tpu.vector_store %arg14[%swap3A_475], %swap3A_478 {strides = array<i32>} : memref<336xf32, #tpu.memory_space<vmem>>, vector<16xf32>,
        %get3A_479 = arith.constant 272 : index
        %get3A_480 = tpu.vector_load %arg13[%get3A_479] {strides = array<i32>} : memref<336xf32, #tpu.memory_space<vmem>>, vector<16xf32>,
        %get3A_481 = vector.shape_cast %get3A_480 : vector<16xf32> to vector<16xf32>
        %sub3A_482 = arith.constant 1.000000e+00 : f32
        %sub3A_483 = vector.broadcast %sub3A_482 : f32 to vector<16xf32>
        %sub3A_484 = arith.subf %sub3A_483, %get3A_481 : vector<16xf32>
        %swap3A_485 = arith.constant 272 : index
        %swap3A_486 = tpu.vector_load %arg14[%swap3A_485] {strides = array<i32>} : memref<336xf32, #tpu.memory_space<vmem>>, vector<16xf32>,
        %swap3A_487 = vector.shape_cast %swap3A_486 : vector<16xf32> to vector<16xf32>
        %swap3A_488 = vector.shape_cast %sub3A_484 : vector<16xf32> to vector<16xf32>
        tpu.vector_store %arg14[%swap3A_485], %swap3A_488 {strides = array<i32>} : memref<336xf32, #tpu.memory_space<vmem>>, vector<16xf32>,
        %get3A_489 = arith.constant 288 : index
        %get3A_490 = tpu.vector_load %arg13[%get3A_489] {strides = array<i32>} : memref<336xf32, #tpu.memory_space<vmem>>, vector<16xf32>,
        %get3A_491 = vector.shape_cast %get3A_490 : vector<16xf32> to vector<16xf32>
        %sub3A_492 = arith.constant 1.000000e+00 : f32
        %sub3A_493 = vector.broadcast %sub3A_492 : f32 to vector<16xf32>
        %sub3A_494 = arith.subf %sub3A_493, %get3A_491 : vector<16xf32>
        %swap3A_495 = arith.constant 288 : index
        %swap3A_496 = tpu.vector_load %arg14[%swap3A_495] {strides = array<i32>} : memref<336xf32, #tpu.memory_space<vmem>>, vector<16xf32>,
        %swap3A_497 = vector.shape_cast %swap3A_496 : vector<16xf32> to vector<16xf32>
        %swap3A_498 = vector.shape_cast %sub3A_494 : vector<16xf32> to vector<16xf32>
        tpu.vector_store %arg14[%swap3A_495], %swap3A_498 {strides = array<i32>} : memref<336xf32, #tpu.memory_space<vmem>>, vector<16xf32>,
        %get3A_499 = arith.constant 304 : index
        %get3A_500 = tpu.vector_load %arg13[%get3A_499] {strides = array<i32>} : memref<336xf32, #tpu.memory_space<vmem>>, vector<16xf32>,
        %get3A_501 = vector.shape_cast %get3A_500 : vector<16xf32> to vector<16xf32>
        %sub3A_502 = arith.constant 1.000000e+00 : f32
        %sub3A_503 = vector.broadcast %sub3A_502 : f32 to vector<16xf32>
        %sub3A_504 = arith.subf %sub3A_503, %get3A_501 : vector<16xf32>
        %swap3A_505 = arith.constant 304 : index
        %swap3A_506 = tpu.vector_load %arg14[%swap3A_505] {strides = array<i32>} : memref<336xf32, #tpu.memory_space<vmem>>, vector<16xf32>,
        %swap3A_507 = vector.shape_cast %swap3A_506 : vector<16xf32> to vector<16xf32>
        %swap3A_508 = vector.shape_cast %sub3A_504 : vector<16xf32> to vector<16xf32>
        tpu.vector_store %arg14[%swap3A_505], %swap3A_508 {strides = array<i32>} : memref<336xf32, #tpu.memory_space<vmem>>, vector<16xf32>,
        %broadcast_in_dim3A_509 = vector.broadcast %scan3A_309 : i32 to vector<16xi32>
        %swap3A_510 = arith.constant 0 : index
        %swap3A_511 = tpu.vector_load %arg17[%swap3A_510] {strides = array<i32>} : memref<16xi32, #tpu.memory_space<vmem>>, vector<16xi32>,
        %swap3A_512 = vector.shape_cast %swap3A_511 : vector<16xi32> to vector<16xi32>
        %swap3A_513 = vector.shape_cast %broadcast_in_dim3A_509 : vector<16xi32> to vector<16xi32>
        tpu.vector_store %arg17[%swap3A_510], %swap3A_513 {strides = array<i32>} : memref<16xi32, #tpu.memory_space<vmem>>, vector<16xi32>,
        %mul3A_514 = arith.constant 320 : i32
        %mul3A_515 = arith.muli %scan3A_297, %mul3A_514 : i32
        "tpu.region"() ({
          %run_scoped3A = tpu.sem_alloc : memref<!tpu.dma_semaphore, #tpu.memory_space<semaphore_mem>>
          %dma_start3A = arith.constant 0 : i32
          %dma_start3A_523 = tpu.memref_slice %arg15[%dma_start3A] : memref<368xi32, #tpu.memory_space<vmem>> -> memref<320xi32, #tpu.memory_space<vmem>>
          %dma_start3A_524 = tpu.memref_slice %arg19[%mul3A_515] : memref<5120xi32, #tpu.memory_space<vmem_shared>> -> memref<320xi32, #tpu.memory_space<vmem_shared>>
          %dma_start3A_525 = tpu.memref_slice %arg19[%mul3A_515] : memref<5120xi32, #tpu.memory_space<vmem_shared>> -> memref<320xi32, #tpu.memory_space<vmem_shared>>
          %dma_start3A_526 = arith.constant 0 : i32
          %dma_start3A_527 = tpu.memref_slice %arg15[%dma_start3A_526] : memref<368xi32, #tpu.memory_space<vmem>> -> memref<320xi32, #tpu.memory_space<vmem>>
          tpu.enqueue_dma source(%dma_start3A_527 : memref<320xi32, #tpu.memory_space<vmem>>) target(%dma_start3A_525 : memref<320xi32, #tpu.memory_space<vmem_shared>>) target_semaphore(%run_scoped3A : memref<!tpu.dma_semaphore, #tpu.memory_space<semaphore_mem>>)
          %dma_wait3A = arith.constant 0 : i32
          %dma_wait3A_528 = tpu.memref_slice %arg15[%dma_wait3A] : memref<368xi32, #tpu.memory_space<vmem>> -> memref<320xi32, #tpu.memory_space<vmem>>
          %dma_wait3A_529 = tpu.memref_slice %arg19[%mul3A_515] : memref<5120xi32, #tpu.memory_space<vmem_shared>> -> memref<320xi32, #tpu.memory_space<vmem_shared>>
          %dma_wait3A_530 = tpu.memref_slice %arg19[%mul3A_515] : memref<5120xi32, #tpu.memory_space<vmem_shared>> -> memref<320xi32, #tpu.memory_space<vmem_shared>>
          %dma_wait3A_531 = arith.constant 0 : i32
          %dma_wait3A_532 = tpu.memref_slice %arg15[%dma_wait3A_531] : memref<368xi32, #tpu.memory_space<vmem>> -> memref<320xi32, #tpu.memory_space<vmem>>
          tpu.wait_dma2 semaphore(%run_scoped3A : memref<!tpu.dma_semaphore, #tpu.memory_space<semaphore_mem>>) src(%dma_wait3A_532 : memref<320xi32, #tpu.memory_space<vmem>>) dst(%dma_wait3A_530 : memref<320xi32, #tpu.memory_space<vmem_shared>>)
          tpu.yield
        }) : () -> ()
        %mul3A_516 = arith.constant 16 : i32
        %mul3A_517 = arith.muli %scan3A_297, %mul3A_516 : i32
        "tpu.region"() ({
          %run_scoped3A = tpu.sem_alloc : memref<!tpu.dma_semaphore, #tpu.memory_space<semaphore_mem>>
          %dma_start3A = arith.constant 0 : i32
          %dma_start3A_523 = tpu.memref_slice %arg17[%dma_start3A] : memref<16xi32, #tpu.memory_space<vmem>> -> memref<16xi32, #tpu.memory_space<vmem>>
          %dma_start3A_524 = tpu.memref_slice %arg20[%mul3A_517] : memref<256xi32, #tpu.memory_space<vmem_shared>> -> memref<16xi32, #tpu.memory_space<vmem_shared>>
          %dma_start3A_525 = tpu.memref_slice %arg20[%mul3A_517] : memref<256xi32, #tpu.memory_space<vmem_shared>> -> memref<16xi32, #tpu.memory_space<vmem_shared>>
          %dma_start3A_526 = arith.constant 0 : i32
          %dma_start3A_527 = tpu.memref_slice %arg17[%dma_start3A_526] : memref<16xi32, #tpu.memory_space<vmem>> -> memref<16xi32, #tpu.memory_space<vmem>>
          tpu.enqueue_dma source(%dma_start3A_527 : memref<16xi32, #tpu.memory_space<vmem>>) target(%dma_start3A_525 : memref<16xi32, #tpu.memory_space<vmem_shared>>) target_semaphore(%run_scoped3A : memref<!tpu.dma_semaphore, #tpu.memory_space<semaphore_mem>>)
          %dma_wait3A = arith.constant 0 : i32
          %dma_wait3A_528 = tpu.memref_slice %arg17[%dma_wait3A] : memref<16xi32, #tpu.memory_space<vmem>> -> memref<16xi32, #tpu.memory_space<vmem>>
          %dma_wait3A_529 = tpu.memref_slice %arg20[%mul3A_517] : memref<256xi32, #tpu.memory_space<vmem_shared>> -> memref<16xi32, #tpu.memory_space<vmem_shared>>
          %dma_wait3A_530 = tpu.memref_slice %arg20[%mul3A_517] : memref<256xi32, #tpu.memory_space<vmem_shared>> -> memref<16xi32, #tpu.memory_space<vmem_shared>>
          %dma_wait3A_531 = arith.constant 0 : i32
          %dma_wait3A_532 = tpu.memref_slice %arg17[%dma_wait3A_531] : memref<16xi32, #tpu.memory_space<vmem>> -> memref<16xi32, #tpu.memory_space<vmem>>
          tpu.wait_dma2 semaphore(%run_scoped3A : memref<!tpu.dma_semaphore, #tpu.memory_space<semaphore_mem>>) src(%dma_wait3A_532 : memref<16xi32, #tpu.memory_space<vmem>>) dst(%dma_wait3A_530 : memref<16xi32, #tpu.memory_space<vmem_shared>>)
          tpu.yield
        }) : () -> ()
        %eq3A_518 = arith.constant 0 : i32
        %eq3A_519 = arith.cmpi eq, %arg0, %eq3A_518 : i32
        %convert_element_type3A_520 = arith.extui %eq3A_519 : i1 to i32
        %cond3A_521 = arith.constant 0 : i32
        %cond3A_522 = arith.cmpi ne, %convert_element_type3A_520, %cond3A_521 : i32
        scf.if %cond3A_522 {
          "tpu.region"() ({
            %run_scoped3A = tpu.sem_alloc : memref<!tpu.dma_semaphore, #tpu.memory_space<semaphore_mem>>
            %dma_start3A = arith.constant 0 : i32
            %dma_start3A_523 = tpu.memref_slice %arg14[%dma_start3A] : memref<336xf32, #tpu.memory_space<vmem>> -> memref<320xf32, #tpu.memory_space<vmem>>
            %dma_start3A_524 = tpu.memref_slice %arg7[%mul3A_0] : memref<5120xf32, #tpu.memory_space<hbm>> -> memref<320xf32, #tpu.memory_space<hbm>>
            %dma_start3A_525 = tpu.memref_slice %arg7[%mul3A_0] : memref<5120xf32, #tpu.memory_space<hbm>> -> memref<320xf32, #tpu.memory_space<hbm>>
            %dma_start3A_526 = arith.constant 0 : i32
            %dma_start3A_527 = tpu.memref_slice %arg14[%dma_start3A_526] : memref<336xf32, #tpu.memory_space<vmem>> -> memref<320xf32, #tpu.memory_space<vmem>>
            tpu.enqueue_dma source(%dma_start3A_527 : memref<320xf32, #tpu.memory_space<vmem>>) target(%dma_start3A_525 : memref<320xf32, #tpu.memory_space<hbm>>) target_semaphore(%run_scoped3A : memref<!tpu.dma_semaphore, #tpu.memory_space<semaphore_mem>>)
            %dma_wait3A = arith.constant 0 : i32
            %dma_wait3A_528 = tpu.memref_slice %arg14[%dma_wait3A] : memref<336xf32, #tpu.memory_space<vmem>> -> memref<320xf32, #tpu.memory_space<vmem>>
            %dma_wait3A_529 = tpu.memref_slice %arg7[%mul3A_0] : memref<5120xf32, #tpu.memory_space<hbm>> -> memref<320xf32, #tpu.memory_space<hbm>>
            %dma_wait3A_530 = tpu.memref_slice %arg7[%mul3A_0] : memref<5120xf32, #tpu.memory_space<hbm>> -> memref<320xf32, #tpu.memory_space<hbm>>
            %dma_wait3A_531 = arith.constant 0 : i32
            %dma_wait3A_532 = tpu.memref_slice %arg14[%dma_wait3A_531] : memref<336xf32, #tpu.memory_space<vmem>> -> memref<320xf32, #tpu.memory_space<vmem>>
            tpu.wait_dma2 semaphore(%run_scoped3A : memref<!tpu.dma_semaphore, #tpu.memory_space<semaphore_mem>>) src(%dma_wait3A_532 : memref<320xf32, #tpu.memory_space<vmem>>) dst(%dma_wait3A_530 : memref<320xf32, #tpu.memory_space<hbm>>)
            tpu.yield
          }) : () -> ()
        } else {
        }
      } else {
      }
      %barrier3A = arith.constant 0 : index
      tpu.barrier barrier_id(%barrier3A)
      %gt3A = arith.cmpi sgt, %arg1, %scan3A_297 : i32
      %convert_element_type3A_300 = arith.extui %gt3A : i1 to i32
      %cond3A_301 = arith.constant 0 : i32
      %cond3A_302 = arith.cmpi ne, %convert_element_type3A_300, %cond3A_301 : i32
      scf.if %cond3A_302 {
        %mul3A_304 = arith.constant 320 : i32
        %mul3A_305 = arith.muli %scan3A_297, %mul3A_304 : i32
        "tpu.region"() ({
          %run_scoped3A = tpu.sem_alloc : memref<!tpu.dma_semaphore, #tpu.memory_space<semaphore_mem>>
          %dma_start3A = arith.constant 0 : i32
          %dma_start3A_341 = tpu.memref_slice %arg16[%dma_start3A] : memref<368xi32, #tpu.memory_space<vmem>> -> memref<320xi32, #tpu.memory_space<vmem>>
          %dma_start3A_342 = tpu.memref_slice %arg19[%mul3A_305] : memref<5120xi32, #tpu.memory_space<vmem_shared>> -> memref<320xi32, #tpu.memory_space<vmem_shared>>
          %dma_start3A_343 = arith.constant 0 : i32
          %dma_start3A_344 = tpu.memref_slice %arg16[%dma_start3A_343] : memref<368xi32, #tpu.memory_space<vmem>> -> memref<320xi32, #tpu.memory_space<vmem>>
          %dma_start3A_345 = tpu.memref_slice %arg19[%mul3A_305] : memref<5120xi32, #tpu.memory_space<vmem_shared>> -> memref<320xi32, #tpu.memory_space<vmem_shared>>
          tpu.enqueue_dma source(%dma_start3A_345 : memref<320xi32, #tpu.memory_space<vmem_shared>>) target(%dma_start3A_344 : memref<320xi32, #tpu.memory_space<vmem>>) target_semaphore(%run_scoped3A : memref<!tpu.dma_semaphore, #tpu.memory_space<semaphore_mem>>)
          %dma_wait3A = arith.constant 0 : i32
          %dma_wait3A_346 = tpu.memref_slice %arg16[%dma_wait3A] : memref<368xi32, #tpu.memory_space<vmem>> -> memref<320xi32, #tpu.memory_space<vmem>>
          %dma_wait3A_347 = tpu.memref_slice %arg19[%mul3A_305] : memref<5120xi32, #tpu.memory_space<vmem_shared>> -> memref<320xi32, #tpu.memory_space<vmem_shared>>
          %dma_wait3A_348 = arith.constant 0 : i32
          %dma_wait3A_349 = tpu.memref_slice %arg16[%dma_wait3A_348] : memref<368xi32, #tpu.memory_space<vmem>> -> memref<320xi32, #tpu.memory_space<vmem>>
          %dma_wait3A_350 = tpu.memref_slice %arg19[%mul3A_305] : memref<5120xi32, #tpu.memory_space<vmem_shared>> -> memref<320xi32, #tpu.memory_space<vmem_shared>>
          tpu.wait_dma2 semaphore(%run_scoped3A : memref<!tpu.dma_semaphore, #tpu.memory_space<semaphore_mem>>) src(%dma_wait3A_350 : memref<320xi32, #tpu.memory_space<vmem_shared>>) dst(%dma_wait3A_349 : memref<320xi32, #tpu.memory_space<vmem>>)
          tpu.yield
        }) : () -> ()
        %mul3A_306 = arith.constant 16 : i32
        %mul3A_307 = arith.muli %scan3A_297, %mul3A_306 : i32
        "tpu.region"() ({
          %run_scoped3A = tpu.sem_alloc : memref<!tpu.dma_semaphore, #tpu.memory_space<semaphore_mem>>
          %dma_start3A = arith.constant 0 : i32
          %dma_start3A_341 = tpu.memref_slice %arg18[%dma_start3A] : memref<16xi32, #tpu.memory_space<vmem>> -> memref<16xi32, #tpu.memory_space<vmem>>
          %dma_start3A_342 = tpu.memref_slice %arg20[%mul3A_307] : memref<256xi32, #tpu.memory_space<vmem_shared>> -> memref<16xi32, #tpu.memory_space<vmem_shared>>
          %dma_start3A_343 = arith.constant 0 : i32
          %dma_start3A_344 = tpu.memref_slice %arg18[%dma_start3A_343] : memref<16xi32, #tpu.memory_space<vmem>> -> memref<16xi32, #tpu.memory_space<vmem>>
          %dma_start3A_345 = tpu.memref_slice %arg20[%mul3A_307] : memref<256xi32, #tpu.memory_space<vmem_shared>> -> memref<16xi32, #tpu.memory_space<vmem_shared>>
          tpu.enqueue_dma source(%dma_start3A_345 : memref<16xi32, #tpu.memory_space<vmem_shared>>) target(%dma_start3A_344 : memref<16xi32, #tpu.memory_space<vmem>>) target_semaphore(%run_scoped3A : memref<!tpu.dma_semaphore, #tpu.memory_space<semaphore_mem>>)
          %dma_wait3A = arith.constant 0 : i32
          %dma_wait3A_346 = tpu.memref_slice %arg18[%dma_wait3A] : memref<16xi32, #tpu.memory_space<vmem>> -> memref<16xi32, #tpu.memory_space<vmem>>
          %dma_wait3A_347 = tpu.memref_slice %arg20[%mul3A_307] : memref<256xi32, #tpu.memory_space<vmem_shared>> -> memref<16xi32, #tpu.memory_space<vmem_shared>>
          %dma_wait3A_348 = arith.constant 0 : i32
          %dma_wait3A_349 = tpu.memref_slice %arg18[%dma_wait3A_348] : memref<16xi32, #tpu.memory_space<vmem>> -> memref<16xi32, #tpu.memory_space<vmem>>
          %dma_wait3A_350 = tpu.memref_slice %arg20[%mul3A_307] : memref<256xi32, #tpu.memory_space<vmem_shared>> -> memref<16xi32, #tpu.memory_space<vmem_shared>>
          tpu.wait_dma2 semaphore(%run_scoped3A : memref<!tpu.dma_semaphore, #tpu.memory_space<semaphore_mem>>) src(%dma_wait3A_350 : memref<16xi32, #tpu.memory_space<vmem_shared>>) dst(%dma_wait3A_349 : memref<16xi32, #tpu.memory_space<vmem>>)
          tpu.yield
        }) : () -> ()
        %get3A = arith.constant 0 : index
        %get3A_308 = tpu.vector_load %arg18[%get3A] {strides = array<i32>} : memref<16xi32, #tpu.memory_space<vmem>>, vector<16xi32>,
        %get3A_309 = vector.shape_cast %get3A_308 : vector<16xi32> to vector<16xi32>
        %slice3A = vector.extract_strided_slice %get3A_309 {offsets = [0], sizes = [1], strides = [1]} : vector<16xi32> to vector<1xi32>
        %squeeze3A = vector.extract %slice3A[0] : i32 from vector<1xi32>
        %sub3A = arith.constant 0 : i32
        %sub3A_310 = arith.subi %squeeze3A, %sub3A : i32
        %add3A = arith.constant 7 : i32
        %add3A_311 = arith.addi %sub3A_310, %add3A : i32
        %jit3A = arith.constant 8 : i32
        %div3A = arith.divsi %add3A_311, %jit3A : i32
        %sign3A = arith.constant 0 : i32
        %sign3A_312 = arith.cmpi sgt, %add3A_311, %sign3A : i32
        %sign3A_313 = arith.extui %sign3A_312 : i1 to i32
        %sign3A_314 = arith.constant 0 : i32
        %sign3A_315 = arith.cmpi slt, %add3A_311, %sign3A_314 : i32
        %sign3A_316 = arith.extui %sign3A_315 : i1 to i32
        %sign3A_317 = arith.subi %sign3A_313, %sign3A_316 : i32
        %sign3A_318 = arith.constant 0 : i32
        %sign3A_319 = arith.cmpi sgt, %jit3A, %sign3A_318 : i32
        %sign3A_320 = arith.extui %sign3A_319 : i1 to i32
        %sign3A_321 = arith.constant 0 : i32
        %sign3A_322 = arith.cmpi slt, %jit3A, %sign3A_321 : i32
        %sign3A_323 = arith.extui %sign3A_322 : i1 to i32
        %sign3A_324 = arith.subi %sign3A_320, %sign3A_323 : i32
        %ne3A = arith.cmpi ne, %sign3A_317, %sign3A_324 : i32
        %rem3A = arith.remsi %add3A_311, %jit3A : i32
        %ne3A_325 = arith.constant 0 : i32
        %ne3A_326 = arith.cmpi ne, %rem3A, %ne3A_325 : i32
        %and3A = arith.andi %ne3A, %ne3A_326 : i1
        %sub3A_327 = arith.constant 1 : i32
        %sub3A_328 = arith.subi %div3A, %sub3A_327 : i32
        %select_n3A = arith.select %and3A, %sub3A_328, %div3A : i32
        %while3A = arith.constant 0 : i32
        %while3A_329 = arith.constant 0 : i32
        %while3A_330 = arith.constant 0 : i32
        %while3A_331 = arith.subi %select_n3A, %while3A_329 : i32
        %while3A_332 = arith.addi %while3A_329, %while3A_331 : i32
        %while3A_333 = arith.constant 1 : i32
        %while3A_334 = arith.divsi %while3A_331, %while3A_333 : i32
        %while3A_335 = arith.muli %while3A_334, %while3A_333 : i32
        %while3A_336 = arith.addi %while3A_329, %while3A_335 : i32
        %while3A_337 = arith.constant 1 : i32
        %while3A_338 = scf.for %while3A_341 = %while3A_329 to %while3A_336 step %while3A_337 iter_args(%while3A_342 = %while3A_330) -> (i32)  : i32 {
          %mul3A_343 = arith.constant 8 : i32
          %mul3A_344 = arith.muli %while3A_341, %mul3A_343 : i32
          %add3A_345 = arith.addi %while3A, %mul3A_344 : i32
          %add3A_346 = arith.constant 0 : i32
          %add3A_347 = arith.addi %add3A_345, %add3A_346 : i32
          %get3A_348 = arith.index_cast %add3A_347 : i32 to index
          %get3A_349 = tpu.vector_load %arg16[%get3A_348] {strides = array<i32>} : memref<368xi32, #tpu.memory_space<vmem>>, vector<16xi32>,
          %get3A_350 = vector.shape_cast %get3A_349 : vector<16xi32> to vector<16xi32>
          %slice3A_351 = vector.extract_strided_slice %get3A_350 {offsets = [0], sizes = [1], strides = [1]} : vector<16xi32> to vector<1xi32>
          %squeeze3A_352 = vector.extract %slice3A_351[0] : i32 from vector<1xi32>
          %get3A_353 = arith.index_cast %squeeze3A_352 : i32 to index
          %get3A_354 = tpu.vector_load %arg8[%get3A_353] {strides = array<i32>} : memref<5136xf32, #tpu.memory_space<vmem>>, vector<16xf32>,
          %get3A_355 = vector.shape_cast %get3A_354 : vector<16xf32> to vector<16xf32>
          %slice3A_356 = vector.extract_strided_slice %get3A_355 {offsets = [0], sizes = [1], strides = [1]} : vector<16xf32> to vector<1xf32>
          %squeeze3A_357 = vector.extract %slice3A_356[0] : f32 from vector<1xf32>
          %get3A_358 = arith.index_cast %squeeze3A_352 : i32 to index
          %get3A_359 = tpu.vector_load %arg9[%get3A_358] {strides = array<i32>} : memref<5136xf32, #tpu.memory_space<vmem>>, vector<16xf32>,
          %get3A_360 = vector.shape_cast %get3A_359 : vector<16xf32> to vector<16xf32>
          %slice3A_361 = vector.extract_strided_slice %get3A_360 {offsets = [0], sizes = [1], strides = [1]} : vector<16xf32> to vector<1xf32>
          %squeeze3A_362 = vector.extract %slice3A_361[0] : f32 from vector<1xf32>
          %get3A_363 = arith.index_cast %squeeze3A_352 : i32 to index
          %get3A_364 = tpu.vector_load %arg10[%get3A_363] {strides = array<i32>} : memref<5136xf32, #tpu.memory_space<vmem>>, vector<16xf32>,
          %get3A_365 = vector.shape_cast %get3A_364 : vector<16xf32> to vector<16xf32>
          %slice3A_366 = vector.extract_strided_slice %get3A_365 {offsets = [0], sizes = [1], strides = [1]} : vector<16xf32> to vector<1xf32>
          %squeeze3A_367 = vector.extract %slice3A_366[0] : f32 from vector<1xf32>
          %get3A_368 = arith.index_cast %squeeze3A_352 : i32 to index
          %get3A_369 = tpu.vector_load %arg11[%get3A_368] {strides = array<i32>} : memref<5136xf32, #tpu.memory_space<vmem>>, vector<16xf32>,
          %get3A_370 = vector.shape_cast %get3A_369 : vector<16xf32> to vector<16xf32>
          %slice3A_371 = vector.extract_strided_slice %get3A_370 {offsets = [0], sizes = [1], strides = [1]} : vector<16xf32> to vector<1xf32>
          %squeeze3A_372 = vector.extract %slice3A_371[0] : f32 from vector<1xf32>
          %get3A_373 = arith.index_cast %squeeze3A_352 : i32 to index
          %get3A_374 = tpu.vector_load %arg12[%get3A_373] {strides = array<i32>} : memref<5136xf32, #tpu.memory_space<vmem>>, vector<16xf32>,
          %get3A_375 = vector.shape_cast %get3A_374 : vector<16xf32> to vector<16xf32>
          %slice3A_376 = vector.extract_strided_slice %get3A_375 {offsets = [0], sizes = [1], strides = [1]} : vector<16xf32> to vector<1xf32>
          %squeeze3A_377 = vector.extract %slice3A_376[0] : f32 from vector<1xf32>
          %add3A_378 = arith.constant 1 : i32
          %add3A_379 = arith.addi %add3A_345, %add3A_378 : i32
          %get3A_380 = arith.index_cast %add3A_379 : i32 to index
          %get3A_381 = tpu.vector_load %arg16[%get3A_380] {strides = array<i32>} : memref<368xi32, #tpu.memory_space<vmem>>, vector<16xi32>,
          %get3A_382 = vector.shape_cast %get3A_381 : vector<16xi32> to vector<16xi32>
          %slice3A_383 = vector.extract_strided_slice %get3A_382 {offsets = [0], sizes = [1], strides = [1]} : vector<16xi32> to vector<1xi32>
          %squeeze3A_384 = vector.extract %slice3A_383[0] : i32 from vector<1xi32>
          %get3A_385 = arith.index_cast %squeeze3A_384 : i32 to index
          %get3A_386 = tpu.vector_load %arg8[%get3A_385] {strides = array<i32>} : memref<5136xf32, #tpu.memory_space<vmem>>, vector<16xf32>,
          %get3A_387 = vector.shape_cast %get3A_386 : vector<16xf32> to vector<16xf32>
          %slice3A_388 = vector.extract_strided_slice %get3A_387 {offsets = [0], sizes = [1], strides = [1]} : vector<16xf32> to vector<1xf32>
          %squeeze3A_389 = vector.extract %slice3A_388[0] : f32 from vector<1xf32>
          %get3A_390 = arith.index_cast %squeeze3A_384 : i32 to index
          %get3A_391 = tpu.vector_load %arg9[%get3A_390] {strides = array<i32>} : memref<5136xf32, #tpu.memory_space<vmem>>, vector<16xf32>,
          %get3A_392 = vector.shape_cast %get3A_391 : vector<16xf32> to vector<16xf32>
          %slice3A_393 = vector.extract_strided_slice %get3A_392 {offsets = [0], sizes = [1], strides = [1]} : vector<16xf32> to vector<1xf32>
          %squeeze3A_394 = vector.extract %slice3A_393[0] : f32 from vector<1xf32>
          %get3A_395 = arith.index_cast %squeeze3A_384 : i32 to index
          %get3A_396 = tpu.vector_load %arg10[%get3A_395] {strides = array<i32>} : memref<5136xf32, #tpu.memory_space<vmem>>, vector<16xf32>,
          %get3A_397 = vector.shape_cast %get3A_396 : vector<16xf32> to vector<16xf32>
          %slice3A_398 = vector.extract_strided_slice %get3A_397 {offsets = [0], sizes = [1], strides = [1]} : vector<16xf32> to vector<1xf32>
          %squeeze3A_399 = vector.extract %slice3A_398[0] : f32 from vector<1xf32>
          %get3A_400 = arith.index_cast %squeeze3A_384 : i32 to index
          %get3A_401 = tpu.vector_load %arg11[%get3A_400] {strides = array<i32>} : memref<5136xf32, #tpu.memory_space<vmem>>, vector<16xf32>,
          %get3A_402 = vector.shape_cast %get3A_401 : vector<16xf32> to vector<16xf32>
          %slice3A_403 = vector.extract_strided_slice %get3A_402 {offsets = [0], sizes = [1], strides = [1]} : vector<16xf32> to vector<1xf32>
          %squeeze3A_404 = vector.extract %slice3A_403[0] : f32 from vector<1xf32>
          %get3A_405 = arith.index_cast %squeeze3A_384 : i32 to index
          %get3A_406 = tpu.vector_load %arg12[%get3A_405] {strides = array<i32>} : memref<5136xf32, #tpu.memory_space<vmem>>, vector<16xf32>,
          %get3A_407 = vector.shape_cast %get3A_406 : vector<16xf32> to vector<16xf32>
          %slice3A_408 = vector.extract_strided_slice %get3A_407 {offsets = [0], sizes = [1], strides = [1]} : vector<16xf32> to vector<1xf32>
          %squeeze3A_409 = vector.extract %slice3A_408[0] : f32 from vector<1xf32>
          %add3A_410 = arith.constant 2 : i32
          %add3A_411 = arith.addi %add3A_345, %add3A_410 : i32
          %get3A_412 = arith.index_cast %add3A_411 : i32 to index
          %get3A_413 = tpu.vector_load %arg16[%get3A_412] {strides = array<i32>} : memref<368xi32, #tpu.memory_space<vmem>>, vector<16xi32>,
          %get3A_414 = vector.shape_cast %get3A_413 : vector<16xi32> to vector<16xi32>
          %slice3A_415 = vector.extract_strided_slice %get3A_414 {offsets = [0], sizes = [1], strides = [1]} : vector<16xi32> to vector<1xi32>
          %squeeze3A_416 = vector.extract %slice3A_415[0] : i32 from vector<1xi32>
          %get3A_417 = arith.index_cast %squeeze3A_416 : i32 to index
          %get3A_418 = tpu.vector_load %arg8[%get3A_417] {strides = array<i32>} : memref<5136xf32, #tpu.memory_space<vmem>>, vector<16xf32>,
          %get3A_419 = vector.shape_cast %get3A_418 : vector<16xf32> to vector<16xf32>
          %slice3A_420 = vector.extract_strided_slice %get3A_419 {offsets = [0], sizes = [1], strides = [1]} : vector<16xf32> to vector<1xf32>
          %squeeze3A_421 = vector.extract %slice3A_420[0] : f32 from vector<1xf32>
          %get3A_422 = arith.index_cast %squeeze3A_416 : i32 to index
          %get3A_423 = tpu.vector_load %arg9[%get3A_422] {strides = array<i32>} : memref<5136xf32, #tpu.memory_space<vmem>>, vector<16xf32>,
          %get3A_424 = vector.shape_cast %get3A_423 : vector<16xf32> to vector<16xf32>
          %slice3A_425 = vector.extract_strided_slice %get3A_424 {offsets = [0], sizes = [1], strides = [1]} : vector<16xf32> to vector<1xf32>
          %squeeze3A_426 = vector.extract %slice3A_425[0] : f32 from vector<1xf32>
          %get3A_427 = arith.index_cast %squeeze3A_416 : i32 to index
          %get3A_428 = tpu.vector_load %arg10[%get3A_427] {strides = array<i32>} : memref<5136xf32, #tpu.memory_space<vmem>>, vector<16xf32>,
          %get3A_429 = vector.shape_cast %get3A_428 : vector<16xf32> to vector<16xf32>
          %slice3A_430 = vector.extract_strided_slice %get3A_429 {offsets = [0], sizes = [1], strides = [1]} : vector<16xf32> to vector<1xf32>
          %squeeze3A_431 = vector.extract %slice3A_430[0] : f32 from vector<1xf32>
          %get3A_432 = arith.index_cast %squeeze3A_416 : i32 to index
          %get3A_433 = tpu.vector_load %arg11[%get3A_432] {strides = array<i32>} : memref<5136xf32, #tpu.memory_space<vmem>>, vector<16xf32>,
          %get3A_434 = vector.shape_cast %get3A_433 : vector<16xf32> to vector<16xf32>
          %slice3A_435 = vector.extract_strided_slice %get3A_434 {offsets = [0], sizes = [1], strides = [1]} : vector<16xf32> to vector<1xf32>
          %squeeze3A_436 = vector.extract %slice3A_435[0] : f32 from vector<1xf32>
          %get3A_437 = arith.index_cast %squeeze3A_416 : i32 to index
          %get3A_438 = tpu.vector_load %arg12[%get3A_437] {strides = array<i32>} : memref<5136xf32, #tpu.memory_space<vmem>>, vector<16xf32>,
          %get3A_439 = vector.shape_cast %get3A_438 : vector<16xf32> to vector<16xf32>
          %slice3A_440 = vector.extract_strided_slice %get3A_439 {offsets = [0], sizes = [1], strides = [1]} : vector<16xf32> to vector<1xf32>
          %squeeze3A_441 = vector.extract %slice3A_440[0] : f32 from vector<1xf32>
          %add3A_442 = arith.constant 3 : i32
          %add3A_443 = arith.addi %add3A_345, %add3A_442 : i32
          %get3A_444 = arith.index_cast %add3A_443 : i32 to index
          %get3A_445 = tpu.vector_load %arg16[%get3A_444] {strides = array<i32>} : memref<368xi32, #tpu.memory_space<vmem>>, vector<16xi32>,
          %get3A_446 = vector.shape_cast %get3A_445 : vector<16xi32> to vector<16xi32>
          %slice3A_447 = vector.extract_strided_slice %get3A_446 {offsets = [0], sizes = [1], strides = [1]} : vector<16xi32> to vector<1xi32>
          %squeeze3A_448 = vector.extract %slice3A_447[0] : i32 from vector<1xi32>
          %get3A_449 = arith.index_cast %squeeze3A_448 : i32 to index
          %get3A_450 = tpu.vector_load %arg8[%get3A_449] {strides = array<i32>} : memref<5136xf32, #tpu.memory_space<vmem>>, vector<16xf32>,
          %get3A_451 = vector.shape_cast %get3A_450 : vector<16xf32> to vector<16xf32>
          %slice3A_452 = vector.extract_strided_slice %get3A_451 {offsets = [0], sizes = [1], strides = [1]} : vector<16xf32> to vector<1xf32>
          %squeeze3A_453 = vector.extract %slice3A_452[0] : f32 from vector<1xf32>
          %get3A_454 = arith.index_cast %squeeze3A_448 : i32 to index
          %get3A_455 = tpu.vector_load %arg9[%get3A_454] {strides = array<i32>} : memref<5136xf32, #tpu.memory_space<vmem>>, vector<16xf32>,
          %get3A_456 = vector.shape_cast %get3A_455 : vector<16xf32> to vector<16xf32>
          %slice3A_457 = vector.extract_strided_slice %get3A_456 {offsets = [0], sizes = [1], strides = [1]} : vector<16xf32> to vector<1xf32>
          %squeeze3A_458 = vector.extract %slice3A_457[0] : f32 from vector<1xf32>
          %get3A_459 = arith.index_cast %squeeze3A_448 : i32 to index
          %get3A_460 = tpu.vector_load %arg10[%get3A_459] {strides = array<i32>} : memref<5136xf32, #tpu.memory_space<vmem>>, vector<16xf32>,
          %get3A_461 = vector.shape_cast %get3A_460 : vector<16xf32> to vector<16xf32>
          %slice3A_462 = vector.extract_strided_slice %get3A_461 {offsets = [0], sizes = [1], strides = [1]} : vector<16xf32> to vector<1xf32>
          %squeeze3A_463 = vector.extract %slice3A_462[0] : f32 from vector<1xf32>
          %get3A_464 = arith.index_cast %squeeze3A_448 : i32 to index
          %get3A_465 = tpu.vector_load %arg11[%get3A_464] {strides = array<i32>} : memref<5136xf32, #tpu.memory_space<vmem>>, vector<16xf32>,
          %get3A_466 = vector.shape_cast %get3A_465 : vector<16xf32> to vector<16xf32>
          %slice3A_467 = vector.extract_strided_slice %get3A_466 {offsets = [0], sizes = [1], strides = [1]} : vector<16xf32> to vector<1xf32>
          %squeeze3A_468 = vector.extract %slice3A_467[0] : f32 from vector<1xf32>
          %get3A_469 = arith.index_cast %squeeze3A_448 : i32 to index
          %get3A_470 = tpu.vector_load %arg12[%get3A_469] {strides = array<i32>} : memref<5136xf32, #tpu.memory_space<vmem>>, vector<16xf32>,
          %get3A_471 = vector.shape_cast %get3A_470 : vector<16xf32> to vector<16xf32>
          %slice3A_472 = vector.extract_strided_slice %get3A_471 {offsets = [0], sizes = [1], strides = [1]} : vector<16xf32> to vector<1xf32>
          %squeeze3A_473 = vector.extract %slice3A_472[0] : f32 from vector<1xf32>
          %add3A_474 = arith.constant 4 : i32
          %add3A_475 = arith.addi %add3A_345, %add3A_474 : i32
          %get3A_476 = arith.index_cast %add3A_475 : i32 to index
          %get3A_477 = tpu.vector_load %arg16[%get3A_476] {strides = array<i32>} : memref<368xi32, #tpu.memory_space<vmem>>, vector<16xi32>,
          %get3A_478 = vector.shape_cast %get3A_477 : vector<16xi32> to vector<16xi32>
          %slice3A_479 = vector.extract_strided_slice %get3A_478 {offsets = [0], sizes = [1], strides = [1]} : vector<16xi32> to vector<1xi32>
          %squeeze3A_480 = vector.extract %slice3A_479[0] : i32 from vector<1xi32>
          %get3A_481 = arith.index_cast %squeeze3A_480 : i32 to index
          %get3A_482 = tpu.vector_load %arg8[%get3A_481] {strides = array<i32>} : memref<5136xf32, #tpu.memory_space<vmem>>, vector<16xf32>,
          %get3A_483 = vector.shape_cast %get3A_482 : vector<16xf32> to vector<16xf32>
          %slice3A_484 = vector.extract_strided_slice %get3A_483 {offsets = [0], sizes = [1], strides = [1]} : vector<16xf32> to vector<1xf32>
          %squeeze3A_485 = vector.extract %slice3A_484[0] : f32 from vector<1xf32>
          %get3A_486 = arith.index_cast %squeeze3A_480 : i32 to index
          %get3A_487 = tpu.vector_load %arg9[%get3A_486] {strides = array<i32>} : memref<5136xf32, #tpu.memory_space<vmem>>, vector<16xf32>,
          %get3A_488 = vector.shape_cast %get3A_487 : vector<16xf32> to vector<16xf32>
          %slice3A_489 = vector.extract_strided_slice %get3A_488 {offsets = [0], sizes = [1], strides = [1]} : vector<16xf32> to vector<1xf32>
          %squeeze3A_490 = vector.extract %slice3A_489[0] : f32 from vector<1xf32>
          %get3A_491 = arith.index_cast %squeeze3A_480 : i32 to index
          %get3A_492 = tpu.vector_load %arg10[%get3A_491] {strides = array<i32>} : memref<5136xf32, #tpu.memory_space<vmem>>, vector<16xf32>,
          %get3A_493 = vector.shape_cast %get3A_492 : vector<16xf32> to vector<16xf32>
          %slice3A_494 = vector.extract_strided_slice %get3A_493 {offsets = [0], sizes = [1], strides = [1]} : vector<16xf32> to vector<1xf32>
          %squeeze3A_495 = vector.extract %slice3A_494[0] : f32 from vector<1xf32>
          %get3A_496 = arith.index_cast %squeeze3A_480 : i32 to index
          %get3A_497 = tpu.vector_load %arg11[%get3A_496] {strides = array<i32>} : memref<5136xf32, #tpu.memory_space<vmem>>, vector<16xf32>,
          %get3A_498 = vector.shape_cast %get3A_497 : vector<16xf32> to vector<16xf32>
          %slice3A_499 = vector.extract_strided_slice %get3A_498 {offsets = [0], sizes = [1], strides = [1]} : vector<16xf32> to vector<1xf32>
          %squeeze3A_500 = vector.extract %slice3A_499[0] : f32 from vector<1xf32>
          %get3A_501 = arith.index_cast %squeeze3A_480 : i32 to index
          %get3A_502 = tpu.vector_load %arg12[%get3A_501] {strides = array<i32>} : memref<5136xf32, #tpu.memory_space<vmem>>, vector<16xf32>,
          %get3A_503 = vector.shape_cast %get3A_502 : vector<16xf32> to vector<16xf32>
          %slice3A_504 = vector.extract_strided_slice %get3A_503 {offsets = [0], sizes = [1], strides = [1]} : vector<16xf32> to vector<1xf32>
          %squeeze3A_505 = vector.extract %slice3A_504[0] : f32 from vector<1xf32>
          %add3A_506 = arith.constant 5 : i32
          %add3A_507 = arith.addi %add3A_345, %add3A_506 : i32
          %get3A_508 = arith.index_cast %add3A_507 : i32 to index
          %get3A_509 = tpu.vector_load %arg16[%get3A_508] {strides = array<i32>} : memref<368xi32, #tpu.memory_space<vmem>>, vector<16xi32>,
          %get3A_510 = vector.shape_cast %get3A_509 : vector<16xi32> to vector<16xi32>
          %slice3A_511 = vector.extract_strided_slice %get3A_510 {offsets = [0], sizes = [1], strides = [1]} : vector<16xi32> to vector<1xi32>
          %squeeze3A_512 = vector.extract %slice3A_511[0] : i32 from vector<1xi32>
          %get3A_513 = arith.index_cast %squeeze3A_512 : i32 to index
          %get3A_514 = tpu.vector_load %arg8[%get3A_513] {strides = array<i32>} : memref<5136xf32, #tpu.memory_space<vmem>>, vector<16xf32>,
          %get3A_515 = vector.shape_cast %get3A_514 : vector<16xf32> to vector<16xf32>
          %slice3A_516 = vector.extract_strided_slice %get3A_515 {offsets = [0], sizes = [1], strides = [1]} : vector<16xf32> to vector<1xf32>
          %squeeze3A_517 = vector.extract %slice3A_516[0] : f32 from vector<1xf32>
          %get3A_518 = arith.index_cast %squeeze3A_512 : i32 to index
          %get3A_519 = tpu.vector_load %arg9[%get3A_518] {strides = array<i32>} : memref<5136xf32, #tpu.memory_space<vmem>>, vector<16xf32>,
          %get3A_520 = vector.shape_cast %get3A_519 : vector<16xf32> to vector<16xf32>
          %slice3A_521 = vector.extract_strided_slice %get3A_520 {offsets = [0], sizes = [1], strides = [1]} : vector<16xf32> to vector<1xf32>
          %squeeze3A_522 = vector.extract %slice3A_521[0] : f32 from vector<1xf32>
          %get3A_523 = arith.index_cast %squeeze3A_512 : i32 to index
          %get3A_524 = tpu.vector_load %arg10[%get3A_523] {strides = array<i32>} : memref<5136xf32, #tpu.memory_space<vmem>>, vector<16xf32>,
          %get3A_525 = vector.shape_cast %get3A_524 : vector<16xf32> to vector<16xf32>
          %slice3A_526 = vector.extract_strided_slice %get3A_525 {offsets = [0], sizes = [1], strides = [1]} : vector<16xf32> to vector<1xf32>
          %squeeze3A_527 = vector.extract %slice3A_526[0] : f32 from vector<1xf32>
          %get3A_528 = arith.index_cast %squeeze3A_512 : i32 to index
          %get3A_529 = tpu.vector_load %arg11[%get3A_528] {strides = array<i32>} : memref<5136xf32, #tpu.memory_space<vmem>>, vector<16xf32>,
          %get3A_530 = vector.shape_cast %get3A_529 : vector<16xf32> to vector<16xf32>
          %slice3A_531 = vector.extract_strided_slice %get3A_530 {offsets = [0], sizes = [1], strides = [1]} : vector<16xf32> to vector<1xf32>
          %squeeze3A_532 = vector.extract %slice3A_531[0] : f32 from vector<1xf32>
          %get3A_533 = arith.index_cast %squeeze3A_512 : i32 to index
          %get3A_534 = tpu.vector_load %arg12[%get3A_533] {strides = array<i32>} : memref<5136xf32, #tpu.memory_space<vmem>>, vector<16xf32>,
          %get3A_535 = vector.shape_cast %get3A_534 : vector<16xf32> to vector<16xf32>
          %slice3A_536 = vector.extract_strided_slice %get3A_535 {offsets = [0], sizes = [1], strides = [1]} : vector<16xf32> to vector<1xf32>
          %squeeze3A_537 = vector.extract %slice3A_536[0] : f32 from vector<1xf32>
          %add3A_538 = arith.constant 6 : i32
          %add3A_539 = arith.addi %add3A_345, %add3A_538 : i32
          %get3A_540 = arith.index_cast %add3A_539 : i32 to index
          %get3A_541 = tpu.vector_load %arg16[%get3A_540] {strides = array<i32>} : memref<368xi32, #tpu.memory_space<vmem>>, vector<16xi32>,
          %get3A_542 = vector.shape_cast %get3A_541 : vector<16xi32> to vector<16xi32>
          %slice3A_543 = vector.extract_strided_slice %get3A_542 {offsets = [0], sizes = [1], strides = [1]} : vector<16xi32> to vector<1xi32>
          %squeeze3A_544 = vector.extract %slice3A_543[0] : i32 from vector<1xi32>
          %get3A_545 = arith.index_cast %squeeze3A_544 : i32 to index
          %get3A_546 = tpu.vector_load %arg8[%get3A_545] {strides = array<i32>} : memref<5136xf32, #tpu.memory_space<vmem>>, vector<16xf32>,
          %get3A_547 = vector.shape_cast %get3A_546 : vector<16xf32> to vector<16xf32>
          %slice3A_548 = vector.extract_strided_slice %get3A_547 {offsets = [0], sizes = [1], strides = [1]} : vector<16xf32> to vector<1xf32>
          %squeeze3A_549 = vector.extract %slice3A_548[0] : f32 from vector<1xf32>
          %get3A_550 = arith.index_cast %squeeze3A_544 : i32 to index
          %get3A_551 = tpu.vector_load %arg9[%get3A_550] {strides = array<i32>} : memref<5136xf32, #tpu.memory_space<vmem>>, vector<16xf32>,
          %get3A_552 = vector.shape_cast %get3A_551 : vector<16xf32> to vector<16xf32>
          %slice3A_553 = vector.extract_strided_slice %get3A_552 {offsets = [0], sizes = [1], strides = [1]} : vector<16xf32> to vector<1xf32>
          %squeeze3A_554 = vector.extract %slice3A_553[0] : f32 from vector<1xf32>
          %get3A_555 = arith.index_cast %squeeze3A_544 : i32 to index
          %get3A_556 = tpu.vector_load %arg10[%get3A_555] {strides = array<i32>} : memref<5136xf32, #tpu.memory_space<vmem>>, vector<16xf32>,
          %get3A_557 = vector.shape_cast %get3A_556 : vector<16xf32> to vector<16xf32>
          %slice3A_558 = vector.extract_strided_slice %get3A_557 {offsets = [0], sizes = [1], strides = [1]} : vector<16xf32> to vector<1xf32>
          %squeeze3A_559 = vector.extract %slice3A_558[0] : f32 from vector<1xf32>
          %get3A_560 = arith.index_cast %squeeze3A_544 : i32 to index
          %get3A_561 = tpu.vector_load %arg11[%get3A_560] {strides = array<i32>} : memref<5136xf32, #tpu.memory_space<vmem>>, vector<16xf32>,
          %get3A_562 = vector.shape_cast %get3A_561 : vector<16xf32> to vector<16xf32>
          %slice3A_563 = vector.extract_strided_slice %get3A_562 {offsets = [0], sizes = [1], strides = [1]} : vector<16xf32> to vector<1xf32>
          %squeeze3A_564 = vector.extract %slice3A_563[0] : f32 from vector<1xf32>
          %get3A_565 = arith.index_cast %squeeze3A_544 : i32 to index
          %get3A_566 = tpu.vector_load %arg12[%get3A_565] {strides = array<i32>} : memref<5136xf32, #tpu.memory_space<vmem>>, vector<16xf32>,
          %get3A_567 = vector.shape_cast %get3A_566 : vector<16xf32> to vector<16xf32>
          %slice3A_568 = vector.extract_strided_slice %get3A_567 {offsets = [0], sizes = [1], strides = [1]} : vector<16xf32> to vector<1xf32>
          %squeeze3A_569 = vector.extract %slice3A_568[0] : f32 from vector<1xf32>
          %add3A_570 = arith.constant 7 : i32
          %add3A_571 = arith.addi %add3A_345, %add3A_570 : i32
          %get3A_572 = arith.index_cast %add3A_571 : i32 to index
          %get3A_573 = tpu.vector_load %arg16[%get3A_572] {strides = array<i32>} : memref<368xi32, #tpu.memory_space<vmem>>, vector<16xi32>,
          %get3A_574 = vector.shape_cast %get3A_573 : vector<16xi32> to vector<16xi32>
          %slice3A_575 = vector.extract_strided_slice %get3A_574 {offsets = [0], sizes = [1], strides = [1]} : vector<16xi32> to vector<1xi32>
          %squeeze3A_576 = vector.extract %slice3A_575[0] : i32 from vector<1xi32>
          %get3A_577 = arith.index_cast %squeeze3A_576 : i32 to index
          %get3A_578 = tpu.vector_load %arg8[%get3A_577] {strides = array<i32>} : memref<5136xf32, #tpu.memory_space<vmem>>, vector<16xf32>,
          %get3A_579 = vector.shape_cast %get3A_578 : vector<16xf32> to vector<16xf32>
          %slice3A_580 = vector.extract_strided_slice %get3A_579 {offsets = [0], sizes = [1], strides = [1]} : vector<16xf32> to vector<1xf32>
          %squeeze3A_581 = vector.extract %slice3A_580[0] : f32 from vector<1xf32>
          %get3A_582 = arith.index_cast %squeeze3A_576 : i32 to index
          %get3A_583 = tpu.vector_load %arg9[%get3A_582] {strides = array<i32>} : memref<5136xf32, #tpu.memory_space<vmem>>, vector<16xf32>,
          %get3A_584 = vector.shape_cast %get3A_583 : vector<16xf32> to vector<16xf32>
          %slice3A_585 = vector.extract_strided_slice %get3A_584 {offsets = [0], sizes = [1], strides = [1]} : vector<16xf32> to vector<1xf32>
          %squeeze3A_586 = vector.extract %slice3A_585[0] : f32 from vector<1xf32>
          %get3A_587 = arith.index_cast %squeeze3A_576 : i32 to index
          %get3A_588 = tpu.vector_load %arg10[%get3A_587] {strides = array<i32>} : memref<5136xf32, #tpu.memory_space<vmem>>, vector<16xf32>,
          %get3A_589 = vector.shape_cast %get3A_588 : vector<16xf32> to vector<16xf32>
          %slice3A_590 = vector.extract_strided_slice %get3A_589 {offsets = [0], sizes = [1], strides = [1]} : vector<16xf32> to vector<1xf32>
          %squeeze3A_591 = vector.extract %slice3A_590[0] : f32 from vector<1xf32>
          %get3A_592 = arith.index_cast %squeeze3A_576 : i32 to index
          %get3A_593 = tpu.vector_load %arg11[%get3A_592] {strides = array<i32>} : memref<5136xf32, #tpu.memory_space<vmem>>, vector<16xf32>,
          %get3A_594 = vector.shape_cast %get3A_593 : vector<16xf32> to vector<16xf32>
          %slice3A_595 = vector.extract_strided_slice %get3A_594 {offsets = [0], sizes = [1], strides = [1]} : vector<16xf32> to vector<1xf32>
          %squeeze3A_596 = vector.extract %slice3A_595[0] : f32 from vector<1xf32>
          %get3A_597 = arith.index_cast %squeeze3A_576 : i32 to index
          %get3A_598 = tpu.vector_load %arg12[%get3A_597] {strides = array<i32>} : memref<5136xf32, #tpu.memory_space<vmem>>, vector<16xf32>,
          %get3A_599 = vector.shape_cast %get3A_598 : vector<16xf32> to vector<16xf32>
          %slice3A_600 = vector.extract_strided_slice %get3A_599 {offsets = [0], sizes = [1], strides = [1]} : vector<16xf32> to vector<1xf32>
          %squeeze3A_601 = vector.extract %slice3A_600[0] : f32 from vector<1xf32>
          %scan3A_602 = arith.constant 0 : i32
          %scan3A_603 = arith.constant 0 : i32
          %scan3A_604 = arith.constant 20 : i32
          %scan3A_605 = arith.addi %scan3A_603, %scan3A_604 : i32
          %scan3A_606 = arith.constant 1 : i32
          %scan3A_607 = scf.for %scan3A_610 = %scan3A_603 to %scan3A_605 step %scan3A_606 iter_args(%scan3A_611 = %scan3A_602) -> (i32)  : i32 {
            %mul3A_612 = arith.constant 16 : i32
            %mul3A_613 = arith.muli %scan3A_610, %mul3A_612 : i32
            %add3A_614 = arith.addi %mul3A_0, %mul3A_613 : i32
            %get3A_615 = arith.index_cast %add3A_614 : i32 to index
            %get3A_616 = tpu.vector_load %arg8[%get3A_615] {strides = array<i32>} : memref<5136xf32, #tpu.memory_space<vmem>>, vector<16xf32>,
            %get3A_617 = vector.shape_cast %get3A_616 : vector<16xf32> to vector<16xf32>
            %add3A_618 = arith.addi %mul3A_0, %mul3A_613 : i32
            %get3A_619 = arith.index_cast %add3A_618 : i32 to index
            %get3A_620 = tpu.vector_load %arg9[%get3A_619] {strides = array<i32>} : memref<5136xf32, #tpu.memory_space<vmem>>, vector<16xf32>,
            %get3A_621 = vector.shape_cast %get3A_620 : vector<16xf32> to vector<16xf32>
            %add3A_622 = arith.addi %mul3A_0, %mul3A_613 : i32
            %get3A_623 = arith.index_cast %add3A_622 : i32 to index
            %get3A_624 = tpu.vector_load %arg10[%get3A_623] {strides = array<i32>} : memref<5136xf32, #tpu.memory_space<vmem>>, vector<16xf32>,
            %get3A_625 = vector.shape_cast %get3A_624 : vector<16xf32> to vector<16xf32>
            %add3A_626 = arith.addi %mul3A_0, %mul3A_613 : i32
            %get3A_627 = arith.index_cast %add3A_626 : i32 to index
            %get3A_628 = tpu.vector_load %arg11[%get3A_627] {strides = array<i32>} : memref<5136xf32, #tpu.memory_space<vmem>>, vector<16xf32>,
            %get3A_629 = vector.shape_cast %get3A_628 : vector<16xf32> to vector<16xf32>
            %add3A_630 = arith.addi %mul3A_0, %mul3A_613 : i32
            %get3A_631 = arith.index_cast %add3A_630 : i32 to index
            %get3A_632 = tpu.vector_load %arg12[%get3A_631] {strides = array<i32>} : memref<5136xf32, #tpu.memory_space<vmem>>, vector<16xf32>,
            %get3A_633 = vector.shape_cast %get3A_632 : vector<16xf32> to vector<16xf32>
            %get3A_634 = arith.index_cast %mul3A_613 : i32 to index
            %get3A_635 = tpu.vector_load %arg13[%get3A_634] {strides = array<i32>} : memref<336xf32, #tpu.memory_space<vmem>>, vector<16xf32>,
            %get3A_636 = vector.shape_cast %get3A_635 : vector<16xf32> to vector<16xf32>
            %min3A = vector.broadcast %squeeze3A_367 : f32 to vector<16xf32>
            %min3A_637 = arith.minimumf %min3A, %get3A_625 : vector<16xf32>
            %max3A = vector.broadcast %squeeze3A_357 : f32 to vector<16xf32>
            %max3A_638 = arith.maximumf %max3A, %get3A_617 : vector<16xf32>
            %sub3A_639 = arith.subf %min3A_637, %max3A_638 : vector<16xf32>
            %jit3A_640 = arith.constant 0.000000e+00 : f32
            %max3A_641 = vector.broadcast %jit3A_640 : f32 to vector<16xf32>
            %max3A_642 = arith.maximumf %max3A_641, %sub3A_639 : vector<16xf32>
            %min3A_643 = vector.broadcast %squeeze3A_372 : f32 to vector<16xf32>
            %min3A_644 = arith.minimumf %min3A_643, %get3A_629 : vector<16xf32>
            %max3A_645 = vector.broadcast %squeeze3A_362 : f32 to vector<16xf32>
            %max3A_646 = arith.maximumf %max3A_645, %get3A_621 : vector<16xf32>
            %sub3A_647 = arith.subf %min3A_644, %max3A_646 : vector<16xf32>
            %jit3A_648 = arith.constant 0.000000e+00 : f32
            %max3A_649 = vector.broadcast %jit3A_648 : f32 to vector<16xf32>
            %max3A_650 = arith.maximumf %max3A_649, %sub3A_647 : vector<16xf32>
            %mul3A_651 = arith.mulf %max3A_642, %max3A_650 : vector<16xf32>
            %add3A_652 = vector.broadcast %squeeze3A_377 : f32 to vector<16xf32>
            %add3A_653 = arith.addf %add3A_652, %get3A_633 : vector<16xf32>
            %sub3A_654 = arith.subf %add3A_653, %mul3A_651 : vector<16xf32>
            %add3A_655 = arith.constant 9.99999971E-10 : f32
            %add3A_656 = vector.broadcast %add3A_655 : f32 to vector<16xf32>
            %add3A_657 = arith.addf %sub3A_654, %add3A_656 : vector<16xf32>
            %div3A_658 = arith.divf %mul3A_651, %add3A_657 : vector<16xf32>
            %gt3A_659 = arith.constant 3.000000e-01 : f32
            %gt3A_660 = vector.broadcast %gt3A_659 : f32 to vector<16xf32>
            %gt3A_661 = arith.cmpf ogt, %div3A_658, %gt3A_660 : vector<16xf32>
            %jit3A_662 = arith.constant 1.000000e+00 : f32
            %broadcast_in_dim3A_663 = vector.broadcast %jit3A_662 : f32 to vector<16xf32>
            %select_n3A_664 = arith.select %gt3A_661, %broadcast_in_dim3A_663, %get3A_636 : vector<16xi1>, vector<16xf32>
            %min3A_665 = vector.broadcast %squeeze3A_399 : f32 to vector<16xf32>
            %min3A_666 = arith.minimumf %min3A_665, %get3A_625 : vector<16xf32>
            %max3A_667 = vector.broadcast %squeeze3A_389 : f32 to vector<16xf32>
            %max3A_668 = arith.maximumf %max3A_667, %get3A_617 : vector<16xf32>
            %sub3A_669 = arith.subf %min3A_666, %max3A_668 : vector<16xf32>
            %jit3A_670 = arith.constant 0.000000e+00 : f32
            %max3A_671 = vector.broadcast %jit3A_670 : f32 to vector<16xf32>
            %max3A_672 = arith.maximumf %max3A_671, %sub3A_669 : vector<16xf32>
            %min3A_673 = vector.broadcast %squeeze3A_404 : f32 to vector<16xf32>
            %min3A_674 = arith.minimumf %min3A_673, %get3A_629 : vector<16xf32>
            %max3A_675 = vector.broadcast %squeeze3A_394 : f32 to vector<16xf32>
            %max3A_676 = arith.maximumf %max3A_675, %get3A_621 : vector<16xf32>
            %sub3A_677 = arith.subf %min3A_674, %max3A_676 : vector<16xf32>
            %jit3A_678 = arith.constant 0.000000e+00 : f32
            %max3A_679 = vector.broadcast %jit3A_678 : f32 to vector<16xf32>
            %max3A_680 = arith.maximumf %max3A_679, %sub3A_677 : vector<16xf32>
            %mul3A_681 = arith.mulf %max3A_672, %max3A_680 : vector<16xf32>
            %add3A_682 = vector.broadcast %squeeze3A_409 : f32 to vector<16xf32>
            %add3A_683 = arith.addf %add3A_682, %get3A_633 : vector<16xf32>
            %sub3A_684 = arith.subf %add3A_683, %mul3A_681 : vector<16xf32>
            %add3A_685 = arith.constant 9.99999971E-10 : f32
            %add3A_686 = vector.broadcast %add3A_685 : f32 to vector<16xf32>
            %add3A_687 = arith.addf %sub3A_684, %add3A_686 : vector<16xf32>
            %div3A_688 = arith.divf %mul3A_681, %add3A_687 : vector<16xf32>
            %gt3A_689 = arith.constant 3.000000e-01 : f32
            %gt3A_690 = vector.broadcast %gt3A_689 : f32 to vector<16xf32>
            %gt3A_691 = arith.cmpf ogt, %div3A_688, %gt3A_690 : vector<16xf32>
            %jit3A_692 = arith.constant 1.000000e+00 : f32
            %broadcast_in_dim3A_693 = vector.broadcast %jit3A_692 : f32 to vector<16xf32>
            %select_n3A_694 = arith.select %gt3A_691, %broadcast_in_dim3A_693, %select_n3A_664 : vector<16xi1>, vector<16xf32>
            %min3A_695 = vector.broadcast %squeeze3A_431 : f32 to vector<16xf32>
            %min3A_696 = arith.minimumf %min3A_695, %get3A_625 : vector<16xf32>
            %max3A_697 = vector.broadcast %squeeze3A_421 : f32 to vector<16xf32>
            %max3A_698 = arith.maximumf %max3A_697, %get3A_617 : vector<16xf32>
            %sub3A_699 = arith.subf %min3A_696, %max3A_698 : vector<16xf32>
            %jit3A_700 = arith.constant 0.000000e+00 : f32
            %max3A_701 = vector.broadcast %jit3A_700 : f32 to vector<16xf32>
            %max3A_702 = arith.maximumf %max3A_701, %sub3A_699 : vector<16xf32>
            %min3A_703 = vector.broadcast %squeeze3A_436 : f32 to vector<16xf32>
            %min3A_704 = arith.minimumf %min3A_703, %get3A_629 : vector<16xf32>
            %max3A_705 = vector.broadcast %squeeze3A_426 : f32 to vector<16xf32>
            %max3A_706 = arith.maximumf %max3A_705, %get3A_621 : vector<16xf32>
            %sub3A_707 = arith.subf %min3A_704, %max3A_706 : vector<16xf32>
            %jit3A_708 = arith.constant 0.000000e+00 : f32
            %max3A_709 = vector.broadcast %jit3A_708 : f32 to vector<16xf32>
            %max3A_710 = arith.maximumf %max3A_709, %sub3A_707 : vector<16xf32>
            %mul3A_711 = arith.mulf %max3A_702, %max3A_710 : vector<16xf32>
            %add3A_712 = vector.broadcast %squeeze3A_441 : f32 to vector<16xf32>
            %add3A_713 = arith.addf %add3A_712, %get3A_633 : vector<16xf32>
            %sub3A_714 = arith.subf %add3A_713, %mul3A_711 : vector<16xf32>
            %add3A_715 = arith.constant 9.99999971E-10 : f32
            %add3A_716 = vector.broadcast %add3A_715 : f32 to vector<16xf32>
            %add3A_717 = arith.addf %sub3A_714, %add3A_716 : vector<16xf32>
            %div3A_718 = arith.divf %mul3A_711, %add3A_717 : vector<16xf32>
            %gt3A_719 = arith.constant 3.000000e-01 : f32
            %gt3A_720 = vector.broadcast %gt3A_719 : f32 to vector<16xf32>
            %gt3A_721 = arith.cmpf ogt, %div3A_718, %gt3A_720 : vector<16xf32>
            %jit3A_722 = arith.constant 1.000000e+00 : f32
            %broadcast_in_dim3A_723 = vector.broadcast %jit3A_722 : f32 to vector<16xf32>
            %select_n3A_724 = arith.select %gt3A_721, %broadcast_in_dim3A_723, %select_n3A_694 : vector<16xi1>, vector<16xf32>
            %min3A_725 = vector.broadcast %squeeze3A_463 : f32 to vector<16xf32>
            %min3A_726 = arith.minimumf %min3A_725, %get3A_625 : vector<16xf32>
            %max3A_727 = vector.broadcast %squeeze3A_453 : f32 to vector<16xf32>
            %max3A_728 = arith.maximumf %max3A_727, %get3A_617 : vector<16xf32>
            %sub3A_729 = arith.subf %min3A_726, %max3A_728 : vector<16xf32>
            %jit3A_730 = arith.constant 0.000000e+00 : f32
            %max3A_731 = vector.broadcast %jit3A_730 : f32 to vector<16xf32>
            %max3A_732 = arith.maximumf %max3A_731, %sub3A_729 : vector<16xf32>
            %min3A_733 = vector.broadcast %squeeze3A_468 : f32 to vector<16xf32>
            %min3A_734 = arith.minimumf %min3A_733, %get3A_629 : vector<16xf32>
            %max3A_735 = vector.broadcast %squeeze3A_458 : f32 to vector<16xf32>
            %max3A_736 = arith.maximumf %max3A_735, %get3A_621 : vector<16xf32>
            %sub3A_737 = arith.subf %min3A_734, %max3A_736 : vector<16xf32>
            %jit3A_738 = arith.constant 0.000000e+00 : f32
            %max3A_739 = vector.broadcast %jit3A_738 : f32 to vector<16xf32>
            %max3A_740 = arith.maximumf %max3A_739, %sub3A_737 : vector<16xf32>
            %mul3A_741 = arith.mulf %max3A_732, %max3A_740 : vector<16xf32>
            %add3A_742 = vector.broadcast %squeeze3A_473 : f32 to vector<16xf32>
            %add3A_743 = arith.addf %add3A_742, %get3A_633 : vector<16xf32>
            %sub3A_744 = arith.subf %add3A_743, %mul3A_741 : vector<16xf32>
            %add3A_745 = arith.constant 9.99999971E-10 : f32
            %add3A_746 = vector.broadcast %add3A_745 : f32 to vector<16xf32>
            %add3A_747 = arith.addf %sub3A_744, %add3A_746 : vector<16xf32>
            %div3A_748 = arith.divf %mul3A_741, %add3A_747 : vector<16xf32>
            %gt3A_749 = arith.constant 3.000000e-01 : f32
            %gt3A_750 = vector.broadcast %gt3A_749 : f32 to vector<16xf32>
            %gt3A_751 = arith.cmpf ogt, %div3A_748, %gt3A_750 : vector<16xf32>
            %jit3A_752 = arith.constant 1.000000e+00 : f32
            %broadcast_in_dim3A_753 = vector.broadcast %jit3A_752 : f32 to vector<16xf32>
            %select_n3A_754 = arith.select %gt3A_751, %broadcast_in_dim3A_753, %select_n3A_724 : vector<16xi1>, vector<16xf32>
            %min3A_755 = vector.broadcast %squeeze3A_495 : f32 to vector<16xf32>
            %min3A_756 = arith.minimumf %min3A_755, %get3A_625 : vector<16xf32>
            %max3A_757 = vector.broadcast %squeeze3A_485 : f32 to vector<16xf32>
            %max3A_758 = arith.maximumf %max3A_757, %get3A_617 : vector<16xf32>
            %sub3A_759 = arith.subf %min3A_756, %max3A_758 : vector<16xf32>
            %jit3A_760 = arith.constant 0.000000e+00 : f32
            %max3A_761 = vector.broadcast %jit3A_760 : f32 to vector<16xf32>
            %max3A_762 = arith.maximumf %max3A_761, %sub3A_759 : vector<16xf32>
            %min3A_763 = vector.broadcast %squeeze3A_500 : f32 to vector<16xf32>
            %min3A_764 = arith.minimumf %min3A_763, %get3A_629 : vector<16xf32>
            %max3A_765 = vector.broadcast %squeeze3A_490 : f32 to vector<16xf32>
            %max3A_766 = arith.maximumf %max3A_765, %get3A_621 : vector<16xf32>
            %sub3A_767 = arith.subf %min3A_764, %max3A_766 : vector<16xf32>
            %jit3A_768 = arith.constant 0.000000e+00 : f32
            %max3A_769 = vector.broadcast %jit3A_768 : f32 to vector<16xf32>
            %max3A_770 = arith.maximumf %max3A_769, %sub3A_767 : vector<16xf32>
            %mul3A_771 = arith.mulf %max3A_762, %max3A_770 : vector<16xf32>
            %add3A_772 = vector.broadcast %squeeze3A_505 : f32 to vector<16xf32>
            %add3A_773 = arith.addf %add3A_772, %get3A_633 : vector<16xf32>
            %sub3A_774 = arith.subf %add3A_773, %mul3A_771 : vector<16xf32>
            %add3A_775 = arith.constant 9.99999971E-10 : f32
            %add3A_776 = vector.broadcast %add3A_775 : f32 to vector<16xf32>
            %add3A_777 = arith.addf %sub3A_774, %add3A_776 : vector<16xf32>
            %div3A_778 = arith.divf %mul3A_771, %add3A_777 : vector<16xf32>
            %gt3A_779 = arith.constant 3.000000e-01 : f32
            %gt3A_780 = vector.broadcast %gt3A_779 : f32 to vector<16xf32>
            %gt3A_781 = arith.cmpf ogt, %div3A_778, %gt3A_780 : vector<16xf32>
            %jit3A_782 = arith.constant 1.000000e+00 : f32
            %broadcast_in_dim3A_783 = vector.broadcast %jit3A_782 : f32 to vector<16xf32>
            %select_n3A_784 = arith.select %gt3A_781, %broadcast_in_dim3A_783, %select_n3A_754 : vector<16xi1>, vector<16xf32>
            %min3A_785 = vector.broadcast %squeeze3A_527 : f32 to vector<16xf32>
            %min3A_786 = arith.minimumf %min3A_785, %get3A_625 : vector<16xf32>
            %max3A_787 = vector.broadcast %squeeze3A_517 : f32 to vector<16xf32>
            %max3A_788 = arith.maximumf %max3A_787, %get3A_617 : vector<16xf32>
            %sub3A_789 = arith.subf %min3A_786, %max3A_788 : vector<16xf32>
            %jit3A_790 = arith.constant 0.000000e+00 : f32
            %max3A_791 = vector.broadcast %jit3A_790 : f32 to vector<16xf32>
            %max3A_792 = arith.maximumf %max3A_791, %sub3A_789 : vector<16xf32>
            %min3A_793 = vector.broadcast %squeeze3A_532 : f32 to vector<16xf32>
            %min3A_794 = arith.minimumf %min3A_793, %get3A_629 : vector<16xf32>
            %max3A_795 = vector.broadcast %squeeze3A_522 : f32 to vector<16xf32>
            %max3A_796 = arith.maximumf %max3A_795, %get3A_621 : vector<16xf32>
            %sub3A_797 = arith.subf %min3A_794, %max3A_796 : vector<16xf32>
            %jit3A_798 = arith.constant 0.000000e+00 : f32
            %max3A_799 = vector.broadcast %jit3A_798 : f32 to vector<16xf32>
            %max3A_800 = arith.maximumf %max3A_799, %sub3A_797 : vector<16xf32>
            %mul3A_801 = arith.mulf %max3A_792, %max3A_800 : vector<16xf32>
            %add3A_802 = vector.broadcast %squeeze3A_537 : f32 to vector<16xf32>
            %add3A_803 = arith.addf %add3A_802, %get3A_633 : vector<16xf32>
            %sub3A_804 = arith.subf %add3A_803, %mul3A_801 : vector<16xf32>
            %add3A_805 = arith.constant 9.99999971E-10 : f32
            %add3A_806 = vector.broadcast %add3A_805 : f32 to vector<16xf32>
            %add3A_807 = arith.addf %sub3A_804, %add3A_806 : vector<16xf32>
            %div3A_808 = arith.divf %mul3A_801, %add3A_807 : vector<16xf32>
            %gt3A_809 = arith.constant 3.000000e-01 : f32
            %gt3A_810 = vector.broadcast %gt3A_809 : f32 to vector<16xf32>
            %gt3A_811 = arith.cmpf ogt, %div3A_808, %gt3A_810 : vector<16xf32>
            %jit3A_812 = arith.constant 1.000000e+00 : f32
            %broadcast_in_dim3A_813 = vector.broadcast %jit3A_812 : f32 to vector<16xf32>
            %select_n3A_814 = arith.select %gt3A_811, %broadcast_in_dim3A_813, %select_n3A_784 : vector<16xi1>, vector<16xf32>
            %min3A_815 = vector.broadcast %squeeze3A_559 : f32 to vector<16xf32>
            %min3A_816 = arith.minimumf %min3A_815, %get3A_625 : vector<16xf32>
            %max3A_817 = vector.broadcast %squeeze3A_549 : f32 to vector<16xf32>
            %max3A_818 = arith.maximumf %max3A_817, %get3A_617 : vector<16xf32>
            %sub3A_819 = arith.subf %min3A_816, %max3A_818 : vector<16xf32>
            %jit3A_820 = arith.constant 0.000000e+00 : f32
            %max3A_821 = vector.broadcast %jit3A_820 : f32 to vector<16xf32>
            %max3A_822 = arith.maximumf %max3A_821, %sub3A_819 : vector<16xf32>
            %min3A_823 = vector.broadcast %squeeze3A_564 : f32 to vector<16xf32>
            %min3A_824 = arith.minimumf %min3A_823, %get3A_629 : vector<16xf32>
            %max3A_825 = vector.broadcast %squeeze3A_554 : f32 to vector<16xf32>
            %max3A_826 = arith.maximumf %max3A_825, %get3A_621 : vector<16xf32>
            %sub3A_827 = arith.subf %min3A_824, %max3A_826 : vector<16xf32>
            %jit3A_828 = arith.constant 0.000000e+00 : f32
            %max3A_829 = vector.broadcast %jit3A_828 : f32 to vector<16xf32>
            %max3A_830 = arith.maximumf %max3A_829, %sub3A_827 : vector<16xf32>
            %mul3A_831 = arith.mulf %max3A_822, %max3A_830 : vector<16xf32>
            %add3A_832 = vector.broadcast %squeeze3A_569 : f32 to vector<16xf32>
            %add3A_833 = arith.addf %add3A_832, %get3A_633 : vector<16xf32>
            %sub3A_834 = arith.subf %add3A_833, %mul3A_831 : vector<16xf32>
            %add3A_835 = arith.constant 9.99999971E-10 : f32
            %add3A_836 = vector.broadcast %add3A_835 : f32 to vector<16xf32>
            %add3A_837 = arith.addf %sub3A_834, %add3A_836 : vector<16xf32>
            %div3A_838 = arith.divf %mul3A_831, %add3A_837 : vector<16xf32>
            %gt3A_839 = arith.constant 3.000000e-01 : f32
            %gt3A_840 = vector.broadcast %gt3A_839 : f32 to vector<16xf32>
            %gt3A_841 = arith.cmpf ogt, %div3A_838, %gt3A_840 : vector<16xf32>
            %jit3A_842 = arith.constant 1.000000e+00 : f32
            %broadcast_in_dim3A_843 = vector.broadcast %jit3A_842 : f32 to vector<16xf32>
            %select_n3A_844 = arith.select %gt3A_841, %broadcast_in_dim3A_843, %select_n3A_814 : vector<16xi1>, vector<16xf32>
            %min3A_845 = vector.broadcast %squeeze3A_591 : f32 to vector<16xf32>
            %min3A_846 = arith.minimumf %min3A_845, %get3A_625 : vector<16xf32>
            %max3A_847 = vector.broadcast %squeeze3A_581 : f32 to vector<16xf32>
            %max3A_848 = arith.maximumf %max3A_847, %get3A_617 : vector<16xf32>
            %sub3A_849 = arith.subf %min3A_846, %max3A_848 : vector<16xf32>
            %jit3A_850 = arith.constant 0.000000e+00 : f32
            %max3A_851 = vector.broadcast %jit3A_850 : f32 to vector<16xf32>
            %max3A_852 = arith.maximumf %max3A_851, %sub3A_849 : vector<16xf32>
            %min3A_853 = vector.broadcast %squeeze3A_596 : f32 to vector<16xf32>
            %min3A_854 = arith.minimumf %min3A_853, %get3A_629 : vector<16xf32>
            %max3A_855 = vector.broadcast %squeeze3A_586 : f32 to vector<16xf32>
            %max3A_856 = arith.maximumf %max3A_855, %get3A_621 : vector<16xf32>
            %sub3A_857 = arith.subf %min3A_854, %max3A_856 : vector<16xf32>
            %jit3A_858 = arith.constant 0.000000e+00 : f32
            %max3A_859 = vector.broadcast %jit3A_858 : f32 to vector<16xf32>
            %max3A_860 = arith.maximumf %max3A_859, %sub3A_857 : vector<16xf32>
            %mul3A_861 = arith.mulf %max3A_852, %max3A_860 : vector<16xf32>
            %add3A_862 = vector.broadcast %squeeze3A_601 : f32 to vector<16xf32>
            %add3A_863 = arith.addf %add3A_862, %get3A_633 : vector<16xf32>
            %sub3A_864 = arith.subf %add3A_863, %mul3A_861 : vector<16xf32>
            %add3A_865 = arith.constant 9.99999971E-10 : f32
            %add3A_866 = vector.broadcast %add3A_865 : f32 to vector<16xf32>
            %add3A_867 = arith.addf %sub3A_864, %add3A_866 : vector<16xf32>
            %div3A_868 = arith.divf %mul3A_861, %add3A_867 : vector<16xf32>
            %gt3A_869 = arith.constant 3.000000e-01 : f32
            %gt3A_870 = vector.broadcast %gt3A_869 : f32 to vector<16xf32>
            %gt3A_871 = arith.cmpf ogt, %div3A_868, %gt3A_870 : vector<16xf32>
            %jit3A_872 = arith.constant 1.000000e+00 : f32
            %broadcast_in_dim3A_873 = vector.broadcast %jit3A_872 : f32 to vector<16xf32>
            %select_n3A_874 = arith.select %gt3A_871, %broadcast_in_dim3A_873, %select_n3A_844 : vector<16xi1>, vector<16xf32>
            %swap3A_875 = arith.index_cast %mul3A_613 : i32 to index
            %swap3A_876 = tpu.vector_load %arg13[%swap3A_875] {strides = array<i32>} : memref<336xf32, #tpu.memory_space<vmem>>, vector<16xf32>,
            %swap3A_877 = vector.shape_cast %swap3A_876 : vector<16xf32> to vector<16xf32>
            %swap3A_878 = vector.shape_cast %select_n3A_874 : vector<16xf32> to vector<16xf32>
            tpu.vector_store %arg13[%swap3A_875], %swap3A_878 {strides = array<i32>} : memref<336xf32, #tpu.memory_space<vmem>>, vector<16xf32>,
            %scan3A_879 = arith.constant 0 : i32
            scf.yield %scan3A_879 : i32
          }
          %scan3A_608 = arith.constant 20 : i32
          %while3A_609 = arith.constant 0 : i32
          scf.yield %while3A_609 : i32
        }
        %while3A_339 = arith.constant 1 : i32
        %while3A_340 = scf.for %while3A_341 = %while3A_336 to %while3A_332 step %while3A_339 iter_args(%while3A_342 = %while3A_338) -> (i32)  : i32 {
          %mul3A_343 = arith.constant 8 : i32
          %mul3A_344 = arith.muli %while3A_341, %mul3A_343 : i32
          %add3A_345 = arith.addi %while3A, %mul3A_344 : i32
          %add3A_346 = arith.constant 0 : i32
          %add3A_347 = arith.addi %add3A_345, %add3A_346 : i32
          %get3A_348 = arith.index_cast %add3A_347 : i32 to index
          %get3A_349 = tpu.vector_load %arg16[%get3A_348] {strides = array<i32>} : memref<368xi32, #tpu.memory_space<vmem>>, vector<16xi32>,
          %get3A_350 = vector.shape_cast %get3A_349 : vector<16xi32> to vector<16xi32>
          %slice3A_351 = vector.extract_strided_slice %get3A_350 {offsets = [0], sizes = [1], strides = [1]} : vector<16xi32> to vector<1xi32>
          %squeeze3A_352 = vector.extract %slice3A_351[0] : i32 from vector<1xi32>
          %get3A_353 = arith.index_cast %squeeze3A_352 : i32 to index
          %get3A_354 = tpu.vector_load %arg8[%get3A_353] {strides = array<i32>} : memref<5136xf32, #tpu.memory_space<vmem>>, vector<16xf32>,
          %get3A_355 = vector.shape_cast %get3A_354 : vector<16xf32> to vector<16xf32>
          %slice3A_356 = vector.extract_strided_slice %get3A_355 {offsets = [0], sizes = [1], strides = [1]} : vector<16xf32> to vector<1xf32>
          %squeeze3A_357 = vector.extract %slice3A_356[0] : f32 from vector<1xf32>
          %get3A_358 = arith.index_cast %squeeze3A_352 : i32 to index
          %get3A_359 = tpu.vector_load %arg9[%get3A_358] {strides = array<i32>} : memref<5136xf32, #tpu.memory_space<vmem>>, vector<16xf32>,
          %get3A_360 = vector.shape_cast %get3A_359 : vector<16xf32> to vector<16xf32>
          %slice3A_361 = vector.extract_strided_slice %get3A_360 {offsets = [0], sizes = [1], strides = [1]} : vector<16xf32> to vector<1xf32>
          %squeeze3A_362 = vector.extract %slice3A_361[0] : f32 from vector<1xf32>
          %get3A_363 = arith.index_cast %squeeze3A_352 : i32 to index
          %get3A_364 = tpu.vector_load %arg10[%get3A_363] {strides = array<i32>} : memref<5136xf32, #tpu.memory_space<vmem>>, vector<16xf32>,
          %get3A_365 = vector.shape_cast %get3A_364 : vector<16xf32> to vector<16xf32>
          %slice3A_366 = vector.extract_strided_slice %get3A_365 {offsets = [0], sizes = [1], strides = [1]} : vector<16xf32> to vector<1xf32>
          %squeeze3A_367 = vector.extract %slice3A_366[0] : f32 from vector<1xf32>
          %get3A_368 = arith.index_cast %squeeze3A_352 : i32 to index
          %get3A_369 = tpu.vector_load %arg11[%get3A_368] {strides = array<i32>} : memref<5136xf32, #tpu.memory_space<vmem>>, vector<16xf32>,
          %get3A_370 = vector.shape_cast %get3A_369 : vector<16xf32> to vector<16xf32>
          %slice3A_371 = vector.extract_strided_slice %get3A_370 {offsets = [0], sizes = [1], strides = [1]} : vector<16xf32> to vector<1xf32>
          %squeeze3A_372 = vector.extract %slice3A_371[0] : f32 from vector<1xf32>
          %get3A_373 = arith.index_cast %squeeze3A_352 : i32 to index
          %get3A_374 = tpu.vector_load %arg12[%get3A_373] {strides = array<i32>} : memref<5136xf32, #tpu.memory_space<vmem>>, vector<16xf32>,
          %get3A_375 = vector.shape_cast %get3A_374 : vector<16xf32> to vector<16xf32>
          %slice3A_376 = vector.extract_strided_slice %get3A_375 {offsets = [0], sizes = [1], strides = [1]} : vector<16xf32> to vector<1xf32>
          %squeeze3A_377 = vector.extract %slice3A_376[0] : f32 from vector<1xf32>
          %add3A_378 = arith.constant 1 : i32
          %add3A_379 = arith.addi %add3A_345, %add3A_378 : i32
          %get3A_380 = arith.index_cast %add3A_379 : i32 to index
          %get3A_381 = tpu.vector_load %arg16[%get3A_380] {strides = array<i32>} : memref<368xi32, #tpu.memory_space<vmem>>, vector<16xi32>,
          %get3A_382 = vector.shape_cast %get3A_381 : vector<16xi32> to vector<16xi32>
          %slice3A_383 = vector.extract_strided_slice %get3A_382 {offsets = [0], sizes = [1], strides = [1]} : vector<16xi32> to vector<1xi32>
          %squeeze3A_384 = vector.extract %slice3A_383[0] : i32 from vector<1xi32>
          %get3A_385 = arith.index_cast %squeeze3A_384 : i32 to index
          %get3A_386 = tpu.vector_load %arg8[%get3A_385] {strides = array<i32>} : memref<5136xf32, #tpu.memory_space<vmem>>, vector<16xf32>,
          %get3A_387 = vector.shape_cast %get3A_386 : vector<16xf32> to vector<16xf32>
          %slice3A_388 = vector.extract_strided_slice %get3A_387 {offsets = [0], sizes = [1], strides = [1]} : vector<16xf32> to vector<1xf32>
          %squeeze3A_389 = vector.extract %slice3A_388[0] : f32 from vector<1xf32>
          %get3A_390 = arith.index_cast %squeeze3A_384 : i32 to index
          %get3A_391 = tpu.vector_load %arg9[%get3A_390] {strides = array<i32>} : memref<5136xf32, #tpu.memory_space<vmem>>, vector<16xf32>,
          %get3A_392 = vector.shape_cast %get3A_391 : vector<16xf32> to vector<16xf32>
          %slice3A_393 = vector.extract_strided_slice %get3A_392 {offsets = [0], sizes = [1], strides = [1]} : vector<16xf32> to vector<1xf32>
          %squeeze3A_394 = vector.extract %slice3A_393[0] : f32 from vector<1xf32>
          %get3A_395 = arith.index_cast %squeeze3A_384 : i32 to index
          %get3A_396 = tpu.vector_load %arg10[%get3A_395] {strides = array<i32>} : memref<5136xf32, #tpu.memory_space<vmem>>, vector<16xf32>,
          %get3A_397 = vector.shape_cast %get3A_396 : vector<16xf32> to vector<16xf32>
          %slice3A_398 = vector.extract_strided_slice %get3A_397 {offsets = [0], sizes = [1], strides = [1]} : vector<16xf32> to vector<1xf32>
          %squeeze3A_399 = vector.extract %slice3A_398[0] : f32 from vector<1xf32>
          %get3A_400 = arith.index_cast %squeeze3A_384 : i32 to index
          %get3A_401 = tpu.vector_load %arg11[%get3A_400] {strides = array<i32>} : memref<5136xf32, #tpu.memory_space<vmem>>, vector<16xf32>,
          %get3A_402 = vector.shape_cast %get3A_401 : vector<16xf32> to vector<16xf32>
          %slice3A_403 = vector.extract_strided_slice %get3A_402 {offsets = [0], sizes = [1], strides = [1]} : vector<16xf32> to vector<1xf32>
          %squeeze3A_404 = vector.extract %slice3A_403[0] : f32 from vector<1xf32>
          %get3A_405 = arith.index_cast %squeeze3A_384 : i32 to index
          %get3A_406 = tpu.vector_load %arg12[%get3A_405] {strides = array<i32>} : memref<5136xf32, #tpu.memory_space<vmem>>, vector<16xf32>,
          %get3A_407 = vector.shape_cast %get3A_406 : vector<16xf32> to vector<16xf32>
          %slice3A_408 = vector.extract_strided_slice %get3A_407 {offsets = [0], sizes = [1], strides = [1]} : vector<16xf32> to vector<1xf32>
          %squeeze3A_409 = vector.extract %slice3A_408[0] : f32 from vector<1xf32>
          %add3A_410 = arith.constant 2 : i32
          %add3A_411 = arith.addi %add3A_345, %add3A_410 : i32
          %get3A_412 = arith.index_cast %add3A_411 : i32 to index
          %get3A_413 = tpu.vector_load %arg16[%get3A_412] {strides = array<i32>} : memref<368xi32, #tpu.memory_space<vmem>>, vector<16xi32>,
          %get3A_414 = vector.shape_cast %get3A_413 : vector<16xi32> to vector<16xi32>
          %slice3A_415 = vector.extract_strided_slice %get3A_414 {offsets = [0], sizes = [1], strides = [1]} : vector<16xi32> to vector<1xi32>
          %squeeze3A_416 = vector.extract %slice3A_415[0] : i32 from vector<1xi32>
          %get3A_417 = arith.index_cast %squeeze3A_416 : i32 to index
          %get3A_418 = tpu.vector_load %arg8[%get3A_417] {strides = array<i32>} : memref<5136xf32, #tpu.memory_space<vmem>>, vector<16xf32>,
          %get3A_419 = vector.shape_cast %get3A_418 : vector<16xf32> to vector<16xf32>
          %slice3A_420 = vector.extract_strided_slice %get3A_419 {offsets = [0], sizes = [1], strides = [1]} : vector<16xf32> to vector<1xf32>
          %squeeze3A_421 = vector.extract %slice3A_420[0] : f32 from vector<1xf32>
          %get3A_422 = arith.index_cast %squeeze3A_416 : i32 to index
          %get3A_423 = tpu.vector_load %arg9[%get3A_422] {strides = array<i32>} : memref<5136xf32, #tpu.memory_space<vmem>>, vector<16xf32>,
          %get3A_424 = vector.shape_cast %get3A_423 : vector<16xf32> to vector<16xf32>
          %slice3A_425 = vector.extract_strided_slice %get3A_424 {offsets = [0], sizes = [1], strides = [1]} : vector<16xf32> to vector<1xf32>
          %squeeze3A_426 = vector.extract %slice3A_425[0] : f32 from vector<1xf32>
          %get3A_427 = arith.index_cast %squeeze3A_416 : i32 to index
          %get3A_428 = tpu.vector_load %arg10[%get3A_427] {strides = array<i32>} : memref<5136xf32, #tpu.memory_space<vmem>>, vector<16xf32>,
          %get3A_429 = vector.shape_cast %get3A_428 : vector<16xf32> to vector<16xf32>
          %slice3A_430 = vector.extract_strided_slice %get3A_429 {offsets = [0], sizes = [1], strides = [1]} : vector<16xf32> to vector<1xf32>
          %squeeze3A_431 = vector.extract %slice3A_430[0] : f32 from vector<1xf32>
          %get3A_432 = arith.index_cast %squeeze3A_416 : i32 to index
          %get3A_433 = tpu.vector_load %arg11[%get3A_432] {strides = array<i32>} : memref<5136xf32, #tpu.memory_space<vmem>>, vector<16xf32>,
          %get3A_434 = vector.shape_cast %get3A_433 : vector<16xf32> to vector<16xf32>
          %slice3A_435 = vector.extract_strided_slice %get3A_434 {offsets = [0], sizes = [1], strides = [1]} : vector<16xf32> to vector<1xf32>
          %squeeze3A_436 = vector.extract %slice3A_435[0] : f32 from vector<1xf32>
          %get3A_437 = arith.index_cast %squeeze3A_416 : i32 to index
          %get3A_438 = tpu.vector_load %arg12[%get3A_437] {strides = array<i32>} : memref<5136xf32, #tpu.memory_space<vmem>>, vector<16xf32>,
          %get3A_439 = vector.shape_cast %get3A_438 : vector<16xf32> to vector<16xf32>
          %slice3A_440 = vector.extract_strided_slice %get3A_439 {offsets = [0], sizes = [1], strides = [1]} : vector<16xf32> to vector<1xf32>
          %squeeze3A_441 = vector.extract %slice3A_440[0] : f32 from vector<1xf32>
          %add3A_442 = arith.constant 3 : i32
          %add3A_443 = arith.addi %add3A_345, %add3A_442 : i32
          %get3A_444 = arith.index_cast %add3A_443 : i32 to index
          %get3A_445 = tpu.vector_load %arg16[%get3A_444] {strides = array<i32>} : memref<368xi32, #tpu.memory_space<vmem>>, vector<16xi32>,
          %get3A_446 = vector.shape_cast %get3A_445 : vector<16xi32> to vector<16xi32>
          %slice3A_447 = vector.extract_strided_slice %get3A_446 {offsets = [0], sizes = [1], strides = [1]} : vector<16xi32> to vector<1xi32>
          %squeeze3A_448 = vector.extract %slice3A_447[0] : i32 from vector<1xi32>
          %get3A_449 = arith.index_cast %squeeze3A_448 : i32 to index
          %get3A_450 = tpu.vector_load %arg8[%get3A_449] {strides = array<i32>} : memref<5136xf32, #tpu.memory_space<vmem>>, vector<16xf32>,
          %get3A_451 = vector.shape_cast %get3A_450 : vector<16xf32> to vector<16xf32>
          %slice3A_452 = vector.extract_strided_slice %get3A_451 {offsets = [0], sizes = [1], strides = [1]} : vector<16xf32> to vector<1xf32>
          %squeeze3A_453 = vector.extract %slice3A_452[0] : f32 from vector<1xf32>
          %get3A_454 = arith.index_cast %squeeze3A_448 : i32 to index
          %get3A_455 = tpu.vector_load %arg9[%get3A_454] {strides = array<i32>} : memref<5136xf32, #tpu.memory_space<vmem>>, vector<16xf32>,
          %get3A_456 = vector.shape_cast %get3A_455 : vector<16xf32> to vector<16xf32>
          %slice3A_457 = vector.extract_strided_slice %get3A_456 {offsets = [0], sizes = [1], strides = [1]} : vector<16xf32> to vector<1xf32>
          %squeeze3A_458 = vector.extract %slice3A_457[0] : f32 from vector<1xf32>
          %get3A_459 = arith.index_cast %squeeze3A_448 : i32 to index
          %get3A_460 = tpu.vector_load %arg10[%get3A_459] {strides = array<i32>} : memref<5136xf32, #tpu.memory_space<vmem>>, vector<16xf32>,
          %get3A_461 = vector.shape_cast %get3A_460 : vector<16xf32> to vector<16xf32>
          %slice3A_462 = vector.extract_strided_slice %get3A_461 {offsets = [0], sizes = [1], strides = [1]} : vector<16xf32> to vector<1xf32>
          %squeeze3A_463 = vector.extract %slice3A_462[0] : f32 from vector<1xf32>
          %get3A_464 = arith.index_cast %squeeze3A_448 : i32 to index
          %get3A_465 = tpu.vector_load %arg11[%get3A_464] {strides = array<i32>} : memref<5136xf32, #tpu.memory_space<vmem>>, vector<16xf32>,
          %get3A_466 = vector.shape_cast %get3A_465 : vector<16xf32> to vector<16xf32>
          %slice3A_467 = vector.extract_strided_slice %get3A_466 {offsets = [0], sizes = [1], strides = [1]} : vector<16xf32> to vector<1xf32>
          %squeeze3A_468 = vector.extract %slice3A_467[0] : f32 from vector<1xf32>
          %get3A_469 = arith.index_cast %squeeze3A_448 : i32 to index
          %get3A_470 = tpu.vector_load %arg12[%get3A_469] {strides = array<i32>} : memref<5136xf32, #tpu.memory_space<vmem>>, vector<16xf32>,
          %get3A_471 = vector.shape_cast %get3A_470 : vector<16xf32> to vector<16xf32>
          %slice3A_472 = vector.extract_strided_slice %get3A_471 {offsets = [0], sizes = [1], strides = [1]} : vector<16xf32> to vector<1xf32>
          %squeeze3A_473 = vector.extract %slice3A_472[0] : f32 from vector<1xf32>
          %add3A_474 = arith.constant 4 : i32
          %add3A_475 = arith.addi %add3A_345, %add3A_474 : i32
          %get3A_476 = arith.index_cast %add3A_475 : i32 to index
          %get3A_477 = tpu.vector_load %arg16[%get3A_476] {strides = array<i32>} : memref<368xi32, #tpu.memory_space<vmem>>, vector<16xi32>,
          %get3A_478 = vector.shape_cast %get3A_477 : vector<16xi32> to vector<16xi32>
          %slice3A_479 = vector.extract_strided_slice %get3A_478 {offsets = [0], sizes = [1], strides = [1]} : vector<16xi32> to vector<1xi32>
          %squeeze3A_480 = vector.extract %slice3A_479[0] : i32 from vector<1xi32>
          %get3A_481 = arith.index_cast %squeeze3A_480 : i32 to index
          %get3A_482 = tpu.vector_load %arg8[%get3A_481] {strides = array<i32>} : memref<5136xf32, #tpu.memory_space<vmem>>, vector<16xf32>,
          %get3A_483 = vector.shape_cast %get3A_482 : vector<16xf32> to vector<16xf32>
          %slice3A_484 = vector.extract_strided_slice %get3A_483 {offsets = [0], sizes = [1], strides = [1]} : vector<16xf32> to vector<1xf32>
          %squeeze3A_485 = vector.extract %slice3A_484[0] : f32 from vector<1xf32>
          %get3A_486 = arith.index_cast %squeeze3A_480 : i32 to index
          %get3A_487 = tpu.vector_load %arg9[%get3A_486] {strides = array<i32>} : memref<5136xf32, #tpu.memory_space<vmem>>, vector<16xf32>,
          %get3A_488 = vector.shape_cast %get3A_487 : vector<16xf32> to vector<16xf32>
          %slice3A_489 = vector.extract_strided_slice %get3A_488 {offsets = [0], sizes = [1], strides = [1]} : vector<16xf32> to vector<1xf32>
          %squeeze3A_490 = vector.extract %slice3A_489[0] : f32 from vector<1xf32>
          %get3A_491 = arith.index_cast %squeeze3A_480 : i32 to index
          %get3A_492 = tpu.vector_load %arg10[%get3A_491] {strides = array<i32>} : memref<5136xf32, #tpu.memory_space<vmem>>, vector<16xf32>,
          %get3A_493 = vector.shape_cast %get3A_492 : vector<16xf32> to vector<16xf32>
          %slice3A_494 = vector.extract_strided_slice %get3A_493 {offsets = [0], sizes = [1], strides = [1]} : vector<16xf32> to vector<1xf32>
          %squeeze3A_495 = vector.extract %slice3A_494[0] : f32 from vector<1xf32>
          %get3A_496 = arith.index_cast %squeeze3A_480 : i32 to index
          %get3A_497 = tpu.vector_load %arg11[%get3A_496] {strides = array<i32>} : memref<5136xf32, #tpu.memory_space<vmem>>, vector<16xf32>,
          %get3A_498 = vector.shape_cast %get3A_497 : vector<16xf32> to vector<16xf32>
          %slice3A_499 = vector.extract_strided_slice %get3A_498 {offsets = [0], sizes = [1], strides = [1]} : vector<16xf32> to vector<1xf32>
          %squeeze3A_500 = vector.extract %slice3A_499[0] : f32 from vector<1xf32>
          %get3A_501 = arith.index_cast %squeeze3A_480 : i32 to index
          %get3A_502 = tpu.vector_load %arg12[%get3A_501] {strides = array<i32>} : memref<5136xf32, #tpu.memory_space<vmem>>, vector<16xf32>,
          %get3A_503 = vector.shape_cast %get3A_502 : vector<16xf32> to vector<16xf32>
          %slice3A_504 = vector.extract_strided_slice %get3A_503 {offsets = [0], sizes = [1], strides = [1]} : vector<16xf32> to vector<1xf32>
          %squeeze3A_505 = vector.extract %slice3A_504[0] : f32 from vector<1xf32>
          %add3A_506 = arith.constant 5 : i32
          %add3A_507 = arith.addi %add3A_345, %add3A_506 : i32
          %get3A_508 = arith.index_cast %add3A_507 : i32 to index
          %get3A_509 = tpu.vector_load %arg16[%get3A_508] {strides = array<i32>} : memref<368xi32, #tpu.memory_space<vmem>>, vector<16xi32>,
          %get3A_510 = vector.shape_cast %get3A_509 : vector<16xi32> to vector<16xi32>
          %slice3A_511 = vector.extract_strided_slice %get3A_510 {offsets = [0], sizes = [1], strides = [1]} : vector<16xi32> to vector<1xi32>
          %squeeze3A_512 = vector.extract %slice3A_511[0] : i32 from vector<1xi32>
          %get3A_513 = arith.index_cast %squeeze3A_512 : i32 to index
          %get3A_514 = tpu.vector_load %arg8[%get3A_513] {strides = array<i32>} : memref<5136xf32, #tpu.memory_space<vmem>>, vector<16xf32>,
          %get3A_515 = vector.shape_cast %get3A_514 : vector<16xf32> to vector<16xf32>
          %slice3A_516 = vector.extract_strided_slice %get3A_515 {offsets = [0], sizes = [1], strides = [1]} : vector<16xf32> to vector<1xf32>
          %squeeze3A_517 = vector.extract %slice3A_516[0] : f32 from vector<1xf32>
          %get3A_518 = arith.index_cast %squeeze3A_512 : i32 to index
          %get3A_519 = tpu.vector_load %arg9[%get3A_518] {strides = array<i32>} : memref<5136xf32, #tpu.memory_space<vmem>>, vector<16xf32>,
          %get3A_520 = vector.shape_cast %get3A_519 : vector<16xf32> to vector<16xf32>
          %slice3A_521 = vector.extract_strided_slice %get3A_520 {offsets = [0], sizes = [1], strides = [1]} : vector<16xf32> to vector<1xf32>
          %squeeze3A_522 = vector.extract %slice3A_521[0] : f32 from vector<1xf32>
          %get3A_523 = arith.index_cast %squeeze3A_512 : i32 to index
          %get3A_524 = tpu.vector_load %arg10[%get3A_523] {strides = array<i32>} : memref<5136xf32, #tpu.memory_space<vmem>>, vector<16xf32>,
          %get3A_525 = vector.shape_cast %get3A_524 : vector<16xf32> to vector<16xf32>
          %slice3A_526 = vector.extract_strided_slice %get3A_525 {offsets = [0], sizes = [1], strides = [1]} : vector<16xf32> to vector<1xf32>
          %squeeze3A_527 = vector.extract %slice3A_526[0] : f32 from vector<1xf32>
          %get3A_528 = arith.index_cast %squeeze3A_512 : i32 to index
          %get3A_529 = tpu.vector_load %arg11[%get3A_528] {strides = array<i32>} : memref<5136xf32, #tpu.memory_space<vmem>>, vector<16xf32>,
          %get3A_530 = vector.shape_cast %get3A_529 : vector<16xf32> to vector<16xf32>
          %slice3A_531 = vector.extract_strided_slice %get3A_530 {offsets = [0], sizes = [1], strides = [1]} : vector<16xf32> to vector<1xf32>
          %squeeze3A_532 = vector.extract %slice3A_531[0] : f32 from vector<1xf32>
          %get3A_533 = arith.index_cast %squeeze3A_512 : i32 to index
          %get3A_534 = tpu.vector_load %arg12[%get3A_533] {strides = array<i32>} : memref<5136xf32, #tpu.memory_space<vmem>>, vector<16xf32>,
          %get3A_535 = vector.shape_cast %get3A_534 : vector<16xf32> to vector<16xf32>
          %slice3A_536 = vector.extract_strided_slice %get3A_535 {offsets = [0], sizes = [1], strides = [1]} : vector<16xf32> to vector<1xf32>
          %squeeze3A_537 = vector.extract %slice3A_536[0] : f32 from vector<1xf32>
          %add3A_538 = arith.constant 6 : i32
          %add3A_539 = arith.addi %add3A_345, %add3A_538 : i32
          %get3A_540 = arith.index_cast %add3A_539 : i32 to index
          %get3A_541 = tpu.vector_load %arg16[%get3A_540] {strides = array<i32>} : memref<368xi32, #tpu.memory_space<vmem>>, vector<16xi32>,
          %get3A_542 = vector.shape_cast %get3A_541 : vector<16xi32> to vector<16xi32>
          %slice3A_543 = vector.extract_strided_slice %get3A_542 {offsets = [0], sizes = [1], strides = [1]} : vector<16xi32> to vector<1xi32>
          %squeeze3A_544 = vector.extract %slice3A_543[0] : i32 from vector<1xi32>
          %get3A_545 = arith.index_cast %squeeze3A_544 : i32 to index
          %get3A_546 = tpu.vector_load %arg8[%get3A_545] {strides = array<i32>} : memref<5136xf32, #tpu.memory_space<vmem>>, vector<16xf32>,
          %get3A_547 = vector.shape_cast %get3A_546 : vector<16xf32> to vector<16xf32>
          %slice3A_548 = vector.extract_strided_slice %get3A_547 {offsets = [0], sizes = [1], strides = [1]} : vector<16xf32> to vector<1xf32>
          %squeeze3A_549 = vector.extract %slice3A_548[0] : f32 from vector<1xf32>
          %get3A_550 = arith.index_cast %squeeze3A_544 : i32 to index
          %get3A_551 = tpu.vector_load %arg9[%get3A_550] {strides = array<i32>} : memref<5136xf32, #tpu.memory_space<vmem>>, vector<16xf32>,
          %get3A_552 = vector.shape_cast %get3A_551 : vector<16xf32> to vector<16xf32>
          %slice3A_553 = vector.extract_strided_slice %get3A_552 {offsets = [0], sizes = [1], strides = [1]} : vector<16xf32> to vector<1xf32>
          %squeeze3A_554 = vector.extract %slice3A_553[0] : f32 from vector<1xf32>
          %get3A_555 = arith.index_cast %squeeze3A_544 : i32 to index
          %get3A_556 = tpu.vector_load %arg10[%get3A_555] {strides = array<i32>} : memref<5136xf32, #tpu.memory_space<vmem>>, vector<16xf32>,
          %get3A_557 = vector.shape_cast %get3A_556 : vector<16xf32> to vector<16xf32>
          %slice3A_558 = vector.extract_strided_slice %get3A_557 {offsets = [0], sizes = [1], strides = [1]} : vector<16xf32> to vector<1xf32>
          %squeeze3A_559 = vector.extract %slice3A_558[0] : f32 from vector<1xf32>
          %get3A_560 = arith.index_cast %squeeze3A_544 : i32 to index
          %get3A_561 = tpu.vector_load %arg11[%get3A_560] {strides = array<i32>} : memref<5136xf32, #tpu.memory_space<vmem>>, vector<16xf32>,
          %get3A_562 = vector.shape_cast %get3A_561 : vector<16xf32> to vector<16xf32>
          %slice3A_563 = vector.extract_strided_slice %get3A_562 {offsets = [0], sizes = [1], strides = [1]} : vector<16xf32> to vector<1xf32>
          %squeeze3A_564 = vector.extract %slice3A_563[0] : f32 from vector<1xf32>
          %get3A_565 = arith.index_cast %squeeze3A_544 : i32 to index
          %get3A_566 = tpu.vector_load %arg12[%get3A_565] {strides = array<i32>} : memref<5136xf32, #tpu.memory_space<vmem>>, vector<16xf32>,
          %get3A_567 = vector.shape_cast %get3A_566 : vector<16xf32> to vector<16xf32>
          %slice3A_568 = vector.extract_strided_slice %get3A_567 {offsets = [0], sizes = [1], strides = [1]} : vector<16xf32> to vector<1xf32>
          %squeeze3A_569 = vector.extract %slice3A_568[0] : f32 from vector<1xf32>
          %add3A_570 = arith.constant 7 : i32
          %add3A_571 = arith.addi %add3A_345, %add3A_570 : i32
          %get3A_572 = arith.index_cast %add3A_571 : i32 to index
          %get3A_573 = tpu.vector_load %arg16[%get3A_572] {strides = array<i32>} : memref<368xi32, #tpu.memory_space<vmem>>, vector<16xi32>,
          %get3A_574 = vector.shape_cast %get3A_573 : vector<16xi32> to vector<16xi32>
          %slice3A_575 = vector.extract_strided_slice %get3A_574 {offsets = [0], sizes = [1], strides = [1]} : vector<16xi32> to vector<1xi32>
          %squeeze3A_576 = vector.extract %slice3A_575[0] : i32 from vector<1xi32>
          %get3A_577 = arith.index_cast %squeeze3A_576 : i32 to index
          %get3A_578 = tpu.vector_load %arg8[%get3A_577] {strides = array<i32>} : memref<5136xf32, #tpu.memory_space<vmem>>, vector<16xf32>,
          %get3A_579 = vector.shape_cast %get3A_578 : vector<16xf32> to vector<16xf32>
          %slice3A_580 = vector.extract_strided_slice %get3A_579 {offsets = [0], sizes = [1], strides = [1]} : vector<16xf32> to vector<1xf32>
          %squeeze3A_581 = vector.extract %slice3A_580[0] : f32 from vector<1xf32>
          %get3A_582 = arith.index_cast %squeeze3A_576 : i32 to index
          %get3A_583 = tpu.vector_load %arg9[%get3A_582] {strides = array<i32>} : memref<5136xf32, #tpu.memory_space<vmem>>, vector<16xf32>,
          %get3A_584 = vector.shape_cast %get3A_583 : vector<16xf32> to vector<16xf32>
          %slice3A_585 = vector.extract_strided_slice %get3A_584 {offsets = [0], sizes = [1], strides = [1]} : vector<16xf32> to vector<1xf32>
          %squeeze3A_586 = vector.extract %slice3A_585[0] : f32 from vector<1xf32>
          %get3A_587 = arith.index_cast %squeeze3A_576 : i32 to index
          %get3A_588 = tpu.vector_load %arg10[%get3A_587] {strides = array<i32>} : memref<5136xf32, #tpu.memory_space<vmem>>, vector<16xf32>,
          %get3A_589 = vector.shape_cast %get3A_588 : vector<16xf32> to vector<16xf32>
          %slice3A_590 = vector.extract_strided_slice %get3A_589 {offsets = [0], sizes = [1], strides = [1]} : vector<16xf32> to vector<1xf32>
          %squeeze3A_591 = vector.extract %slice3A_590[0] : f32 from vector<1xf32>
          %get3A_592 = arith.index_cast %squeeze3A_576 : i32 to index
          %get3A_593 = tpu.vector_load %arg11[%get3A_592] {strides = array<i32>} : memref<5136xf32, #tpu.memory_space<vmem>>, vector<16xf32>,
          %get3A_594 = vector.shape_cast %get3A_593 : vector<16xf32> to vector<16xf32>
          %slice3A_595 = vector.extract_strided_slice %get3A_594 {offsets = [0], sizes = [1], strides = [1]} : vector<16xf32> to vector<1xf32>
          %squeeze3A_596 = vector.extract %slice3A_595[0] : f32 from vector<1xf32>
          %get3A_597 = arith.index_cast %squeeze3A_576 : i32 to index
          %get3A_598 = tpu.vector_load %arg12[%get3A_597] {strides = array<i32>} : memref<5136xf32, #tpu.memory_space<vmem>>, vector<16xf32>,
          %get3A_599 = vector.shape_cast %get3A_598 : vector<16xf32> to vector<16xf32>
          %slice3A_600 = vector.extract_strided_slice %get3A_599 {offsets = [0], sizes = [1], strides = [1]} : vector<16xf32> to vector<1xf32>
          %squeeze3A_601 = vector.extract %slice3A_600[0] : f32 from vector<1xf32>
          %scan3A_602 = arith.constant 0 : i32
          %scan3A_603 = arith.constant 0 : i32
          %scan3A_604 = arith.constant 20 : i32
          %scan3A_605 = arith.addi %scan3A_603, %scan3A_604 : i32
          %scan3A_606 = arith.constant 1 : i32
          %scan3A_607 = scf.for %scan3A_610 = %scan3A_603 to %scan3A_605 step %scan3A_606 iter_args(%scan3A_611 = %scan3A_602) -> (i32)  : i32 {
            %mul3A_612 = arith.constant 16 : i32
            %mul3A_613 = arith.muli %scan3A_610, %mul3A_612 : i32
            %add3A_614 = arith.addi %mul3A_0, %mul3A_613 : i32
            %get3A_615 = arith.index_cast %add3A_614 : i32 to index
            %get3A_616 = tpu.vector_load %arg8[%get3A_615] {strides = array<i32>} : memref<5136xf32, #tpu.memory_space<vmem>>, vector<16xf32>,
            %get3A_617 = vector.shape_cast %get3A_616 : vector<16xf32> to vector<16xf32>
            %add3A_618 = arith.addi %mul3A_0, %mul3A_613 : i32
            %get3A_619 = arith.index_cast %add3A_618 : i32 to index
            %get3A_620 = tpu.vector_load %arg9[%get3A_619] {strides = array<i32>} : memref<5136xf32, #tpu.memory_space<vmem>>, vector<16xf32>,
            %get3A_621 = vector.shape_cast %get3A_620 : vector<16xf32> to vector<16xf32>
            %add3A_622 = arith.addi %mul3A_0, %mul3A_613 : i32
            %get3A_623 = arith.index_cast %add3A_622 : i32 to index
            %get3A_624 = tpu.vector_load %arg10[%get3A_623] {strides = array<i32>} : memref<5136xf32, #tpu.memory_space<vmem>>, vector<16xf32>,
            %get3A_625 = vector.shape_cast %get3A_624 : vector<16xf32> to vector<16xf32>
            %add3A_626 = arith.addi %mul3A_0, %mul3A_613 : i32
            %get3A_627 = arith.index_cast %add3A_626 : i32 to index
            %get3A_628 = tpu.vector_load %arg11[%get3A_627] {strides = array<i32>} : memref<5136xf32, #tpu.memory_space<vmem>>, vector<16xf32>,
            %get3A_629 = vector.shape_cast %get3A_628 : vector<16xf32> to vector<16xf32>
            %add3A_630 = arith.addi %mul3A_0, %mul3A_613 : i32
            %get3A_631 = arith.index_cast %add3A_630 : i32 to index
            %get3A_632 = tpu.vector_load %arg12[%get3A_631] {strides = array<i32>} : memref<5136xf32, #tpu.memory_space<vmem>>, vector<16xf32>,
            %get3A_633 = vector.shape_cast %get3A_632 : vector<16xf32> to vector<16xf32>
            %get3A_634 = arith.index_cast %mul3A_613 : i32 to index
            %get3A_635 = tpu.vector_load %arg13[%get3A_634] {strides = array<i32>} : memref<336xf32, #tpu.memory_space<vmem>>, vector<16xf32>,
            %get3A_636 = vector.shape_cast %get3A_635 : vector<16xf32> to vector<16xf32>
            %min3A = vector.broadcast %squeeze3A_367 : f32 to vector<16xf32>
            %min3A_637 = arith.minimumf %min3A, %get3A_625 : vector<16xf32>
            %max3A = vector.broadcast %squeeze3A_357 : f32 to vector<16xf32>
            %max3A_638 = arith.maximumf %max3A, %get3A_617 : vector<16xf32>
            %sub3A_639 = arith.subf %min3A_637, %max3A_638 : vector<16xf32>
            %jit3A_640 = arith.constant 0.000000e+00 : f32
            %max3A_641 = vector.broadcast %jit3A_640 : f32 to vector<16xf32>
            %max3A_642 = arith.maximumf %max3A_641, %sub3A_639 : vector<16xf32>
            %min3A_643 = vector.broadcast %squeeze3A_372 : f32 to vector<16xf32>
            %min3A_644 = arith.minimumf %min3A_643, %get3A_629 : vector<16xf32>
            %max3A_645 = vector.broadcast %squeeze3A_362 : f32 to vector<16xf32>
            %max3A_646 = arith.maximumf %max3A_645, %get3A_621 : vector<16xf32>
            %sub3A_647 = arith.subf %min3A_644, %max3A_646 : vector<16xf32>
            %jit3A_648 = arith.constant 0.000000e+00 : f32
            %max3A_649 = vector.broadcast %jit3A_648 : f32 to vector<16xf32>
            %max3A_650 = arith.maximumf %max3A_649, %sub3A_647 : vector<16xf32>
            %mul3A_651 = arith.mulf %max3A_642, %max3A_650 : vector<16xf32>
            %add3A_652 = vector.broadcast %squeeze3A_377 : f32 to vector<16xf32>
            %add3A_653 = arith.addf %add3A_652, %get3A_633 : vector<16xf32>
            %sub3A_654 = arith.subf %add3A_653, %mul3A_651 : vector<16xf32>
            %add3A_655 = arith.constant 9.99999971E-10 : f32
            %add3A_656 = vector.broadcast %add3A_655 : f32 to vector<16xf32>
            %add3A_657 = arith.addf %sub3A_654, %add3A_656 : vector<16xf32>
            %div3A_658 = arith.divf %mul3A_651, %add3A_657 : vector<16xf32>
            %gt3A_659 = arith.constant 3.000000e-01 : f32
            %gt3A_660 = vector.broadcast %gt3A_659 : f32 to vector<16xf32>
            %gt3A_661 = arith.cmpf ogt, %div3A_658, %gt3A_660 : vector<16xf32>
            %jit3A_662 = arith.constant 1.000000e+00 : f32
            %broadcast_in_dim3A_663 = vector.broadcast %jit3A_662 : f32 to vector<16xf32>
            %select_n3A_664 = arith.select %gt3A_661, %broadcast_in_dim3A_663, %get3A_636 : vector<16xi1>, vector<16xf32>
            %min3A_665 = vector.broadcast %squeeze3A_399 : f32 to vector<16xf32>
            %min3A_666 = arith.minimumf %min3A_665, %get3A_625 : vector<16xf32>
            %max3A_667 = vector.broadcast %squeeze3A_389 : f32 to vector<16xf32>
            %max3A_668 = arith.maximumf %max3A_667, %get3A_617 : vector<16xf32>
            %sub3A_669 = arith.subf %min3A_666, %max3A_668 : vector<16xf32>
            %jit3A_670 = arith.constant 0.000000e+00 : f32
            %max3A_671 = vector.broadcast %jit3A_670 : f32 to vector<16xf32>
            %max3A_672 = arith.maximumf %max3A_671, %sub3A_669 : vector<16xf32>
            %min3A_673 = vector.broadcast %squeeze3A_404 : f32 to vector<16xf32>
            %min3A_674 = arith.minimumf %min3A_673, %get3A_629 : vector<16xf32>
            %max3A_675 = vector.broadcast %squeeze3A_394 : f32 to vector<16xf32>
            %max3A_676 = arith.maximumf %max3A_675, %get3A_621 : vector<16xf32>
            %sub3A_677 = arith.subf %min3A_674, %max3A_676 : vector<16xf32>
            %jit3A_678 = arith.constant 0.000000e+00 : f32
            %max3A_679 = vector.broadcast %jit3A_678 : f32 to vector<16xf32>
            %max3A_680 = arith.maximumf %max3A_679, %sub3A_677 : vector<16xf32>
            %mul3A_681 = arith.mulf %max3A_672, %max3A_680 : vector<16xf32>
            %add3A_682 = vector.broadcast %squeeze3A_409 : f32 to vector<16xf32>
            %add3A_683 = arith.addf %add3A_682, %get3A_633 : vector<16xf32>
            %sub3A_684 = arith.subf %add3A_683, %mul3A_681 : vector<16xf32>
            %add3A_685 = arith.constant 9.99999971E-10 : f32
            %add3A_686 = vector.broadcast %add3A_685 : f32 to vector<16xf32>
            %add3A_687 = arith.addf %sub3A_684, %add3A_686 : vector<16xf32>
            %div3A_688 = arith.divf %mul3A_681, %add3A_687 : vector<16xf32>
            %gt3A_689 = arith.constant 3.000000e-01 : f32
            %gt3A_690 = vector.broadcast %gt3A_689 : f32 to vector<16xf32>
            %gt3A_691 = arith.cmpf ogt, %div3A_688, %gt3A_690 : vector<16xf32>
            %jit3A_692 = arith.constant 1.000000e+00 : f32
            %broadcast_in_dim3A_693 = vector.broadcast %jit3A_692 : f32 to vector<16xf32>
            %select_n3A_694 = arith.select %gt3A_691, %broadcast_in_dim3A_693, %select_n3A_664 : vector<16xi1>, vector<16xf32>
            %min3A_695 = vector.broadcast %squeeze3A_431 : f32 to vector<16xf32>
            %min3A_696 = arith.minimumf %min3A_695, %get3A_625 : vector<16xf32>
            %max3A_697 = vector.broadcast %squeeze3A_421 : f32 to vector<16xf32>
            %max3A_698 = arith.maximumf %max3A_697, %get3A_617 : vector<16xf32>
            %sub3A_699 = arith.subf %min3A_696, %max3A_698 : vector<16xf32>
            %jit3A_700 = arith.constant 0.000000e+00 : f32
            %max3A_701 = vector.broadcast %jit3A_700 : f32 to vector<16xf32>
            %max3A_702 = arith.maximumf %max3A_701, %sub3A_699 : vector<16xf32>
            %min3A_703 = vector.broadcast %squeeze3A_436 : f32 to vector<16xf32>
            %min3A_704 = arith.minimumf %min3A_703, %get3A_629 : vector<16xf32>
            %max3A_705 = vector.broadcast %squeeze3A_426 : f32 to vector<16xf32>
            %max3A_706 = arith.maximumf %max3A_705, %get3A_621 : vector<16xf32>
            %sub3A_707 = arith.subf %min3A_704, %max3A_706 : vector<16xf32>
            %jit3A_708 = arith.constant 0.000000e+00 : f32
            %max3A_709 = vector.broadcast %jit3A_708 : f32 to vector<16xf32>
            %max3A_710 = arith.maximumf %max3A_709, %sub3A_707 : vector<16xf32>
            %mul3A_711 = arith.mulf %max3A_702, %max3A_710 : vector<16xf32>
            %add3A_712 = vector.broadcast %squeeze3A_441 : f32 to vector<16xf32>
            %add3A_713 = arith.addf %add3A_712, %get3A_633 : vector<16xf32>
            %sub3A_714 = arith.subf %add3A_713, %mul3A_711 : vector<16xf32>
            %add3A_715 = arith.constant 9.99999971E-10 : f32
            %add3A_716 = vector.broadcast %add3A_715 : f32 to vector<16xf32>
            %add3A_717 = arith.addf %sub3A_714, %add3A_716 : vector<16xf32>
            %div3A_718 = arith.divf %mul3A_711, %add3A_717 : vector<16xf32>
            %gt3A_719 = arith.constant 3.000000e-01 : f32
            %gt3A_720 = vector.broadcast %gt3A_719 : f32 to vector<16xf32>
            %gt3A_721 = arith.cmpf ogt, %div3A_718, %gt3A_720 : vector<16xf32>
            %jit3A_722 = arith.constant 1.000000e+00 : f32
            %broadcast_in_dim3A_723 = vector.broadcast %jit3A_722 : f32 to vector<16xf32>
            %select_n3A_724 = arith.select %gt3A_721, %broadcast_in_dim3A_723, %select_n3A_694 : vector<16xi1>, vector<16xf32>
            %min3A_725 = vector.broadcast %squeeze3A_463 : f32 to vector<16xf32>
            %min3A_726 = arith.minimumf %min3A_725, %get3A_625 : vector<16xf32>
            %max3A_727 = vector.broadcast %squeeze3A_453 : f32 to vector<16xf32>
            %max3A_728 = arith.maximumf %max3A_727, %get3A_617 : vector<16xf32>
            %sub3A_729 = arith.subf %min3A_726, %max3A_728 : vector<16xf32>
            %jit3A_730 = arith.constant 0.000000e+00 : f32
            %max3A_731 = vector.broadcast %jit3A_730 : f32 to vector<16xf32>
            %max3A_732 = arith.maximumf %max3A_731, %sub3A_729 : vector<16xf32>
            %min3A_733 = vector.broadcast %squeeze3A_468 : f32 to vector<16xf32>
            %min3A_734 = arith.minimumf %min3A_733, %get3A_629 : vector<16xf32>
            %max3A_735 = vector.broadcast %squeeze3A_458 : f32 to vector<16xf32>
            %max3A_736 = arith.maximumf %max3A_735, %get3A_621 : vector<16xf32>
            %sub3A_737 = arith.subf %min3A_734, %max3A_736 : vector<16xf32>
            %jit3A_738 = arith.constant 0.000000e+00 : f32
            %max3A_739 = vector.broadcast %jit3A_738 : f32 to vector<16xf32>
            %max3A_740 = arith.maximumf %max3A_739, %sub3A_737 : vector<16xf32>
            %mul3A_741 = arith.mulf %max3A_732, %max3A_740 : vector<16xf32>
            %add3A_742 = vector.broadcast %squeeze3A_473 : f32 to vector<16xf32>
            %add3A_743 = arith.addf %add3A_742, %get3A_633 : vector<16xf32>
            %sub3A_744 = arith.subf %add3A_743, %mul3A_741 : vector<16xf32>
            %add3A_745 = arith.constant 9.99999971E-10 : f32
            %add3A_746 = vector.broadcast %add3A_745 : f32 to vector<16xf32>
            %add3A_747 = arith.addf %sub3A_744, %add3A_746 : vector<16xf32>
            %div3A_748 = arith.divf %mul3A_741, %add3A_747 : vector<16xf32>
            %gt3A_749 = arith.constant 3.000000e-01 : f32
            %gt3A_750 = vector.broadcast %gt3A_749 : f32 to vector<16xf32>
            %gt3A_751 = arith.cmpf ogt, %div3A_748, %gt3A_750 : vector<16xf32>
            %jit3A_752 = arith.constant 1.000000e+00 : f32
            %broadcast_in_dim3A_753 = vector.broadcast %jit3A_752 : f32 to vector<16xf32>
            %select_n3A_754 = arith.select %gt3A_751, %broadcast_in_dim3A_753, %select_n3A_724 : vector<16xi1>, vector<16xf32>
            %min3A_755 = vector.broadcast %squeeze3A_495 : f32 to vector<16xf32>
            %min3A_756 = arith.minimumf %min3A_755, %get3A_625 : vector<16xf32>
            %max3A_757 = vector.broadcast %squeeze3A_485 : f32 to vector<16xf32>
            %max3A_758 = arith.maximumf %max3A_757, %get3A_617 : vector<16xf32>
            %sub3A_759 = arith.subf %min3A_756, %max3A_758 : vector<16xf32>
            %jit3A_760 = arith.constant 0.000000e+00 : f32
            %max3A_761 = vector.broadcast %jit3A_760 : f32 to vector<16xf32>
            %max3A_762 = arith.maximumf %max3A_761, %sub3A_759 : vector<16xf32>
            %min3A_763 = vector.broadcast %squeeze3A_500 : f32 to vector<16xf32>
            %min3A_764 = arith.minimumf %min3A_763, %get3A_629 : vector<16xf32>
            %max3A_765 = vector.broadcast %squeeze3A_490 : f32 to vector<16xf32>
            %max3A_766 = arith.maximumf %max3A_765, %get3A_621 : vector<16xf32>
            %sub3A_767 = arith.subf %min3A_764, %max3A_766 : vector<16xf32>
            %jit3A_768 = arith.constant 0.000000e+00 : f32
            %max3A_769 = vector.broadcast %jit3A_768 : f32 to vector<16xf32>
            %max3A_770 = arith.maximumf %max3A_769, %sub3A_767 : vector<16xf32>
            %mul3A_771 = arith.mulf %max3A_762, %max3A_770 : vector<16xf32>
            %add3A_772 = vector.broadcast %squeeze3A_505 : f32 to vector<16xf32>
            %add3A_773 = arith.addf %add3A_772, %get3A_633 : vector<16xf32>
            %sub3A_774 = arith.subf %add3A_773, %mul3A_771 : vector<16xf32>
            %add3A_775 = arith.constant 9.99999971E-10 : f32
            %add3A_776 = vector.broadcast %add3A_775 : f32 to vector<16xf32>
            %add3A_777 = arith.addf %sub3A_774, %add3A_776 : vector<16xf32>
            %div3A_778 = arith.divf %mul3A_771, %add3A_777 : vector<16xf32>
            %gt3A_779 = arith.constant 3.000000e-01 : f32
            %gt3A_780 = vector.broadcast %gt3A_779 : f32 to vector<16xf32>
            %gt3A_781 = arith.cmpf ogt, %div3A_778, %gt3A_780 : vector<16xf32>
            %jit3A_782 = arith.constant 1.000000e+00 : f32
            %broadcast_in_dim3A_783 = vector.broadcast %jit3A_782 : f32 to vector<16xf32>
            %select_n3A_784 = arith.select %gt3A_781, %broadcast_in_dim3A_783, %select_n3A_754 : vector<16xi1>, vector<16xf32>
            %min3A_785 = vector.broadcast %squeeze3A_527 : f32 to vector<16xf32>
            %min3A_786 = arith.minimumf %min3A_785, %get3A_625 : vector<16xf32>
            %max3A_787 = vector.broadcast %squeeze3A_517 : f32 to vector<16xf32>
            %max3A_788 = arith.maximumf %max3A_787, %get3A_617 : vector<16xf32>
            %sub3A_789 = arith.subf %min3A_786, %max3A_788 : vector<16xf32>
            %jit3A_790 = arith.constant 0.000000e+00 : f32
            %max3A_791 = vector.broadcast %jit3A_790 : f32 to vector<16xf32>
            %max3A_792 = arith.maximumf %max3A_791, %sub3A_789 : vector<16xf32>
            %min3A_793 = vector.broadcast %squeeze3A_532 : f32 to vector<16xf32>
            %min3A_794 = arith.minimumf %min3A_793, %get3A_629 : vector<16xf32>
            %max3A_795 = vector.broadcast %squeeze3A_522 : f32 to vector<16xf32>
            %max3A_796 = arith.maximumf %max3A_795, %get3A_621 : vector<16xf32>
            %sub3A_797 = arith.subf %min3A_794, %max3A_796 : vector<16xf32>
            %jit3A_798 = arith.constant 0.000000e+00 : f32
            %max3A_799 = vector.broadcast %jit3A_798 : f32 to vector<16xf32>
            %max3A_800 = arith.maximumf %max3A_799, %sub3A_797 : vector<16xf32>
            %mul3A_801 = arith.mulf %max3A_792, %max3A_800 : vector<16xf32>
            %add3A_802 = vector.broadcast %squeeze3A_537 : f32 to vector<16xf32>
            %add3A_803 = arith.addf %add3A_802, %get3A_633 : vector<16xf32>
            %sub3A_804 = arith.subf %add3A_803, %mul3A_801 : vector<16xf32>
            %add3A_805 = arith.constant 9.99999971E-10 : f32
            %add3A_806 = vector.broadcast %add3A_805 : f32 to vector<16xf32>
            %add3A_807 = arith.addf %sub3A_804, %add3A_806 : vector<16xf32>
            %div3A_808 = arith.divf %mul3A_801, %add3A_807 : vector<16xf32>
            %gt3A_809 = arith.constant 3.000000e-01 : f32
            %gt3A_810 = vector.broadcast %gt3A_809 : f32 to vector<16xf32>
            %gt3A_811 = arith.cmpf ogt, %div3A_808, %gt3A_810 : vector<16xf32>
            %jit3A_812 = arith.constant 1.000000e+00 : f32
            %broadcast_in_dim3A_813 = vector.broadcast %jit3A_812 : f32 to vector<16xf32>
            %select_n3A_814 = arith.select %gt3A_811, %broadcast_in_dim3A_813, %select_n3A_784 : vector<16xi1>, vector<16xf32>
            %min3A_815 = vector.broadcast %squeeze3A_559 : f32 to vector<16xf32>
            %min3A_816 = arith.minimumf %min3A_815, %get3A_625 : vector<16xf32>
            %max3A_817 = vector.broadcast %squeeze3A_549 : f32 to vector<16xf32>
            %max3A_818 = arith.maximumf %max3A_817, %get3A_617 : vector<16xf32>
            %sub3A_819 = arith.subf %min3A_816, %max3A_818 : vector<16xf32>
            %jit3A_820 = arith.constant 0.000000e+00 : f32
            %max3A_821 = vector.broadcast %jit3A_820 : f32 to vector<16xf32>
            %max3A_822 = arith.maximumf %max3A_821, %sub3A_819 : vector<16xf32>
            %min3A_823 = vector.broadcast %squeeze3A_564 : f32 to vector<16xf32>
            %min3A_824 = arith.minimumf %min3A_823, %get3A_629 : vector<16xf32>
            %max3A_825 = vector.broadcast %squeeze3A_554 : f32 to vector<16xf32>
            %max3A_826 = arith.maximumf %max3A_825, %get3A_621 : vector<16xf32>
            %sub3A_827 = arith.subf %min3A_824, %max3A_826 : vector<16xf32>
            %jit3A_828 = arith.constant 0.000000e+00 : f32
            %max3A_829 = vector.broadcast %jit3A_828 : f32 to vector<16xf32>
            %max3A_830 = arith.maximumf %max3A_829, %sub3A_827 : vector<16xf32>
            %mul3A_831 = arith.mulf %max3A_822, %max3A_830 : vector<16xf32>
            %add3A_832 = vector.broadcast %squeeze3A_569 : f32 to vector<16xf32>
            %add3A_833 = arith.addf %add3A_832, %get3A_633 : vector<16xf32>
            %sub3A_834 = arith.subf %add3A_833, %mul3A_831 : vector<16xf32>
            %add3A_835 = arith.constant 9.99999971E-10 : f32
            %add3A_836 = vector.broadcast %add3A_835 : f32 to vector<16xf32>
            %add3A_837 = arith.addf %sub3A_834, %add3A_836 : vector<16xf32>
            %div3A_838 = arith.divf %mul3A_831, %add3A_837 : vector<16xf32>
            %gt3A_839 = arith.constant 3.000000e-01 : f32
            %gt3A_840 = vector.broadcast %gt3A_839 : f32 to vector<16xf32>
            %gt3A_841 = arith.cmpf ogt, %div3A_838, %gt3A_840 : vector<16xf32>
            %jit3A_842 = arith.constant 1.000000e+00 : f32
            %broadcast_in_dim3A_843 = vector.broadcast %jit3A_842 : f32 to vector<16xf32>
            %select_n3A_844 = arith.select %gt3A_841, %broadcast_in_dim3A_843, %select_n3A_814 : vector<16xi1>, vector<16xf32>
            %min3A_845 = vector.broadcast %squeeze3A_591 : f32 to vector<16xf32>
            %min3A_846 = arith.minimumf %min3A_845, %get3A_625 : vector<16xf32>
            %max3A_847 = vector.broadcast %squeeze3A_581 : f32 to vector<16xf32>
            %max3A_848 = arith.maximumf %max3A_847, %get3A_617 : vector<16xf32>
            %sub3A_849 = arith.subf %min3A_846, %max3A_848 : vector<16xf32>
            %jit3A_850 = arith.constant 0.000000e+00 : f32
            %max3A_851 = vector.broadcast %jit3A_850 : f32 to vector<16xf32>
            %max3A_852 = arith.maximumf %max3A_851, %sub3A_849 : vector<16xf32>
            %min3A_853 = vector.broadcast %squeeze3A_596 : f32 to vector<16xf32>
            %min3A_854 = arith.minimumf %min3A_853, %get3A_629 : vector<16xf32>
            %max3A_855 = vector.broadcast %squeeze3A_586 : f32 to vector<16xf32>
            %max3A_856 = arith.maximumf %max3A_855, %get3A_621 : vector<16xf32>
            %sub3A_857 = arith.subf %min3A_854, %max3A_856 : vector<16xf32>
            %jit3A_858 = arith.constant 0.000000e+00 : f32
            %max3A_859 = vector.broadcast %jit3A_858 : f32 to vector<16xf32>
            %max3A_860 = arith.maximumf %max3A_859, %sub3A_857 : vector<16xf32>
            %mul3A_861 = arith.mulf %max3A_852, %max3A_860 : vector<16xf32>
            %add3A_862 = vector.broadcast %squeeze3A_601 : f32 to vector<16xf32>
            %add3A_863 = arith.addf %add3A_862, %get3A_633 : vector<16xf32>
            %sub3A_864 = arith.subf %add3A_863, %mul3A_861 : vector<16xf32>
            %add3A_865 = arith.constant 9.99999971E-10 : f32
            %add3A_866 = vector.broadcast %add3A_865 : f32 to vector<16xf32>
            %add3A_867 = arith.addf %sub3A_864, %add3A_866 : vector<16xf32>
            %div3A_868 = arith.divf %mul3A_861, %add3A_867 : vector<16xf32>
            %gt3A_869 = arith.constant 3.000000e-01 : f32
            %gt3A_870 = vector.broadcast %gt3A_869 : f32 to vector<16xf32>
            %gt3A_871 = arith.cmpf ogt, %div3A_868, %gt3A_870 : vector<16xf32>
            %jit3A_872 = arith.constant 1.000000e+00 : f32
            %broadcast_in_dim3A_873 = vector.broadcast %jit3A_872 : f32 to vector<16xf32>
            %select_n3A_874 = arith.select %gt3A_871, %broadcast_in_dim3A_873, %select_n3A_844 : vector<16xi1>, vector<16xf32>
            %swap3A_875 = arith.index_cast %mul3A_613 : i32 to index
            %swap3A_876 = tpu.vector_load %arg13[%swap3A_875] {strides = array<i32>} : memref<336xf32, #tpu.memory_space<vmem>>, vector<16xf32>,
            %swap3A_877 = vector.shape_cast %swap3A_876 : vector<16xf32> to vector<16xf32>
            %swap3A_878 = vector.shape_cast %select_n3A_874 : vector<16xf32> to vector<16xf32>
            tpu.vector_store %arg13[%swap3A_875], %swap3A_878 {strides = array<i32>} : memref<336xf32, #tpu.memory_space<vmem>>, vector<16xf32>,
            %scan3A_879 = arith.constant 0 : i32
            scf.yield %scan3A_879 : i32
          }
          %scan3A_608 = arith.constant 20 : i32
          %while3A_609 = arith.constant 0 : i32
          scf.yield %while3A_609 : i32
        }
      } else {
      }
      %scan3A_303 = arith.constant 0 : i32
      scf.yield %scan3A_303 : i32
    }
    %scan3A_296 = arith.constant 16 : i32
    return
  }
}

</mosaic_0001>

<sc_bundles>
// kernel: _sc_nms.3.cloned.1.call-start
scs
__scs_entry_jumppad:
0x0: {  	(pc) =	sbr.rel $0x88, $3  }
0x1: {  	(tag) =	ssettag $0x0;
	lr =	simm.s32 $0x1  }
0x2: {  	[smem:$0x3F9C] =	sst lr;
	_ =	strace $0xD0000000  }
0x3: {  	_ = 	snop  }
0x4: {  	_ = 	snop  }
0x5: {  	_ = 	snop  }
0x6: {  	_ = 	snop  }
0x7: {  	_ = 	snop  }
__scs_overlays_trampoline_lowered:
0x8: {  	[smem:$0x3FAB] =	sst s0  }
0x9: {  	[smem:$0x3FAC] =	sst s1  }
0xa: {  	[smem:$0x3FAD] =	sst s2  }
0xb: {  	[smem:$0x3FAE] =	sst s3  }
0xc: {  	[smem:$0x3FAF] =	sst s4  }
0xd: {  	[smem:$0x3FB0] =	sst s5  }
0xe: {  	[smem:$0x3FB1] =	sst s6  }
0xf: {  	[smem:$0x3FB2] =	sst s7  }
0x10: {  	[smem:$0x3FB3] =	sst s8  }
0x11: {  	[smem:$0x3FB4] =	sst s9;
	s0 =	simm.s32 @!p0 $0x0  }
0x12: {  	s1 =	sld [smem:$0x3F9A];
	s0 =	simm.s32 @p0 $0x1  }
0x13: {  	[smem:$0x3FB5] =	sst s0;
	s0 =	simm.s32 @!p1 $0x0  }
0x14: {  	s2 =	sld [smem:$0x3F99];
	s0 =	simm.s32 @p1 $0x1  }
0x15: {  	[smem:$0x3FB6] =	sst s0;
	s0 =	simm.s32 @!p2 $0x0  }
0x16: {  	s3 =	sld [smem:$0x3FDB];
	s0 =	simm.s32 @p2 $0x1  }
0x17: {  	s4 =	simm.s32 $0x1BF5;
	[smem:$0x3FB8] =	sst s0  }
0x18: {  	s0 =	sld [smem:$0x3F9B];
	_ =	swait.ge [sflag:s4], $0x0  }
0x19: {  	s7 =	sld [smem:$0x3F9C]  }
0x1a: {  	s8 =	sadd.s32 $0xFFFFE003, lr  }
0x1b: {  	s9 =	sadd.s32 $0xFFFFFEF7, lr;
	s5 =	simm.s32 $0xFFFFFFFF;
	p2 =	slt.u32 s8, $0xFFFFF086  }
0x1c: {  	p1 =	slt.u32 s9, $0xF7A;
	s5 =	simm.s32 @!p2 $0x0  }
0x1d: {  	s5 =	simm.s32 @p1 $0x1;
	p0 =	seq.s32 s7, s2  }
0x1e: {  	s7 =	smul.u32 @!p0 $0xF7A, s2;
	p2 =	seq.s32 @!p0 s5, $0x0  }
0x1f: {  	s9 =	smul.u32 $0xF7A, s1;
	s8 =	simm.s32 @!p0 $0x1BF5;
	p2 =	por !p2, p0  }
0x20: {  	[sflag:s8] =	ssyncset.s32 @!p0 $0xFFFFF086;
	s6 =	sadd.s32 @!p0 s3, s7;
	s7 =	simm.s32 @!p0 $0x108  }
0x21: {  	s3 =	sadd.s32 s3, s9;
	s6 =	sadd.s32 @!p0 $0x88, s6;
	s7 =	simm.s32 @p2 $0x1082  }
0x22: {  	[simem:s7], [sflag:s8] =	dma.local @!p0 [hbm:s6], $0xF7A  }
0x23: {  	s9 =	sor.u32 $0xD0000000, s2;
	s6 =	simm.s32 $0x108;
	_ =	swait.ge @!p0 [sflag:s8], $0x0  }
0x24: {  	s3 =	sadd.s32 $0x88, s3;
	s6 =	simm.s32 @!p1 $0x1082;
	[sflag:s4] =	ssyncset.s32 $0xFFFFF086  }
0x25: {  	[simem:s6], [sflag:s4] =	dma.local [hbm:s3], $0xF7A  }
0x26: {  	[smem:$0x3F9C] =	sst s1;
	(tag) =	ssettag s2;
	_ =	strace s9  }
0x27: {  	s1 =	sld [smem:$0x3FAC]  }
0x28: {  	s2 =	sld [smem:$0x3FAD]  }
0x29: {  	s4 =	sld [smem:$0x3FAF]  }
0x2a: {  	p0 =	seq.s32 s5, $0x0;
	s5 =	sld [smem:$0x3FB0]  }
0x2b: {  	s6 =	sld [smem:$0x3FB1]  }
0x2c: {  	s7 =	sld [smem:$0x3FB2]  }
0x2d: {  	s3 =	simm.s32 $0x108;
	s8 =	sld [smem:$0x3FB3]  }
0x2e: {  	s3 =	simm.s32 @!p0 $0x1082;
	s9 =	sld [smem:$0x3FB4]  }
0x2f: {  	lr =	sadd.s32 s0, s3;
	s0 =	sld [smem:$0x3FAB]  }
0x30: {  	s3 =	sld [smem:$0x3FAE]  }
0x31: {  	[smem:$0x3FB7] =	sst s10  }
0x32: {  	s10 =	sld [smem:$0x3FB5];
	_ =	sdelay $0x3  }
0x33: {  	p0 =	seq.s32 s10, $0x1;
	s10 =	sld [smem:$0x3FB7];
	_ =	sdelay $0x3  }
0x34: {  	[smem:$0x3FB7] =	sst s10  }
0x35: {  	s10 =	sld [smem:$0x3FB6];
	_ =	sdelay $0x3  }
0x36: {  	p1 =	seq.s32 s10, $0x1;
	s10 =	sld [smem:$0x3FB7];
	_ =	sdelay $0x3  }
0x37: {  	[smem:$0x3FB7] =	sst s10  }
0x38: {  	s10 =	sld [smem:$0x3FB8]  }
0x39: {  	_ = 	snop;
	(pc) =	sbr.ind lr, $3  }
0x3a: {  	_ = 	snop  }
0x3b: {  	_ = 	snop  }
0x3c: {  	p2 =	seq.s32 s10, $0x1;
	s10 =	sld [smem:$0x3FB7]  }
0x3d: {  	_ =	shalt  }
0x3e: {  	_ =	shalt  }
0x3f: {  	_ =	shalt  }
0x40: {  	_ =	shalt  }
0x41: {  	_ =	shalt  }
0x42: {  	_ =	shalt  }
0x43: {  	_ =	shalt  }
0x44: {  	_ =	shalt  }
0x45: {  	_ =	shalt  }
0x46: {  	_ =	shalt  }
0x47: {  	_ =	shalt  }
0x48: {  	_ =	shalt  }
0x49: {  	_ =	shalt  }
0x4a: {  	_ =	shalt  }
0x4b: {  	_ =	shalt  }
0x4c: {  	_ =	shalt  }
0x4d: {  	_ =	shalt  }
0x4e: {  	_ =	shalt  }
0x4f: {  	_ =	shalt  }
0x50: {  	_ =	shalt  }
0x51: {  	_ =	shalt  }
0x52: {  	_ =	shalt  }
0x53: {  	_ =	shalt  }
0x54: {  	_ =	shalt  }
0x55: {  	_ =	shalt  }
0x56: {  	_ =	shalt  }
0x57: {  	_ =	shalt  }
0x58: {  	_ =	shalt  }
0x59: {  	_ =	shalt  }
0x5a: {  	_ =	shalt  }
0x5b: {  	_ =	shalt  }
0x5c: {  	_ =	shalt  }
0x5d: {  	_ =	shalt  }
0x5e: {  	_ =	shalt  }
0x5f: {  	_ =	shalt  }
0x60: {  	_ =	shalt  }
0x61: {  	_ =	shalt  }
0x62: {  	_ =	shalt  }
0x63: {  	_ =	shalt  }
0x64: {  	_ =	shalt  }
0x65: {  	_ =	shalt  }
0x66: {  	_ =	shalt  }
0x67: {  	_ =	shalt  }
0x68: {  	_ =	shalt  }
0x69: {  	_ =	shalt  }
0x6a: {  	_ =	shalt  }
0x6b: {  	_ =	shalt  }
0x6c: {  	_ =	shalt  }
0x6d: {  	_ =	shalt  }
0x6e: {  	_ =	shalt  }
0x6f: {  	_ =	shalt  }
0x70: {  	_ =	shalt  }
0x71: {  	_ =	shalt  }
0x72: {  	_ =	shalt  }
0x73: {  	_ =	shalt  }
0x74: {  	_ =	shalt  }
0x75: {  	_ =	shalt  }
0x76: {  	_ =	shalt  }
0x77: {  	_ =	shalt  }
0x78: {  	_ =	shalt  }
0x79: {  	_ =	shalt  }
0x7a: {  	_ =	shalt  }
0x7b: {  	_ =	shalt  }
0x7c: {  	_ =	shalt  }
0x7d: {  	_ =	shalt  }
0x7e: {  	_ =	shalt  }
0x7f: {  	_ =	shalt  }
0x80: {  	_ =	shalt  }
0x81: {  	_ =	shalt  }
0x82: {  	_ =	shalt  }
0x83: {  	_ =	shalt  }
0x84: {  	_ =	shalt  }
0x85: {  	_ =	shalt  }
0x86: {  	_ =	shalt  }
0x87: {  	_ =	shalt  }
.Lfunc_end0:
.L_simem_size_0:
called_computation_lowered:
.L_overlay_start_0:
0x88: {  	s2 =	sld [smem:$0x3FD9]  }
0x89: {  	s3 =	sld [smem:$0x3FFE];
	_ =	sdelay $0x1  }
0x8a: {  	s1 =	srdreg.scid  }
0x8b: {  	s0 =	sand.u32 $0x1, s1  }
0x8c: {  	s18 =	sshll.u32 s0, $0xA;
	s2 =	sadd.s32 s3, s2  }
0x8d: {  	s2 =	sadd.s32 s2, s18  }
0x8e: {  	[smem:$0x3FC3] =	sst s2  }
0x8f: {  	_ = 	snop  }
0x90: {  	s2 =	sld [smem:$0x3FC9]  }
0x91: {  	s19 =	sld [smem:$0x3FC8]  }
0x92: {  	s4 =	sld [smem:$0x3FC7]  }
0x93: {  	s5 =	sld [smem:$0x3FC6]  }
0x94: {  	s6 =	sld [smem:$0x3FC5]  }
0x95: {  	s7 =	sld [smem:$0x3FD0];
	(tm) =	ssettm $0x1  }
0x96: {  	s8 =	sld [smem:$0x3FFB];
	_ =	sdelay $0x3  }
0x97: {  	_ =	strace s8  }
0x98: {  	s8 =	sld [smem:$0x3FFC];
	_ =	sdelay $0x3  }
0x99: {  	_ =	strace s8  }
0x9a: {  	s8 =	sld [smem:$0x3FFD];
	_ =	sdelay $0x3  }
0x9b: {  	_ =	strace s8  }
0x9c: {  	_ =	strace $0x8FFFFFFF  }
0x9d: {  	s20 =	sld [smem:$0x3FDB];
	_ =	sdelay $0x1  }
0x9e: {  	s9 =	simm.s32 $_scs_section_size  }
0x9f: {  	s10 =	simm.s32 $_size__tile_overlayer_lowered;
	s11 =	simm.s32 $_tile_overlayer_lowered  }
0xa0: {  	s23 =	simm.s32 $0x1BFF;
	s22 =	sshll.u32 s11, $0x1;
	s8 =	sadd.s32 s9, s20  }
0xa1: {  	s12 =	simm.s32 $0x0;
	s21 =	sshll.u32 s10, $0x1;
	s10 =	sadd.s32 s22, s8  }
0xa2: {  	[timem:s12], [sflag:s23] =	dma.local [hbm:s10], s21  }
0xa3: {  	_ =	swait.ge [sflag:s23], s21  }
0xa4: {  	s9 =	ssub.s32 $0x0, s21;
	[sflag:s23] =	ssyncset.done $0x0  }
0xa5: {  	[sflag:s23] =	ssyncadd.s32 s9;
	_ =	sdelay $0x1  }
0xa6: {  	s24 =	simm.s32 $0x1B8B  }
0xa7: {  	_ =	swait.ge [sflag:s24], $0x1  }
0xa8: {  	[sflag:s24] =	ssyncset.done $0x0  }
0xa9: {  	s25 =	simm.s32 $0x1B8E;
	[sflag:s24] =	ssyncadd.s32 $0xFFFFFFFF  }
0xaa: {  	s26 =	simm.s32 $execute0_lowered;
	[smem:$0x3FD2] =	sst s25  }
0xab: {  	s9 =	sshll.u32 s26, $0x1;
	_ =	strace $0x80000046;
	[dreg:$0x1] =	wrdreg $0xFFFFFFFF  }
0xac: {  	s28 =	simm.s32 $_size_execute0_lowered;
	s8 =	sadd.s32 s8, s9;
	[dreg:$0x0] =	wrdreg $0x0  }
0xad: {  	s9 =	sshll.u32 s28, $0x1;
	[dreg:$0x2] =	wrdreg s8  }
0xae: {  	[dreg:$0x3] =	wrdreg s9  }
0xaf: {  	[dreg:$0x4] =	wrdreg $0xC0  }
0xb0: {  	_ =	task [dreg:s12], $0x5FFFF  }
0xb1: {  	[dreg:$0x1] =	wrdreg $0xFFFFFFFF  }
0xb2: {  	[dreg:$0x0] =	wrdreg $0x60  }
0xb3: {  	[dreg:$0x2] =	wrdreg s2  }
0xb4: {  	[dreg:$0x3] =	wrdreg s19  }
0xb5: {  	[dreg:$0x4] =	wrdreg s4  }
0xb6: {  	[dreg:$0x5] =	wrdreg s5  }
0xb7: {  	[dreg:$0x6] =	wrdreg s6  }
0xb8: {  	[dreg:$0x7] =	wrdreg s7  }
0xb9: {  	[dreg:$0x8] =	wrdreg $0x6D800  }
0xba: {  	[dreg:$0x9] =	wrdreg $0x6EC00  }
0xbb: {  	[dreg:$0xa] =	wrdreg $0x9  }
0xbc: {  	_ =	task.clear_ibuf [dreg:s12], $0xBFFFF;
	_ =	strace $0x90000046  }
0xbd: {  	s29 =	simm.s32 $0x9;
	_ =	strace $0x80000048  }
0xbe: {  	_ =	swait.ge [sflag:s29], $0x1  }
0xbf: {  	[sflag:s29] =	ssyncadd.s32 $0xFFFFFFFF  }
0xc0: {  	_ =	strace $0x90000048  }
0xc1: {  	_ =	sfence  }
0xc2: {  	s30 =	sld [smem:$0x0];
	_ =	sdelay $0x2  }
0xc3: {  	s31 =	sshll.u32 s1, $0xD;
	s1 =	sshrl.u32 s1, $0x2  }
0xc4: {  	s3 =	sand.u32 $0x4000, s31;
	s1 =	sadd.s32 s1, s30  }
0xc5: {  	s0 =	sor.u32 s3, s0;
	s1 =	sshll.u32 s1, $0x11  }
0xc6: {  	s0 =	sor.u32 s1, s0  }
0xc7: {  	s0 =	sadd.s32 $0x8F2B, s0  }
0xc8: {  	[sflag:s0] =	ssyncadd.remote.s32 $0x1  }
0xc9: {  	_ =	sfence.sel $0xFFFF  }
0xca: {  	[dreg:$0x0] =	wrdreg $0xFFFFFFFF;
	(pc) =	sbr.abs _section_cstart, $3  }
0xcb: {  	[dreg:$0x1] =	wrdreg $0xFFFFFFFF  }
0xcc: {  	_ =	task.clear_ibuf [dreg:s12], $0x2FFFF;
	_ =	strace $0x9FFFFFFF  }
0xcd: {  	(tm) =	ssettm $0x7FFFFFFF  }
tec
execute0_lowered:
.L_overlay_start_1:
0x0: {  	(tag) =	ssettag $0x1  }
0x1: {  	s0 =	rddreg [dreg:$0x5]  }
0x2: {  	s6 =	rddreg [dreg:$0x6]  }
0x3: {  	s7 =	rddreg [dreg:$0x7];
	s8 =	stileid.u32  }
0x4: {  	s1 =	srdreg.scid;
	s2 =	simm.s32 $0x0;
	s9 =	smul.u32 $0x140, s8  }
0x5: {  	s1 =	sand.u32 $0x1, s1;
	[smem:$0x7FF] =	sst s2;
	s5 =	smul.u32 $0x500, s8  }
0x6: {  	s26 =	sshll.u32 s8, $0x4;
	s23 =	ssub.s32 $0x2, s1;
	_ =	strace $0x80000047  }
0x7: {  	s3 =	sshrl.u32 s23, $0x1;
	s4 =	sshrl.u32 s9, $0x3;
	s25 =	sshrl.u32 s5, $0x2;
	v63 =	vmov s9  }
0x8: {  	vm2 =	vcmask $0x3F0C;
	vm3 =	vcmask $0x3F10;
	[dreg:$0x9] =	wrdreg s9;
	s2 =	ssub.s32 s23, s3;
	s29 =	sadd.s32 $0x1480, s25;
	v29 =	vmov s25;
	[tilespmem:$0x1FFB0] =	vst v63  }
.Ltmp0:
0x9: {  	vm4 =	vcmask $0x3F14;
	vm5 =	vcmask $0x3F18;
	s0 =	sadd.s32 s0, s4;
	s5 =	sadd.s32 $0x5200, s25;
	v0 =	vmov s29;
	[tilespmem:$0x1FFC0] =	vst v29;
	(pc) =	sbr.rel .LBB2_1-.Ltmp0, $4  }
0xa: {  	vm6 =	vcmask $0x3F1C;
	vm7 =	vcmask $0x3F20;
	s28 =	sadd.s32 s25, s6;
	s30 =	sadd.s32 $0x2900, s25;
	[dreg:$0xa] =	wrdreg s0;
	v17 =	vmov s5;
	[tilespmem:$0x1FFA0] =	vst v0  }
0xb: {  	vm8 =	vcmask $0x3F24;
	vm9 =	vcmask $0x3F28;
	s31 =	sadd.s32 $0x3D80, s25;
	s24 =	smax.u32 s2, $0x1;
	[dreg:$0xc] =	wrdreg s28;
	v16 =	vmov s30;
	[tilespmem:$0x1FFD0] =	vst v17  }
0xc: {  	vm10 =	vcmask $0x3F2C;
	vm11 =	vcmask $0x3F30;
	s2 =	sadd.s32 s26, s7;
	v21 =	vmov s31;
	[dreg:$0xb] =	wrdreg s24;
	[tilespmem:$0x1FFE0] =	vst v16  }
0xd: {  	vm12 =	vcmask $0x3F34;
	vm13 =	vcmask $0x3F38;
	vm14 =	vcmask $0x3F3C;
	p0 =	sne.s32 s1, $0x0;
	s1 =	simm.s32 $0x0;
	[dreg:$0xd] =	wrdreg s2;
	[tilespmem:$0x1FFF0] =	vst v21  }
.LBB2_16:
0xe: {  	s1 =	rddreg [dreg:$0xe]  }
0xf: {  	s0 =	rddreg [dreg:$0xb];
	s1 =	sadd.s32 $0x1, s1  }
0x10: {  	p1 =	sne.s32 s1, s0  }
.Ltmp1:
0x11: {  	_ = 	snop;
	(pc) =	sbr.rel @!p1 .LBB2_17-.Ltmp1, $1  }
0x12: {  	_ =	sdelay $0x3  }
.LBB2_1:
0x13: {  	[dreg:$0xe] =	wrdreg s1  }
0x14: {  	s0 =	rddreg [dreg:$0x0];
	s23 =	simm.s32 $0x0;
	s2 =	simm.s32 $0x1  }
0x15: {  	[tilespmem:s23], [sflag:$0x1] =	stream.linear.gather [hbm4b:s0+s23], $0x1400, $0x38;
	[tilespmem:$0x6ED0] =	vst v63  }
0x16: {  	_ =	swait.ge [sflag:s2], $0x1400  }
0x17: {  	[sflag:s2] =	ssyncset.done $0x0  }
0x18: {  	[sflag:s2] =	ssyncadd.s32 $0xFFFFEC00  }
0x19: {  	s3 =	simm.s32 $0x1480;
	s24 =	rddreg [dreg:$0x1]  }
0x1a: {  	[tilespmem:s3], [sflag:$0x1] =	stream.linear.gather [hbm4b:s24+s23], $0x1400, $0x38;
	[tilespmem:$0x6ED0] =	vst v63  }
0x1b: {  	_ =	swait.ge [sflag:s2], $0x1400  }
0x1c: {  	[sflag:s2] =	ssyncset.done $0x0  }
0x1d: {  	[sflag:s2] =	ssyncadd.s32 $0xFFFFEC00  }
0x1e: {  	s26 =	simm.s32 $0x2900;
	s25 =	rddreg [dreg:$0x2]  }
0x1f: {  	[tilespmem:s26], [sflag:$0x1] =	stream.linear.gather [hbm4b:s25+s23], $0x1400, $0x38;
	[tilespmem:$0x6ED0] =	vst v63  }
0x20: {  	_ =	swait.ge [sflag:s2], $0x1400  }
0x21: {  	[sflag:s2] =	ssyncset.done $0x0  }
0x22: {  	[sflag:s2] =	ssyncadd.s32 $0xFFFFEC00  }
0x23: {  	s29 =	simm.s32 $0x3D80;
	s28 =	rddreg [dreg:$0x3]  }
0x24: {  	[tilespmem:s29], [sflag:$0x1] =	stream.linear.gather [hbm4b:s28+s23], $0x1400, $0x38;
	[tilespmem:$0x6ED0] =	vst v63  }
0x25: {  	_ =	swait.ge [sflag:s2], $0x1400  }
0x26: {  	[sflag:s2] =	ssyncset.done $0x0  }
0x27: {  	[sflag:s2] =	ssyncadd.s32 $0xFFFFEC00  }
0x28: {  	s31 =	simm.s32 $0x5200;
	s30 =	rddreg [dreg:$0x4]  }
0x29: {  	[tilespmem:s31], [sflag:$0x1] =	stream.linear.gather [hbm4b:s30+s23], $0x1400, $0x38;
	[tilespmem:$0x6ED0] =	vst v63  }
0x2a: {  	_ =	swait.ge [sflag:s2], $0x1400  }
0x2b: {  	[sflag:s2] =	ssyncset.done $0x0  }
0x2c: {  	v0 =	vimm.f32 $0.0e+00;
	[sflag:s2] =	ssyncadd.s32 $0xFFFFEC00  }
0x2d: {  	[tilespmem:$0x1400] =	vst v0  }
0x2e: {  	[tilespmem:$0x2880] =	vst v0  }
0x2f: {  	[tilespmem:$0x3D00] =	vst v0  }
0x30: {  	[tilespmem:$0x5180] =	vst v0  }
0x31: {  	[tilespmem:$0x6600] =	vst v0  }
0x32: {  	[tilespmem:$0x6680] =	vst v0  }
0x33: {  	[tilespmem:$0x6690] =	vst v0  }
0x34: {  	[tilespmem:$0x66A0] =	vst v0  }
0x35: {  	[tilespmem:$0x66B0] =	vst v0  }
0x36: {  	[tilespmem:$0x66C0] =	vst v0  }
0x37: {  	[tilespmem:$0x66D0] =	vst v0  }
0x38: {  	[tilespmem:$0x66E0] =	vst v0  }
0x39: {  	[tilespmem:$0x66F0] =	vst v0  }
0x3a: {  	[tilespmem:$0x6700] =	vst v0  }
0x3b: {  	[tilespmem:$0x6710] =	vst v0  }
0x3c: {  	[tilespmem:$0x6720] =	vst v0  }
0x3d: {  	[tilespmem:$0x6730] =	vst v0  }
0x3e: {  	[tilespmem:$0x6740] =	vst v0  }
0x3f: {  	[tilespmem:$0x6750] =	vst v0  }
0x40: {  	[tilespmem:$0x6760] =	vst v0  }
0x41: {  	[tilespmem:$0x6770] =	vst v0  }
0x42: {  	[tilespmem:$0x6780] =	vst v0  }
0x43: {  	[tilespmem:$0x6790] =	vst v0  }
0x44: {  	[tilespmem:$0x67A0] =	vst v0  }
0x45: {  	[tilespmem:$0x67B0] =	vst v0  }
0x46: {  	v63 =	vimm.s32 $0x1400;
	[tilespmem:$0x67C0] =	vst v0  }
0x47: {  	[tilespmem:$0x6980] =	vst v63  }
0x48: {  	[tilespmem:$0x6B00] =	vst v63  }
0x49: {  	[tilespmem:$0x6990] =	vst v63  }
0x4a: {  	[tilespmem:$0x6B10] =	vst v63  }
0x4b: {  	[tilespmem:$0x69A0] =	vst v63  }
0x4c: {  	[tilespmem:$0x6B20] =	vst v63  }
0x4d: {  	[tilespmem:$0x69B0] =	vst v63  }
0x4e: {  	[tilespmem:$0x6B30] =	vst v63  }
0x4f: {  	[tilespmem:$0x69C0] =	vst v63  }
0x50: {  	[tilespmem:$0x6B40] =	vst v63  }
0x51: {  	[tilespmem:$0x69D0] =	vst v63  }
0x52: {  	[tilespmem:$0x6B50] =	vst v63  }
0x53: {  	[tilespmem:$0x69E0] =	vst v63  }
0x54: {  	[tilespmem:$0x6B60] =	vst v63  }
0x55: {  	[tilespmem:$0x69F0] =	vst v63  }
0x56: {  	[tilespmem:$0x6B70] =	vst v63  }
0x57: {  	[tilespmem:$0x6A00] =	vst v63  }
0x58: {  	[tilespmem:$0x6B80] =	vst v63  }
0x59: {  	[tilespmem:$0x6A10] =	vst v63  }
0x5a: {  	[tilespmem:$0x6B90] =	vst v63  }
0x5b: {  	[tilespmem:$0x6A20] =	vst v63  }
0x5c: {  	[tilespmem:$0x6BA0] =	vst v63  }
0x5d: {  	[tilespmem:$0x6A30] =	vst v63  }
0x5e: {  	[tilespmem:$0x6BB0] =	vst v63  }
0x5f: {  	[tilespmem:$0x6A40] =	vst v63  }
0x60: {  	[tilespmem:$0x6BC0] =	vst v63  }
0x61: {  	[tilespmem:$0x6A50] =	vst v63  }
0x62: {  	[tilespmem:$0x6BD0] =	vst v63  }
0x63: {  	[tilespmem:$0x6A60] =	vst v63  }
0x64: {  	[tilespmem:$0x6BE0] =	vst v63  }
0x65: {  	[tilespmem:$0x6A70] =	vst v63  }
0x66: {  	[tilespmem:$0x6BF0] =	vst v63  }
0x67: {  	[tilespmem:$0x6A80] =	vst v63  }
0x68: {  	[tilespmem:$0x6C00] =	vst v63  }
0x69: {  	[tilespmem:$0x6A90] =	vst v63  }
0x6a: {  	[tilespmem:$0x6C10] =	vst v63  }
0x6b: {  	[tilespmem:$0x6AA0] =	vst v63  }
0x6c: {  	[tilespmem:$0x6C20] =	vst v63  }
0x6d: {  	[tilespmem:$0x6AB0] =	vst v63  }
0x6e: {  	[tilespmem:$0x6C30] =	vst v63  }
0x6f: {  	[tilespmem:$0x6AC0] =	vst v63  }
.Ltmp2:
0x70: {  	[tilespmem:$0x6C40] =	vst v63;
	(pc) =	sbr.rel .LBB2_2-.Ltmp2, $4  }
0x71: {  	[tilespmem:$0x6AD0] =	vst v63  }
0x72: {  	[tilespmem:$0x6C50] =	vst v63  }
0x73: {  	[tilespmem:$0x6AE0] =	vst v63  }
0x74: {  	s4 =	simm.s32 $0x0;
	[tilespmem:$0x6C60] =	vst v63  }
.LBB2_15:
0x75: {  	s4 =	sadd.s32 $0x1, s4  }
0x76: {  	p1 =	sne.s32 s4, $0x10  }
.Ltmp3:
0x77: {  	_ = 	snop;
	(pc) =	sbr.rel @!p1 .LBB2_16-.Ltmp3, $1  }
0x78: {  	_ =	sdelay $0x3  }
.LBB2_2:
0x79: {  	p1 =	seq.s32 s8, s4  }
.Ltmp4:
0x7a: {  	_ = 	snop;
	(pc) =	sbr.rel @!p1 .LBB2_11-.Ltmp4, $1  }
0x7b: {  	_ =	sdelay $0x3  }
.Ltmp5:
0x7c: {  	(pc) =	sbr.rel .LBB2_5-.Ltmp5, $3  }
0x7d: {  	_ =	sdelay $0x1  }
0x7e: {  	[dreg:$0xf] =	wrdreg s4;
	s28 =	simm.s32 $0x0  }
0x7f: {  	s24 =	simm.s32 $0x13;
	s0 =	simm.s32 $0x40;
	s26 =	simm.s32 $0x0  }
.LBB2_4:
0x80: {  	s26 =	sadd.s32 $0x1, s26  }
0x81: {  	p1 =	seq.s32 s26, $0x14  }
.Ltmp6:
0x82: {  	_ = 	snop;
	(pc) =	sbr.rel @p1 .LBB2_10-.Ltmp6, $2  }
0x83: {  	_ =	sdelay $0x2  }
0x84: {  	s24 =	sadd.s32 $0xFFFFFFFF, s24;
	s0 =	sadd.s32 $0x40, s0  }
.LBB2_5:
0x85: {  	v0 =	vld [tilespmem:$0x1FFB0];
	_ =	sdelay $0x6  }
0x86: {  	s29 =	sshll.u32 s26, $0x4  }
0x87: {  	v26 =	vld.idx.msk [tilespmem:v0+s29+$0x0 ss:$0x1], $0xffff  }
0x88: {  	v25 =	vld.idx.msk [tilespmem:v0+s29+$0x1480 ss:$0x1], $0xffff  }
0x89: {  	v28 =	vld.idx.msk [tilespmem:v0+s29+$0x2900 ss:$0x1], $0xffff  }
0x8a: {  	v27 =	vld.idx.msk [tilespmem:v0+s29+$0x3D80 ss:$0x1], $0xffff  }
0x8b: {  	v24 =	vld.idx.msk [tilespmem:v0+s29+$0x5200 ss:$0x1], $0xffff;
	_ =	sdelay $0x2  }
0x8c: {  	v10 =	vbroadcast v28, $0x0;
	v1 =	vbroadcast v26, $0x0  }
0x8d: {  	v2 =	vbroadcast v27, $0x0;
	v3 =	vbroadcast v25, $0x0  }
0x8e: {  	v12 =	vbroadcast v24, $0x0;
	v14 =	vbroadcast v28, $0x1  }
0x8f: {  	v32 =	vbroadcast v26, $0x1;
	v4 =	vbroadcast v27, $0x1  }
0x90: {  	v5 =	vbroadcast v25, $0x1;
	v34 =	vbroadcast v24, $0x1  }
0x91: {  	v38 =	vbroadcast v28, $0x2;
	v39 =	vbroadcast v26, $0x2  }
0x92: {  	v29 =	vld [tilespmem:s29+$0x6680];
	v41 =	vbroadcast v27, $0x2;
	v6 =	vbroadcast v25, $0x2  }
0x93: {  	v46 =	vbroadcast v24, $0x2;
	v51 =	vbroadcast v28, $0x3  }
0x94: {  	v44 =	vimm.s32 $0x0;
	v52 =	vbroadcast v26, $0x3;
	v53 =	vbroadcast v27, $0x3  }
0x95: {  	vm0 =	vcmask $0x3F04;
	v54 =	vbroadcast v25, $0x3;
	v58 =	vbroadcast v24, $0x3  }
0x96: {  	v50 =	vimm.s32 $0x1;
	v59 =	vbroadcast v28, $0x4;
	v60 =	vbroadcast v26, $0x4  }
0x97: {  	(v2sf) =	vpush v29, $0x0;
	v7 =	vbroadcast v27, $0x4;
	v8 =	vbroadcast v25, $0x4  }
0x98: {  	v15 =	vbroadcast v24, $0x9;
	v0 =	vmin.f32 v10, v28;
	v1 =	vmax.f32 v1, v26  }
0x99: {  	v2 =	vmin.f32 v2, v27;
	v3 =	vmax.f32 v3, v25;
	v13 =	vadd.f32 v12, v24  }
0x9a: {  	v4 =	vmin.f32 v4, v27;
	v0 =	vsub.f32 v0, v1;
	v11 =	vsub.f32 v2, v3  }
0x9b: {  	v5 =	vmax.f32 v5, v25;
	v37 =	vadd.f32 v34, v24;
	v42 =	vmin.f32 v41, v27  }
0x9c: {  	v43 =	vmax.f32 v6, v25;
	v0 =	vmax.f32 v0, $0.0e+00;
	v1 =	vmax.f32 v11, $0.0e+00  }
0x9d: {  	v6 =	vperm.xlane v29, v44;
	v55 =	vmin.f32 v51, v28;
	v0 =	vmul.f32 v1, v0  }
0x9e: {  	v56 =	vmax.f32 v52, v26;
	v57 =	vmax.f32 v54, v25;
	v61 =	vadd.f32 v58, v24  }
0x9f: {  	v2 =	vmin.f32 v14, v28;
	v3 =	vmax.f32 v32, v26;
	v1 =	vsub.f32 v13, v0  }
0xa0: {  	v62 =	vmin.f32 v59, v28;
	v33 =	vsub.f32 v4, v5;
	v2 =	vsub.f32 v2, v3  }
0xa1: {  	v63 =	vmax.f32 v60, v26;
	v10 =	vmin.f32 v7, v27;
	v1 =	vadd.f32 $9.999999710e-10, v1  }
0xa2: {  	v34 =	vbroadcast v28, $0x5;
	v36 =	vmax.f32 v33, $0.0e+00;
	v35 =	vmax.f32 v2, $0.0e+00  }
0xa3: {  	v51 =	vimm.s32 $0x3;
	(erf) = vrcp.f32 v1;
	v1 =	vmul.f32 v36, v35  }
0xa4: {  	v52 =	vbroadcast v24, $0x6;
	v58 =	vbroadcast v27, $0x7;
	v45 =	vsub.f32 v42, v43  }
0xa5: {  	v14 =	vbroadcast v24, $0x4;
	v42 =	vimm.s32 $0x2;
	v2 =	vsub.f32 v37, v1  }
0xa6: {  	v43 =	vbroadcast v24, $0x5;
	v3 =	vmax.f32 v39, v26;
	v11 =	vmax.f32 v8, v25  }
0xa7: {  	v12 =	vsub.f32 v10, v11;
	v11 =	vbroadcast v25, $0x7;
	v2 =	vadd.f32 $9.999999710e-10, v2  }
0xa8: {  	v47 =	vsub.f32 $1.000000000e+00, v6;
	v33 =	vadd.f32 v14, v24;
	v35 =	vbroadcast v26, $0x5  }
0xa9: {  	v4 =	vmax.f32 v12, $0.0e+00;
	v11 =	vmax.f32 v11, v25;
	(erf) = vrcp.f32 v2  }
0xaa: {  	v36 =	vbroadcast v27, $0x5;
	v37 =	vbroadcast v25, $0x5;
	v39 =	vmax.f32 v35, v26  }
0xab: {  	v35 =	vbroadcast v26, $0x8;
	v2 =	vmin.f32 v38, v28;
	v38 =	vmin.f32 v34, v28  }
0xac: {  	v34 =	vbroadcast v28, $0x8;
	v2 =	vsub.f32 v2, v3;
	v3 =	vmax.f32 v45, $0.0e+00;
	v40 =	vpop (erf)  }
0xad: {  	v41 =	vsub.f32 v38, v39;
	v45 =	vadd.f32 v43, v24;
	v0 =	vmul.f32 v40, v0  }
0xae: {  	v38 =	vbroadcast v25, $0x8;
	v43 =	vbroadcast v24, $0x8;
	v2 =	vmax.f32 v2, $0.0e+00  }
0xaf: {  	v40 =	vmax.f32 v37, v25;
	v37 =	vbroadcast v27, $0x8;
	vm15 =	vgt.f32 v0, $3.000000120e-01  }
0xb0: {  	v2 =	vmul.f32 v3, v2;
	v0 =	vadd.f32 v46, v24;
	vm15 =	vmand vm15, vm0  }
0xb1: {  	v46 =	vbroadcast v28, $0x6;
	v39 =	vmin.f32 v37, v27;
	v48 =	vnsel vm15, $0x0, v47  }
0xb2: {  	v0 =	vsub.f32 v0, v2;
	v47 =	vbroadcast v26, $0x6;
	v30 =	vmax.f32 v29, v48;
	v49 =	vpop (erf)  }
0xb3: {  	vm0 =	vcmask $0x3F08;
	v1 =	vmul.f32 v49, v1;
	v3 =	vperm.xlane v30, v50  }
0xb4: {  	v0 =	vadd.f32 $9.999999710e-10, v0;
	v49 =	vbroadcast v27, $0x6;
	v50 =	vbroadcast v25, $0x6  }
0xb5: {  	v6 =	vmax.f32 v47, v26;
	(v2sf) =	vpush v30, $0x1;
	vm15 =	vgt.f32 v1, $3.000000120e-01  }
0xb6: {  	(erf) = vrcp.f32 v0;
	v0 =	vsub.f32 v55, v56;
	v1 =	vmin.f32 v53, v27  }
0xb7: {  	v3 =	vsub.f32 $1.000000000e+00, v3;
	v8 =	vmax.f32 v50, v25;
	v1 =	vsub.f32 v1, v57  }
0xb8: {  	v53 =	vadd.f32 v52, v24;
	v55 =	vbroadcast v28, $0x7;
	v56 =	vbroadcast v26, $0x7  }
0xb9: {  	v50 =	vbroadcast v26, $0x9;
	v0 =	vmax.f32 v0, $0.0e+00;
	v1 =	vmax.f32 v1, $0.0e+00  }
0xba: {  	vm15 =	vmand vm15, vm0;
	v9 =	vmul.f32 v1, v0;
	v1 =	vsub.f32 v62, v63  }
0xbb: {  	v3 =	vnsel vm15, $0x0, v3;
	v59 =	vmin.f32 v55, v28;
	v52 =	vmax.f32 v50, v26  }
0xbc: {  	v63 =	vbroadcast v24, $0x7;
	v0 =	vsub.f32 v61, v9;
	v1 =	vmax.f32 v1, $0.0e+00  }
0xbd: {  	v55 =	vbroadcast v28, $0xA;
	v62 =	vimm.s32 $0x4;
	v4 =	vmul.f32 v4, v1  }
0xbe: {  	v12 =	vadd.f32 v63, v24;
	v63 =	vbroadcast v28, $0xB;
	v32 =	vadd.f32 $9.999999710e-10, v0  }
0xbf: {  	v0 =	vmax.f32 v30, v3;
	v3 =	vmin.f32 v36, v27;
	v1 =	vsub.f32 v33, v4  }
0xc0: {  	v13 =	vpop (erf);
	v3 =	vsub.f32 v3, v40;
	v5 =	vperm.xlane v0, v42;
	v40 =	vmax.f32 v38, v25  }
0xc1: {  	v38 =	vbroadcast v24, $0xB;
	(v2sf) =	vpush v0, $0x2;
	v2 =	vmul.f32 v13, v2  }
0xc2: {  	(erf) = vrcp.f32 v32;
	v32 =	vimm.s32 $0x5;
	v42 =	vsub.f32 v39, v40  }
0xc3: {  	v39 =	vbroadcast v28, $0xC;
	v40 =	vbroadcast v26, $0xC;
	v1 =	vadd.f32 $9.999999710e-10, v1  }
0xc4: {  	v3 =	vmax.f32 v3, $0.0e+00;
	v5 =	vsub.f32 $1.000000000e+00, v5;
	vm15 =	vgt.f32 v2, $3.000000120e-01  }
0xc5: {  	v2 =	vmax.f32 v41, $0.0e+00;
	v41 =	vimm.s32 $0x6;
	vm15 =	vmand vm15, vm2  }
0xc6: {  	(erf) = vrcp.f32 v1;
	v44 =	vmul.f32 v3, v2;
	v3 =	vmin.f32 v46, v28  }
0xc7: {  	v48 =	vnsel vm15, $0x0, v5;
	v5 =	vmin.f32 v49, v27;
	v3 =	vsub.f32 v3, v6  }
0xc8: {  	v49 =	vbroadcast v28, $0x9;
	v1 =	vmax.f32 v0, v48;
	v2 =	vsub.f32 v45, v44  }
0xc9: {  	v5 =	vsub.f32 v5, v8;
	v8 =	vmax.f32 v56, v26;
	v45 =	vadd.f32 v43, v24  }
0xca: {  	v48 =	vimm.s32 $0x7;
	v56 =	vbroadcast v26, $0xA;
	v6 =	vperm.xlane v1, v51  }
0xcb: {  	v3 =	vmax.f32 v3, $0.0e+00;
	v60 =	vsub.f32 v59, v8;
	v51 =	vmin.f32 v49, v28;
	v10 =	vpop (erf)  }
0xcc: {  	v2 =	vadd.f32 $9.999999710e-10, v2;
	v5 =	vmax.f32 v5, $0.0e+00;
	v9 =	vmul.f32 v10, v9  }
0xcd: {  	(v2sf) =	vpush v1, $0x3;
	v5 =	vmul.f32 v5, v3;
	v6 =	vsub.f32 $1.000000000e+00, v6  }
0xce: {  	(erf) = vrcp.f32 v2;
	v10 =	vmin.f32 v58, v27;
	vm15 =	vgt.f32 v9, $3.000000120e-01  }
0xcf: {  	v54 =	vsub.f32 v53, v5;
	v61 =	vsub.f32 v10, v11;
	v57 =	vpop (erf);
	vm15 =	vmand vm15, vm3  }
0xd0: {  	v10 =	vmax.f32 v60, $0.0e+00;
	v4 =	vmul.f32 v57, v4;
	v6 =	vnsel vm15, $0x0, v6  }
0xd1: {  	v60 =	vbroadcast v24, $0xA;
	v11 =	vmax.f32 v61, $0.0e+00;
	v3 =	vmax.f32 v1, v6  }
0xd2: {  	vm15 =	vgt.f32 v4, $3.000000120e-01;
	v6 =	vmul.f32 v11, v10;
	v4 =	vperm.xlane v3, v62  }
0xd3: {  	v2 =	vadd.f32 $9.999999710e-10, v54;
	v57 =	vbroadcast v27, $0xA;
	v61 =	vadd.f32 v15, v24  }
0xd4: {  	v15 =	vbroadcast v25, $0xB;
	v13 =	vsub.f32 v12, v6;
	v4 =	vsub.f32 $1.000000000e+00, v4  }
0xd5: {  	(erf) = vrcp.f32 v2;
	vm15 =	vmand vm15, vm4;
	v12 =	vbroadcast v27, $0x9  }
0xd6: {  	v15 =	vmax.f32 v15, v25;
	v8 =	vadd.f32 $9.999999710e-10, v13;
	v4 =	vnsel vm15, $0x0, v4  }
0xd7: {  	v14 =	vpop (erf);
	v13 =	vbroadcast v25, $0x9;
	v53 =	vmin.f32 v12, v27;
	v2 =	vmax.f32 v3, v4  }
0xd8: {  	v12 =	vmax.f32 v56, v26;
	v4 =	vmul.f32 v14, v44;
	v7 =	vperm.xlane v2, v32  }
0xd9: {  	(erf) = vrcp.f32 v8;
	v8 =	vmax.f32 v35, v26;
	v54 =	vmax.f32 v13, v25  }
0xda: {  	v14 =	vbroadcast v25, $0xA;
	v33 =	vsub.f32 $1.000000000e+00, v7;
	v7 =	vmin.f32 v34, v28  }
0xdb: {  	v13 =	vmin.f32 v57, v27;
	v35 =	vimm.s32 $0x8;
	v7 =	vsub.f32 v7, v8  }
0xdc: {  	v57 =	vbroadcast v24, $0xD;
	v10 =	vsub.f32 v53, v54;
	v32 =	vbroadcast v26, $0xB  }
0xdd: {  	v53 =	vbroadcast v26, $0xD;
	v8 =	vmax.f32 v42, $0.0e+00;
	v7 =	vmax.f32 v7, $0.0e+00  }
0xde: {  	v54 =	vbroadcast v27, $0xD;
	vm15 =	vgt.f32 v4, $3.000000120e-01;
	v36 =	vpop (erf);
	v7 =	vmul.f32 v8, v7  }
0xdf: {  	v14 =	vmax.f32 v14, v25;
	vm15 =	vmand vm15, vm5;
	v5 =	vmul.f32 v36, v5  }
0xe0: {  	v10 =	vmax.f32 v10, $0.0e+00;
	v58 =	vsub.f32 v13, v14;
	v8 =	vsub.f32 v45, v7  }
0xe1: {  	v13 =	vmax.f32 v32, v26;
	v4 =	vnsel vm15, $0x0, v33;
	v33 =	vbroadcast v27, $0xB  }
0xe2: {  	vm15 =	vgt.f32 v5, $3.000000120e-01;
	v4 =	vmax.f32 v2, v4;
	v8 =	vadd.f32 $9.999999710e-10, v8  }
0xe3: {  	vm15 =	vmand vm15, vm6;
	v11 =	vperm.xlane v4, v41;
	v14 =	vmin.f32 v33, v27  }
0xe4: {  	v41 =	vbroadcast v27, $0xC;
	(erf) = vrcp.f32 v8;
	v8 =	vsub.f32 v51, v52  }
0xe5: {  	v34 =	vsub.f32 v14, v15;
	v15 =	vbroadcast v25, $0xC;
	v44 =	vsub.f32 $1.000000000e+00, v11  }
0xe6: {  	v47 =	vpop (erf);
	v11 =	vmin.f32 v55, v28;
	v55 =	vbroadcast v25, $0xD;
	v8 =	vmax.f32 v8, $0.0e+00  }
0xe7: {  	v6 =	vmul.f32 v47, v6;
	v11 =	vsub.f32 v11, v12;
	v59 =	vmul.f32 v10, v8  }
0xe8: {  	v12 =	vmax.f32 v58, $0.0e+00;
	v37 =	vmax.f32 v34, $0.0e+00;
	v15 =	vmax.f32 v15, v25  }
0xe9: {  	v46 =	vnsel vm15, $0x0, v44;
	v11 =	vmax.f32 v11, $0.0e+00;
	v10 =	vsub.f32 v61, v59  }
0xea: {  	v5 =	vmax.f32 v4, v46;
	v11 =	vmul.f32 v12, v11;
	v8 =	vadd.f32 v60, v24  }
0xeb: {  	v9 =	vperm.xlane v5, v48;
	v12 =	vmin.f32 v63, v28;
	v10 =	vadd.f32 $9.999999710e-10, v10  }
0xec: {  	vm15 =	vgt.f32 v6, $3.000000120e-01;
	v12 =	vsub.f32 v12, v13;
	v8 =	vsub.f32 v8, v11  }
0xed: {  	vm15 =	vmand vm15, vm7;
	v9 =	vsub.f32 $1.000000000e+00, v9;
	(erf) = vrcp.f32 v10  }
0xee: {  	v13 =	vmax.f32 v40, v26;
	v36 =	vmax.f32 v12, $0.0e+00;
	v8 =	vadd.f32 $9.999999710e-10, v8;
	v62 =	vpop (erf)  }
0xef: {  	v12 =	vmin.f32 v39, v28;
	v9 =	vnsel vm15, $0x0, v9;
	v7 =	vmul.f32 v62, v7  }
0xf0: {  	v12 =	vsub.f32 v12, v13;
	v9 =	vmax.f32 v5, v9;
	(erf) = vrcp.f32 v8  }
0xf1: {  	v14 =	vperm.xlane v9, v35;
	vm15 =	vgt.f32 v7, $3.000000120e-01;
	v7 =	vmin.f32 v41, v27  }
0xf2: {  	v10 =	vadd.f32 v38, v24;
	v8 =	vmul.f32 v37, v36;
	v7 =	vsub.f32 v7, v15  }
0xf3: {  	v12 =	vmax.f32 v12, $0.0e+00;
	v14 =	vsub.f32 $1.000000000e+00, v14;
	v15 =	vbroadcast v24, $0xC  }
0xf4: {  	v10 =	vsub.f32 v10, v8;
	vm15 =	vmand vm15, vm8;
	v7 =	vmax.f32 v7, $0.0e+00  }
0xf5: {  	v42 =	vnsel vm15, $0x0, v14;
	v45 =	vadd.f32 v15, v24;
	v7 =	vmul.f32 v7, v12  }
0xf6: {  	v44 =	vimm.s32 $0x9;
	v10 =	vadd.f32 $9.999999710e-10, v10;
	v13 =	vmax.f32 v9, v42;
	v43 =	vpop (erf)  }
0xf7: {  	v12 =	vperm.xlane v13, v44;
	v47 =	vsub.f32 v45, v7;
	v6 =	vmul.f32 v43, v59  }
0xf8: {  	(v2sf) =	vpush v3, $0x4;
	v52 =	vbroadcast v28, $0xD;
	(erf) = vrcp.f32 v10  }
0xf9: {  	v46 =	vsub.f32 $1.000000000e+00, v12;
	v48 =	vpop (erf);
	v10 =	vadd.f32 $9.999999710e-10, v47;
	vm15 =	vgt.f32 v6, $3.000000120e-01  }
0xfa: {  	v3 =	vmin.f32 v52, v28;
	v50 =	vmul.f32 v48, v11;
	vm15 =	vmand vm15, vm9  }
0xfb: {  	v11 =	vmax.f32 v55, v25;
	(erf) = vrcp.f32 v10;
	v6 =	vnsel vm15, $0x0, v46  }
0xfc: {  	v10 =	vmax.f32 v53, v26;
	v49 =	vmax.f32 v13, v6;
	v6 =	vmin.f32 v54, v27  }
0xfd: {  	v51 =	vimm.s32 $0xA;
	v3 =	vsub.f32 v3, v10;
	v6 =	vsub.f32 v6, v11  }
0xfe: {  	(v2sf) =	vpush v2, $0x5;
	v1 =	vperm.xlane v49, v51  }
0xff: {  	v60 =	vadd.f32 v57, v24;
	v3 =	vmax.f32 v3, $0.0e+00;
	v6 =	vmax.f32 v6, $0.0e+00  }
0x100: {  	vm15 =	vgt.f32 v50, $3.000000120e-01;
	v1 =	vsub.f32 $1.000000000e+00, v1;
	v59 =	vmul.f32 v6, v3  }
0x101: {  	(v2sf) =	vpush v4, $0x6;
	v33 =	vbroadcast v24, $0xE;
	vm15 =	vmand vm15, vm10  }
0x102: {  	(v2sf) =	vpush v5, $0x7;
	v1 =	vnsel vm15, $0x0, v1;
	v3 =	vsub.f32 v60, v59  }
0x103: {  	v58 =	vimm.s32 $0xB;
	(v2sf) =	vpush v9, $0x8;
	v56 =	vpop (erf);
	v1 =	vmax.f32 v49, v1  }
0x104: {  	v8 =	vmul.f32 v56, v8;
	v11 =	vperm.xlane v1, v58;
	v3 =	vadd.f32 $9.999999710e-10, v3  }
0x105: {  	v63 =	vimm.s32 $0xC;
	(v2sf) =	vpush v13, $0x9;
	v12 =	vbroadcast v27, $0xE  }
0x106: {  	vm15 =	vgt.f32 v8, $3.000000120e-01;
	v61 =	vsub.f32 $1.000000000e+00, v11;
	(erf) = vrcp.f32 v3  }
0x107: {  	v14 =	vmin.f32 v12, v27;
	v10 =	vbroadcast v28, $0xE;
	vm15 =	vmand vm15, vm11  }
0x108: {  	v13 =	vbroadcast v25, $0xE;
	v62 =	vpop (erf);
	v11 =	vbroadcast v26, $0xE;
	v4 =	vnsel vm15, $0x0, v61  }
0x109: {  	(v2sf) =	vpush v49, $0xA;
	v5 =	vmul.f32 v62, v7;
	v4 =	vmax.f32 v1, v4  }
0x10a: {  	v3 =	vmax.f32 v11, v26;
	v26 =	vmax.f32 v13, v25;
	v6 =	vperm.xlane v4, v63  }
0x10b: {  	(v2sf) =	vpush v1, $0xB;
	v1 =	vmin.f32 v10, v28;
	v32 =	vsub.f32 v14, v26  }
0x10c: {  	vm15 =	vgt.f32 v5, $3.000000120e-01;
	v1 =	vsub.f32 v1, v3;
	v9 =	vsub.f32 $1.000000000e+00, v6  }
0x10d: {  	v35 =	vadd.f32 v33, v24;
	vm15 =	vmand vm15, vm12  }
0x10e: {  	v3 =	vmax.f32 v32, $0.0e+00;
	v1 =	vmax.f32 v1, $0.0e+00;
	v0 =	vnsel vm15, $0x0, v9  }
0x10f: {  	v36 =	vimm.s32 $0xD;
	v1 =	vmul.f32 v3, v1;
	v0 =	vmax.f32 v4, v0;
	v34 =	vpop (erf)  }
0x110: {  	(v2sf) =	vpush v4, $0xC;
	v4 =	vperm.xlane v0, v36;
	v2 =	vmul.f32 v34, v59  }
0x111: {  	v3 =	vsub.f32 v35, v1  }
0x112: {  	v37 =	vsub.f32 $1.000000000e+00, v4;
	vm15 =	vgt.f32 v2, $3.000000120e-01  }
0x113: {  	v3 =	vadd.f32 $9.999999710e-10, v3;
	vm15 =	vmand vm15, vm13  }
0x114: {  	v2 =	vnsel vm15, $0x0, v37  }
0x115: {  	s22 =	rddreg [dreg:$0x9];
	(v2sf) =	vpush v0, $0xD;
	(erf) = vrcp.f32 v3;
	v0 =	vmax.f32 v0, v2  }
0x116: {  	s5 =	smov.u32 s28;
	s25 =	sadd.s32 s22, s29;
	s2 =	spop (v2sf);
	(v2sf) =	vpush v0, $0xE  }
0x117: {  	s17 =	simm.s32 $0x1;
	s23 =	simm.s32 $0x1;
	s22 =	smov.u32 s25  }
0x118: {  	s20 =	sor.u32 $0x1, s25;
	p1 =	seq.f32 s2, $0.0e+00;
	s6 =	spop (v2sf)  }
0x119: {  	s21 =	sor.u32 $0x2, s25;
	s2 =	simm.s32 $0x1;
	s7 =	spop (v2sf)  }
0x11a: {  	s2 =	simm.s32 @!p1 $0x0;
	s22 =	simm.s32 @!p1 $0x1400;
	s11 =	spop (v2sf)  }
0x11b: {  	s28 =	sadd.s32 s2, s28;
	p2 =	seq.f32 s6, $0.0e+00;
	s12 =	spop (v2sf)  }
0x11c: {  	s2 =	simm.s32 $0x1;
	s6 =	sor.u32 $0x3, s25;
	s13 =	spop (v2sf)  }
0x11d: {  	s2 =	simm.s32 @!p2 $0x0;
	s20 =	simm.s32 @!p2 $0x1400;
	s14 =	spop (v2sf)  }
0x11e: {  	s30 =	sadd.s32 s2, s28;
	p1 =	seq.f32 s7, $0.0e+00;
	v39 =	vimm.s32 $0xE;
	s9 =	spop (v2sf);
	v38 =	vpop (erf)  }
0x11f: {  	s2 =	simm.s32 $0x1;
	s7 =	sor.u32 $0x4, s25;
	s8 =	spop (v2sf);
	v2 =	vperm.xlane v0, v39;
	v1 =	vmul.f32 v38, v1  }
0x120: {  	s2 =	simm.s32 @!p1 $0x0;
	s21 =	simm.s32 @!p1 $0x1400;
	s3 =	spop (v2sf)  }
0x121: {  	s31 =	sadd.s32 s2, s30;
	p2 =	seq.f32 s11, $0.0e+00;
	s18 =	spop (v2sf);
	v40 =	vsub.f32 $1.000000000e+00, v2;
	vm15 =	vgt.f32 v1, $3.000000120e-01  }
0x122: {  	s2 =	simm.s32 $0x1;
	p1 =	seq.f32 s12, $0.0e+00;
	s1 =	spop (v2sf);
	vm15 =	vmand vm15, vm14  }
0x123: {  	s11 =	simm.s32 $0x1;
	s2 =	simm.s32 @!p2 $0x0;
	s19 =	spop (v2sf);
	v1 =	vnsel vm15, $0x0, v40  }
0x124: {  	s16 =	sadd.s32 s2, s31;
	s7 =	simm.s32 @!p1 $0x1400;
	s4 =	spop (v2sf);
	v0 =	vmax.f32 v0, v1  }
0x125: {  	s11 =	simm.s32 @!p1 $0x0;
	p1 =	seq.f32 s13, $0.0e+00;
	s15 =	spop (v2sf);
	(v2sf) =	vpush v0, $0xF  }
0x126: {  	s6 =	simm.s32 @!p2 $0x1400;
	s2 =	sadd.s32 s11, s16;
	s11 =	simm.s32 $0x1  }
0x127: {  	s13 =	sor.u32 $0x5, s25;
	s11 =	simm.s32 @!p1 $0x0;
	p2 =	seq.f32 s14, $0.0e+00  }
0x128: {  	s10 =	sor.u32 $0x8, s25;
	s13 =	simm.s32 @!p1 $0x1400;
	s12 =	sadd.s32 s11, s2  }
0x129: {  	s11 =	sor.u32 $0x7, s25;
	s14 =	sor.u32 $0x6, s25;
	s17 =	simm.s32 @!p2 $0x0  }
0x12a: {  	s14 =	simm.s32 @!p2 $0x1400;
	v41 =	vmov s22;
	s22 =	sor.u32 $0x9, s25;
	p2 =	seq.f32 s9, $0.0e+00  }
0x12b: {  	s17 =	sadd.s32 s17, s12;
	s9 =	simm.s32 $0x1;
	p1 =	seq.f32 s8, $0.0e+00  }
0x12c: {  	s11 =	simm.s32 @!p2 $0x1400;
	s9 =	simm.s32 @!p2 $0x0;
	s8 =	simm.s32 $0x1  }
0x12d: {  	s9 =	sadd.s32 s9, s17;
	s8 =	simm.s32 @!p1 $0x0;
	p4 =	seq.f32 s3, $0.0e+00  }
0x12e: {  	s10 =	simm.s32 @!p1 $0x1400;
	s3 =	sadd.s32 s8, s9;
	s8 =	simm.s32 $0x1  }
0x12f: {  	s8 =	simm.s32 @!p4 $0x0;
	s22 =	simm.s32 @!p4 $0x1400;
	p6 =	seq.f32 s18, $0.0e+00  }
0x130: {  	s18 =	sadd.s32 s8, s3;
	p5 =	seq.f32 s1, $0.0e+00;
	p3 =	seq.f32 s19, $0.0e+00  }
0x131: {  	s8 =	simm.s32 $0x1;
	s23 =	simm.s32 @!p6 $0x0;
	s19 =	simm.s32 $0x1  }
0x132: {  	v42 =	vlaneseq.u32;
	s1 =	sadd.s32 s23, s18;
	s8 =	simm.s32 @!p5 $0x0;
	s19 =	simm.s32 @!p3 $0x0  }
0x133: {  	p2 =	seq.f32 s4, $0.0e+00;
	s4 =	sadd.s32 s8, s1;
	s8 =	simm.s32 $0x1;
	vm15 =	veq.s32 v42, $0x0  }
0x134: {  	v43 =	vmov s20;
	s19 =	sadd.s32 s19, s4;
	v1 =	vnsel vm15, $0x1400, v41;
	p4 =	seq.f32 s15, $0.0e+00;
	s23 =	spop (v2sf)  }
0x135: {  	v45 =	vmov s21;
	v44 =	vnsel vm15, $0x1400, v43;
	s8 =	simm.s32 @!p2 $0x0;
	[tilespmem:s5+$0x6980] =	vst v1;
	s15 =	simm.s32 $0x1;
	p1 =	seq.f32 s23, $0.0e+00  }
0x136: {  	v47 =	vmov s7;
	v46 =	vmov s6;
	v2 =	vnsel vm15, $0x1400, v45;
	s7 =	sadd.s32 s8, s19;
	s8 =	simm.s32 $0x1;
	[tilespmem:s28+$0x6980] =	vst v44;
	s15 =	simm.s32 @!p4 $0x0  }
0x137: {  	v1 =	vnsel vm15, $0x1400, v46;
	[tilespmem:s30+$0x6980] =	vst v2;
	s20 =	sadd.s32 s15, s7;
	s8 =	simm.s32 @!p1 $0x0  }
0x138: {  	v51 =	vmov s14;
	s14 =	sor.u32 $0xB, s25;
	v49 =	vmov s13;
	v48 =	vnsel vm15, $0x1400, v47;
	[tilespmem:s31+$0x6980] =	vst v1;
	s28 =	sadd.s32 s8, s20  }
0x139: {  	v55 =	vmov s10;
	s10 =	sor.u32 $0xD, s25;
	s13 =	sor.u32 $0xA, s25;
	v50 =	vnsel vm15, $0x1400, v49;
	[tilespmem:s16+$0x6980] =	vst v48;
	s8 =	ssub.s32 s28, s5  }
0x13a: {  	v53 =	vmov s11;
	s13 =	simm.s32 @!p6 $0x1400;
	s14 =	simm.s32 @!p5 $0x1400;
	v52 =	vnsel vm15, $0x1400, v51;
	[tilespmem:s2+$0x6980] =	vst v50;
	s8 =	sadd.s32 $0x7, s8  }
0x13b: {  	v54 =	vnsel vm15, $0x1400, v53;
	s10 =	simm.s32 @!p2 $0x1400;
	s2 =	sor.u32 $0xC, s25;
	[tilespmem:s12+$0x6980] =	vst v52;
	s21 =	sand.u32 $0x7, s8  }
0x13c: {  	v57 =	vmov s22;
	v56 =	vnsel vm15, $0x1400, v55;
	[tilespmem:s17+$0x6980] =	vst v54;
	s22 =	sshra.s32 s8, $0x1F;
	p6 =	slt.s32 s8, $0x1;
	p5 =	sne.s32 s21, $0x0  }
0x13d: {  	v58 =	vmov s13;
	v2 =	vnsel vm15, $0x1400, v57;
	s2 =	simm.s32 @!p3 $0x1400;
	[tilespmem:s9+$0x6980] =	vst v56;
	s23 =	sshrl.u32 s22, $0x1D;
	p2 =	por !p6, !p5  }
0x13e: {  	v59 =	vmov s14;
	v1 =	vnsel vm15, $0x1400, v58;
	[tilespmem:s3+$0x6980] =	vst v2;
	s3 =	simm.s32 $0x1;
	s31 =	sadd.s32 s23, s8;
	p2 =	por !p2, !p2  }
0x13f: {  	v60 =	vmov s2;
	v2 =	vnsel vm15, $0x1400, v59;
	[tilespmem:s18+$0x6980] =	vst v1;
	s2 =	sshra.s32 s31, $0x3;
	s3 =	simm.s32 @!p2 $0x0  }
0x140: {  	[tilespmem:s1+$0x6980] =	vst v2;
	s1 =	sor.u32 $0xF, s25;
	s30 =	ssub.s32 s2, s3  }
0x141: {  	s1 =	simm.s32 @!p1 $0x1400;
	p1 =	slt.s32 s30, $0x1  }
0x142: {  	s11 =	sor.u32 $0xE, s25;
	p2 =	sgt.u32 @!p1 s26, $0x12  }
0x143: {  	v61 =	vmov s10;
	s11 =	simm.s32 @!p4 $0x1400;
	v1 =	vnsel vm15, $0x1400, v60;
	p1 =	por p1, p2  }
.Ltmp7:
0x144: {  	v62 =	vmov s11;
	v2 =	vnsel vm15, $0x1400, v61;
	[tilespmem:s4+$0x6980] =	vst v1;
	(pc) =	sbr.rel @p1 .LBB2_4-.Ltmp7, $4  }
0x145: {  	v1 =	vnsel vm15, $0x1400, v62;
	[tilespmem:s19+$0x6980] =	vst v2;
	v63 =	vmov s1  }
0x146: {  	[tilespmem:s7+$0x6980] =	vst v1;
	v2 =	vnsel vm15, $0x1400, v63  }
0x147: {  	v29 =	vld [tilespmem:$0x1FFC0];
	v0 =	vmax.f32 v0, $0.0e+00;
	[tilespmem:s20+$0x6980] =	vst v2  }
0x148: {  	v30 =	vld [tilespmem:$0x1FFA0];
	[tilespmem:s29+$0x6680] =	vst v0  }
0x149: {  	s1 =	sadd.s32 $0x6980, s5  }
0x14a: {  	v0 =	vmov s1  }
0x14b: {  	s29 =	simm.s32 $0x0;
	[tilespmem:$0x1FF90] =	vst v0  }
.LBB2_7:
0x14c: {  	v4 =	vld [tilespmem:$0x1FF90];
	_ =	sdelay $0x5  }
0x14d: {  	s1 =	sshll.u32 s29, $0x5  }
0x14e: {  	s1 =	sshra.s32 s1, $0x2  }
0x14f: {  	v0 =	vld.idx.msk [tilespmem:v4+s1+$0x0 ss:$0x1], $0xffff;
	_ =	sdelay $0x4  }
0x150: {  	(v2sf) =	vpush v0, $0x0;
	v0 =	vld.idx.msk [tilespmem:v4+s1+$0x1 ss:$0x1], $0xffff;
	_ =	sdelay $0x4  }
0x151: {  	(v2sf) =	vpush v0, $0x0;
	v0 =	vld.idx.msk [tilespmem:v4+s1+$0x2 ss:$0x1], $0xffff;
	_ =	sdelay $0x4  }
0x152: {  	(v2sf) =	vpush v0, $0x0;
	v0 =	vld.idx.msk [tilespmem:v4+s1+$0x3 ss:$0x1], $0xffff;
	_ =	sdelay $0x1  }
0x153: {  	v1 =	vld.idx.msk [tilespmem:v4+s1+$0x4 ss:$0x1], $0xffff  }
0x154: {  	v2 =	vld.idx.msk [tilespmem:v4+s1+$0x5 ss:$0x1], $0xffff  }
0x155: {  	v3 =	vld.idx.msk [tilespmem:v4+s1+$0x6 ss:$0x1], $0xffff  }
0x156: {  	s2 =	spop (v2sf);
	(v2sf) =	vpush v0, $0x0;
	v0 =	vld.idx.msk [tilespmem:v4+s1+$0x7 ss:$0x1], $0xffff  }
0x157: {  	s31 =	sshra.s32 s0, $0x2;
	v4 =	vld.msk [tilespmem:s2+$0x1480 ss:$0x0], $0xffff  }
0x158: {  	v9 =	vld.idx.msk [tilespmem:v29+s31+$0x0 ss:$0x1], $0xffff  }
0x159: {  	v7 =	vld.msk [tilespmem:s2+$0x2900 ss:$0x0], $0xffff  }
0x15a: {  	v18 =	vld.msk [tilespmem:s2+$0x0 ss:$0x0], $0xffff  }
0x15b: {  	v20 =	vld.msk [tilespmem:s2+$0x3D80 ss:$0x0], $0xffff  }
0x15c: {  	s20 =	spop (v2sf);
	[tilespmem:$0x1FF30] =	vst v4;
	v4 =	vld.msk [tilespmem:s2+$0x5200 ss:$0x0], $0xffff  }
0x15d: {  	v11 =	vld.msk [tilespmem:s20+$0x2900 ss:$0x0], $0xffff  }
0x15e: {  	(v2sf) =	vpush v1, $0x0;
	v1 =	vld.msk [tilespmem:s20+$0x3D80 ss:$0x0], $0xffff  }
0x15f: {  	v19 =	vld.msk [tilespmem:s20+$0x0 ss:$0x0], $0xffff  }
0x160: {  	(v2sf) =	vpush v2, $0x0;
	v5 =	vld.msk [tilespmem:s20+$0x5200 ss:$0x0], $0xffff  }
0x161: {  	v2 =	vld.idx.msk [tilespmem:v16+s31+$0x0 ss:$0x1], $0xffff;
	s21 =	spop (v2sf);
	(v2sf) =	vpush v3, $0x0  }
0x162: {  	(v2sf) =	vpush v0, $0x0;
	v0 =	vld.msk [tilespmem:s21+$0x3D80 ss:$0x0], $0xffff  }
0x163: {  	[tilespmem:$0x1FF40] =	vst v1;
	v1 =	vld.msk [tilespmem:s20+$0x1480 ss:$0x0], $0xffff  }
0x164: {  	v12 =	vld.msk [tilespmem:s21+$0x2900 ss:$0x0], $0xffff  }
0x165: {  	v39 =	vld.msk [tilespmem:s21+$0x0 ss:$0x0], $0xffff  }
0x166: {  	v41 =	vld.msk [tilespmem:s21+$0x5200 ss:$0x0], $0xffff  }
0x167: {  	s22 =	spop (v2sf);
	[tilespmem:$0x1FF60] =	vst v0;
	v0 =	vld.msk [tilespmem:s21+$0x1480 ss:$0x0], $0xffff  }
0x168: {  	v42 =	vld.msk [tilespmem:s22+$0x2900 ss:$0x0], $0xffff  }
0x169: {  	v43 =	vld.msk [tilespmem:s22+$0x0 ss:$0x0], $0xffff  }
0x16a: {  	v40 =	vld.msk [tilespmem:s22+$0x3D80 ss:$0x0], $0xffff  }
0x16b: {  	v44 =	vld.msk [tilespmem:s22+$0x5200 ss:$0x0], $0xffff  }
0x16c: {  	v10 =	vmin.f32 v7, v2;
	[tilespmem:$0x1FF50] =	vst v1;
	v1 =	vld.idx.msk [tilespmem:v17+s31+$0x0 ss:$0x1], $0xffff;
	v17 =	vmax.f32 v18, v9  }
0x16d: {  	v10 =	vsub.f32 v10, v17;
	v17 =	vld.idx.msk [tilespmem:v21+s31+$0x0 ss:$0x1], $0xffff  }
0x16e: {  	s23 =	spop (v2sf);
	[tilespmem:$0x1FF70] =	vst v0;
	v0 =	vld.msk [tilespmem:s22+$0x1480 ss:$0x0], $0xffff  }
0x16f: {  	v45 =	vld.msk [tilespmem:s23+$0x2900 ss:$0x0], $0xffff  }
0x170: {  	v46 =	vld.msk [tilespmem:s23+$0x0 ss:$0x0], $0xffff  }
0x171: {  	v47 =	vld.msk [tilespmem:s23+$0x5200 ss:$0x0], $0xffff  }
0x172: {  	s25 =	spop (v2sf);
	v54 =	vld.msk [tilespmem:s23+$0x3D80 ss:$0x0], $0xffff  }
0x173: {  	v48 =	vld.msk [tilespmem:s25+$0x2900 ss:$0x0], $0xffff  }
0x174: {  	v56 =	vld.msk [tilespmem:s25+$0x0 ss:$0x0], $0xffff  }
0x175: {  	v49 =	vld.msk [tilespmem:s25+$0x5200 ss:$0x0], $0xffff;
	s3 =	spop (v2sf)  }
0x176: {  	v50 =	vld.msk [tilespmem:s3+$0x5200 ss:$0x0], $0xffff  }
0x177: {  	v36 =	vmov v19;
	v19 =	vmax.f32 v19, v9;
	v61 =	vadd.f32 v1, v4;
	s4 =	spop (v2sf);
	v52 =	vld.msk [tilespmem:s3+$0x2900 ss:$0x0], $0xffff  }
0x178: {  	v34 =	vmovc v4;
	v3 =	vadd.f32 v1, v41;
	v4 =	vadd.f32 v1, v44;
	v13 =	vmin.f32 v45, v2;
	v51 =	vld.msk [tilespmem:s4+$0x5200 ss:$0x0], $0xffff  }
0x179: {  	v57 =	vld.msk [tilespmem:s3+$0x0 ss:$0x0], $0xffff;
	v62 =	vmax.f32 v46, v9;
	v14 =	vmin.f32 v48, v2;
	v63 =	vmax.f32 v56, v9  }
0x17a: {  	v37 =	vmovc v5;
	v22 =	vmax.f32 v39, v9;
	v53 =	vld.msk [tilespmem:s4+$0x2900 ss:$0x0], $0xffff;
	v13 =	vsub.f32 v13, v62;
	v14 =	vsub.f32 v14, v63  }
0x17b: {  	v24 =	vmax.f32 v43, v9;
	[tilespmem:$0x1FF80] =	vst v0;
	v0 =	vadd.f32 v1, v5;
	v5 =	vadd.f32 v1, v47;
	v59 =	vld.msk [tilespmem:s4+$0x0 ss:$0x0], $0xffff  }
0x17c: {  	v31 =	vmovc v7;
	v55 =	vld.msk [tilespmem:s23+$0x1480 ss:$0x0], $0xffff;
	v6 =	vadd.f32 v1, v49;
	v13 =	vmax.f32 v13, $0.0e+00;
	v14 =	vmax.f32 v14, $0.0e+00  }
0x17d: {  	v35 =	vmovc v11;
	v60 =	vld.msk [tilespmem:s25+$0x3D80 ss:$0x0], $0xffff;
	v8 =	vadd.f32 v1, v50;
	v15 =	vmin.f32 v52, v2;
	v7 =	vadd.f32 v1, v51  }
0x17e: {  	p1 =	sne.s32 s24, $0x1;
	v38 =	vmovc v12;
	v58 =	vld.msk [tilespmem:s25+$0x1480 ss:$0x0], $0xffff;
	v1 =	vmin.f32 v11, v2;
	v11 =	vmin.f32 v12, v2;
	v12 =	vmin.f32 v42, v2  }
.Ltmp8:
0x17f: {  	v62 =	vld.msk [tilespmem:s3+$0x1480 ss:$0x0], $0xffff;
	v2 =	vmin.f32 v53, v2;
	v19 =	vsub.f32 v1, v19;
	v11 =	vsub.f32 v11, v22;
	(pc) =	sbr.rel @!p1 .LBB2_9-.Ltmp8, $4  }
0x180: {  	v63 =	vld.msk [tilespmem:s4+$0x1480 ss:$0x0], $0xffff;
	v22 =	vsub.f32 v12, v24;
	v12 =	vmax.f32 v57, v9;
	v9 =	vmax.f32 v59, v9  }
0x181: {  	v1 =	vld.msk [tilespmem:s3+$0x3D80 ss:$0x0], $0xffff;
	v24 =	vmin.f32 v20, v17;
	v15 =	vsub.f32 v15, v12;
	v16 =	vsub.f32 v2, v9  }
0x182: {  	v2 =	vld.msk [tilespmem:s4+$0x3D80 ss:$0x0], $0xffff;
	v12 =	vmax.f32 v10, $0.0e+00;
	v10 =	vmax.f32 v19, $0.0e+00;
	v9 =	vmax.f32 v11, $0.0e+00  }
0x183: {  	s5 =	sadd.s32 $0xFFFFFFFF, s24;
	v32 =	vmovc v18;
	v33 =	vmovc v20;
	s25 =	smov.u32 s0;
	v11 =	vmax.f32 v22, $0.0e+00;
	v22 =	vld.idx.msk [tilespmem:v30+s31+$0x0 ss:$0x1], $0xffff;
	v19 =	vmax.f32 v15, $0.0e+00;
	v15 =	vmax.f32 v16, $0.0e+00  }
.LBB2_8:
0x184: {  	v16 =	vld [tilespmem:$0x1FF40]  }
0x185: {  	v18 =	vld [tilespmem:$0x1FF60]  }
0x186: {  	v26 =	vld [tilespmem:$0x1FF30]  }
0x187: {  	v27 =	vld [tilespmem:$0x1FF50]  }
0x188: {  	v28 =	vld [tilespmem:$0x1FF70]  }
0x189: {  	v29 =	vld [tilespmem:$0x1FF80]  }
0x18a: {  	v20 =	vmin.f32 v40, v17;
	v21 =	vmin.f32 v54, v17;
	v23 =	vmin.f32 v60, v17  }
0x18b: {  	v25 =	vmin.f32 v1, v17;
	v30 =	vmax.f32 v55, v22;
	v16 =	vmin.f32 v16, v17  }
0x18c: {  	v18 =	vmin.f32 v18, v17;
	v26 =	vmax.f32 v26, v22;
	v27 =	vmax.f32 v27, v22  }
0x18d: {  	v17 =	vmin.f32 v2, v17;
	v28 =	vmax.f32 v28, v22;
	v21 =	vsub.f32 v21, v30  }
0x18e: {  	v29 =	vmax.f32 v29, v22;
	v24 =	vsub.f32 v24, v26;
	v16 =	vsub.f32 v16, v27  }
0x18f: {  	v26 =	vmax.f32 v58, v22;
	v18 =	vsub.f32 v18, v28;
	v27 =	vmax.f32 v62, v22  }
0x190: {  	v20 =	vsub.f32 v20, v29;
	v22 =	vmax.f32 v63, v22;
	v25 =	vsub.f32 v25, v27  }
0x191: {  	v23 =	vsub.f32 v23, v26;
	v17 =	vsub.f32 v17, v22;
	v21 =	vmax.f32 v21, $0.0e+00  }
0x192: {  	v24 =	vmax.f32 v24, $0.0e+00;
	v16 =	vmax.f32 v16, $0.0e+00;
	v22 =	vmax.f32 v25, $0.0e+00  }
0x193: {  	v18 =	vmax.f32 v18, $0.0e+00;
	v17 =	vmax.f32 v17, $0.0e+00;
	v19 =	vmul.f32 v22, v19  }
0x194: {  	v20 =	vmax.f32 v20, $0.0e+00;
	v22 =	vmax.f32 v23, $0.0e+00;
	v15 =	vmul.f32 v17, v15  }
0x195: {  	v13 =	vmul.f32 v21, v13;
	v14 =	vmul.f32 v22, v14;
	v8 =	vsub.f32 v8, v19  }
0x196: {  	v12 =	vmul.f32 v24, v12;
	v10 =	vmul.f32 v16, v10;
	v7 =	vsub.f32 v7, v15  }
0x197: {  	v11 =	vmul.f32 v20, v11;
	v6 =	vsub.f32 v6, v14;
	v8 =	vadd.f32 $9.999999710e-10, v8  }
0x198: {  	v9 =	vmul.f32 v18, v9;
	v5 =	vsub.f32 v5, v13;
	v7 =	vadd.f32 $9.999999710e-10, v7  }
0x199: {  	v4 =	vsub.f32 v4, v11;
	v6 =	vadd.f32 $9.999999710e-10, v6;
	(erf) = vrcp.f32 v8  }
0x19a: {  	v3 =	vsub.f32 v3, v9;
	v5 =	vadd.f32 $9.999999710e-10, v5;
	(erf) = vrcp.f32 v7  }
0x19b: {  	v0 =	vsub.f32 v0, v10;
	v4 =	vadd.f32 $9.999999710e-10, v4;
	(erf) = vrcp.f32 v6  }
0x19c: {  	v3 =	vadd.f32 $9.999999710e-10, v3;
	v6 =	vsub.f32 v61, v12;
	(erf) = vrcp.f32 v5  }
0x19d: {  	v0 =	vadd.f32 $9.999999710e-10, v0;
	(erf) = vrcp.f32 v4  }
0x19e: {  	v4 =	vadd.f32 $9.999999710e-10, v6;
	(erf) = vrcp.f32 v3  }
0x19f: {  	(erf) = vrcp.f32 v0  }
0x1a0: {  	(erf) = vrcp.f32 v4;
	_ =	sdelay $0x1  }
0x1a1: {  	v0 =	vpop (erf)  }
0x1a2: {  	v3 =	vpop (erf)  }
0x1a3: {  	v6 =	vmul.f32 v0, v19;
	v7 =	vmul.f32 v3, v15;
	v4 =	vpop (erf)  }
0x1a4: {  	v8 =	vmul.f32 v4, v14;
	v5 =	vpop (erf)  }
0x1a5: {  	vm15 =	vgt.f32 v6, $3.000000120e-01;
	v5 =	vmul.f32 v5, v13;
	vm0 =	vgt.f32 v7, $3.000000120e-01;
	v0 =	vpop (erf)  }
0x1a6: {  	v6 =	vmul.f32 v0, v11;
	vm1 =	vgt.f32 v8, $3.000000120e-01;
	vm0 =	vmor vm0, vm15;
	v3 =	vpop (erf)  }
0x1a7: {  	v3 =	vmul.f32 v3, v9;
	vm15 =	vgt.f32 v5, $3.000000120e-01;
	vm0 =	vmor vm0, vm1;
	v4 =	vpop (erf)  }
0x1a8: {  	v5 =	vld [tilespmem:s31+$0x6680];
	v4 =	vmul.f32 v4, v10;
	vm1 =	vgt.f32 v6, $3.000000120e-01;
	vm0 =	vmor vm0, vm15;
	v0 =	vpop (erf)  }
0x1a9: {  	v0 =	vmul.f32 v0, v12;
	vm15 =	vgt.f32 v3, $3.000000120e-01;
	vm0 =	vmor vm0, vm1  }
0x1aa: {  	vm1 =	vgt.f32 v4, $3.000000120e-01;
	vm0 =	vmor vm0, vm15  }
0x1ab: {  	vm15 =	vgt.f32 v0, $3.000000120e-01;
	vm0 =	vmor vm0, vm1  }
0x1ac: {  	vm0 =	vmor vm0, vm15  }
0x1ad: {  	v0 =	vsel vm0, $0x3F800000, v5  }
0x1ae: {  	[tilespmem:s31+$0x6680] =	vst v0;
	v0 =	vld [tilespmem:$0x1FFD0];
	_ =	sdelay $0x3  }
0x1af: {  	v29 =	vld [tilespmem:$0x1FFC0];
	_ =	sdelay $0x1  }
0x1b0: {  	s25 =	sadd.s32 $0x40, s25  }
0x1b1: {  	v17 =	vld [tilespmem:$0x1FFF0];
	s31 =	sshra.s32 s25, $0x2  }
0x1b2: {  	v7 =	vld.idx.msk [tilespmem:v0+s31+$0x0 ss:$0x1], $0xffff  }
0x1b3: {  	v0 =	vld [tilespmem:$0x1FFE0];
	_ =	sdelay $0x2  }
0x1b4: {  	v10 =	vld.idx.msk [tilespmem:v29+s31+$0x0 ss:$0x1], $0xffff;
	_ =	sdelay $0x3  }
0x1b5: {  	v17 =	vld.idx.msk [tilespmem:v17+s31+$0x0 ss:$0x1], $0xffff  }
0x1b6: {  	v19 =	vmax.f32 v32, v10;
	v20 =	vmax.f32 v36, v10;
	v9 =	vld.idx.msk [tilespmem:v0+s31+$0x0 ss:$0x1], $0xffff  }
0x1b7: {  	v21 =	vmax.f32 v39, v10;
	v61 =	vadd.f32 v7, v34;
	v3 =	vadd.f32 v7, v41  }
0x1b8: {  	v22 =	vmax.f32 v43, v10;
	v4 =	vadd.f32 v7, v44;
	v5 =	vadd.f32 v7, v47  }
0x1b9: {  	v23 =	vmax.f32 v46, v10;
	v6 =	vadd.f32 v7, v49;
	v8 =	vadd.f32 v7, v50  }
0x1ba: {  	v24 =	vmin.f32 v33, v17;
	v0 =	vadd.f32 v7, v37;
	v7 =	vadd.f32 v7, v51  }
0x1bb: {  	v30 =	vld [tilespmem:$0x1FFA0];
	v11 =	vmin.f32 v31, v9;
	v12 =	vmin.f32 v35, v9;
	v13 =	vmin.f32 v38, v9  }
0x1bc: {  	v14 =	vmin.f32 v42, v9;
	v15 =	vmin.f32 v45, v9;
	v16 =	vmin.f32 v48, v9  }
0x1bd: {  	v18 =	vmin.f32 v52, v9;
	v9 =	vmin.f32 v53, v9;
	v11 =	vsub.f32 v11, v19  }
0x1be: {  	p1 =	sne.s32 s5, $0x1;
	v19 =	vsub.f32 v12, v20;
	v12 =	vmax.f32 v56, v10;
	v13 =	vsub.f32 v13, v21  }
.Ltmp9:
0x1bf: {  	v14 =	vsub.f32 v14, v22;
	v20 =	vmax.f32 v57, v10;
	v15 =	vsub.f32 v15, v23;
	(pc) =	sbr.rel @p1 .LBB2_8-.Ltmp9, $4  }
0x1c0: {  	v10 =	vmax.f32 v59, v10;
	v16 =	vsub.f32 v16, v12;
	v18 =	vsub.f32 v18, v20  }
0x1c1: {  	v20 =	vsub.f32 v9, v10;
	v12 =	vmax.f32 v11, $0.0e+00;
	v10 =	vmax.f32 v19, $0.0e+00  }
0x1c2: {  	v9 =	vmax.f32 v13, $0.0e+00;
	v11 =	vmax.f32 v14, $0.0e+00;
	v13 =	vmax.f32 v15, $0.0e+00  }
0x1c3: {  	s5 =	sadd.s32 $0xFFFFFFFF, s5;
	v22 =	vld.idx.msk [tilespmem:v30+s31+$0x0 ss:$0x1], $0xffff;
	v14 =	vmax.f32 v16, $0.0e+00;
	v19 =	vmax.f32 v18, $0.0e+00;
	v15 =	vmax.f32 v20, $0.0e+00  }
.LBB2_9:
0x1c4: {  	v16 =	vld [tilespmem:$0x1FF40]  }
0x1c5: {  	v18 =	vld [tilespmem:$0x1FF60];
	_ =	sdelay $0x1  }
0x1c6: {  	v25 =	vld [tilespmem:$0x1FF30]  }
0x1c7: {  	v20 =	vmin.f32 v40, v17;
	v26 =	vld [tilespmem:$0x1FF50]  }
0x1c8: {  	v21 =	vmin.f32 v54, v17;
	v23 =	vmin.f32 v60, v17;
	v27 =	vld [tilespmem:$0x1FF80];
	v1 =	vmin.f32 v1, v17  }
0x1c9: {  	v2 =	vmin.f32 v2, v17;
	v16 =	vmin.f32 v16, v17;
	v18 =	vmin.f32 v18, v17;
	v17 =	vld [tilespmem:$0x1FF70];
	_ =	sdelay $0x2  }
0x1ca: {  	v28 =	vmax.f32 v55, v22;
	v50 =	vmax.f32 v58, v22  }
0x1cb: {  	v25 =	vmax.f32 v25, v22;
	v26 =	vmax.f32 v26, v22;
	v27 =	vmax.f32 v27, v22  }
0x1cc: {  	v21 =	vsub.f32 v21, v28;
	v16 =	vsub.f32 v16, v26;
	v17 =	vmax.f32 v17, v22  }
0x1cd: {  	v17 =	vsub.f32 v18, v17;
	v18 =	vsub.f32 v20, v27;
	v20 =	vmax.f32 v62, v22  }
0x1ce: {  	v24 =	vsub.f32 v24, v25;
	v1 =	vsub.f32 v1, v20;
	v20 =	vmax.f32 v63, v22  }
0x1cf: {  	v23 =	vsub.f32 v23, v50;
	v16 =	vmax.f32 v16, $0.0e+00;
	v2 =	vsub.f32 v2, v20  }
0x1d0: {  	v10 =	vmul.f32 v16, v10;
	v22 =	vmax.f32 v24, $0.0e+00;
	v1 =	vmax.f32 v1, $0.0e+00  }
0x1d1: {  	v17 =	vmax.f32 v17, $0.0e+00;
	v1 =	vmul.f32 v1, v19;
	v2 =	vmax.f32 v2, $0.0e+00  }
0x1d2: {  	v18 =	vmax.f32 v18, $0.0e+00;
	v20 =	vmax.f32 v23, $0.0e+00;
	v2 =	vmul.f32 v2, v15  }
0x1d3: {  	v14 =	vmul.f32 v20, v14;
	v19 =	vmax.f32 v21, $0.0e+00;
	v8 =	vsub.f32 v8, v1  }
0x1d4: {  	v12 =	vmul.f32 v22, v12;
	v13 =	vmul.f32 v19, v13;
	v7 =	vsub.f32 v7, v2  }
0x1d5: {  	v11 =	vmul.f32 v18, v11;
	v6 =	vsub.f32 v6, v14;
	v8 =	vadd.f32 $9.999999710e-10, v8  }
0x1d6: {  	v9 =	vmul.f32 v17, v9;
	v5 =	vsub.f32 v5, v13;
	v7 =	vadd.f32 $9.999999710e-10, v7  }
0x1d7: {  	v4 =	vsub.f32 v4, v11;
	v6 =	vadd.f32 $9.999999710e-10, v6;
	(erf) = vrcp.f32 v8  }
0x1d8: {  	v3 =	vsub.f32 v3, v9;
	v5 =	vadd.f32 $9.999999710e-10, v5;
	(erf) = vrcp.f32 v7  }
0x1d9: {  	v0 =	vsub.f32 v0, v10;
	v4 =	vadd.f32 $9.999999710e-10, v4;
	(erf) = vrcp.f32 v6  }
0x1da: {  	v51 =	vsub.f32 v61, v12;
	v3 =	vadd.f32 $9.999999710e-10, v3;
	(erf) = vrcp.f32 v5  }
0x1db: {  	v0 =	vadd.f32 $9.999999710e-10, v0;
	(erf) = vrcp.f32 v4  }
0x1dc: {  	v52 =	vadd.f32 $9.999999710e-10, v51;
	(erf) = vrcp.f32 v3  }
0x1dd: {  	(erf) = vrcp.f32 v0  }
0x1de: {  	(erf) = vrcp.f32 v52;
	_ =	sdelay $0x1  }
0x1df: {  	v53 =	vpop (erf)  }
0x1e0: {  	v54 =	vpop (erf)  }
0x1e1: {  	v0 =	vmul.f32 v53, v1;
	v55 =	vmul.f32 v54, v2;
	v56 =	vpop (erf)  }
0x1e2: {  	v2 =	vmul.f32 v56, v14;
	v57 =	vpop (erf)  }
0x1e3: {  	vm0 =	vgt.f32 v0, $3.000000120e-01;
	v3 =	vmul.f32 v57, v13;
	vm1 =	vgt.f32 v55, $3.000000120e-01;
	v58 =	vpop (erf)  }
0x1e4: {  	v0 =	vmul.f32 v58, v11;
	vm15 =	vgt.f32 v2, $3.000000120e-01;
	vm0 =	vmor vm1, vm0;
	v59 =	vpop (erf)  }
0x1e5: {  	v1 =	vmul.f32 v59, v9;
	vm1 =	vgt.f32 v3, $3.000000120e-01;
	vm0 =	vmor vm0, vm15;
	v60 =	vpop (erf)  }
0x1e6: {  	s29 =	sadd.s32 $0x1, s29;
	v61 =	vld [tilespmem:s31+$0x6680];
	v2 =	vmul.f32 v60, v10;
	vm15 =	vgt.f32 v0, $3.000000120e-01;
	vm0 =	vmor vm0, vm1;
	v62 =	vpop (erf)  }
0x1e7: {  	p1 =	seq.s32 s29, s30;
	v0 =	vmul.f32 v62, v12;
	vm1 =	vgt.f32 v1, $3.000000120e-01;
	vm0 =	vmor vm0, vm15  }
.Ltmp10:
0x1e8: {  	vm15 =	vgt.f32 v2, $3.000000120e-01;
	vm0 =	vmor vm0, vm1;
	(pc) =	sbr.rel @!p1 .LBB2_7-.Ltmp10, $4  }
.Ltmp11:
0x1e9: {  	vm1 =	vgt.f32 v0, $3.000000120e-01;
	vm0 =	vmor vm0, vm15;
	(pc) =	sbr.rel @p1 .LBB2_4-.Ltmp11, $4  }
0x1ea: {  	v16 =	vld [tilespmem:$0x1FFE0];
	vm0 =	vmor vm0, vm1  }
0x1eb: {  	v17 =	vld [tilespmem:$0x1FFD0];
	v63 =	vsel vm0, $0x3F800000, v61  }
0x1ec: {  	v21 =	vld [tilespmem:$0x1FFF0];
	[tilespmem:s31+$0x6680] =	vst v63  }
0x1ed: {  	_ = 	snop  }
.LBB2_10:
0x1ee: {  	v0 =	vld [tilespmem:$0x6680]  }
0x1ef: {  	v1 =	vld [tilespmem:$0x6690]  }
0x1f0: {  	v2 =	vld [tilespmem:$0x66A0]  }
0x1f1: {  	v3 =	vld [tilespmem:$0x66B0]  }
0x1f2: {  	v4 =	vld [tilespmem:$0x66C0]  }
0x1f3: {  	v5 =	vld [tilespmem:$0x66D0];
	v63 =	vmov s28;
	v0 =	vsub.f32 $1.000000000e+00, v0  }
0x1f4: {  	v6 =	vld [tilespmem:$0x66E0];
	[tilespmem:$0x6C80] =	vst v63;
	v1 =	vsub.f32 $1.000000000e+00, v1  }
0x1f5: {  	v33 =	vld [tilespmem:$0x66F0];
	v32 =	vsub.f32 $1.000000000e+00, v2;
	[tilespmem:$0x6800] =	vst v0  }
0x1f6: {  	v35 =	vld [tilespmem:$0x6700];
	v34 =	vsub.f32 $1.000000000e+00, v3;
	[tilespmem:$0x6810] =	vst v1  }
0x1f7: {  	v37 =	vld [tilespmem:$0x6710];
	v36 =	vsub.f32 $1.000000000e+00, v4;
	[tilespmem:$0x6820] =	vst v32  }
0x1f8: {  	v39 =	vld [tilespmem:$0x6720];
	v38 =	vsub.f32 $1.000000000e+00, v5;
	[tilespmem:$0x6830] =	vst v34  }
0x1f9: {  	v41 =	vld [tilespmem:$0x6730];
	v40 =	vsub.f32 $1.000000000e+00, v6;
	[tilespmem:$0x6840] =	vst v36  }
0x1fa: {  	v43 =	vld [tilespmem:$0x6740];
	v42 =	vsub.f32 $1.000000000e+00, v33;
	[tilespmem:$0x6850] =	vst v38  }
0x1fb: {  	v45 =	vld [tilespmem:$0x6750];
	v44 =	vsub.f32 $1.000000000e+00, v35;
	[tilespmem:$0x6860] =	vst v40  }
0x1fc: {  	v47 =	vld [tilespmem:$0x6760];
	v46 =	vsub.f32 $1.000000000e+00, v37;
	[tilespmem:$0x6870] =	vst v42  }
0x1fd: {  	v49 =	vld [tilespmem:$0x6770];
	v48 =	vsub.f32 $1.000000000e+00, v39;
	[tilespmem:$0x6880] =	vst v44  }
0x1fe: {  	v51 =	vld [tilespmem:$0x6780];
	v50 =	vsub.f32 $1.000000000e+00, v41;
	[tilespmem:$0x6890] =	vst v46  }
0x1ff: {  	v53 =	vld [tilespmem:$0x6790];
	v52 =	vsub.f32 $1.000000000e+00, v43;
	[tilespmem:$0x68A0] =	vst v48  }
0x200: {  	v55 =	vld [tilespmem:$0x67A0];
	v54 =	vsub.f32 $1.000000000e+00, v45;
	[tilespmem:$0x68B0] =	vst v50  }
0x201: {  	v57 =	vld [tilespmem:$0x67B0];
	v56 =	vsub.f32 $1.000000000e+00, v47;
	[tilespmem:$0x68C0] =	vst v52  }
0x202: {  	v58 =	vsub.f32 $1.000000000e+00, v49;
	[tilespmem:$0x68D0] =	vst v54  }
0x203: {  	v59 =	vsub.f32 $1.000000000e+00, v51;
	[tilespmem:$0x68E0] =	vst v56  }
0x204: {  	v60 =	vsub.f32 $1.000000000e+00, v53;
	[tilespmem:$0x68F0] =	vst v58  }
0x205: {  	v61 =	vsub.f32 $1.000000000e+00, v55;
	[tilespmem:$0x6900] =	vst v59  }
0x206: {  	v62 =	vsub.f32 $1.000000000e+00, v57;
	[tilespmem:$0x6910] =	vst v60  }
0x207: {  	[tilespmem:$0x6920] =	vst v61  }
0x208: {  	s0 =	rddreg [dreg:$0xc];
	s1 =	simm.s32 $0x6980;
	s30 =	simm.s32 $0x1;
	[tilespmem:$0x6930] =	vst v62  }
0x209: {  	[spmem:s0] =	stream.linear.scatter [tilespmem:s1], [sflag:$0x1], $0x140, $0x38;
	[tilespmem:$0x6ED0] =	vst v63  }
0x20a: {  	_ =	swait.ge [sflag:s30], $0x140  }
0x20b: {  	[sflag:s30] =	ssyncset.done $0x0  }
0x20c: {  	s2 =	simm.s32 $0x6C80;
	s31 =	rddreg [dreg:$0xd];
	[sflag:s30] =	ssyncadd.s32 $0xFFFFFEC0  }
0x20d: {  	[spmem:s31] =	stream.linear.scatter [tilespmem:s2], [sflag:$0x1], $0x10, $0x38;
	[tilespmem:$0x6ED0] =	vst v63  }
0x20e: {  	_ =	swait.ge [sflag:s30], $0x10  }
0x20f: {  	s0 =	simm.s32 @!p0 $0x0;
	[sflag:s30] =	ssyncset.done $0x0  }
0x210: {  	s1 =	simm.s32 @!p0 $0x6800;
	s2 =	rddreg [dreg:$0xa];
	[sflag:s30] =	ssyncadd.s32 $0xFFFFFFF0  }
0x211: {  	[hbm4b:s2+s0] =	stream.linear.scatter @!p0 [tilespmem:s1], [sflag:$0x1], $0x140, $0x38;
	[tilespmem:$0x6ED0] =	vst v63  }
0x212: {  	s0 =	simm.s32 @!p0 $0x1  }
0x213: {  	_ =	swait.ge @!p0 [sflag:s0], $0x140  }
0x214: {  	[sflag:s0] =	ssyncset.done @!p0 $0x0  }
0x215: {  	s4 =	rddreg [dreg:$0xf];
	[sflag:s0] =	ssyncadd.s32 @!p0 $0xFFFFFEC0  }
0x216: {  	s6 =	rddreg [dreg:$0x6]  }
0x217: {  	s8 =	stileid.u32;
	s7 =	rddreg [dreg:$0x7]  }
.LBB2_11:
0x218: {  	p1 =	sle.u32 s8, s4  }
0x219: {  	s0 =	smul.u32 @!p1 $0x500, s4;
	_ =	sdelay $0x1  }
0x21a: {  	s0 =	sshra.s32 @!p1 s0, $0x2  }
0x21b: {  	[bflag:$0x0] =	sbarrier.arrive $0xFFFF;
	s1 =	simm.s32 @!p1 $0x6B00;
	s0 =	sadd.s32 @!p1 s0, s6  }
0x21c: {  	[tilespmem:s1], [sflag:$0x1] =	stream.linear.gather @!p1 [spmem:s0], $0x140, $0x38;
	[tilespmem:$0x6ED0] =	vst v63  }
0x21d: {  	s0 =	simm.s32 @!p1 $0x1  }
0x21e: {  	s1 =	sshll.u32 @!p1 s4, $0x4;
	_ =	swait.ge @!p1 [sflag:s0], $0x140  }
0x21f: {  	s1 =	sand.u32 @!p1 $0x3FFFFFF0, s1;
	[sflag:s0] =	ssyncset.done @!p1 $0x0  }
0x220: {  	s2 =	simm.s32 @!p1 $0x6D00;
	s1 =	sadd.s32 @!p1 s1, s7;
	[sflag:s0] =	ssyncadd.s32 @!p1 $0xFFFFFEC0  }
0x221: {  	[tilespmem:s2], [sflag:$0x1] =	stream.linear.gather @!p1 [spmem:s1], $0x10, $0x38;
	[tilespmem:$0x6ED0] =	vst v63  }
0x222: {  	_ =	swait.ge @!p1 [sflag:s0], $0x10  }
0x223: {  	[sflag:s0] =	ssyncset.done @!p1 $0x0  }
0x224: {  	[sflag:s0] =	ssyncadd.s32 @!p1 $0xFFFFFFF0  }
0x225: {  	v0 =	vld @!p1 [tilespmem:$0x6D00];
	_ =	sdelay $0x4  }
0x226: {  	(v2sf) =	vpush @!p1 v0, $0x0;
	_ =	sdelay $0xe  }
0x227: {  	s1 =	spop @!p1 (v2sf)  }
0x228: {  	s1 =	sadd.s32 @!p1 $0x7, s1  }
0x229: {  	s2 =	sand.u32 @!p1 $0x7, s1  }
0x22a: {  	p2 =	slt.s32 @!p1 s1, $0x1;
	p3 =	sne.s32 @!p1 s2, $0x0  }
0x22b: {  	s2 =	sshra.s32 @!p1 s1, $0x1F;
	p2 =	por @!p1 !p2, !p3  }
0x22c: {  	s2 =	sshrl.u32 @!p1 s2, $0x1D;
	p2 =	por @!p1 !p2, !p2  }
0x22d: {  	s1 =	sadd.s32 @!p1 s2, s1;
	p2 =	por !p2, p1  }
0x22e: {  	s1 =	sshra.s32 @!p1 s1, $0x3;
	s0 =	simm.s32 @p2 $0x0  }
0x22f: {  	s24 =	ssub.s32 @!p1 s1, s0  }
0x230: {  	p2 =	slt.s32 @!p1 s24, $0x1  }
0x231: {  	p2 =	por p1, p2  }
.Ltmp12:
0x232: {  	_ = 	snop;
	(pc) =	sbr.rel @p2 .LBB2_15-.Ltmp12, $2  }
0x233: {  	_ =	sdelay $0x2  }
0x234: {  	s25 =	simm.s32 @!p1 $0x0  }
.LBB2_12:
0x235: {  	s0 =	sshll.u32 s25, $0x5  }
0x236: {  	s0 =	sshra.s32 s0, $0x2  }
0x237: {  	v0 =	vld [tilespmem:s0+$0x6B00];
	_ =	sdelay $0x4  }
0x238: {  	(v2sf) =	vpush v0, $0x0;
	v0 =	vld [tilespmem:s0+$0x6B01];
	_ =	sdelay $0x4  }
0x239: {  	(v2sf) =	vpush v0, $0x0  }
0x23a: {  	v0 =	vld [tilespmem:s0+$0x6B02];
	_ =	sdelay $0x4  }
0x23b: {  	(v2sf) =	vpush v0, $0x0  }
0x23c: {  	v0 =	vld [tilespmem:s0+$0x6B03]  }
0x23d: {  	v30 =	vld [tilespmem:$0x1FFA0]  }
0x23e: {  	v1 =	vld [tilespmem:s0+$0x6B04]  }
0x23f: {  	v2 =	vld [tilespmem:s0+$0x6B05]  }
0x240: {  	v3 =	vld [tilespmem:s0+$0x6B06]  }
0x241: {  	s1 =	spop (v2sf);
	(v2sf) =	vpush v0, $0x0;
	v0 =	vld [tilespmem:s0+$0x6B07]  }
0x242: {  	v4 =	vld.msk [tilespmem:s1+$0x1480 ss:$0x0], $0xffff  }
0x243: {  	v7 =	vld.msk [tilespmem:s1+$0x2900 ss:$0x0], $0xffff  }
0x244: {  	v18 =	vld.msk [tilespmem:s1+$0x0 ss:$0x0], $0xffff;
	s26 =	spop (v2sf)  }
0x245: {  	(v2sf) =	vpush v1, $0x0;
	v1 =	vld.msk [tilespmem:s26+$0x3D80 ss:$0x0], $0xffff  }
0x246: {  	v23 =	vld.msk [tilespmem:s1+$0x3D80 ss:$0x0], $0xffff  }
0x247: {  	[tilespmem:$0x1FEC0] =	vst v4;
	v4 =	vld.msk [tilespmem:s1+$0x5200 ss:$0x0], $0xffff  }
0x248: {  	v11 =	vld.msk [tilespmem:s26+$0x2900 ss:$0x0], $0xffff  }
0x249: {  	v19 =	vld.msk [tilespmem:s26+$0x0 ss:$0x0], $0xffff;
	(v2sf) =	vpush v2, $0x0  }
0x24a: {  	s28 =	spop (v2sf);
	(v2sf) =	vpush v3, $0x0;
	[tilespmem:$0x1FED0] =	vst v1;
	v1 =	vld.msk [tilespmem:s26+$0x1480 ss:$0x0], $0xffff  }
0x24b: {  	(v2sf) =	vpush v0, $0x0;
	v0 =	vld.msk [tilespmem:s28+$0x3D80 ss:$0x0], $0xffff  }
0x24c: {  	v12 =	vld.msk [tilespmem:s28+$0x2900 ss:$0x0], $0xffff  }
0x24d: {  	v20 =	vld.msk [tilespmem:s28+$0x0 ss:$0x0], $0xffff  }
0x24e: {  	v40 =	vld.msk [tilespmem:s28+$0x5200 ss:$0x0], $0xffff  }
0x24f: {  	[tilespmem:$0x1FEE0] =	vst v1;
	v1 =	vld.msk [tilespmem:s26+$0x5200 ss:$0x0], $0xffff  }
0x250: {  	s29 =	spop (v2sf);
	[tilespmem:$0x1FEF0] =	vst v0;
	v0 =	vld.msk [tilespmem:s28+$0x1480 ss:$0x0], $0xffff  }
0x251: {  	v41 =	vld.msk [tilespmem:s29+$0x2900 ss:$0x0], $0xffff  }
0x252: {  	v42 =	vld.msk [tilespmem:s29+$0x0 ss:$0x0], $0xffff  }
0x253: {  	v43 =	vld.msk [tilespmem:s29+$0x5200 ss:$0x0], $0xffff;
	s26 =	simm.s32 $0x0  }
0x254: {  	v2 =	vld.idx.msk [tilespmem:v16+s26+$0x0 ss:$0x1], $0xffff  }
0x255: {  	[tilespmem:$0x1FF00] =	vst v0;
	v0 =	vld.msk [tilespmem:s29+$0x3D80 ss:$0x0], $0xffff  }
0x256: {  	v9 =	vld.idx.msk [tilespmem:v29+s26+$0x0 ss:$0x1], $0xffff  }
0x257: {  	v22 =	vld.idx.msk [tilespmem:v30+s26+$0x0 ss:$0x1], $0xffff;
	s30 =	spop (v2sf)  }
0x258: {  	v44 =	vld.msk [tilespmem:s30+$0x2900 ss:$0x0], $0xffff;
	s31 =	spop (v2sf)  }
0x259: {  	v47 =	vld.msk [tilespmem:s31+$0x2900 ss:$0x0], $0xffff  }
0x25a: {  	[tilespmem:$0x1FF10] =	vst v0;
	v0 =	vld.msk [tilespmem:s29+$0x1480 ss:$0x0], $0xffff  }
0x25b: {  	v55 =	vld.msk [tilespmem:s31+$0x0 ss:$0x0], $0xffff  }
0x25c: {  	v46 =	vld.msk [tilespmem:s30+$0x5200 ss:$0x0], $0xffff  }
0x25d: {  	v48 =	vld.msk [tilespmem:s31+$0x5200 ss:$0x0], $0xffff;
	s2 =	spop (v2sf)  }
0x25e: {  	v51 =	vld.msk [tilespmem:s2+$0x2900 ss:$0x0], $0xffff  }
0x25f: {  	v10 =	vmin.f32 v7, v2;
	v16 =	vmax.f32 v18, v9;
	[tilespmem:$0x1FF20] =	vst v0;
	v0 =	vld.idx.msk [tilespmem:v17+s26+$0x0 ss:$0x1], $0xffff  }
0x260: {  	v10 =	vsub.f32 v10, v16;
	s3 =	spop (v2sf);
	v49 =	vld.msk [tilespmem:s2+$0x5200 ss:$0x0], $0xffff;
	v14 =	vmin.f32 v47, v2;
	v16 =	vmax.f32 v55, v9  }
0x261: {  	v50 =	vld.msk [tilespmem:s3+$0x5200 ss:$0x0], $0xffff;
	v14 =	vsub.f32 v14, v16  }
0x262: {  	v52 =	vld.msk [tilespmem:s3+$0x2900 ss:$0x0], $0xffff  }
0x263: {  	v31 =	vmovc v7;
	v32 =	vmovc v18;
	v34 =	vmov v4;
	v45 =	vld.msk [tilespmem:s30+$0x0 ss:$0x0], $0xffff;
	v13 =	vmin.f32 v44, v2;
	v14 =	vmax.f32 v14, $0.0e+00  }
0x264: {  	v37 =	vmovc v1;
	v53 =	vld.msk [tilespmem:s30+$0x3D80 ss:$0x0], $0xffff;
	v15 =	vmin.f32 v51, v2;
	v59 =	vadd.f32 v0, v4;
	v1 =	vadd.f32 v0, v1  }
0x265: {  	v35 =	vmovc v11;
	v56 =	vld.msk [tilespmem:s2+$0x0 ss:$0x0], $0xffff;
	v17 =	vmax.f32 v19, v9;
	v3 =	vadd.f32 v0, v40;
	v4 =	vadd.f32 v0, v43  }
0x266: {  	v36 =	vmovc v19;
	v58 =	vld.msk [tilespmem:s3+$0x0 ss:$0x0], $0xffff;
	v19 =	vmax.f32 v42, v9;
	v5 =	vadd.f32 v0, v46;
	v6 =	vadd.f32 v0, v48  }
0x267: {  	v38 =	vmovc v12;
	v54 =	vld.msk [tilespmem:s30+$0x1480 ss:$0x0], $0xffff;
	v18 =	vmin.f32 v52, v2;
	v8 =	vadd.f32 v0, v49;
	v7 =	vadd.f32 v0, v50  }
0x268: {  	v39 =	vmovc v20;
	v60 =	vld.msk [tilespmem:s31+$0x3D80 ss:$0x0], $0xffff;
	v0 =	vmin.f32 v11, v2;
	v11 =	vmin.f32 v12, v2;
	v12 =	vmin.f32 v41, v2  }
0x269: {  	v2 =	vmax.f32 v20, v9;
	v20 =	vmax.f32 v45, v9;
	v0 =	vsub.f32 v0, v17;
	v17 =	vld.idx.msk [tilespmem:v21+s26+$0x0 ss:$0x1], $0xffff  }
0x26a: {  	v57 =	vld.msk [tilespmem:s31+$0x1480 ss:$0x0], $0xffff;
	v21 =	vsub.f32 v11, v2;
	v19 =	vsub.f32 v12, v19;
	v11 =	vmax.f32 v56, v9  }
0x26b: {  	v61 =	vld.msk [tilespmem:s2+$0x1480 ss:$0x0], $0xffff;
	v13 =	vsub.f32 v13, v20;
	v9 =	vmax.f32 v58, v9;
	v12 =	vmax.f32 v10, $0.0e+00  }
0x26c: {  	v62 =	vld.msk [tilespmem:s3+$0x3D80 ss:$0x0], $0xffff;
	v15 =	vsub.f32 v15, v11;
	v16 =	vsub.f32 v18, v9;
	v11 =	vmax.f32 v0, $0.0e+00  }
0x26d: {  	v2 =	vld.msk [tilespmem:s2+$0x3D80 ss:$0x0], $0xffff;
	v9 =	vmax.f32 v21, $0.0e+00;
	v10 =	vmax.f32 v19, $0.0e+00;
	v13 =	vmax.f32 v13, $0.0e+00  }
0x26e: {  	s0 =	simm.s32 $0x40;
	v33 =	vmovc v23;
	v0 =	vld.msk [tilespmem:s3+$0x1480 ss:$0x0], $0xffff;
	v19 =	vmax.f32 v15, $0.0e+00;
	v15 =	vmax.f32 v16, $0.0e+00;
	v63 =	vmin.f32 v23, v17  }
.LBB2_13:
0x26f: {  	v16 =	vld [tilespmem:$0x1FED0]  }
0x270: {  	v18 =	vld [tilespmem:$0x1FEF0]  }
0x271: {  	v20 =	vld [tilespmem:$0x1FF10]  }
0x272: {  	v25 =	vld [tilespmem:$0x1FEC0]  }
0x273: {  	v26 =	vld [tilespmem:$0x1FEE0]  }
0x274: {  	v27 =	vld [tilespmem:$0x1FF00]  }
0x275: {  	v28 =	vld [tilespmem:$0x1FF20]  }
0x276: {  	v21 =	vmin.f32 v53, v17;
	v23 =	vmin.f32 v60, v17;
	v24 =	vmin.f32 v2, v17  }
0x277: {  	v29 =	vmax.f32 v54, v22;
	v16 =	vmin.f32 v16, v17;
	v18 =	vmin.f32 v18, v17  }
0x278: {  	v20 =	vmin.f32 v20, v17;
	v25 =	vmax.f32 v25, v22;
	v26 =	vmax.f32 v26, v22  }
0x279: {  	v17 =	vmin.f32 v62, v17;
	v27 =	vmax.f32 v27, v22;
	v21 =	vsub.f32 v21, v29  }
0x27a: {  	v28 =	vmax.f32 v28, v22;
	v25 =	vsub.f32 v63, v25;
	v16 =	vsub.f32 v16, v26  }
0x27b: {  	v63 =	vmax.f32 v57, v22;
	v18 =	vsub.f32 v18, v27;
	v27 =	vmax.f32 v61, v22  }
0x27c: {  	v20 =	vsub.f32 v20, v28;
	v22 =	vmax.f32 v0, v22;
	v24 =	vsub.f32 v24, v27  }
0x27d: {  	v23 =	vsub.f32 v23, v63;
	v17 =	vsub.f32 v17, v22;
	v21 =	vmax.f32 v21, $0.0e+00  }
0x27e: {  	v25 =	vmax.f32 v25, $0.0e+00;
	v16 =	vmax.f32 v16, $0.0e+00;
	v22 =	vmax.f32 v24, $0.0e+00  }
0x27f: {  	v18 =	vmax.f32 v18, $0.0e+00;
	v17 =	vmax.f32 v17, $0.0e+00;
	v19 =	vmul.f32 v22, v19  }
0x280: {  	v20 =	vmax.f32 v20, $0.0e+00;
	v22 =	vmax.f32 v23, $0.0e+00;
	v15 =	vmul.f32 v17, v15  }
0x281: {  	v13 =	vmul.f32 v21, v13;
	v14 =	vmul.f32 v22, v14;
	v8 =	vsub.f32 v8, v19  }
0x282: {  	v12 =	vmul.f32 v25, v12;
	v11 =	vmul.f32 v16, v11;
	v7 =	vsub.f32 v7, v15  }
0x283: {  	v10 =	vmul.f32 v20, v10;
	v6 =	vsub.f32 v6, v14;
	v8 =	vadd.f32 $9.999999710e-10, v8  }
0x284: {  	v9 =	vmul.f32 v18, v9;
	v5 =	vsub.f32 v5, v13;
	v7 =	vadd.f32 $9.999999710e-10, v7  }
0x285: {  	v4 =	vsub.f32 v4, v10;
	v6 =	vadd.f32 $9.999999710e-10, v6;
	(erf) = vrcp.f32 v8  }
0x286: {  	v3 =	vsub.f32 v3, v9;
	v5 =	vadd.f32 $9.999999710e-10, v5;
	(erf) = vrcp.f32 v7  }
0x287: {  	v1 =	vsub.f32 v1, v11;
	v4 =	vadd.f32 $9.999999710e-10, v4;
	(erf) = vrcp.f32 v6  }
0x288: {  	v3 =	vadd.f32 $9.999999710e-10, v3;
	v6 =	vsub.f32 v59, v12;
	(erf) = vrcp.f32 v5  }
0x289: {  	v1 =	vadd.f32 $9.999999710e-10, v1;
	(erf) = vrcp.f32 v4  }
0x28a: {  	v4 =	vadd.f32 $9.999999710e-10, v6;
	(erf) = vrcp.f32 v3  }
0x28b: {  	(erf) = vrcp.f32 v1  }
0x28c: {  	(erf) = vrcp.f32 v4;
	_ =	sdelay $0x1  }
0x28d: {  	v1 =	vpop (erf)  }
0x28e: {  	v3 =	vpop (erf)  }
0x28f: {  	v6 =	vmul.f32 v1, v19;
	v7 =	vmul.f32 v3, v15;
	v4 =	vpop (erf)  }
0x290: {  	v8 =	vmul.f32 v4, v14;
	v5 =	vpop (erf)  }
0x291: {  	vm0 =	vgt.f32 v6, $3.000000120e-01;
	v5 =	vmul.f32 v5, v13;
	vm1 =	vgt.f32 v7, $3.000000120e-01;
	v1 =	vpop (erf)  }
0x292: {  	v6 =	vmul.f32 v1, v10;
	vm15 =	vgt.f32 v8, $3.000000120e-01;
	vm0 =	vmor vm1, vm0;
	v3 =	vpop (erf)  }
0x293: {  	v3 =	vmul.f32 v3, v9;
	vm1 =	vgt.f32 v5, $3.000000120e-01;
	vm0 =	vmor vm0, vm15;
	v4 =	vpop (erf)  }
0x294: {  	v5 =	vld [tilespmem:s26+$0x6680];
	v4 =	vmul.f32 v4, v11;
	vm15 =	vgt.f32 v6, $3.000000120e-01;
	vm0 =	vmor vm0, vm1;
	v1 =	vpop (erf)  }
0x295: {  	v1 =	vmul.f32 v1, v12;
	vm1 =	vgt.f32 v3, $3.000000120e-01;
	vm0 =	vmor vm0, vm15  }
0x296: {  	vm15 =	vgt.f32 v4, $3.000000120e-01;
	vm0 =	vmor vm0, vm1  }
0x297: {  	vm1 =	vgt.f32 v1, $3.000000120e-01;
	vm0 =	vmor vm0, vm15  }
0x298: {  	vm0 =	vmor vm0, vm1  }
0x299: {  	v1 =	vsel vm0, $0x3F800000, v5  }
0x29a: {  	[tilespmem:s26+$0x6680] =	vst v1;
	v1 =	vld [tilespmem:$0x1FFD0];
	_ =	sdelay $0x3  }
0x29b: {  	v29 =	vld [tilespmem:$0x1FFC0];
	_ =	sdelay $0x2  }
0x29c: {  	v17 =	vld [tilespmem:$0x1FFF0];
	s26 =	sshra.s32 s0, $0x2  }
0x29d: {  	v7 =	vld.idx.msk [tilespmem:v1+s26+$0x0 ss:$0x1], $0xffff  }
0x29e: {  	v1 =	vld [tilespmem:$0x1FFE0];
	_ =	sdelay $0x2  }
0x29f: {  	v10 =	vld.idx.msk [tilespmem:v29+s26+$0x0 ss:$0x1], $0xffff;
	_ =	sdelay $0x3  }
0x2a0: {  	v17 =	vld.idx.msk [tilespmem:v17+s26+$0x0 ss:$0x1], $0xffff  }
0x2a1: {  	v19 =	vmax.f32 v32, v10;
	v20 =	vmax.f32 v36, v10;
	v9 =	vld.idx.msk [tilespmem:v1+s26+$0x0 ss:$0x1], $0xffff  }
0x2a2: {  	v21 =	vmax.f32 v39, v10;
	v59 =	vadd.f32 v7, v34;
	v3 =	vadd.f32 v7, v40  }
0x2a3: {  	v22 =	vmax.f32 v42, v10;
	v4 =	vadd.f32 v7, v43;
	v5 =	vadd.f32 v7, v46  }
0x2a4: {  	v23 =	vmax.f32 v45, v10;
	v6 =	vadd.f32 v7, v48;
	v8 =	vadd.f32 v7, v49  }
0x2a5: {  	v63 =	vmin.f32 v33, v17;
	v1 =	vadd.f32 v7, v37;
	v7 =	vadd.f32 v7, v50  }
0x2a6: {  	v11 =	vmin.f32 v31, v9;
	v12 =	vmin.f32 v35, v9;
	v13 =	vmin.f32 v38, v9  }
0x2a7: {  	v14 =	vmin.f32 v41, v9;
	v15 =	vmin.f32 v44, v9;
	v16 =	vmin.f32 v47, v9  }
0x2a8: {  	v18 =	vmin.f32 v51, v9;
	v9 =	vmin.f32 v52, v9;
	v11 =	vsub.f32 v11, v19  }
0x2a9: {  	p1 =	sne.s32 s0, $0x4C0;
	v19 =	vsub.f32 v12, v20;
	v12 =	vmax.f32 v55, v10;
	v13 =	vsub.f32 v13, v21  }
.Ltmp13:
0x2aa: {  	v14 =	vsub.f32 v14, v22;
	v20 =	vmax.f32 v56, v10;
	v15 =	vsub.f32 v15, v23;
	(pc) =	sbr.rel @p1 .LBB2_13-.Ltmp13, $4  }
0x2ab: {  	v10 =	vmax.f32 v58, v10;
	v16 =	vsub.f32 v16, v12;
	v18 =	vsub.f32 v18, v20  }
0x2ac: {  	v20 =	vsub.f32 v9, v10;
	v12 =	vmax.f32 v11, $0.0e+00;
	v11 =	vmax.f32 v19, $0.0e+00  }
0x2ad: {  	v9 =	vmax.f32 v13, $0.0e+00;
	v10 =	vmax.f32 v14, $0.0e+00;
	v13 =	vmax.f32 v15, $0.0e+00  }
0x2ae: {  	s0 =	sadd.s32 $0x40, s0;
	v22 =	vld.idx.msk [tilespmem:v30+s26+$0x0 ss:$0x1], $0xffff;
	v14 =	vmax.f32 v16, $0.0e+00;
	v19 =	vmax.f32 v18, $0.0e+00;
	v15 =	vmax.f32 v20, $0.0e+00  }
0x2af: {  	v16 =	vld [tilespmem:$0x1FED0]  }
0x2b0: {  	v18 =	vld [tilespmem:$0x1FEF0]  }
0x2b1: {  	v20 =	vld [tilespmem:$0x1FF10]  }
0x2b2: {  	v24 =	vld [tilespmem:$0x1FEC0]  }
0x2b3: {  	v25 =	vld [tilespmem:$0x1FEE0];
	_ =	sdelay $0x1  }
0x2b4: {  	v21 =	vmin.f32 v53, v17;
	v23 =	vmin.f32 v60, v17;
	v2 =	vmin.f32 v2, v17;
	v26 =	vld [tilespmem:$0x1FF00]  }
0x2b5: {  	v27 =	vld [tilespmem:$0x1FF20];
	v28 =	vmax.f32 v54, v22;
	v50 =	vmax.f32 v57, v22;
	v51 =	vmax.f32 v61, v22  }
0x2b6: {  	v0 =	vmax.f32 v0, v22;
	v16 =	vmin.f32 v16, v17;
	v18 =	vmin.f32 v18, v17  }
0x2b7: {  	v20 =	vmin.f32 v20, v17;
	v24 =	vmax.f32 v24, v22;
	v25 =	vmax.f32 v25, v22  }
0x2b8: {  	v17 =	vmin.f32 v62, v17;
	v21 =	vsub.f32 v21, v28;
	v2 =	vsub.f32 v2, v51  }
0x2b9: {  	v26 =	vmax.f32 v26, v22;
	v23 =	vsub.f32 v23, v50;
	v24 =	vsub.f32 v63, v24  }
0x2ba: {  	v27 =	vmax.f32 v27, v22;
	v16 =	vsub.f32 v16, v25;
	v18 =	vsub.f32 v18, v26  }
0x2bb: {  	v20 =	vsub.f32 v20, v27;
	v0 =	vsub.f32 v17, v0;
	v2 =	vmax.f32 v2, $0.0e+00  }
0x2bc: {  	v22 =	vmax.f32 v24, $0.0e+00;
	v16 =	vmax.f32 v16, $0.0e+00;
	v17 =	vmax.f32 v18, $0.0e+00  }
0x2bd: {  	v18 =	vmax.f32 v20, $0.0e+00;
	v2 =	vmul.f32 v2, v19;
	v0 =	vmax.f32 v0, $0.0e+00  }
0x2be: {  	v19 =	vmax.f32 v21, $0.0e+00;
	v20 =	vmax.f32 v23, $0.0e+00;
	v0 =	vmul.f32 v0, v15  }
0x2bf: {  	v12 =	vmul.f32 v22, v12;
	v14 =	vmul.f32 v20, v14;
	v8 =	vsub.f32 v8, v2  }
0x2c0: {  	v11 =	vmul.f32 v16, v11;
	v13 =	vmul.f32 v19, v13;
	v7 =	vsub.f32 v7, v0  }
0x2c1: {  	v10 =	vmul.f32 v18, v10;
	v6 =	vsub.f32 v6, v14;
	v8 =	vadd.f32 $9.999999710e-10, v8  }
0x2c2: {  	v9 =	vmul.f32 v17, v9;
	v5 =	vsub.f32 v5, v13;
	v7 =	vadd.f32 $9.999999710e-10, v7  }
0x2c3: {  	v4 =	vsub.f32 v4, v10;
	v6 =	vadd.f32 $9.999999710e-10, v6;
	(erf) = vrcp.f32 v8  }
0x2c4: {  	v3 =	vsub.f32 v3, v9;
	v5 =	vadd.f32 $9.999999710e-10, v5;
	(erf) = vrcp.f32 v7  }
0x2c5: {  	v1 =	vsub.f32 v1, v11;
	v4 =	vadd.f32 $9.999999710e-10, v4;
	(erf) = vrcp.f32 v6  }
0x2c6: {  	v52 =	vsub.f32 v59, v12;
	v3 =	vadd.f32 $9.999999710e-10, v3;
	(erf) = vrcp.f32 v5  }
0x2c7: {  	v1 =	vadd.f32 $9.999999710e-10, v1;
	(erf) = vrcp.f32 v4  }
0x2c8: {  	v53 =	vadd.f32 $9.999999710e-10, v52;
	(erf) = vrcp.f32 v3  }
0x2c9: {  	(erf) = vrcp.f32 v1  }
0x2ca: {  	(erf) = vrcp.f32 v53;
	_ =	sdelay $0x1  }
0x2cb: {  	v54 =	vpop (erf)  }
0x2cc: {  	v55 =	vpop (erf)  }
0x2cd: {  	v1 =	vmul.f32 v54, v2;
	v0 =	vmul.f32 v55, v0;
	v56 =	vpop (erf)  }
0x2ce: {  	v2 =	vmul.f32 v56, v14;
	v57 =	vpop (erf)  }
0x2cf: {  	vm0 =	vgt.f32 v1, $3.000000120e-01;
	v3 =	vmul.f32 v57, v13;
	vm1 =	vgt.f32 v0, $3.000000120e-01;
	v58 =	vpop (erf)  }
0x2d0: {  	v0 =	vmul.f32 v58, v10;
	vm15 =	vgt.f32 v2, $3.000000120e-01;
	vm0 =	vmor vm1, vm0;
	v59 =	vpop (erf)  }
0x2d1: {  	v1 =	vmul.f32 v59, v9;
	vm1 =	vgt.f32 v3, $3.000000120e-01;
	vm0 =	vmor vm0, vm15;
	v60 =	vpop (erf)  }
0x2d2: {  	s25 =	sadd.s32 $0x1, s25;
	v61 =	vld [tilespmem:s26+$0x6680];
	v2 =	vmul.f32 v60, v11;
	vm15 =	vgt.f32 v0, $3.000000120e-01;
	vm0 =	vmor vm0, vm1;
	v62 =	vpop (erf)  }
0x2d3: {  	p1 =	sne.s32 s25, s24;
	v0 =	vmul.f32 v62, v12;
	vm1 =	vgt.f32 v1, $3.000000120e-01;
	vm0 =	vmor vm0, vm15  }
.Ltmp14:
0x2d4: {  	vm15 =	vgt.f32 v2, $3.000000120e-01;
	vm0 =	vmor vm0, vm1;
	(pc) =	sbr.rel @p1 .LBB2_12-.Ltmp14, $4  }
.Ltmp15:
0x2d5: {  	vm1 =	vgt.f32 v0, $3.000000120e-01;
	vm0 =	vmor vm0, vm15;
	(pc) =	sbr.rel @!p1 .LBB2_15-.Ltmp15, $4  }
0x2d6: {  	v21 =	vld [tilespmem:$0x1FFF0];
	vm0 =	vmor vm0, vm1  }
0x2d7: {  	v16 =	vld [tilespmem:$0x1FFE0];
	v63 =	vsel vm0, $0x3F800000, v61  }
0x2d8: {  	v17 =	vld [tilespmem:$0x1FFD0];
	[tilespmem:s26+$0x6680] =	vst v63  }
0x2d9: {  	_ = 	snop  }
.LBB2_17:
0x2da: {  	_ =	sfence.sel $0x180000  }
0x2db: {  	[bflag:$0x0] =	sbarrier.arrive $0xFFFF  }
0x2dc: {  	_ =	strace $0x90000047  }
0x2dd: {  	[bflag:$0x2] =	sbarrier.arrive $0xFFFF  }
0x2de: {  	p0 =	sne.s32 s8, $0x0;
	s0 =	rddreg [dreg:$0x8]  }
0x2df: {  	s0 =	sadd.s32 @!p0 $0x100000, s0  }
0x2e0: {  	[sflag:s0] =	ssyncadd.tile.s32 @!p0 $0x1;
	_ =	shalt  }
.Lfunc_end2:
_tile_overlayer_lowered:
.L_overlay_start_2:
0x2e1: {  	(tag) =	ssettag $0x2  }
0x2e2: {  	s0 =	rddreg [dreg:$0x0];
	s2 =	stileid.u32  }
0x2e3: {  	s1 =	rddreg [dreg:$0x1];
	p0 =	sne.s32 s2, $0x0  }
0x2e4: {  	s3 =	rddreg [dreg:$0x2];
	[bflag:$0x3] =	sbarrier.arrive $0xFFFF;
	s2 =	simm.s32 @!p0 $0x1C01  }
0x2e5: {  	[timem:s3], [sflag:s2] =	dma.local @!p0 [hbm:s0], s1  }
0x2e6: {  	s0 =	simm.s32 @!p0 $0x1  }
0x2e7: {  	_ =	swait.ge @!p0 [sflag:s0], s1  }
0x2e8: {  	s1 =	ssub.s32 @!p0 $0x0, s1;
	[sflag:s0] =	ssyncset.done @!p0 $0x0  }
0x2e9: {  	[sflag:s0] =	ssyncadd.s32 @!p0 s1  }
0x2ea: {  	[bflag:$0x3] =	sbarrier.arrive $0xFFFF  }
0x2eb: {  	_ =	shalt  }

</sc_bundles>
